<compile_context>
chip_gen: v7x
topology: tpu7x:2x2x1
jax: 0.10.2.dev20260603
libtpu: 0.0.44.dev20260713+nightly
codegen_flags: <defaults>
</compile_context>

<pallas_src>
import functools
import math

import jax
import jax.numpy as jnp
from jax import lax
from jax.experimental import pallas as pl
from jax.experimental.pallas import tpu as pltpu
from jax.experimental.pallas import tpu_sc as plsc

_N = 10000
_E = 320000
_H = 128
_R = 4
_K = 8
_NH = 4
_HD = _H // _NH
_SCALE = math.sqrt(_HD)

_NC = 2
_NS = 16
_NW = _NC * _NS
_C = 128
_CS = 64
_EPT = 10240
_NCH = _EPT // _C
_NCHS = _EPT // _CS
_EPAD = _NW * _EPT

_NRANGES = 8
_NROUNDS = _NRANGES // _NC
_NODES_PER_RANGE = _N // _NRANGES
_LROWS = _NODES_PER_RANGE * _R
_SROWS = 5120
_DUMMY = 5008
_ZH = 16
_FLUSH = 312
_TAIL = 8

_BN = 1000
_BE = 1024

_f32 = jnp.float32
_i32 = jnp.int32


def _qkv_body(h_ref, wq_ref, wk_ref, wv_ref, q_ref, k_ref, v_ref):
    hb = h_ref[...]
    dn = (((1,), (1,)), ((), ()))
    q_ref[...] = lax.dot_general(hb, wq_ref[0], dn, precision=lax.Precision.HIGHEST,
                                 preferred_element_type=_f32)
    k_ref[...] = lax.dot_general(hb, wk_ref[0], dn, precision=lax.Precision.HIGHEST,
                                 preferred_element_type=_f32)
    v_ref[...] = lax.dot_general(hb, wv_ref[0], dn, precision=lax.Precision.HIGHEST,
                                 preferred_element_type=_f32)


def _qkv_tables(h, W_q, W_k, W_v, interpret=False):
    nb = _N // _BN
    grid = (_R, nb)
    hspec = pl.BlockSpec((_BN, _H), lambda t, i: (i, 0))
    wspec = pl.BlockSpec((1, _H, _H), lambda t, i: (t, 0, 0))
    ospec = pl.BlockSpec((_BN, _H), lambda t, i: (t * nb + i, 0))
    out = jax.ShapeDtypeStruct((_R * _N, _H), _f32)
    return pl.pallas_call(
        _qkv_body, grid=grid,
        in_specs=[hspec, wspec, wspec, wspec],
        out_specs=[ospec, ospec, ospec],
        out_shape=[out, out, out],
        interpret=interpret,
    )(h, W_q, W_k, W_v)


def _gather_body(qt, kt, vt, srcp, dstp, typp, gq, gk, gv,
                 src_v, dst_v, typ_v, qi_v, ki_v, qrow, krow, vrow,
                 sem0, sem1, sem2):
    c = lax.axis_index("c")
    s = lax.axis_index("s")
    wid = s * _NC + c

    def chunk(i, carry):
        base = wid * _EPT + i * _C
        cp0 = pltpu.async_copy(srcp.at[pl.ds(base, _C)], src_v, sem0)
        cp1 = pltpu.async_copy(dstp.at[pl.ds(base, _C)], dst_v, sem1)
        cp2 = pltpu.async_copy(typp.at[pl.ds(base, _C)], typ_v, sem2)
        cp0.wait()
        cp1.wait()
        cp2.wait()
        for j in range(_C // 16):
            sl = pl.ds(j * 16, 16)
            t16 = typ_v[sl] * _N
            qi_v[sl] = t16 + dst_v[sl]
            ki_v[sl] = t16 + src_v[sl]
        g0 = pltpu.async_copy(qt.at[qi_v], qrow, sem0)
        g1 = pltpu.async_copy(kt.at[ki_v], krow, sem1)
        g2 = pltpu.async_copy(vt.at[ki_v], vrow, sem2)
        g0.wait()
        g1.wait()
        g2.wait()
        w0 = pltpu.async_copy(qrow, gq.at[pl.ds(base, _C)], sem0)
        w1 = pltpu.async_copy(krow, gk.at[pl.ds(base, _C)], sem1)
        w2 = pltpu.async_copy(vrow, gv.at[pl.ds(base, _C)], sem2)
        w0.wait()
        w1.wait()
        w2.wait()
        return carry

    lax.fori_loop(0, _NCH, chunk, 0)


def _gather_rows(Q, K, V, srcp, dstp, typp):
    mesh = plsc.VectorSubcoreMesh(core_axis_name="c", subcore_axis_name="s")
    out = jax.ShapeDtypeStruct((_EPAD, _H), _f32)
    fn = functools.partial(
        pl.kernel, mesh=mesh,
        out_type=[out, out, out],
        scratch_types=[
            pltpu.VMEM((_C,), _i32), pltpu.VMEM((_C,), _i32), pltpu.VMEM((_C,), _i32),
            pltpu.VMEM((_C,), _i32), pltpu.VMEM((_C,), _i32),
            pltpu.VMEM((_C, _H), _f32), pltpu.VMEM((_C, _H), _f32),
            pltpu.VMEM((_C, _H), _f32),
            pltpu.SemaphoreType.DMA, pltpu.SemaphoreType.DMA, pltpu.SemaphoreType.DMA,
        ],
    )(_gather_body)
    return fn(Q, K, V, srcp, dstp, typp)


def _score_body(q_ref, k_ref, v_ref, wv_ref, ps_ref):
    q = q_ref[...]
    k = k_ref[...]
    v = v_ref[...]
    ps = jnp.zeros((_BE, 1), _f32)
    for hh in range(_NH):
        sl = slice(hh * _HD, (hh + 1) * _HD)
        sc = (q[:, sl] * k[:, sl]).sum(axis=-1, keepdims=True) * (1.0 / _SCALE)
        p = jnp.exp(sc)
        wv_ref[:, sl] = v[:, sl] * p
        ps = ps + p
    ps_ref[...] = jnp.concatenate([ps, jnp.zeros((_BE, 127), _f32)], axis=1)


def _edge_scores(Gq, Gk, Gv, interpret=False):
    grid = (_EPAD // _BE,)
    espec = pl.BlockSpec((_BE, _H), lambda i: (i, 0))
    return pl.pallas_call(
        _score_body, grid=grid,
        in_specs=[espec, espec, espec],
        out_specs=[espec, espec],
        out_shape=[jax.ShapeDtypeStruct((_EPAD, _H), _f32),
                   jax.ShapeDtypeStruct((_EPAD, _H), _f32)],
        interpret=interpret,
    )(Gq, Gk, Gv)


def _scatter_body(wvh, psh, lidxh, zh, num_h, den_h,
                  wvv, psv, lidx_v, snum, sden, sem0, sem1, sem2):
    c = lax.axis_index("c")
    s = lax.axis_index("s")
    wid = s * _NC + c

    stripe = s * (_SROWS // _NS)
    pltpu.sync_copy(zh, snum.at[pl.ds(stripe, _SROWS // _NS)])
    pltpu.sync_copy(zh, sden.at[pl.ds(stripe, _SROWS // _NS)])
    plsc.subcore_barrier()

    for half in range(2):
        slab = (2 * s + half) * _EPT

        def chunk(i, carry):
            base = slab + i * _CS
            cp0 = pltpu.async_copy(lidxh.at[pl.ds(c * _EPAD + base, _CS)],
                                   lidx_v, sem0)
            cp1 = pltpu.async_copy(wvh.at[pl.ds(base, _CS)], wvv, sem1)
            cp2 = pltpu.async_copy(psh.at[pl.ds(base, _CS)], psv, sem2)
            cp0.wait()
            cp1.wait()
            cp2.wait()
            a0 = pltpu.async_copy(wvv, snum.at[lidx_v], sem1, add=True)
            a1 = pltpu.async_copy(psv, sden.at[lidx_v], sem2, add=True)
            a0.wait()
            a1.wait()
            return carry

        lax.fori_loop(0, _NCHS, chunk, 0)
    plsc.subcore_barrier()
    rng_base = c * _LROWS
    pltpu.sync_copy(snum.at[pl.ds(s * _FLUSH, _FLUSH)],
                    num_h.at[pl.ds(rng_base + s * _FLUSH, _FLUSH)])
    pltpu.sync_copy(sden.at[pl.ds(s * _FLUSH, _FLUSH)],
                    den_h.at[pl.ds(rng_base + s * _FLUSH, _FLUSH)])

    @pl.when(s == _NS - 1)
    def _flush_tail():
        tail = _NS * _FLUSH
        pltpu.sync_copy(snum.at[pl.ds(tail, _TAIL)],
                        num_h.at[pl.ds(rng_base + tail, _TAIL)])
        pltpu.sync_copy(sden.at[pl.ds(tail, _TAIL)],
                        den_h.at[pl.ds(rng_base + tail, _TAIL)])


def _scatter_rows(Wv, Ps, dstp_s, typp):
    mesh = plsc.VectorSubcoreMesh(core_axis_name="c", subcore_axis_name="s")
    fn = functools.partial(
        pl.kernel, mesh=mesh,
        out_type=[jax.ShapeDtypeStruct((_NC * _LROWS, _H), _f32),
                  jax.ShapeDtypeStruct((_NC * _LROWS, _H), _f32)],
        scratch_types=[
            pltpu.VMEM((_CS, _H), _f32),
            pltpu.VMEM((_CS, _H), _f32),
            pltpu.VMEM((_CS,), _i32),
            pltpu.VMEM_SHARED((_SROWS, _H), _f32),
            pltpu.VMEM_SHARED((_SROWS, _H), _f32),
            pltpu.SemaphoreType.DMA, pltpu.SemaphoreType.DMA,
            pltpu.SemaphoreType.DMA,
        ],
    )(_scatter_body)
    nums, dens = [], []
    for r in range(_NROUNDS):
        lidx2 = []
        for c in range(_NC):
            nb = (_NC * r + c) * _NODES_PER_RANGE
            ok = (dstp_s >= nb) & (dstp_s < nb + _NODES_PER_RANGE)
            dummy = _DUMMY + (jnp.arange(dstp_s.shape[0]) % 64)
            lidx2.append(jnp.where(ok, (dstp_s - nb) * _R + typp, dummy))
        n, d = fn(Wv, Ps, jnp.concatenate(lidx2).astype(_i32),
                  jnp.zeros((_SROWS // _NS, _H), _f32))
        nums.append(n)
        dens.append(d)
    return jnp.concatenate(nums, axis=0), jnp.concatenate(dens, axis=0)


def _tail_body(h_ref, num_ref, den_ref, w1_ref, b1_ref, w2_ref, b2_ref,
               wcomb_ref, bsym_ref, cw_ref, cb_ref, lnw_ref, lnb_ref, o_ref):
    dn = (((1,), (1,)), ((), ()))
    hb = h_ref[...]
    hidden = jnp.maximum(
        lax.dot_general(hb, w1_ref[...], dn, precision=lax.Precision.HIGHEST,
                        preferred_element_type=_f32) + b1_ref[...], 0.0)
    logits = lax.dot_general(hidden, w2_ref[...], dn,
                             precision=lax.Precision.HIGHEST,
                             preferred_element_type=_f32) + b2_ref[...]
    m = jnp.max(logits, axis=-1, keepdims=True)
    eg = jnp.exp(logits - m)
    gate = eg / jnp.sum(eg, axis=-1, keepdims=True)

    agg = num_ref[...] / (den_ref[...][:, 0:1] + 1e-16)
    aggcat = agg.reshape(_BN, _R * _H)

    acc = jnp.zeros((_BN, _H), _f32)
    dn0 = (((1,), (0,)), ((), ()))
    for kk in range(_K):
        sk = lax.dot_general(aggcat, wcomb_ref[kk], dn0,
                             precision=lax.Precision.HIGHEST,
                             preferred_element_type=_f32) + bsym_ref[kk]
        sk = jnp.maximum(sk, 0.0) * gate[:, kk:kk + 1]
        acc = acc + lax.dot_general(
            sk, cw_ref[:, kk * _H:(kk + 1) * _H], dn,
            precision=lax.Precision.HIGHEST, preferred_element_type=_f32)
    h_new = jnp.maximum(acc + cb_ref[...], 0.0)
    x = hb + h_new
    mu = jnp.mean(x, axis=-1, keepdims=True)
    var = jnp.mean((x - mu) ** 2, axis=-1, keepdims=True)
    o_ref[...] = (x - mu) / jnp.sqrt(var + 1e-5) * lnw_ref[...] + lnb_ref[...]


def _tail(h, Num, Den, mlp_w1, mlp_b1, mlp_w2, mlp_b2, Wcomb, W_sym_b,
          cross_w, cross_b, ln_w, ln_b, interpret=False):
    grid = (_N // _BN,)
    full = lambda *shape: pl.BlockSpec(shape, lambda i: tuple(0 for _ in shape))
    return pl.pallas_call(
        _tail_body, grid=grid,
        in_specs=[
            pl.BlockSpec((_BN, _H), lambda i: (i, 0)),
            pl.BlockSpec((_BN * _R, _H), lambda i: (i, 0)),
            pl.BlockSpec((_BN * _R, _H), lambda i: (i, 0)),
            full(_H, _H), full(1, _H), full(_K, _H), full(1, _K),
            full(_K, _R * _H, _H), full(_K, _H),
            full(_H, _K * _H), full(1, _H), full(1, _H), full(1, _H),
        ],
        out_specs=pl.BlockSpec((_BN, _H), lambda i: (i, 0)),
        out_shape=jax.ShapeDtypeStruct((_N, _H), _f32),
        interpret=interpret,
    )(h, Num, Den, mlp_w1, mlp_b1, mlp_w2, mlp_b2, Wcomb, W_sym_b,
      cross_w, cross_b, ln_w, ln_b)


def kernel(h, edge_index, edge_type, W_q, W_k, W_v, mlp_w1, mlp_b1, mlp_w2,
           mlp_b2, sym_edge_logits, W_sym_w, W_sym_b, cross_w, cross_b,
           ln_w, ln_b):
    pad = _EPAD - _E
    srcp = jnp.pad(edge_index[0], (0, pad))
    dstp = jnp.pad(edge_index[1], (0, pad))
    typp = jnp.pad(edge_type, (0, pad))

    Q, K, V = _qkv_tables(h, W_q, W_k, W_v)
    Gq, Gk, Gv = _gather_rows(Q, K, V, srcp, dstp, typp)
    Wv, Ps = _edge_scores(Gq, Gk, Gv)
    dstp_s = jnp.pad(edge_index[1], (0, pad), constant_values=-1)
    Num, Den = _scatter_rows(Wv, Ps, dstp_s, typp)

    symw = jax.nn.softmax(sym_edge_logits, axis=1)
    Wcomb = jnp.einsum('kr,kgj->krjg', symw, W_sym_w).reshape(_K, _R * _H, _H)
    out = _tail(h, Num, Den, mlp_w1, mlp_b1.reshape(1, _H), mlp_w2,
                mlp_b2.reshape(1, _K), Wcomb, W_sym_b, cross_w,
                cross_b.reshape(1, _H), ln_w.reshape(1, _H),
                ln_b.reshape(1, _H))
    return out

# --- scband reference (transcript-rebuilt; emitter-appended) ---
"""Pipeline reference for scband-symptom-routed-rgat-472446403321 (READ-ONLY COPY).

The authoritative reference and input builder live on the scoring server;
editing this copy changes nothing except your own understanding.
"""

import jax, jax.numpy as jnp
import numpy as np
import math

N_NODES = 10000
N_EDGES = 320000
HIDDEN = 128
R = 4
K = 8
NH = 4


def setup_inputs(seed: int = 0):
    key = jax.random.key(seed)
    ks = jax.random.split(key, 16)
    h = jax.random.normal(ks[0], (N_NODES, HIDDEN), dtype=jnp.float32)
    edge_index = jax.random.randint(ks[1], (2, N_EDGES), 0, N_NODES, dtype=jnp.int32)
    edge_type = jax.random.randint(ks[2], (N_EDGES,), 0, R, dtype=jnp.int32)
    W_q = jax.random.normal(ks[3], (R, HIDDEN, HIDDEN), dtype=jnp.float32) * 0.05
    W_k = jax.random.normal(ks[4], (R, HIDDEN, HIDDEN), dtype=jnp.float32) * 0.05
    W_v = jax.random.normal(ks[5], (R, HIDDEN, HIDDEN), dtype=jnp.float32) * 0.05
    mlp_w1 = jax.random.normal(ks[6], (HIDDEN, HIDDEN), dtype=jnp.float32) * 0.05
    mlp_b1 = jnp.zeros((HIDDEN,), dtype=jnp.float32)
    mlp_w2 = jax.random.normal(ks[7], (K, HIDDEN), dtype=jnp.float32) * 0.05
    mlp_b2 = jnp.zeros((K,), dtype=jnp.float32)
    sym_edge_logits = jax.random.normal(ks[8], (K, R), dtype=jnp.float32) * 0.05
    W_sym_w = jax.random.normal(ks[9], (K, HIDDEN, HIDDEN), dtype=jnp.float32) * 0.05
    W_sym_b = jnp.zeros((K, HIDDEN), dtype=jnp.float32)
    cross_w = jax.random.normal(ks[10], (HIDDEN, K * HIDDEN), dtype=jnp.float32) * 0.05
    cross_b = jnp.zeros((HIDDEN,), dtype=jnp.float32)
    ln_w = jnp.ones((HIDDEN,), dtype=jnp.float32)
    ln_b = jnp.zeros((HIDDEN,), dtype=jnp.float32)
    return {"h": h, "edge_index": edge_index, "edge_type": edge_type, "W_q": W_q, "W_k": W_k, "W_v": W_v, "mlp_w1": mlp_w1, "mlp_b1": mlp_b1, "mlp_w2": mlp_w2, "mlp_b2": mlp_b2, "sym_edge_logits": sym_edge_logits, "W_sym_w": W_sym_w, "W_sym_b": W_sym_b, "cross_w": cross_w, "cross_b": cross_b, "ln_w": ln_w, "ln_b": ln_b}


def _scatter_softmax(scores, seg, n):
    m = jax.ops.segment_max(scores, seg, num_segments=n)
    m = jnp.where(jnp.isfinite(m), m, 0.0)
    ex = jnp.exp(scores - m[seg])
    den = jax.ops.segment_sum(ex, seg, num_segments=n)
    return ex / (den[seg] + 1e-16)


def reference(h, edge_index, edge_type, W_q, W_k, W_v, mlp_w1, mlp_b1, mlp_w2, mlp_b2, sym_edge_logits, W_sym_w, W_sym_b, cross_w, cross_b, ln_w, ln_b):
    N, H = h.shape
    nh = NH
    hd = H // nh
    scale = math.sqrt(hd)
    src = edge_index[0]
    dst = edge_index[1]
    # relational aggregation per edge type (eval mode: no drop_edge, no dropout)
    agg_list = []
    for t in range(R):
        mask = (edge_type == t)
        q = (h @ W_q[t].T)[dst].reshape(-1, nh, hd)
        k = (h @ W_k[t].T)[src].reshape(-1, nh, hd)
        v = (h @ W_v[t].T)[src].reshape(-1, nh, hd)
        score = (q * k).sum(-1) / scale  # (E, nh)
        score = jnp.where(mask[:, None], score, -1e30)
        # torch code groups softmax by dst node only (heads share the group)
        seg = jnp.broadcast_to(dst[:, None], score.shape).reshape(-1)
        alpha = _scatter_softmax(score.reshape(-1), seg, N).reshape(-1, nh, 1)
        alpha = alpha * mask[:, None, None].astype(h.dtype)
        weighted = (alpha * v).reshape(-1, H)
        agg_list.append(jax.ops.segment_sum(weighted, dst, num_segments=N))
    agg_stack = jnp.stack(agg_list, axis=1)  # (N, R, H)
    # routing MLP (dropout = identity in eval)
    hidden = jnp.maximum(h @ mlp_w1.T + mlp_b1, 0.0)
    gate = jax.nn.softmax(hidden @ mlp_w2.T + mlp_b2, axis=-1)  # (N, K)
    sym_edge_w = jax.nn.softmax(sym_edge_logits, axis=1)  # (K, R)
    chans = []
    for kk in range(K):
        s = (agg_stack * sym_edge_w[kk][None, :, None]).sum(axis=1)
        s = s @ W_sym_w[kk].T + W_sym_b[kk]
        s = jnp.maximum(s, 0.0)
        s = s * gate[:, kk:kk + 1]
        chans.append(s)
    cat = jnp.concatenate(chans, axis=-1)  # (N, K*H)
    h_new = jnp.maximum(cat @ cross_w.T + cross_b, 0.0)
    x = h + h_new
    mu = x.mean(axis=-1, keepdims=True)
    var = x.var(axis=-1, keepdims=True)
    h_out = (x - mu) / jnp.sqrt(var + 1e-5) * ln_w + ln_b
    return h_out

if __name__ == "__main__":
    import jax
    _d = setup_inputs()
    print(jax.jit(kernel)(*tuple(_d.values())))

</pallas_src>

<mosaic_0001>
#map = affine_map<(d0, d1) -> (0, 0)>
#map1 = affine_map<(d0, d1) -> (0)>
module attributes {stable_mosaic.version = 14 : i64} {
  func.func @_scatter_body(%arg0: i32, %arg1: i32, %arg2: memref<327680x128xf32, #tpu.memory_space<hbm>>, %arg3: memref<327680x128xf32, #tpu.memory_space<hbm>>, %arg4: memref<655360xi32, #tpu.memory_space<hbm>>, %arg5: memref<320x128xf32, #tpu.memory_space<hbm>>, %arg6: memref<10000x128xf32, #tpu.memory_space<hbm>>, %arg7: memref<10000x128xf32, #tpu.memory_space<hbm>>, %arg8: memref<64x128xf32, #tpu.memory_space<vmem>>, %arg9: memref<64x128xf32, #tpu.memory_space<vmem>>, %arg10: memref<64xi32, #tpu.memory_space<vmem>>, %arg11: memref<5120x128xf32, #tpu.memory_space<vmem_shared>>, %arg12: memref<5120x128xf32, #tpu.memory_space<vmem_shared>>, %arg13: memref<!tpu.dma_semaphore, #tpu.memory_space<semaphore_mem>>, %arg14: memref<!tpu.dma_semaphore, #tpu.memory_space<semaphore_mem>>, %arg15: memref<!tpu.dma_semaphore, #tpu.memory_space<semaphore_mem>>) attributes {dimension_semantics = [#tpu.dimension_semantics<core_parallel>, #tpu.dimension_semantics<subcore_parallel>], iteration_bounds = array<i64: 2, 16>, scalar_prefetch = 0 : i64, scratch_operands = 8 : i64, tpu.core_type = #tpu.core_type<sc_vector_subcore>, window_params = [{transform_indices = #map}, {transform_indices = #map}, {transform_indices = #map1}, {transform_indices = #map}, {transform_indices = #map}, {transform_indices = #map}]} {
    %mul3A = arith.constant 2 : i32
    %mul3A_0 = arith.muli %arg1, %mul3A : i32
    %add3A = arith.addi %mul3A_0, %arg0 : i32
    %mul3A_1 = arith.constant 320 : i32
    %mul3A_2 = arith.muli %arg1, %mul3A_1 : i32
    "tpu.region"() ({
      %run_scoped3A = tpu.sem_alloc : memref<!tpu.dma_semaphore, #tpu.memory_space<semaphore_mem>>
      %dma_start3A = arith.constant 0 : i32
      %dma_start3A_41 = tpu.memref_slice %arg11[%mul3A_2, %dma_start3A] : memref<5120x128xf32, #tpu.memory_space<vmem_shared>> -> memref<320x128xf32, #tpu.memory_space<vmem_shared>>
      tpu.enqueue_dma source(%arg5 : memref<320x128xf32, #tpu.memory_space<hbm>>) target(%dma_start3A_41 : memref<320x128xf32, #tpu.memory_space<vmem_shared>>) target_semaphore(%run_scoped3A : memref<!tpu.dma_semaphore, #tpu.memory_space<semaphore_mem>>)
      %dma_wait3A = arith.constant 0 : i32
      %dma_wait3A_42 = tpu.memref_slice %arg11[%mul3A_2, %dma_wait3A] : memref<5120x128xf32, #tpu.memory_space<vmem_shared>> -> memref<320x128xf32, #tpu.memory_space<vmem_shared>>
      tpu.wait_dma2 semaphore(%run_scoped3A : memref<!tpu.dma_semaphore, #tpu.memory_space<semaphore_mem>>) src(%arg5 : memref<320x128xf32, #tpu.memory_space<hbm>>) dst(%dma_wait3A_42 : memref<320x128xf32, #tpu.memory_space<vmem_shared>>)
      tpu.yield
    }) : () -> ()
    "tpu.region"() ({
      %run_scoped3A = tpu.sem_alloc : memref<!tpu.dma_semaphore, #tpu.memory_space<semaphore_mem>>
      %dma_start3A = arith.constant 0 : i32
      %dma_start3A_41 = tpu.memref_slice %arg12[%mul3A_2, %dma_start3A] : memref<5120x128xf32, #tpu.memory_space<vmem_shared>> -> memref<320x128xf32, #tpu.memory_space<vmem_shared>>
      tpu.enqueue_dma source(%arg5 : memref<320x128xf32, #tpu.memory_space<hbm>>) target(%dma_start3A_41 : memref<320x128xf32, #tpu.memory_space<vmem_shared>>) target_semaphore(%run_scoped3A : memref<!tpu.dma_semaphore, #tpu.memory_space<semaphore_mem>>)
      %dma_wait3A = arith.constant 0 : i32
      %dma_wait3A_42 = tpu.memref_slice %arg12[%mul3A_2, %dma_wait3A] : memref<5120x128xf32, #tpu.memory_space<vmem_shared>> -> memref<320x128xf32, #tpu.memory_space<vmem_shared>>
      tpu.wait_dma2 semaphore(%run_scoped3A : memref<!tpu.dma_semaphore, #tpu.memory_space<semaphore_mem>>) src(%arg5 : memref<320x128xf32, #tpu.memory_space<hbm>>) dst(%dma_wait3A_42 : memref<320x128xf32, #tpu.memory_space<vmem_shared>>)
      tpu.yield
    }) : () -> ()
    %barrier3A = arith.constant 0 : index
    tpu.barrier barrier_id(%barrier3A)
    %mul3A_3 = arith.constant 2 : i32
    %mul3A_4 = arith.muli %mul3A_3, %arg1 : i32
    %add3A_5 = arith.constant 0 : i32
    %add3A_6 = arith.addi %mul3A_4, %add3A_5 : i32
    %mul3A_7 = arith.constant 10240 : i32
    %mul3A_8 = arith.muli %add3A_6, %mul3A_7 : i32
    %scan3A = arith.constant 0 : i32
    %scan3A_9 = arith.constant 0 : i32
    %scan3A_10 = arith.constant 160 : i32
    %scan3A_11 = arith.addi %scan3A_9, %scan3A_10 : i32
    %scan3A_12 = arith.constant 1 : i32
    scf.for %scan3A_41 = %scan3A_9 to %scan3A_11 step %scan3A_12  : i32 {
      %mul3A_42 = arith.constant 64 : i32
      %mul3A_43 = arith.muli %scan3A_41, %mul3A_42 : i32
      %add3A_44 = arith.addi %mul3A_8, %mul3A_43 : i32
      %mul3A_45 = arith.constant 327680 : i32
      %mul3A_46 = arith.muli %arg0, %mul3A_45 : i32
      %add3A_47 = arith.addi %mul3A_46, %add3A_44 : i32
      %dma_start3A = tpu.memref_slice %arg4[%add3A_47] : memref<655360xi32, #tpu.memory_space<hbm>> -> memref<64xi32, #tpu.memory_space<hbm>>
      %dma_start3A_48 = tpu.memref_slice %arg4[%add3A_47] : memref<655360xi32, #tpu.memory_space<hbm>> -> memref<64xi32, #tpu.memory_space<hbm>>
      tpu.enqueue_dma source(%dma_start3A_48 : memref<64xi32, #tpu.memory_space<hbm>>) target(%arg10 : memref<64xi32, #tpu.memory_space<vmem>>) target_semaphore(%arg13 : memref<!tpu.dma_semaphore, #tpu.memory_space<semaphore_mem>>)
      %dma_start3A_49 = arith.constant 0 : i32
      %dma_start3A_50 = tpu.memref_slice %arg2[%add3A_44, %dma_start3A_49] : memref<327680x128xf32, #tpu.memory_space<hbm>> -> memref<64x128xf32, #tpu.memory_space<hbm>>
      %dma_start3A_51 = arith.constant 0 : i32
      %dma_start3A_52 = tpu.memref_slice %arg2[%add3A_44, %dma_start3A_51] : memref<327680x128xf32, #tpu.memory_space<hbm>> -> memref<64x128xf32, #tpu.memory_space<hbm>>
      tpu.enqueue_dma source(%dma_start3A_52 : memref<64x128xf32, #tpu.memory_space<hbm>>) target(%arg8 : memref<64x128xf32, #tpu.memory_space<vmem>>) target_semaphore(%arg14 : memref<!tpu.dma_semaphore, #tpu.memory_space<semaphore_mem>>)
      %dma_start3A_53 = arith.constant 0 : i32
      %dma_start3A_54 = tpu.memref_slice %arg3[%add3A_44, %dma_start3A_53] : memref<327680x128xf32, #tpu.memory_space<hbm>> -> memref<64x128xf32, #tpu.memory_space<hbm>>
      %dma_start3A_55 = arith.constant 0 : i32
      %dma_start3A_56 = tpu.memref_slice %arg3[%add3A_44, %dma_start3A_55] : memref<327680x128xf32, #tpu.memory_space<hbm>> -> memref<64x128xf32, #tpu.memory_space<hbm>>
      tpu.enqueue_dma source(%dma_start3A_56 : memref<64x128xf32, #tpu.memory_space<hbm>>) target(%arg9 : memref<64x128xf32, #tpu.memory_space<vmem>>) target_semaphore(%arg15 : memref<!tpu.dma_semaphore, #tpu.memory_space<semaphore_mem>>)
      %dma_wait3A = tpu.memref_slice %arg4[%add3A_47] : memref<655360xi32, #tpu.memory_space<hbm>> -> memref<64xi32, #tpu.memory_space<hbm>>
      %dma_wait3A_57 = tpu.memref_slice %arg4[%add3A_47] : memref<655360xi32, #tpu.memory_space<hbm>> -> memref<64xi32, #tpu.memory_space<hbm>>
      tpu.wait_dma2 semaphore(%arg13 : memref<!tpu.dma_semaphore, #tpu.memory_space<semaphore_mem>>) src(%dma_wait3A_57 : memref<64xi32, #tpu.memory_space<hbm>>) dst(%arg10 : memref<64xi32, #tpu.memory_space<vmem>>)
      %dma_wait3A_58 = arith.constant 0 : i32
      %dma_wait3A_59 = tpu.memref_slice %arg2[%add3A_44, %dma_wait3A_58] : memref<327680x128xf32, #tpu.memory_space<hbm>> -> memref<64x128xf32, #tpu.memory_space<hbm>>
      %dma_wait3A_60 = arith.constant 0 : i32
      %dma_wait3A_61 = tpu.memref_slice %arg2[%add3A_44, %dma_wait3A_60] : memref<327680x128xf32, #tpu.memory_space<hbm>> -> memref<64x128xf32, #tpu.memory_space<hbm>>
      tpu.wait_dma2 semaphore(%arg14 : memref<!tpu.dma_semaphore, #tpu.memory_space<semaphore_mem>>) src(%dma_wait3A_61 : memref<64x128xf32, #tpu.memory_space<hbm>>) dst(%arg8 : memref<64x128xf32, #tpu.memory_space<vmem>>)
      %dma_wait3A_62 = arith.constant 0 : i32
      %dma_wait3A_63 = tpu.memref_slice %arg3[%add3A_44, %dma_wait3A_62] : memref<327680x128xf32, #tpu.memory_space<hbm>> -> memref<64x128xf32, #tpu.memory_space<hbm>>
      %dma_wait3A_64 = arith.constant 0 : i32
      %dma_wait3A_65 = tpu.memref_slice %arg3[%add3A_44, %dma_wait3A_64] : memref<327680x128xf32, #tpu.memory_space<hbm>> -> memref<64x128xf32, #tpu.memory_space<hbm>>
      tpu.wait_dma2 semaphore(%arg15 : memref<!tpu.dma_semaphore, #tpu.memory_space<semaphore_mem>>) src(%dma_wait3A_65 : memref<64x128xf32, #tpu.memory_space<hbm>>) dst(%arg9 : memref<64x128xf32, #tpu.memory_space<vmem>>)
      %dma_start3A_66 = arith.constant 0 : i32
      %dma_start3A_67 = arith.constant 0 : i32
      %dma_start3A_68 = tpu.memref_slice %arg11[%dma_start3A_66, %dma_start3A_67] : memref<5120x128xf32, #tpu.memory_space<vmem_shared>> -> memref<5120x128xf32, #tpu.memory_space<vmem_shared>>
      tpu.enqueue_indirect_dma source(%arg8 : memref<64x128xf32, #tpu.memory_space<vmem>>) target(%dma_start3A_68 : memref<5120x128xf32, #tpu.memory_space<vmem_shared>>) offsets(%arg10 : memref<64xi32, #tpu.memory_space<vmem>>) semaphore(%arg14 : memref<!tpu.dma_semaphore, #tpu.memory_space<semaphore_mem>>) {add = true}
      %dma_start3A_69 = arith.constant 0 : i32
      %dma_start3A_70 = arith.constant 0 : i32
      %dma_start3A_71 = tpu.memref_slice %arg12[%dma_start3A_69, %dma_start3A_70] : memref<5120x128xf32, #tpu.memory_space<vmem_shared>> -> memref<5120x128xf32, #tpu.memory_space<vmem_shared>>
      tpu.enqueue_indirect_dma source(%arg9 : memref<64x128xf32, #tpu.memory_space<vmem>>) target(%dma_start3A_71 : memref<5120x128xf32, #tpu.memory_space<vmem_shared>>) offsets(%arg10 : memref<64xi32, #tpu.memory_space<vmem>>) semaphore(%arg15 : memref<!tpu.dma_semaphore, #tpu.memory_space<semaphore_mem>>) {add = true}
      %dma_wait3A_72 = arith.constant 0 : i32
      %dma_wait3A_73 = arith.constant 0 : i32
      %dma_wait3A_74 = tpu.memref_slice %arg11[%dma_wait3A_72, %dma_wait3A_73] : memref<5120x128xf32, #tpu.memory_space<vmem_shared>> -> memref<5120x128xf32, #tpu.memory_space<vmem_shared>>
      tpu.wait_indirect_dma semaphore(%arg14 : memref<!tpu.dma_semaphore, #tpu.memory_space<semaphore_mem>>) src(%arg8 : memref<64x128xf32, #tpu.memory_space<vmem>>) dst(%dma_wait3A_74 : memref<5120x128xf32, #tpu.memory_space<vmem_shared>>)
      %dma_wait3A_75 = arith.constant 0 : i32
      %dma_wait3A_76 = arith.constant 0 : i32
      %dma_wait3A_77 = tpu.memref_slice %arg12[%dma_wait3A_75, %dma_wait3A_76] : memref<5120x128xf32, #tpu.memory_space<vmem_shared>> -> memref<5120x128xf32, #tpu.memory_space<vmem_shared>>
      tpu.wait_indirect_dma semaphore(%arg15 : memref<!tpu.dma_semaphore, #tpu.memory_space<semaphore_mem>>) src(%arg9 : memref<64x128xf32, #tpu.memory_space<vmem>>) dst(%dma_wait3A_77 : memref<5120x128xf32, #tpu.memory_space<vmem_shared>>)
    }
    %scan3A_13 = arith.constant 160 : i32
    %mul3A_14 = arith.constant 2 : i32
    %mul3A_15 = arith.muli %mul3A_14, %arg1 : i32
    %add3A_16 = arith.constant 1 : i32
    %add3A_17 = arith.addi %mul3A_15, %add3A_16 : i32
    %mul3A_18 = arith.constant 10240 : i32
    %mul3A_19 = arith.muli %add3A_17, %mul3A_18 : i32
    %scan3A_20 = arith.constant 0 : i32
    %scan3A_21 = arith.constant 0 : i32
    %scan3A_22 = arith.constant 160 : i32
    %scan3A_23 = arith.addi %scan3A_21, %scan3A_22 : i32
    %scan3A_24 = arith.constant 1 : i32
    scf.for %scan3A_41 = %scan3A_21 to %scan3A_23 step %scan3A_24  : i32 {
      %mul3A_42 = arith.constant 64 : i32
      %mul3A_43 = arith.muli %scan3A_41, %mul3A_42 : i32
      %add3A_44 = arith.addi %mul3A_19, %mul3A_43 : i32
      %mul3A_45 = arith.constant 327680 : i32
      %mul3A_46 = arith.muli %arg0, %mul3A_45 : i32
      %add3A_47 = arith.addi %mul3A_46, %add3A_44 : i32
      %dma_start3A = tpu.memref_slice %arg4[%add3A_47] : memref<655360xi32, #tpu.memory_space<hbm>> -> memref<64xi32, #tpu.memory_space<hbm>>
      %dma_start3A_48 = tpu.memref_slice %arg4[%add3A_47] : memref<655360xi32, #tpu.memory_space<hbm>> -> memref<64xi32, #tpu.memory_space<hbm>>
      tpu.enqueue_dma source(%dma_start3A_48 : memref<64xi32, #tpu.memory_space<hbm>>) target(%arg10 : memref<64xi32, #tpu.memory_space<vmem>>) target_semaphore(%arg13 : memref<!tpu.dma_semaphore, #tpu.memory_space<semaphore_mem>>)
      %dma_start3A_49 = arith.constant 0 : i32
      %dma_start3A_50 = tpu.memref_slice %arg2[%add3A_44, %dma_start3A_49] : memref<327680x128xf32, #tpu.memory_space<hbm>> -> memref<64x128xf32, #tpu.memory_space<hbm>>
      %dma_start3A_51 = arith.constant 0 : i32
      %dma_start3A_52 = tpu.memref_slice %arg2[%add3A_44, %dma_start3A_51] : memref<327680x128xf32, #tpu.memory_space<hbm>> -> memref<64x128xf32, #tpu.memory_space<hbm>>
      tpu.enqueue_dma source(%dma_start3A_52 : memref<64x128xf32, #tpu.memory_space<hbm>>) target(%arg8 : memref<64x128xf32, #tpu.memory_space<vmem>>) target_semaphore(%arg14 : memref<!tpu.dma_semaphore, #tpu.memory_space<semaphore_mem>>)
      %dma_start3A_53 = arith.constant 0 : i32
      %dma_start3A_54 = tpu.memref_slice %arg3[%add3A_44, %dma_start3A_53] : memref<327680x128xf32, #tpu.memory_space<hbm>> -> memref<64x128xf32, #tpu.memory_space<hbm>>
      %dma_start3A_55 = arith.constant 0 : i32
      %dma_start3A_56 = tpu.memref_slice %arg3[%add3A_44, %dma_start3A_55] : memref<327680x128xf32, #tpu.memory_space<hbm>> -> memref<64x128xf32, #tpu.memory_space<hbm>>
      tpu.enqueue_dma source(%dma_start3A_56 : memref<64x128xf32, #tpu.memory_space<hbm>>) target(%arg9 : memref<64x128xf32, #tpu.memory_space<vmem>>) target_semaphore(%arg15 : memref<!tpu.dma_semaphore, #tpu.memory_space<semaphore_mem>>)
      %dma_wait3A = tpu.memref_slice %arg4[%add3A_47] : memref<655360xi32, #tpu.memory_space<hbm>> -> memref<64xi32, #tpu.memory_space<hbm>>
      %dma_wait3A_57 = tpu.memref_slice %arg4[%add3A_47] : memref<655360xi32, #tpu.memory_space<hbm>> -> memref<64xi32, #tpu.memory_space<hbm>>
      tpu.wait_dma2 semaphore(%arg13 : memref<!tpu.dma_semaphore, #tpu.memory_space<semaphore_mem>>) src(%dma_wait3A_57 : memref<64xi32, #tpu.memory_space<hbm>>) dst(%arg10 : memref<64xi32, #tpu.memory_space<vmem>>)
      %dma_wait3A_58 = arith.constant 0 : i32
      %dma_wait3A_59 = tpu.memref_slice %arg2[%add3A_44, %dma_wait3A_58] : memref<327680x128xf32, #tpu.memory_space<hbm>> -> memref<64x128xf32, #tpu.memory_space<hbm>>
      %dma_wait3A_60 = arith.constant 0 : i32
      %dma_wait3A_61 = tpu.memref_slice %arg2[%add3A_44, %dma_wait3A_60] : memref<327680x128xf32, #tpu.memory_space<hbm>> -> memref<64x128xf32, #tpu.memory_space<hbm>>
      tpu.wait_dma2 semaphore(%arg14 : memref<!tpu.dma_semaphore, #tpu.memory_space<semaphore_mem>>) src(%dma_wait3A_61 : memref<64x128xf32, #tpu.memory_space<hbm>>) dst(%arg8 : memref<64x128xf32, #tpu.memory_space<vmem>>)
      %dma_wait3A_62 = arith.constant 0 : i32
      %dma_wait3A_63 = tpu.memref_slice %arg3[%add3A_44, %dma_wait3A_62] : memref<327680x128xf32, #tpu.memory_space<hbm>> -> memref<64x128xf32, #tpu.memory_space<hbm>>
      %dma_wait3A_64 = arith.constant 0 : i32
      %dma_wait3A_65 = tpu.memref_slice %arg3[%add3A_44, %dma_wait3A_64] : memref<327680x128xf32, #tpu.memory_space<hbm>> -> memref<64x128xf32, #tpu.memory_space<hbm>>
      tpu.wait_dma2 semaphore(%arg15 : memref<!tpu.dma_semaphore, #tpu.memory_space<semaphore_mem>>) src(%dma_wait3A_65 : memref<64x128xf32, #tpu.memory_space<hbm>>) dst(%arg9 : memref<64x128xf32, #tpu.memory_space<vmem>>)
      %dma_start3A_66 = arith.constant 0 : i32
      %dma_start3A_67 = arith.constant 0 : i32
      %dma_start3A_68 = tpu.memref_slice %arg11[%dma_start3A_66, %dma_start3A_67] : memref<5120x128xf32, #tpu.memory_space<vmem_shared>> -> memref<5120x128xf32, #tpu.memory_space<vmem_shared>>
      tpu.enqueue_indirect_dma source(%arg8 : memref<64x128xf32, #tpu.memory_space<vmem>>) target(%dma_start3A_68 : memref<5120x128xf32, #tpu.memory_space<vmem_shared>>) offsets(%arg10 : memref<64xi32, #tpu.memory_space<vmem>>) semaphore(%arg14 : memref<!tpu.dma_semaphore, #tpu.memory_space<semaphore_mem>>) {add = true}
      %dma_start3A_69 = arith.constant 0 : i32
      %dma_start3A_70 = arith.constant 0 : i32
      %dma_start3A_71 = tpu.memref_slice %arg12[%dma_start3A_69, %dma_start3A_70] : memref<5120x128xf32, #tpu.memory_space<vmem_shared>> -> memref<5120x128xf32, #tpu.memory_space<vmem_shared>>
      tpu.enqueue_indirect_dma source(%arg9 : memref<64x128xf32, #tpu.memory_space<vmem>>) target(%dma_start3A_71 : memref<5120x128xf32, #tpu.memory_space<vmem_shared>>) offsets(%arg10 : memref<64xi32, #tpu.memory_space<vmem>>) semaphore(%arg15 : memref<!tpu.dma_semaphore, #tpu.memory_space<semaphore_mem>>) {add = true}
      %dma_wait3A_72 = arith.constant 0 : i32
      %dma_wait3A_73 = arith.constant 0 : i32
      %dma_wait3A_74 = tpu.memref_slice %arg11[%dma_wait3A_72, %dma_wait3A_73] : memref<5120x128xf32, #tpu.memory_space<vmem_shared>> -> memref<5120x128xf32, #tpu.memory_space<vmem_shared>>
      tpu.wait_indirect_dma semaphore(%arg14 : memref<!tpu.dma_semaphore, #tpu.memory_space<semaphore_mem>>) src(%arg8 : memref<64x128xf32, #tpu.memory_space<vmem>>) dst(%dma_wait3A_74 : memref<5120x128xf32, #tpu.memory_space<vmem_shared>>)
      %dma_wait3A_75 = arith.constant 0 : i32
      %dma_wait3A_76 = arith.constant 0 : i32
      %dma_wait3A_77 = tpu.memref_slice %arg12[%dma_wait3A_75, %dma_wait3A_76] : memref<5120x128xf32, #tpu.memory_space<vmem_shared>> -> memref<5120x128xf32, #tpu.memory_space<vmem_shared>>
      tpu.wait_indirect_dma semaphore(%arg15 : memref<!tpu.dma_semaphore, #tpu.memory_space<semaphore_mem>>) src(%arg9 : memref<64x128xf32, #tpu.memory_space<vmem>>) dst(%dma_wait3A_77 : memref<5120x128xf32, #tpu.memory_space<vmem_shared>>)
    }
    %scan3A_25 = arith.constant 160 : i32
    %barrier3A_26 = arith.constant 0 : index
    tpu.barrier barrier_id(%barrier3A_26)
    %mul3A_27 = arith.constant 5000 : i32
    %mul3A_28 = arith.muli %arg0, %mul3A_27 : i32
    %mul3A_29 = arith.constant 312 : i32
    %mul3A_30 = arith.muli %arg1, %mul3A_29 : i32
    %mul3A_31 = arith.constant 312 : i32
    %mul3A_32 = arith.muli %arg1, %mul3A_31 : i32
    %add3A_33 = arith.addi %mul3A_28, %mul3A_32 : i32
    "tpu.region"() ({
      %run_scoped3A = tpu.sem_alloc : memref<!tpu.dma_semaphore, #tpu.memory_space<semaphore_mem>>
      %dma_start3A = arith.constant 0 : i32
      %dma_start3A_41 = tpu.memref_slice %arg6[%add3A_33, %dma_start3A] : memref<10000x128xf32, #tpu.memory_space<hbm>> -> memref<312x128xf32, #tpu.memory_space<hbm>>
      %dma_start3A_42 = arith.constant 0 : i32
      %dma_start3A_43 = tpu.memref_slice %arg11[%mul3A_30, %dma_start3A_42] : memref<5120x128xf32, #tpu.memory_space<vmem_shared>> -> memref<312x128xf32, #tpu.memory_space<vmem_shared>>
      tpu.enqueue_dma source(%dma_start3A_43 : memref<312x128xf32, #tpu.memory_space<vmem_shared>>) target(%dma_start3A_41 : memref<312x128xf32, #tpu.memory_space<hbm>>) target_semaphore(%run_scoped3A : memref<!tpu.dma_semaphore, #tpu.memory_space<semaphore_mem>>)
      %dma_wait3A = arith.constant 0 : i32
      %dma_wait3A_44 = tpu.memref_slice %arg6[%add3A_33, %dma_wait3A] : memref<10000x128xf32, #tpu.memory_space<hbm>> -> memref<312x128xf32, #tpu.memory_space<hbm>>
      %dma_wait3A_45 = arith.constant 0 : i32
      %dma_wait3A_46 = tpu.memref_slice %arg11[%mul3A_30, %dma_wait3A_45] : memref<5120x128xf32, #tpu.memory_space<vmem_shared>> -> memref<312x128xf32, #tpu.memory_space<vmem_shared>>
      tpu.wait_dma2 semaphore(%run_scoped3A : memref<!tpu.dma_semaphore, #tpu.memory_space<semaphore_mem>>) src(%dma_wait3A_46 : memref<312x128xf32, #tpu.memory_space<vmem_shared>>) dst(%dma_wait3A_44 : memref<312x128xf32, #tpu.memory_space<hbm>>)
      tpu.yield
    }) : () -> ()
    %mul3A_34 = arith.constant 312 : i32
    %mul3A_35 = arith.muli %arg1, %mul3A_34 : i32
    %mul3A_36 = arith.constant 312 : i32
    %mul3A_37 = arith.muli %arg1, %mul3A_36 : i32
    %add3A_38 = arith.addi %mul3A_28, %mul3A_37 : i32
    "tpu.region"() ({
      %run_scoped3A = tpu.sem_alloc : memref<!tpu.dma_semaphore, #tpu.memory_space<semaphore_mem>>
      %dma_start3A = arith.constant 0 : i32
      %dma_start3A_41 = tpu.memref_slice %arg7[%add3A_38, %dma_start3A] : memref<10000x128xf32, #tpu.memory_space<hbm>> -> memref<312x128xf32, #tpu.memory_space<hbm>>
      %dma_start3A_42 = arith.constant 0 : i32
      %dma_start3A_43 = tpu.memref_slice %arg12[%mul3A_35, %dma_start3A_42] : memref<5120x128xf32, #tpu.memory_space<vmem_shared>> -> memref<312x128xf32, #tpu.memory_space<vmem_shared>>
      tpu.enqueue_dma source(%dma_start3A_43 : memref<312x128xf32, #tpu.memory_space<vmem_shared>>) target(%dma_start3A_41 : memref<312x128xf32, #tpu.memory_space<hbm>>) target_semaphore(%run_scoped3A : memref<!tpu.dma_semaphore, #tpu.memory_space<semaphore_mem>>)
      %dma_wait3A = arith.constant 0 : i32
      %dma_wait3A_44 = tpu.memref_slice %arg7[%add3A_38, %dma_wait3A] : memref<10000x128xf32, #tpu.memory_space<hbm>> -> memref<312x128xf32, #tpu.memory_space<hbm>>
      %dma_wait3A_45 = arith.constant 0 : i32
      %dma_wait3A_46 = tpu.memref_slice %arg12[%mul3A_35, %dma_wait3A_45] : memref<5120x128xf32, #tpu.memory_space<vmem_shared>> -> memref<312x128xf32, #tpu.memory_space<vmem_shared>>
      tpu.wait_dma2 semaphore(%run_scoped3A : memref<!tpu.dma_semaphore, #tpu.memory_space<semaphore_mem>>) src(%dma_wait3A_46 : memref<312x128xf32, #tpu.memory_space<vmem_shared>>) dst(%dma_wait3A_44 : memref<312x128xf32, #tpu.memory_space<hbm>>)
      tpu.yield
    }) : () -> ()
    %eq3A = arith.constant 15 : i32
    %eq3A_39 = arith.cmpi eq, %arg1, %eq3A : i32
    %convert_element_type3A = arith.extui %eq3A_39 : i1 to i32
    %cond3A = arith.constant 0 : i32
    %cond3A_40 = arith.cmpi ne, %convert_element_type3A, %cond3A : i32
    scf.if %cond3A_40 {
      %add3A_41 = arith.constant 4992 : i32
      %add3A_42 = arith.addi %mul3A_28, %add3A_41 : i32
      "tpu.region"() ({
        %run_scoped3A = tpu.sem_alloc : memref<!tpu.dma_semaphore, #tpu.memory_space<semaphore_mem>>
        %dma_start3A = arith.constant 0 : i32
        %dma_start3A_45 = tpu.memref_slice %arg6[%add3A_42, %dma_start3A] : memref<10000x128xf32, #tpu.memory_space<hbm>> -> memref<8x128xf32, #tpu.memory_space<hbm>>
        %dma_start3A_46 = arith.constant 4992 : i32
        %dma_start3A_47 = arith.constant 0 : i32
        %dma_start3A_48 = tpu.memref_slice %arg11[%dma_start3A_46, %dma_start3A_47] : memref<5120x128xf32, #tpu.memory_space<vmem_shared>> -> memref<8x128xf32, #tpu.memory_space<vmem_shared>>
        tpu.enqueue_dma source(%dma_start3A_48 : memref<8x128xf32, #tpu.memory_space<vmem_shared>>) target(%dma_start3A_45 : memref<8x128xf32, #tpu.memory_space<hbm>>) target_semaphore(%run_scoped3A : memref<!tpu.dma_semaphore, #tpu.memory_space<semaphore_mem>>)
        %dma_wait3A = arith.constant 0 : i32
        %dma_wait3A_49 = tpu.memref_slice %arg6[%add3A_42, %dma_wait3A] : memref<10000x128xf32, #tpu.memory_space<hbm>> -> memref<8x128xf32, #tpu.memory_space<hbm>>
        %dma_wait3A_50 = arith.constant 4992 : i32
        %dma_wait3A_51 = arith.constant 0 : i32
        %dma_wait3A_52 = tpu.memref_slice %arg11[%dma_wait3A_50, %dma_wait3A_51] : memref<5120x128xf32, #tpu.memory_space<vmem_shared>> -> memref<8x128xf32, #tpu.memory_space<vmem_shared>>
        tpu.wait_dma2 semaphore(%run_scoped3A : memref<!tpu.dma_semaphore, #tpu.memory_space<semaphore_mem>>) src(%dma_wait3A_52 : memref<8x128xf32, #tpu.memory_space<vmem_shared>>) dst(%dma_wait3A_49 : memref<8x128xf32, #tpu.memory_space<hbm>>)
        tpu.yield
      }) : () -> ()
      %add3A_43 = arith.constant 4992 : i32
      %add3A_44 = arith.addi %mul3A_28, %add3A_43 : i32
      "tpu.region"() ({
        %run_scoped3A = tpu.sem_alloc : memref<!tpu.dma_semaphore, #tpu.memory_space<semaphore_mem>>
        %dma_start3A = arith.constant 0 : i32
        %dma_start3A_45 = tpu.memref_slice %arg7[%add3A_44, %dma_start3A] : memref<10000x128xf32, #tpu.memory_space<hbm>> -> memref<8x128xf32, #tpu.memory_space<hbm>>
        %dma_start3A_46 = arith.constant 4992 : i32
        %dma_start3A_47 = arith.constant 0 : i32
        %dma_start3A_48 = tpu.memref_slice %arg12[%dma_start3A_46, %dma_start3A_47] : memref<5120x128xf32, #tpu.memory_space<vmem_shared>> -> memref<8x128xf32, #tpu.memory_space<vmem_shared>>
        tpu.enqueue_dma source(%dma_start3A_48 : memref<8x128xf32, #tpu.memory_space<vmem_shared>>) target(%dma_start3A_45 : memref<8x128xf32, #tpu.memory_space<hbm>>) target_semaphore(%run_scoped3A : memref<!tpu.dma_semaphore, #tpu.memory_space<semaphore_mem>>)
        %dma_wait3A = arith.constant 0 : i32
        %dma_wait3A_49 = tpu.memref_slice %arg7[%add3A_44, %dma_wait3A] : memref<10000x128xf32, #tpu.memory_space<hbm>> -> memref<8x128xf32, #tpu.memory_space<hbm>>
        %dma_wait3A_50 = arith.constant 4992 : i32
        %dma_wait3A_51 = arith.constant 0 : i32
        %dma_wait3A_52 = tpu.memref_slice %arg12[%dma_wait3A_50, %dma_wait3A_51] : memref<5120x128xf32, #tpu.memory_space<vmem_shared>> -> memref<8x128xf32, #tpu.memory_space<vmem_shared>>
        tpu.wait_dma2 semaphore(%run_scoped3A : memref<!tpu.dma_semaphore, #tpu.memory_space<semaphore_mem>>) src(%dma_wait3A_52 : memref<8x128xf32, #tpu.memory_space<vmem_shared>>) dst(%dma_wait3A_49 : memref<8x128xf32, #tpu.memory_space<hbm>>)
        tpu.yield
      }) : () -> ()
    } else {
    }
    return
  }
}

#map = affine_map<(d0, d1) -> (0, 0)>
#map1 = affine_map<(d0, d1) -> (0)>
module attributes {stable_mosaic.version = 14 : i64} {
  func.func @_gather_body(%arg0: i32, %arg1: i32, %arg2: memref<40000x128xf32, #tpu.memory_space<hbm>>, %arg3: memref<40000x128xf32, #tpu.memory_space<hbm>>, %arg4: memref<40000x128xf32, #tpu.memory_space<hbm>>, %arg5: memref<327680xi32, #tpu.memory_space<hbm>>, %arg6: memref<327680xi32, #tpu.memory_space<hbm>>, %arg7: memref<327680xi32, #tpu.memory_space<hbm>>, %arg8: memref<327680x128xf32, #tpu.memory_space<hbm>>, %arg9: memref<327680x128xf32, #tpu.memory_space<hbm>>, %arg10: memref<327680x128xf32, #tpu.memory_space<hbm>>, %arg11: memref<128xi32, #tpu.memory_space<vmem>>, %arg12: memref<128xi32, #tpu.memory_space<vmem>>, %arg13: memref<128xi32, #tpu.memory_space<vmem>>, %arg14: memref<128xi32, #tpu.memory_space<vmem>>, %arg15: memref<128xi32, #tpu.memory_space<vmem>>, %arg16: memref<128x128xf32, #tpu.memory_space<vmem>>, %arg17: memref<128x128xf32, #tpu.memory_space<vmem>>, %arg18: memref<128x128xf32, #tpu.memory_space<vmem>>, %arg19: memref<!tpu.dma_semaphore, #tpu.memory_space<semaphore_mem>>, %arg20: memref<!tpu.dma_semaphore, #tpu.memory_space<semaphore_mem>>, %arg21: memref<!tpu.dma_semaphore, #tpu.memory_space<semaphore_mem>>) attributes {dimension_semantics = [#tpu.dimension_semantics<core_parallel>, #tpu.dimension_semantics<subcore_parallel>], iteration_bounds = array<i64: 2, 16>, scalar_prefetch = 0 : i64, scratch_operands = 11 : i64, tpu.core_type = #tpu.core_type<sc_vector_subcore>, window_params = [{transform_indices = #map}, {transform_indices = #map}, {transform_indices = #map}, {transform_indices = #map1}, {transform_indices = #map1}, {transform_indices = #map1}, {transform_indices = #map}, {transform_indices = #map}, {transform_indices = #map}]} {
    %mul3A = arith.constant 2 : i32
    %mul3A_0 = arith.muli %arg1, %mul3A : i32
    %add3A = arith.addi %mul3A_0, %arg0 : i32
    %scan3A = arith.constant 0 : i32
    %scan3A_1 = arith.constant 0 : i32
    %scan3A_2 = arith.constant 80 : i32
    %scan3A_3 = arith.addi %scan3A_1, %scan3A_2 : i32
    %scan3A_4 = arith.constant 1 : i32
    scf.for %scan3A_6 = %scan3A_1 to %scan3A_3 step %scan3A_4  : i32 {
      %mul3A_7 = arith.constant 10240 : i32
      %mul3A_8 = arith.muli %add3A, %mul3A_7 : i32
      %mul3A_9 = arith.constant 128 : i32
      %mul3A_10 = arith.muli %scan3A_6, %mul3A_9 : i32
      %add3A_11 = arith.addi %mul3A_8, %mul3A_10 : i32
      %dma_start3A = tpu.memref_slice %arg5[%add3A_11] : memref<327680xi32, #tpu.memory_space<hbm>> -> memref<128xi32, #tpu.memory_space<hbm>>
      %dma_start3A_12 = tpu.memref_slice %arg5[%add3A_11] : memref<327680xi32, #tpu.memory_space<hbm>> -> memref<128xi32, #tpu.memory_space<hbm>>
      tpu.enqueue_dma source(%dma_start3A_12 : memref<128xi32, #tpu.memory_space<hbm>>) target(%arg11 : memref<128xi32, #tpu.memory_space<vmem>>) target_semaphore(%arg19 : memref<!tpu.dma_semaphore, #tpu.memory_space<semaphore_mem>>)
      %dma_start3A_13 = tpu.memref_slice %arg6[%add3A_11] : memref<327680xi32, #tpu.memory_space<hbm>> -> memref<128xi32, #tpu.memory_space<hbm>>
      %dma_start3A_14 = tpu.memref_slice %arg6[%add3A_11] : memref<327680xi32, #tpu.memory_space<hbm>> -> memref<128xi32, #tpu.memory_space<hbm>>
      tpu.enqueue_dma source(%dma_start3A_14 : memref<128xi32, #tpu.memory_space<hbm>>) target(%arg12 : memref<128xi32, #tpu.memory_space<vmem>>) target_semaphore(%arg20 : memref<!tpu.dma_semaphore, #tpu.memory_space<semaphore_mem>>)
      %dma_start3A_15 = tpu.memref_slice %arg7[%add3A_11] : memref<327680xi32, #tpu.memory_space<hbm>> -> memref<128xi32, #tpu.memory_space<hbm>>
      %dma_start3A_16 = tpu.memref_slice %arg7[%add3A_11] : memref<327680xi32, #tpu.memory_space<hbm>> -> memref<128xi32, #tpu.memory_space<hbm>>
      tpu.enqueue_dma source(%dma_start3A_16 : memref<128xi32, #tpu.memory_space<hbm>>) target(%arg13 : memref<128xi32, #tpu.memory_space<vmem>>) target_semaphore(%arg21 : memref<!tpu.dma_semaphore, #tpu.memory_space<semaphore_mem>>)
      %dma_wait3A = tpu.memref_slice %arg5[%add3A_11] : memref<327680xi32, #tpu.memory_space<hbm>> -> memref<128xi32, #tpu.memory_space<hbm>>
      %dma_wait3A_17 = tpu.memref_slice %arg5[%add3A_11] : memref<327680xi32, #tpu.memory_space<hbm>> -> memref<128xi32, #tpu.memory_space<hbm>>
      tpu.wait_dma2 semaphore(%arg19 : memref<!tpu.dma_semaphore, #tpu.memory_space<semaphore_mem>>) src(%dma_wait3A_17 : memref<128xi32, #tpu.memory_space<hbm>>) dst(%arg11 : memref<128xi32, #tpu.memory_space<vmem>>)
      %dma_wait3A_18 = tpu.memref_slice %arg6[%add3A_11] : memref<327680xi32, #tpu.memory_space<hbm>> -> memref<128xi32, #tpu.memory_space<hbm>>
      %dma_wait3A_19 = tpu.memref_slice %arg6[%add3A_11] : memref<327680xi32, #tpu.memory_space<hbm>> -> memref<128xi32, #tpu.memory_space<hbm>>
      tpu.wait_dma2 semaphore(%arg20 : memref<!tpu.dma_semaphore, #tpu.memory_space<semaphore_mem>>) src(%dma_wait3A_19 : memref<128xi32, #tpu.memory_space<hbm>>) dst(%arg12 : memref<128xi32, #tpu.memory_space<vmem>>)
      %dma_wait3A_20 = tpu.memref_slice %arg7[%add3A_11] : memref<327680xi32, #tpu.memory_space<hbm>> -> memref<128xi32, #tpu.memory_space<hbm>>
      %dma_wait3A_21 = tpu.memref_slice %arg7[%add3A_11] : memref<327680xi32, #tpu.memory_space<hbm>> -> memref<128xi32, #tpu.memory_space<hbm>>
      tpu.wait_dma2 semaphore(%arg21 : memref<!tpu.dma_semaphore, #tpu.memory_space<semaphore_mem>>) src(%dma_wait3A_21 : memref<128xi32, #tpu.memory_space<hbm>>) dst(%arg13 : memref<128xi32, #tpu.memory_space<vmem>>)
      %get3A = arith.constant 0 : index
      %get3A_22 = tpu.vector_load %arg13[%get3A] {strides = array<i32>} : memref<128xi32, #tpu.memory_space<vmem>>, vector<16xi32>,
      %get3A_23 = vector.shape_cast %get3A_22 : vector<16xi32> to vector<16xi32>
      %mul3A_24 = arith.constant 10000 : i32
      %mul3A_25 = vector.broadcast %mul3A_24 : i32 to vector<16xi32>
      %mul3A_26 = arith.muli %get3A_23, %mul3A_25 : vector<16xi32>
      %get3A_27 = arith.constant 0 : index
      %get3A_28 = tpu.vector_load %arg12[%get3A_27] {strides = array<i32>} : memref<128xi32, #tpu.memory_space<vmem>>, vector<16xi32>,
      %get3A_29 = vector.shape_cast %get3A_28 : vector<16xi32> to vector<16xi32>
      %add3A_30 = arith.addi %mul3A_26, %get3A_29 : vector<16xi32>
      %swap3A = arith.constant 0 : index
      %swap3A_31 = tpu.vector_load %arg14[%swap3A] {strides = array<i32>} : memref<128xi32, #tpu.memory_space<vmem>>, vector<16xi32>,
      %swap3A_32 = vector.shape_cast %swap3A_31 : vector<16xi32> to vector<16xi32>
      %swap3A_33 = vector.shape_cast %add3A_30 : vector<16xi32> to vector<16xi32>
      tpu.vector_store %arg14[%swap3A], %swap3A_33 {strides = array<i32>} : memref<128xi32, #tpu.memory_space<vmem>>, vector<16xi32>,
      %get3A_34 = arith.constant 0 : index
      %get3A_35 = tpu.vector_load %arg11[%get3A_34] {strides = array<i32>} : memref<128xi32, #tpu.memory_space<vmem>>, vector<16xi32>,
      %get3A_36 = vector.shape_cast %get3A_35 : vector<16xi32> to vector<16xi32>
      %add3A_37 = arith.addi %mul3A_26, %get3A_36 : vector<16xi32>
      %swap3A_38 = arith.constant 0 : index
      %swap3A_39 = tpu.vector_load %arg15[%swap3A_38] {strides = array<i32>} : memref<128xi32, #tpu.memory_space<vmem>>, vector<16xi32>,
      %swap3A_40 = vector.shape_cast %swap3A_39 : vector<16xi32> to vector<16xi32>
      %swap3A_41 = vector.shape_cast %add3A_37 : vector<16xi32> to vector<16xi32>
      tpu.vector_store %arg15[%swap3A_38], %swap3A_41 {strides = array<i32>} : memref<128xi32, #tpu.memory_space<vmem>>, vector<16xi32>,
      %get3A_42 = arith.constant 16 : index
      %get3A_43 = tpu.vector_load %arg13[%get3A_42] {strides = array<i32>} : memref<128xi32, #tpu.memory_space<vmem>>, vector<16xi32>,
      %get3A_44 = vector.shape_cast %get3A_43 : vector<16xi32> to vector<16xi32>
      %mul3A_45 = arith.constant 10000 : i32
      %mul3A_46 = vector.broadcast %mul3A_45 : i32 to vector<16xi32>
      %mul3A_47 = arith.muli %get3A_44, %mul3A_46 : vector<16xi32>
      %get3A_48 = arith.constant 16 : index
      %get3A_49 = tpu.vector_load %arg12[%get3A_48] {strides = array<i32>} : memref<128xi32, #tpu.memory_space<vmem>>, vector<16xi32>,
      %get3A_50 = vector.shape_cast %get3A_49 : vector<16xi32> to vector<16xi32>
      %add3A_51 = arith.addi %mul3A_47, %get3A_50 : vector<16xi32>
      %swap3A_52 = arith.constant 16 : index
      %swap3A_53 = tpu.vector_load %arg14[%swap3A_52] {strides = array<i32>} : memref<128xi32, #tpu.memory_space<vmem>>, vector<16xi32>,
      %swap3A_54 = vector.shape_cast %swap3A_53 : vector<16xi32> to vector<16xi32>
      %swap3A_55 = vector.shape_cast %add3A_51 : vector<16xi32> to vector<16xi32>
      tpu.vector_store %arg14[%swap3A_52], %swap3A_55 {strides = array<i32>} : memref<128xi32, #tpu.memory_space<vmem>>, vector<16xi32>,
      %get3A_56 = arith.constant 16 : index
      %get3A_57 = tpu.vector_load %arg11[%get3A_56] {strides = array<i32>} : memref<128xi32, #tpu.memory_space<vmem>>, vector<16xi32>,
      %get3A_58 = vector.shape_cast %get3A_57 : vector<16xi32> to vector<16xi32>
      %add3A_59 = arith.addi %mul3A_47, %get3A_58 : vector<16xi32>
      %swap3A_60 = arith.constant 16 : index
      %swap3A_61 = tpu.vector_load %arg15[%swap3A_60] {strides = array<i32>} : memref<128xi32, #tpu.memory_space<vmem>>, vector<16xi32>,
      %swap3A_62 = vector.shape_cast %swap3A_61 : vector<16xi32> to vector<16xi32>
      %swap3A_63 = vector.shape_cast %add3A_59 : vector<16xi32> to vector<16xi32>
      tpu.vector_store %arg15[%swap3A_60], %swap3A_63 {strides = array<i32>} : memref<128xi32, #tpu.memory_space<vmem>>, vector<16xi32>,
      %get3A_64 = arith.constant 32 : index
      %get3A_65 = tpu.vector_load %arg13[%get3A_64] {strides = array<i32>} : memref<128xi32, #tpu.memory_space<vmem>>, vector<16xi32>,
      %get3A_66 = vector.shape_cast %get3A_65 : vector<16xi32> to vector<16xi32>
      %mul3A_67 = arith.constant 10000 : i32
      %mul3A_68 = vector.broadcast %mul3A_67 : i32 to vector<16xi32>
      %mul3A_69 = arith.muli %get3A_66, %mul3A_68 : vector<16xi32>
      %get3A_70 = arith.constant 32 : index
      %get3A_71 = tpu.vector_load %arg12[%get3A_70] {strides = array<i32>} : memref<128xi32, #tpu.memory_space<vmem>>, vector<16xi32>,
      %get3A_72 = vector.shape_cast %get3A_71 : vector<16xi32> to vector<16xi32>
      %add3A_73 = arith.addi %mul3A_69, %get3A_72 : vector<16xi32>
      %swap3A_74 = arith.constant 32 : index
      %swap3A_75 = tpu.vector_load %arg14[%swap3A_74] {strides = array<i32>} : memref<128xi32, #tpu.memory_space<vmem>>, vector<16xi32>,
      %swap3A_76 = vector.shape_cast %swap3A_75 : vector<16xi32> to vector<16xi32>
      %swap3A_77 = vector.shape_cast %add3A_73 : vector<16xi32> to vector<16xi32>
      tpu.vector_store %arg14[%swap3A_74], %swap3A_77 {strides = array<i32>} : memref<128xi32, #tpu.memory_space<vmem>>, vector<16xi32>,
      %get3A_78 = arith.constant 32 : index
      %get3A_79 = tpu.vector_load %arg11[%get3A_78] {strides = array<i32>} : memref<128xi32, #tpu.memory_space<vmem>>, vector<16xi32>,
      %get3A_80 = vector.shape_cast %get3A_79 : vector<16xi32> to vector<16xi32>
      %add3A_81 = arith.addi %mul3A_69, %get3A_80 : vector<16xi32>
      %swap3A_82 = arith.constant 32 : index
      %swap3A_83 = tpu.vector_load %arg15[%swap3A_82] {strides = array<i32>} : memref<128xi32, #tpu.memory_space<vmem>>, vector<16xi32>,
      %swap3A_84 = vector.shape_cast %swap3A_83 : vector<16xi32> to vector<16xi32>
      %swap3A_85 = vector.shape_cast %add3A_81 : vector<16xi32> to vector<16xi32>
      tpu.vector_store %arg15[%swap3A_82], %swap3A_85 {strides = array<i32>} : memref<128xi32, #tpu.memory_space<vmem>>, vector<16xi32>,
      %get3A_86 = arith.constant 48 : index
      %get3A_87 = tpu.vector_load %arg13[%get3A_86] {strides = array<i32>} : memref<128xi32, #tpu.memory_space<vmem>>, vector<16xi32>,
      %get3A_88 = vector.shape_cast %get3A_87 : vector<16xi32> to vector<16xi32>
      %mul3A_89 = arith.constant 10000 : i32
      %mul3A_90 = vector.broadcast %mul3A_89 : i32 to vector<16xi32>
      %mul3A_91 = arith.muli %get3A_88, %mul3A_90 : vector<16xi32>
      %get3A_92 = arith.constant 48 : index
      %get3A_93 = tpu.vector_load %arg12[%get3A_92] {strides = array<i32>} : memref<128xi32, #tpu.memory_space<vmem>>, vector<16xi32>,
      %get3A_94 = vector.shape_cast %get3A_93 : vector<16xi32> to vector<16xi32>
      %add3A_95 = arith.addi %mul3A_91, %get3A_94 : vector<16xi32>
      %swap3A_96 = arith.constant 48 : index
      %swap3A_97 = tpu.vector_load %arg14[%swap3A_96] {strides = array<i32>} : memref<128xi32, #tpu.memory_space<vmem>>, vector<16xi32>,
      %swap3A_98 = vector.shape_cast %swap3A_97 : vector<16xi32> to vector<16xi32>
      %swap3A_99 = vector.shape_cast %add3A_95 : vector<16xi32> to vector<16xi32>
      tpu.vector_store %arg14[%swap3A_96], %swap3A_99 {strides = array<i32>} : memref<128xi32, #tpu.memory_space<vmem>>, vector<16xi32>,
      %get3A_100 = arith.constant 48 : index
      %get3A_101 = tpu.vector_load %arg11[%get3A_100] {strides = array<i32>} : memref<128xi32, #tpu.memory_space<vmem>>, vector<16xi32>,
      %get3A_102 = vector.shape_cast %get3A_101 : vector<16xi32> to vector<16xi32>
      %add3A_103 = arith.addi %mul3A_91, %get3A_102 : vector<16xi32>
      %swap3A_104 = arith.constant 48 : index
      %swap3A_105 = tpu.vector_load %arg15[%swap3A_104] {strides = array<i32>} : memref<128xi32, #tpu.memory_space<vmem>>, vector<16xi32>,
      %swap3A_106 = vector.shape_cast %swap3A_105 : vector<16xi32> to vector<16xi32>
      %swap3A_107 = vector.shape_cast %add3A_103 : vector<16xi32> to vector<16xi32>
      tpu.vector_store %arg15[%swap3A_104], %swap3A_107 {strides = array<i32>} : memref<128xi32, #tpu.memory_space<vmem>>, vector<16xi32>,
      %get3A_108 = arith.constant 64 : index
      %get3A_109 = tpu.vector_load %arg13[%get3A_108] {strides = array<i32>} : memref<128xi32, #tpu.memory_space<vmem>>, vector<16xi32>,
      %get3A_110 = vector.shape_cast %get3A_109 : vector<16xi32> to vector<16xi32>
      %mul3A_111 = arith.constant 10000 : i32
      %mul3A_112 = vector.broadcast %mul3A_111 : i32 to vector<16xi32>
      %mul3A_113 = arith.muli %get3A_110, %mul3A_112 : vector<16xi32>
      %get3A_114 = arith.constant 64 : index
      %get3A_115 = tpu.vector_load %arg12[%get3A_114] {strides = array<i32>} : memref<128xi32, #tpu.memory_space<vmem>>, vector<16xi32>,
      %get3A_116 = vector.shape_cast %get3A_115 : vector<16xi32> to vector<16xi32>
      %add3A_117 = arith.addi %mul3A_113, %get3A_116 : vector<16xi32>
      %swap3A_118 = arith.constant 64 : index
      %swap3A_119 = tpu.vector_load %arg14[%swap3A_118] {strides = array<i32>} : memref<128xi32, #tpu.memory_space<vmem>>, vector<16xi32>,
      %swap3A_120 = vector.shape_cast %swap3A_119 : vector<16xi32> to vector<16xi32>
      %swap3A_121 = vector.shape_cast %add3A_117 : vector<16xi32> to vector<16xi32>
      tpu.vector_store %arg14[%swap3A_118], %swap3A_121 {strides = array<i32>} : memref<128xi32, #tpu.memory_space<vmem>>, vector<16xi32>,
      %get3A_122 = arith.constant 64 : index
      %get3A_123 = tpu.vector_load %arg11[%get3A_122] {strides = array<i32>} : memref<128xi32, #tpu.memory_space<vmem>>, vector<16xi32>,
      %get3A_124 = vector.shape_cast %get3A_123 : vector<16xi32> to vector<16xi32>
      %add3A_125 = arith.addi %mul3A_113, %get3A_124 : vector<16xi32>
      %swap3A_126 = arith.constant 64 : index
      %swap3A_127 = tpu.vector_load %arg15[%swap3A_126] {strides = array<i32>} : memref<128xi32, #tpu.memory_space<vmem>>, vector<16xi32>,
      %swap3A_128 = vector.shape_cast %swap3A_127 : vector<16xi32> to vector<16xi32>
      %swap3A_129 = vector.shape_cast %add3A_125 : vector<16xi32> to vector<16xi32>
      tpu.vector_store %arg15[%swap3A_126], %swap3A_129 {strides = array<i32>} : memref<128xi32, #tpu.memory_space<vmem>>, vector<16xi32>,
      %get3A_130 = arith.constant 80 : index
      %get3A_131 = tpu.vector_load %arg13[%get3A_130] {strides = array<i32>} : memref<128xi32, #tpu.memory_space<vmem>>, vector<16xi32>,
      %get3A_132 = vector.shape_cast %get3A_131 : vector<16xi32> to vector<16xi32>
      %mul3A_133 = arith.constant 10000 : i32
      %mul3A_134 = vector.broadcast %mul3A_133 : i32 to vector<16xi32>
      %mul3A_135 = arith.muli %get3A_132, %mul3A_134 : vector<16xi32>
      %get3A_136 = arith.constant 80 : index
      %get3A_137 = tpu.vector_load %arg12[%get3A_136] {strides = array<i32>} : memref<128xi32, #tpu.memory_space<vmem>>, vector<16xi32>,
      %get3A_138 = vector.shape_cast %get3A_137 : vector<16xi32> to vector<16xi32>
      %add3A_139 = arith.addi %mul3A_135, %get3A_138 : vector<16xi32>
      %swap3A_140 = arith.constant 80 : index
      %swap3A_141 = tpu.vector_load %arg14[%swap3A_140] {strides = array<i32>} : memref<128xi32, #tpu.memory_space<vmem>>, vector<16xi32>,
      %swap3A_142 = vector.shape_cast %swap3A_141 : vector<16xi32> to vector<16xi32>
      %swap3A_143 = vector.shape_cast %add3A_139 : vector<16xi32> to vector<16xi32>
      tpu.vector_store %arg14[%swap3A_140], %swap3A_143 {strides = array<i32>} : memref<128xi32, #tpu.memory_space<vmem>>, vector<16xi32>,
      %get3A_144 = arith.constant 80 : index
      %get3A_145 = tpu.vector_load %arg11[%get3A_144] {strides = array<i32>} : memref<128xi32, #tpu.memory_space<vmem>>, vector<16xi32>,
      %get3A_146 = vector.shape_cast %get3A_145 : vector<16xi32> to vector<16xi32>
      %add3A_147 = arith.addi %mul3A_135, %get3A_146 : vector<16xi32>
      %swap3A_148 = arith.constant 80 : index
      %swap3A_149 = tpu.vector_load %arg15[%swap3A_148] {strides = array<i32>} : memref<128xi32, #tpu.memory_space<vmem>>, vector<16xi32>,
      %swap3A_150 = vector.shape_cast %swap3A_149 : vector<16xi32> to vector<16xi32>
      %swap3A_151 = vector.shape_cast %add3A_147 : vector<16xi32> to vector<16xi32>
      tpu.vector_store %arg15[%swap3A_148], %swap3A_151 {strides = array<i32>} : memref<128xi32, #tpu.memory_space<vmem>>, vector<16xi32>,
      %get3A_152 = arith.constant 96 : index
      %get3A_153 = tpu.vector_load %arg13[%get3A_152] {strides = array<i32>} : memref<128xi32, #tpu.memory_space<vmem>>, vector<16xi32>,
      %get3A_154 = vector.shape_cast %get3A_153 : vector<16xi32> to vector<16xi32>
      %mul3A_155 = arith.constant 10000 : i32
      %mul3A_156 = vector.broadcast %mul3A_155 : i32 to vector<16xi32>
      %mul3A_157 = arith.muli %get3A_154, %mul3A_156 : vector<16xi32>
      %get3A_158 = arith.constant 96 : index
      %get3A_159 = tpu.vector_load %arg12[%get3A_158] {strides = array<i32>} : memref<128xi32, #tpu.memory_space<vmem>>, vector<16xi32>,
      %get3A_160 = vector.shape_cast %get3A_159 : vector<16xi32> to vector<16xi32>
      %add3A_161 = arith.addi %mul3A_157, %get3A_160 : vector<16xi32>
      %swap3A_162 = arith.constant 96 : index
      %swap3A_163 = tpu.vector_load %arg14[%swap3A_162] {strides = array<i32>} : memref<128xi32, #tpu.memory_space<vmem>>, vector<16xi32>,
      %swap3A_164 = vector.shape_cast %swap3A_163 : vector<16xi32> to vector<16xi32>
      %swap3A_165 = vector.shape_cast %add3A_161 : vector<16xi32> to vector<16xi32>
      tpu.vector_store %arg14[%swap3A_162], %swap3A_165 {strides = array<i32>} : memref<128xi32, #tpu.memory_space<vmem>>, vector<16xi32>,
      %get3A_166 = arith.constant 96 : index
      %get3A_167 = tpu.vector_load %arg11[%get3A_166] {strides = array<i32>} : memref<128xi32, #tpu.memory_space<vmem>>, vector<16xi32>,
      %get3A_168 = vector.shape_cast %get3A_167 : vector<16xi32> to vector<16xi32>
      %add3A_169 = arith.addi %mul3A_157, %get3A_168 : vector<16xi32>
      %swap3A_170 = arith.constant 96 : index
      %swap3A_171 = tpu.vector_load %arg15[%swap3A_170] {strides = array<i32>} : memref<128xi32, #tpu.memory_space<vmem>>, vector<16xi32>,
      %swap3A_172 = vector.shape_cast %swap3A_171 : vector<16xi32> to vector<16xi32>
      %swap3A_173 = vector.shape_cast %add3A_169 : vector<16xi32> to vector<16xi32>
      tpu.vector_store %arg15[%swap3A_170], %swap3A_173 {strides = array<i32>} : memref<128xi32, #tpu.memory_space<vmem>>, vector<16xi32>,
      %get3A_174 = arith.constant 112 : index
      %get3A_175 = tpu.vector_load %arg13[%get3A_174] {strides = array<i32>} : memref<128xi32, #tpu.memory_space<vmem>>, vector<16xi32>,
      %get3A_176 = vector.shape_cast %get3A_175 : vector<16xi32> to vector<16xi32>
      %mul3A_177 = arith.constant 10000 : i32
      %mul3A_178 = vector.broadcast %mul3A_177 : i32 to vector<16xi32>
      %mul3A_179 = arith.muli %get3A_176, %mul3A_178 : vector<16xi32>
      %get3A_180 = arith.constant 112 : index
      %get3A_181 = tpu.vector_load %arg12[%get3A_180] {strides = array<i32>} : memref<128xi32, #tpu.memory_space<vmem>>, vector<16xi32>,
      %get3A_182 = vector.shape_cast %get3A_181 : vector<16xi32> to vector<16xi32>
      %add3A_183 = arith.addi %mul3A_179, %get3A_182 : vector<16xi32>
      %swap3A_184 = arith.constant 112 : index
      %swap3A_185 = tpu.vector_load %arg14[%swap3A_184] {strides = array<i32>} : memref<128xi32, #tpu.memory_space<vmem>>, vector<16xi32>,
      %swap3A_186 = vector.shape_cast %swap3A_185 : vector<16xi32> to vector<16xi32>
      %swap3A_187 = vector.shape_cast %add3A_183 : vector<16xi32> to vector<16xi32>
      tpu.vector_store %arg14[%swap3A_184], %swap3A_187 {strides = array<i32>} : memref<128xi32, #tpu.memory_space<vmem>>, vector<16xi32>,
      %get3A_188 = arith.constant 112 : index
      %get3A_189 = tpu.vector_load %arg11[%get3A_188] {strides = array<i32>} : memref<128xi32, #tpu.memory_space<vmem>>, vector<16xi32>,
      %get3A_190 = vector.shape_cast %get3A_189 : vector<16xi32> to vector<16xi32>
      %add3A_191 = arith.addi %mul3A_179, %get3A_190 : vector<16xi32>
      %swap3A_192 = arith.constant 112 : index
      %swap3A_193 = tpu.vector_load %arg15[%swap3A_192] {strides = array<i32>} : memref<128xi32, #tpu.memory_space<vmem>>, vector<16xi32>,
      %swap3A_194 = vector.shape_cast %swap3A_193 : vector<16xi32> to vector<16xi32>
      %swap3A_195 = vector.shape_cast %add3A_191 : vector<16xi32> to vector<16xi32>
      tpu.vector_store %arg15[%swap3A_192], %swap3A_195 {strides = array<i32>} : memref<128xi32, #tpu.memory_space<vmem>>, vector<16xi32>,
      %dma_start3A_196 = arith.constant 0 : i32
      %dma_start3A_197 = arith.constant 0 : i32
      %dma_start3A_198 = tpu.memref_slice %arg2[%dma_start3A_196, %dma_start3A_197] : memref<40000x128xf32, #tpu.memory_space<hbm>> -> memref<40000x128xf32, #tpu.memory_space<hbm>>
      tpu.enqueue_indirect_dma source(%dma_start3A_198 : memref<40000x128xf32, #tpu.memory_space<hbm>>) target(%arg16 : memref<128x128xf32, #tpu.memory_space<vmem>>) offsets(%arg14 : memref<128xi32, #tpu.memory_space<vmem>>) semaphore(%arg19 : memref<!tpu.dma_semaphore, #tpu.memory_space<semaphore_mem>>)
      %dma_start3A_199 = arith.constant 0 : i32
      %dma_start3A_200 = arith.constant 0 : i32
      %dma_start3A_201 = tpu.memref_slice %arg3[%dma_start3A_199, %dma_start3A_200] : memref<40000x128xf32, #tpu.memory_space<hbm>> -> memref<40000x128xf32, #tpu.memory_space<hbm>>
      tpu.enqueue_indirect_dma source(%dma_start3A_201 : memref<40000x128xf32, #tpu.memory_space<hbm>>) target(%arg17 : memref<128x128xf32, #tpu.memory_space<vmem>>) offsets(%arg15 : memref<128xi32, #tpu.memory_space<vmem>>) semaphore(%arg20 : memref<!tpu.dma_semaphore, #tpu.memory_space<semaphore_mem>>)
      %dma_start3A_202 = arith.constant 0 : i32
      %dma_start3A_203 = arith.constant 0 : i32
      %dma_start3A_204 = tpu.memref_slice %arg4[%dma_start3A_202, %dma_start3A_203] : memref<40000x128xf32, #tpu.memory_space<hbm>> -> memref<40000x128xf32, #tpu.memory_space<hbm>>
      tpu.enqueue_indirect_dma source(%dma_start3A_204 : memref<40000x128xf32, #tpu.memory_space<hbm>>) target(%arg18 : memref<128x128xf32, #tpu.memory_space<vmem>>) offsets(%arg15 : memref<128xi32, #tpu.memory_space<vmem>>) semaphore(%arg21 : memref<!tpu.dma_semaphore, #tpu.memory_space<semaphore_mem>>)
      %dma_wait3A_205 = arith.constant 0 : i32
      %dma_wait3A_206 = arith.constant 0 : i32
      %dma_wait3A_207 = tpu.memref_slice %arg2[%dma_wait3A_205, %dma_wait3A_206] : memref<40000x128xf32, #tpu.memory_space<hbm>> -> memref<40000x128xf32, #tpu.memory_space<hbm>>
      tpu.wait_indirect_dma semaphore(%arg19 : memref<!tpu.dma_semaphore, #tpu.memory_space<semaphore_mem>>) src(%dma_wait3A_207 : memref<40000x128xf32, #tpu.memory_space<hbm>>) dst(%arg16 : memref<128x128xf32, #tpu.memory_space<vmem>>)
      %dma_wait3A_208 = arith.constant 0 : i32
      %dma_wait3A_209 = arith.constant 0 : i32
      %dma_wait3A_210 = tpu.memref_slice %arg3[%dma_wait3A_208, %dma_wait3A_209] : memref<40000x128xf32, #tpu.memory_space<hbm>> -> memref<40000x128xf32, #tpu.memory_space<hbm>>
      tpu.wait_indirect_dma semaphore(%arg20 : memref<!tpu.dma_semaphore, #tpu.memory_space<semaphore_mem>>) src(%dma_wait3A_210 : memref<40000x128xf32, #tpu.memory_space<hbm>>) dst(%arg17 : memref<128x128xf32, #tpu.memory_space<vmem>>)
      %dma_wait3A_211 = arith.constant 0 : i32
      %dma_wait3A_212 = arith.constant 0 : i32
      %dma_wait3A_213 = tpu.memref_slice %arg4[%dma_wait3A_211, %dma_wait3A_212] : memref<40000x128xf32, #tpu.memory_space<hbm>> -> memref<40000x128xf32, #tpu.memory_space<hbm>>
      tpu.wait_indirect_dma semaphore(%arg21 : memref<!tpu.dma_semaphore, #tpu.memory_space<semaphore_mem>>) src(%dma_wait3A_213 : memref<40000x128xf32, #tpu.memory_space<hbm>>) dst(%arg18 : memref<128x128xf32, #tpu.memory_space<vmem>>)
      %dma_start3A_214 = arith.constant 0 : i32
      %dma_start3A_215 = tpu.memref_slice %arg8[%add3A_11, %dma_start3A_214] : memref<327680x128xf32, #tpu.memory_space<hbm>> -> memref<128x128xf32, #tpu.memory_space<hbm>>
      %dma_start3A_216 = arith.constant 0 : i32
      %dma_start3A_217 = tpu.memref_slice %arg8[%add3A_11, %dma_start3A_216] : memref<327680x128xf32, #tpu.memory_space<hbm>> -> memref<128x128xf32, #tpu.memory_space<hbm>>
      tpu.enqueue_dma source(%arg16 : memref<128x128xf32, #tpu.memory_space<vmem>>) target(%dma_start3A_217 : memref<128x128xf32, #tpu.memory_space<hbm>>) target_semaphore(%arg19 : memref<!tpu.dma_semaphore, #tpu.memory_space<semaphore_mem>>)
      %dma_start3A_218 = arith.constant 0 : i32
      %dma_start3A_219 = tpu.memref_slice %arg9[%add3A_11, %dma_start3A_218] : memref<327680x128xf32, #tpu.memory_space<hbm>> -> memref<128x128xf32, #tpu.memory_space<hbm>>
      %dma_start3A_220 = arith.constant 0 : i32
      %dma_start3A_221 = tpu.memref_slice %arg9[%add3A_11, %dma_start3A_220] : memref<327680x128xf32, #tpu.memory_space<hbm>> -> memref<128x128xf32, #tpu.memory_space<hbm>>
      tpu.enqueue_dma source(%arg17 : memref<128x128xf32, #tpu.memory_space<vmem>>) target(%dma_start3A_221 : memref<128x128xf32, #tpu.memory_space<hbm>>) target_semaphore(%arg20 : memref<!tpu.dma_semaphore, #tpu.memory_space<semaphore_mem>>)
      %dma_start3A_222 = arith.constant 0 : i32
      %dma_start3A_223 = tpu.memref_slice %arg10[%add3A_11, %dma_start3A_222] : memref<327680x128xf32, #tpu.memory_space<hbm>> -> memref<128x128xf32, #tpu.memory_space<hbm>>
      %dma_start3A_224 = arith.constant 0 : i32
      %dma_start3A_225 = tpu.memref_slice %arg10[%add3A_11, %dma_start3A_224] : memref<327680x128xf32, #tpu.memory_space<hbm>> -> memref<128x128xf32, #tpu.memory_space<hbm>>
      tpu.enqueue_dma source(%arg18 : memref<128x128xf32, #tpu.memory_space<vmem>>) target(%dma_start3A_225 : memref<128x128xf32, #tpu.memory_space<hbm>>) target_semaphore(%arg21 : memref<!tpu.dma_semaphore, #tpu.memory_space<semaphore_mem>>)
      %dma_wait3A_226 = arith.constant 0 : i32
      %dma_wait3A_227 = tpu.memref_slice %arg8[%add3A_11, %dma_wait3A_226] : memref<327680x128xf32, #tpu.memory_space<hbm>> -> memref<128x128xf32, #tpu.memory_space<hbm>>
      %dma_wait3A_228 = arith.constant 0 : i32
      %dma_wait3A_229 = tpu.memref_slice %arg8[%add3A_11, %dma_wait3A_228] : memref<327680x128xf32, #tpu.memory_space<hbm>> -> memref<128x128xf32, #tpu.memory_space<hbm>>
      tpu.wait_dma2 semaphore(%arg19 : memref<!tpu.dma_semaphore, #tpu.memory_space<semaphore_mem>>) src(%arg16 : memref<128x128xf32, #tpu.memory_space<vmem>>) dst(%dma_wait3A_229 : memref<128x128xf32, #tpu.memory_space<hbm>>)
      %dma_wait3A_230 = arith.constant 0 : i32
      %dma_wait3A_231 = tpu.memref_slice %arg9[%add3A_11, %dma_wait3A_230] : memref<327680x128xf32, #tpu.memory_space<hbm>> -> memref<128x128xf32, #tpu.memory_space<hbm>>
      %dma_wait3A_232 = arith.constant 0 : i32
      %dma_wait3A_233 = tpu.memref_slice %arg9[%add3A_11, %dma_wait3A_232] : memref<327680x128xf32, #tpu.memory_space<hbm>> -> memref<128x128xf32, #tpu.memory_space<hbm>>
      tpu.wait_dma2 semaphore(%arg20 : memref<!tpu.dma_semaphore, #tpu.memory_space<semaphore_mem>>) src(%arg17 : memref<128x128xf32, #tpu.memory_space<vmem>>) dst(%dma_wait3A_233 : memref<128x128xf32, #tpu.memory_space<hbm>>)
      %dma_wait3A_234 = arith.constant 0 : i32
      %dma_wait3A_235 = tpu.memref_slice %arg10[%add3A_11, %dma_wait3A_234] : memref<327680x128xf32, #tpu.memory_space<hbm>> -> memref<128x128xf32, #tpu.memory_space<hbm>>
      %dma_wait3A_236 = arith.constant 0 : i32
      %dma_wait3A_237 = tpu.memref_slice %arg10[%add3A_11, %dma_wait3A_236] : memref<327680x128xf32, #tpu.memory_space<hbm>> -> memref<128x128xf32, #tpu.memory_space<hbm>>
      tpu.wait_dma2 semaphore(%arg21 : memref<!tpu.dma_semaphore, #tpu.memory_space<semaphore_mem>>) src(%arg18 : memref<128x128xf32, #tpu.memory_space<vmem>>) dst(%dma_wait3A_237 : memref<128x128xf32, #tpu.memory_space<hbm>>)
    }
    %scan3A_5 = arith.constant 80 : i32
    return
  }
}

#map = affine_map<(d0, d1) -> (0, 0)>
#map1 = affine_map<(d0, d1) -> (0)>
module attributes {stable_mosaic.version = 14 : i64} {
  func.func @_scatter_body(%arg0: i32, %arg1: i32, %arg2: memref<327680x128xf32, #tpu.memory_space<hbm>>, %arg3: memref<327680x128xf32, #tpu.memory_space<hbm>>, %arg4: memref<655360xi32, #tpu.memory_space<hbm>>, %arg5: memref<320x128xf32, #tpu.memory_space<hbm>>, %arg6: memref<10000x128xf32, #tpu.memory_space<hbm>>, %arg7: memref<10000x128xf32, #tpu.memory_space<hbm>>, %arg8: memref<64x128xf32, #tpu.memory_space<vmem>>, %arg9: memref<64x128xf32, #tpu.memory_space<vmem>>, %arg10: memref<64xi32, #tpu.memory_space<vmem>>, %arg11: memref<5120x128xf32, #tpu.memory_space<vmem_shared>>, %arg12: memref<5120x128xf32, #tpu.memory_space<vmem_shared>>, %arg13: memref<!tpu.dma_semaphore, #tpu.memory_space<semaphore_mem>>, %arg14: memref<!tpu.dma_semaphore, #tpu.memory_space<semaphore_mem>>, %arg15: memref<!tpu.dma_semaphore, #tpu.memory_space<semaphore_mem>>) attributes {dimension_semantics = [#tpu.dimension_semantics<core_parallel>, #tpu.dimension_semantics<subcore_parallel>], iteration_bounds = array<i64: 2, 16>, scalar_prefetch = 0 : i64, scratch_operands = 8 : i64, tpu.core_type = #tpu.core_type<sc_vector_subcore>, window_params = [{transform_indices = #map}, {transform_indices = #map}, {transform_indices = #map1}, {transform_indices = #map}, {transform_indices = #map}, {transform_indices = #map}]} {
    %mul3A = arith.constant 2 : i32
    %mul3A_0 = arith.muli %arg1, %mul3A : i32
    %add3A = arith.addi %mul3A_0, %arg0 : i32
    %mul3A_1 = arith.constant 320 : i32
    %mul3A_2 = arith.muli %arg1, %mul3A_1 : i32
    "tpu.region"() ({
      %run_scoped3A = tpu.sem_alloc : memref<!tpu.dma_semaphore, #tpu.memory_space<semaphore_mem>>
      %dma_start3A = arith.constant 0 : i32
      %dma_start3A_41 = tpu.memref_slice %arg11[%mul3A_2, %dma_start3A] : memref<5120x128xf32, #tpu.memory_space<vmem_shared>> -> memref<320x128xf32, #tpu.memory_space<vmem_shared>>
      tpu.enqueue_dma source(%arg5 : memref<320x128xf32, #tpu.memory_space<hbm>>) target(%dma_start3A_41 : memref<320x128xf32, #tpu.memory_space<vmem_shared>>) target_semaphore(%run_scoped3A : memref<!tpu.dma_semaphore, #tpu.memory_space<semaphore_mem>>)
      %dma_wait3A = arith.constant 0 : i32
      %dma_wait3A_42 = tpu.memref_slice %arg11[%mul3A_2, %dma_wait3A] : memref<5120x128xf32, #tpu.memory_space<vmem_shared>> -> memref<320x128xf32, #tpu.memory_space<vmem_shared>>
      tpu.wait_dma2 semaphore(%run_scoped3A : memref<!tpu.dma_semaphore, #tpu.memory_space<semaphore_mem>>) src(%arg5 : memref<320x128xf32, #tpu.memory_space<hbm>>) dst(%dma_wait3A_42 : memref<320x128xf32, #tpu.memory_space<vmem_shared>>)
      tpu.yield
    }) : () -> ()
    "tpu.region"() ({
      %run_scoped3A = tpu.sem_alloc : memref<!tpu.dma_semaphore, #tpu.memory_space<semaphore_mem>>
      %dma_start3A = arith.constant 0 : i32
      %dma_start3A_41 = tpu.memref_slice %arg12[%mul3A_2, %dma_start3A] : memref<5120x128xf32, #tpu.memory_space<vmem_shared>> -> memref<320x128xf32, #tpu.memory_space<vmem_shared>>
      tpu.enqueue_dma source(%arg5 : memref<320x128xf32, #tpu.memory_space<hbm>>) target(%dma_start3A_41 : memref<320x128xf32, #tpu.memory_space<vmem_shared>>) target_semaphore(%run_scoped3A : memref<!tpu.dma_semaphore, #tpu.memory_space<semaphore_mem>>)
      %dma_wait3A = arith.constant 0 : i32
      %dma_wait3A_42 = tpu.memref_slice %arg12[%mul3A_2, %dma_wait3A] : memref<5120x128xf32, #tpu.memory_space<vmem_shared>> -> memref<320x128xf32, #tpu.memory_space<vmem_shared>>
      tpu.wait_dma2 semaphore(%run_scoped3A : memref<!tpu.dma_semaphore, #tpu.memory_space<semaphore_mem>>) src(%arg5 : memref<320x128xf32, #tpu.memory_space<hbm>>) dst(%dma_wait3A_42 : memref<320x128xf32, #tpu.memory_space<vmem_shared>>)
      tpu.yield
    }) : () -> ()
    %barrier3A = arith.constant 0 : index
    tpu.barrier barrier_id(%barrier3A)
    %mul3A_3 = arith.constant 2 : i32
    %mul3A_4 = arith.muli %mul3A_3, %arg1 : i32
    %add3A_5 = arith.constant 0 : i32
    %add3A_6 = arith.addi %mul3A_4, %add3A_5 : i32
    %mul3A_7 = arith.constant 10240 : i32
    %mul3A_8 = arith.muli %add3A_6, %mul3A_7 : i32
    %scan3A = arith.constant 0 : i32
    %scan3A_9 = arith.constant 0 : i32
    %scan3A_10 = arith.constant 160 : i32
    %scan3A_11 = arith.addi %scan3A_9, %scan3A_10 : i32
    %scan3A_12 = arith.constant 1 : i32
    scf.for %scan3A_41 = %scan3A_9 to %scan3A_11 step %scan3A_12  : i32 {
      %mul3A_42 = arith.constant 64 : i32
      %mul3A_43 = arith.muli %scan3A_41, %mul3A_42 : i32
      %add3A_44 = arith.addi %mul3A_8, %mul3A_43 : i32
      %mul3A_45 = arith.constant 327680 : i32
      %mul3A_46 = arith.muli %arg0, %mul3A_45 : i32
      %add3A_47 = arith.addi %mul3A_46, %add3A_44 : i32
      %dma_start3A = tpu.memref_slice %arg4[%add3A_47] : memref<655360xi32, #tpu.memory_space<hbm>> -> memref<64xi32, #tpu.memory_space<hbm>>
      %dma_start3A_48 = tpu.memref_slice %arg4[%add3A_47] : memref<655360xi32, #tpu.memory_space<hbm>> -> memref<64xi32, #tpu.memory_space<hbm>>
      tpu.enqueue_dma source(%dma_start3A_48 : memref<64xi32, #tpu.memory_space<hbm>>) target(%arg10 : memref<64xi32, #tpu.memory_space<vmem>>) target_semaphore(%arg13 : memref<!tpu.dma_semaphore, #tpu.memory_space<semaphore_mem>>)
      %dma_start3A_49 = arith.constant 0 : i32
      %dma_start3A_50 = tpu.memref_slice %arg2[%add3A_44, %dma_start3A_49] : memref<327680x128xf32, #tpu.memory_space<hbm>> -> memref<64x128xf32, #tpu.memory_space<hbm>>
      %dma_start3A_51 = arith.constant 0 : i32
      %dma_start3A_52 = tpu.memref_slice %arg2[%add3A_44, %dma_start3A_51] : memref<327680x128xf32, #tpu.memory_space<hbm>> -> memref<64x128xf32, #tpu.memory_space<hbm>>
      tpu.enqueue_dma source(%dma_start3A_52 : memref<64x128xf32, #tpu.memory_space<hbm>>) target(%arg8 : memref<64x128xf32, #tpu.memory_space<vmem>>) target_semaphore(%arg14 : memref<!tpu.dma_semaphore, #tpu.memory_space<semaphore_mem>>)
      %dma_start3A_53 = arith.constant 0 : i32
      %dma_start3A_54 = tpu.memref_slice %arg3[%add3A_44, %dma_start3A_53] : memref<327680x128xf32, #tpu.memory_space<hbm>> -> memref<64x128xf32, #tpu.memory_space<hbm>>
      %dma_start3A_55 = arith.constant 0 : i32
      %dma_start3A_56 = tpu.memref_slice %arg3[%add3A_44, %dma_start3A_55] : memref<327680x128xf32, #tpu.memory_space<hbm>> -> memref<64x128xf32, #tpu.memory_space<hbm>>
      tpu.enqueue_dma source(%dma_start3A_56 : memref<64x128xf32, #tpu.memory_space<hbm>>) target(%arg9 : memref<64x128xf32, #tpu.memory_space<vmem>>) target_semaphore(%arg15 : memref<!tpu.dma_semaphore, #tpu.memory_space<semaphore_mem>>)
      %dma_wait3A = tpu.memref_slice %arg4[%add3A_47] : memref<655360xi32, #tpu.memory_space<hbm>> -> memref<64xi32, #tpu.memory_space<hbm>>
      %dma_wait3A_57 = tpu.memref_slice %arg4[%add3A_47] : memref<655360xi32, #tpu.memory_space<hbm>> -> memref<64xi32, #tpu.memory_space<hbm>>
      tpu.wait_dma2 semaphore(%arg13 : memref<!tpu.dma_semaphore, #tpu.memory_space<semaphore_mem>>) src(%dma_wait3A_57 : memref<64xi32, #tpu.memory_space<hbm>>) dst(%arg10 : memref<64xi32, #tpu.memory_space<vmem>>)
      %dma_wait3A_58 = arith.constant 0 : i32
      %dma_wait3A_59 = tpu.memref_slice %arg2[%add3A_44, %dma_wait3A_58] : memref<327680x128xf32, #tpu.memory_space<hbm>> -> memref<64x128xf32, #tpu.memory_space<hbm>>
      %dma_wait3A_60 = arith.constant 0 : i32
      %dma_wait3A_61 = tpu.memref_slice %arg2[%add3A_44, %dma_wait3A_60] : memref<327680x128xf32, #tpu.memory_space<hbm>> -> memref<64x128xf32, #tpu.memory_space<hbm>>
      tpu.wait_dma2 semaphore(%arg14 : memref<!tpu.dma_semaphore, #tpu.memory_space<semaphore_mem>>) src(%dma_wait3A_61 : memref<64x128xf32, #tpu.memory_space<hbm>>) dst(%arg8 : memref<64x128xf32, #tpu.memory_space<vmem>>)
      %dma_wait3A_62 = arith.constant 0 : i32
      %dma_wait3A_63 = tpu.memref_slice %arg3[%add3A_44, %dma_wait3A_62] : memref<327680x128xf32, #tpu.memory_space<hbm>> -> memref<64x128xf32, #tpu.memory_space<hbm>>
      %dma_wait3A_64 = arith.constant 0 : i32
      %dma_wait3A_65 = tpu.memref_slice %arg3[%add3A_44, %dma_wait3A_64] : memref<327680x128xf32, #tpu.memory_space<hbm>> -> memref<64x128xf32, #tpu.memory_space<hbm>>
      tpu.wait_dma2 semaphore(%arg15 : memref<!tpu.dma_semaphore, #tpu.memory_space<semaphore_mem>>) src(%dma_wait3A_65 : memref<64x128xf32, #tpu.memory_space<hbm>>) dst(%arg9 : memref<64x128xf32, #tpu.memory_space<vmem>>)
      %dma_start3A_66 = arith.constant 0 : i32
      %dma_start3A_67 = arith.constant 0 : i32
      %dma_start3A_68 = tpu.memref_slice %arg11[%dma_start3A_66, %dma_start3A_67] : memref<5120x128xf32, #tpu.memory_space<vmem_shared>> -> memref<5120x128xf32, #tpu.memory_space<vmem_shared>>
      tpu.enqueue_indirect_dma source(%arg8 : memref<64x128xf32, #tpu.memory_space<vmem>>) target(%dma_start3A_68 : memref<5120x128xf32, #tpu.memory_space<vmem_shared>>) offsets(%arg10 : memref<64xi32, #tpu.memory_space<vmem>>) semaphore(%arg14 : memref<!tpu.dma_semaphore, #tpu.memory_space<semaphore_mem>>) {add = true}
      %dma_start3A_69 = arith.constant 0 : i32
      %dma_start3A_70 = arith.constant 0 : i32
      %dma_start3A_71 = tpu.memref_slice %arg12[%dma_start3A_69, %dma_start3A_70] : memref<5120x128xf32, #tpu.memory_space<vmem_shared>> -> memref<5120x128xf32, #tpu.memory_space<vmem_shared>>
      tpu.enqueue_indirect_dma source(%arg9 : memref<64x128xf32, #tpu.memory_space<vmem>>) target(%dma_start3A_71 : memref<5120x128xf32, #tpu.memory_space<vmem_shared>>) offsets(%arg10 : memref<64xi32, #tpu.memory_space<vmem>>) semaphore(%arg15 : memref<!tpu.dma_semaphore, #tpu.memory_space<semaphore_mem>>) {add = true}
      %dma_wait3A_72 = arith.constant 0 : i32
      %dma_wait3A_73 = arith.constant 0 : i32
      %dma_wait3A_74 = tpu.memref_slice %arg11[%dma_wait3A_72, %dma_wait3A_73] : memref<5120x128xf32, #tpu.memory_space<vmem_shared>> -> memref<5120x128xf32, #tpu.memory_space<vmem_shared>>
      tpu.wait_indirect_dma semaphore(%arg14 : memref<!tpu.dma_semaphore, #tpu.memory_space<semaphore_mem>>) src(%arg8 : memref<64x128xf32, #tpu.memory_space<vmem>>) dst(%dma_wait3A_74 : memref<5120x128xf32, #tpu.memory_space<vmem_shared>>)
      %dma_wait3A_75 = arith.constant 0 : i32
      %dma_wait3A_76 = arith.constant 0 : i32
      %dma_wait3A_77 = tpu.memref_slice %arg12[%dma_wait3A_75, %dma_wait3A_76] : memref<5120x128xf32, #tpu.memory_space<vmem_shared>> -> memref<5120x128xf32, #tpu.memory_space<vmem_shared>>
      tpu.wait_indirect_dma semaphore(%arg15 : memref<!tpu.dma_semaphore, #tpu.memory_space<semaphore_mem>>) src(%arg9 : memref<64x128xf32, #tpu.memory_space<vmem>>) dst(%dma_wait3A_77 : memref<5120x128xf32, #tpu.memory_space<vmem_shared>>)
    }
    %scan3A_13 = arith.constant 160 : i32
    %mul3A_14 = arith.constant 2 : i32
    %mul3A_15 = arith.muli %mul3A_14, %arg1 : i32
    %add3A_16 = arith.constant 1 : i32
    %add3A_17 = arith.addi %mul3A_15, %add3A_16 : i32
    %mul3A_18 = arith.constant 10240 : i32
    %mul3A_19 = arith.muli %add3A_17, %mul3A_18 : i32
    %scan3A_20 = arith.constant 0 : i32
    %scan3A_21 = arith.constant 0 : i32
    %scan3A_22 = arith.constant 160 : i32
    %scan3A_23 = arith.addi %scan3A_21, %scan3A_22 : i32
    %scan3A_24 = arith.constant 1 : i32
    scf.for %scan3A_41 = %scan3A_21 to %scan3A_23 step %scan3A_24  : i32 {
      %mul3A_42 = arith.constant 64 : i32
      %mul3A_43 = arith.muli %scan3A_41, %mul3A_42 : i32
      %add3A_44 = arith.addi %mul3A_19, %mul3A_43 : i32
      %mul3A_45 = arith.constant 327680 : i32
      %mul3A_46 = arith.muli %arg0, %mul3A_45 : i32
      %add3A_47 = arith.addi %mul3A_46, %add3A_44 : i32
      %dma_start3A = tpu.memref_slice %arg4[%add3A_47] : memref<655360xi32, #tpu.memory_space<hbm>> -> memref<64xi32, #tpu.memory_space<hbm>>
      %dma_start3A_48 = tpu.memref_slice %arg4[%add3A_47] : memref<655360xi32, #tpu.memory_space<hbm>> -> memref<64xi32, #tpu.memory_space<hbm>>
      tpu.enqueue_dma source(%dma_start3A_48 : memref<64xi32, #tpu.memory_space<hbm>>) target(%arg10 : memref<64xi32, #tpu.memory_space<vmem>>) target_semaphore(%arg13 : memref<!tpu.dma_semaphore, #tpu.memory_space<semaphore_mem>>)
      %dma_start3A_49 = arith.constant 0 : i32
      %dma_start3A_50 = tpu.memref_slice %arg2[%add3A_44, %dma_start3A_49] : memref<327680x128xf32, #tpu.memory_space<hbm>> -> memref<64x128xf32, #tpu.memory_space<hbm>>
      %dma_start3A_51 = arith.constant 0 : i32
      %dma_start3A_52 = tpu.memref_slice %arg2[%add3A_44, %dma_start3A_51] : memref<327680x128xf32, #tpu.memory_space<hbm>> -> memref<64x128xf32, #tpu.memory_space<hbm>>
      tpu.enqueue_dma source(%dma_start3A_52 : memref<64x128xf32, #tpu.memory_space<hbm>>) target(%arg8 : memref<64x128xf32, #tpu.memory_space<vmem>>) target_semaphore(%arg14 : memref<!tpu.dma_semaphore, #tpu.memory_space<semaphore_mem>>)
      %dma_start3A_53 = arith.constant 0 : i32
      %dma_start3A_54 = tpu.memref_slice %arg3[%add3A_44, %dma_start3A_53] : memref<327680x128xf32, #tpu.memory_space<hbm>> -> memref<64x128xf32, #tpu.memory_space<hbm>>
      %dma_start3A_55 = arith.constant 0 : i32
      %dma_start3A_56 = tpu.memref_slice %arg3[%add3A_44, %dma_start3A_55] : memref<327680x128xf32, #tpu.memory_space<hbm>> -> memref<64x128xf32, #tpu.memory_space<hbm>>
      tpu.enqueue_dma source(%dma_start3A_56 : memref<64x128xf32, #tpu.memory_space<hbm>>) target(%arg9 : memref<64x128xf32, #tpu.memory_space<vmem>>) target_semaphore(%arg15 : memref<!tpu.dma_semaphore, #tpu.memory_space<semaphore_mem>>)
      %dma_wait3A = tpu.memref_slice %arg4[%add3A_47] : memref<655360xi32, #tpu.memory_space<hbm>> -> memref<64xi32, #tpu.memory_space<hbm>>
      %dma_wait3A_57 = tpu.memref_slice %arg4[%add3A_47] : memref<655360xi32, #tpu.memory_space<hbm>> -> memref<64xi32, #tpu.memory_space<hbm>>
      tpu.wait_dma2 semaphore(%arg13 : memref<!tpu.dma_semaphore, #tpu.memory_space<semaphore_mem>>) src(%dma_wait3A_57 : memref<64xi32, #tpu.memory_space<hbm>>) dst(%arg10 : memref<64xi32, #tpu.memory_space<vmem>>)
      %dma_wait3A_58 = arith.constant 0 : i32
      %dma_wait3A_59 = tpu.memref_slice %arg2[%add3A_44, %dma_wait3A_58] : memref<327680x128xf32, #tpu.memory_space<hbm>> -> memref<64x128xf32, #tpu.memory_space<hbm>>
      %dma_wait3A_60 = arith.constant 0 : i32
      %dma_wait3A_61 = tpu.memref_slice %arg2[%add3A_44, %dma_wait3A_60] : memref<327680x128xf32, #tpu.memory_space<hbm>> -> memref<64x128xf32, #tpu.memory_space<hbm>>
      tpu.wait_dma2 semaphore(%arg14 : memref<!tpu.dma_semaphore, #tpu.memory_space<semaphore_mem>>) src(%dma_wait3A_61 : memref<64x128xf32, #tpu.memory_space<hbm>>) dst(%arg8 : memref<64x128xf32, #tpu.memory_space<vmem>>)
      %dma_wait3A_62 = arith.constant 0 : i32
      %dma_wait3A_63 = tpu.memref_slice %arg3[%add3A_44, %dma_wait3A_62] : memref<327680x128xf32, #tpu.memory_space<hbm>> -> memref<64x128xf32, #tpu.memory_space<hbm>>
      %dma_wait3A_64 = arith.constant 0 : i32
      %dma_wait3A_65 = tpu.memref_slice %arg3[%add3A_44, %dma_wait3A_64] : memref<327680x128xf32, #tpu.memory_space<hbm>> -> memref<64x128xf32, #tpu.memory_space<hbm>>
      tpu.wait_dma2 semaphore(%arg15 : memref<!tpu.dma_semaphore, #tpu.memory_space<semaphore_mem>>) src(%dma_wait3A_65 : memref<64x128xf32, #tpu.memory_space<hbm>>) dst(%arg9 : memref<64x128xf32, #tpu.memory_space<vmem>>)
      %dma_start3A_66 = arith.constant 0 : i32
      %dma_start3A_67 = arith.constant 0 : i32
      %dma_start3A_68 = tpu.memref_slice %arg11[%dma_start3A_66, %dma_start3A_67] : memref<5120x128xf32, #tpu.memory_space<vmem_shared>> -> memref<5120x128xf32, #tpu.memory_space<vmem_shared>>
      tpu.enqueue_indirect_dma source(%arg8 : memref<64x128xf32, #tpu.memory_space<vmem>>) target(%dma_start3A_68 : memref<5120x128xf32, #tpu.memory_space<vmem_shared>>) offsets(%arg10 : memref<64xi32, #tpu.memory_space<vmem>>) semaphore(%arg14 : memref<!tpu.dma_semaphore, #tpu.memory_space<semaphore_mem>>) {add = true}
      %dma_start3A_69 = arith.constant 0 : i32
      %dma_start3A_70 = arith.constant 0 : i32
      %dma_start3A_71 = tpu.memref_slice %arg12[%dma_start3A_69, %dma_start3A_70] : memref<5120x128xf32, #tpu.memory_space<vmem_shared>> -> memref<5120x128xf32, #tpu.memory_space<vmem_shared>>
      tpu.enqueue_indirect_dma source(%arg9 : memref<64x128xf32, #tpu.memory_space<vmem>>) target(%dma_start3A_71 : memref<5120x128xf32, #tpu.memory_space<vmem_shared>>) offsets(%arg10 : memref<64xi32, #tpu.memory_space<vmem>>) semaphore(%arg15 : memref<!tpu.dma_semaphore, #tpu.memory_space<semaphore_mem>>) {add = true}
      %dma_wait3A_72 = arith.constant 0 : i32
      %dma_wait3A_73 = arith.constant 0 : i32
      %dma_wait3A_74 = tpu.memref_slice %arg11[%dma_wait3A_72, %dma_wait3A_73] : memref<5120x128xf32, #tpu.memory_space<vmem_shared>> -> memref<5120x128xf32, #tpu.memory_space<vmem_shared>>
      tpu.wait_indirect_dma semaphore(%arg14 : memref<!tpu.dma_semaphore, #tpu.memory_space<semaphore_mem>>) src(%arg8 : memref<64x128xf32, #tpu.memory_space<vmem>>) dst(%dma_wait3A_74 : memref<5120x128xf32, #tpu.memory_space<vmem_shared>>)
      %dma_wait3A_75 = arith.constant 0 : i32
      %dma_wait3A_76 = arith.constant 0 : i32
      %dma_wait3A_77 = tpu.memref_slice %arg12[%dma_wait3A_75, %dma_wait3A_76] : memref<5120x128xf32, #tpu.memory_space<vmem_shared>> -> memref<5120x128xf32, #tpu.memory_space<vmem_shared>>
      tpu.wait_indirect_dma semaphore(%arg15 : memref<!tpu.dma_semaphore, #tpu.memory_space<semaphore_mem>>) src(%arg9 : memref<64x128xf32, #tpu.memory_space<vmem>>) dst(%dma_wait3A_77 : memref<5120x128xf32, #tpu.memory_space<vmem_shared>>)
    }
    %scan3A_25 = arith.constant 160 : i32
    %barrier3A_26 = arith.constant 0 : index
    tpu.barrier barrier_id(%barrier3A_26)
    %mul3A_27 = arith.constant 5000 : i32
    %mul3A_28 = arith.muli %arg0, %mul3A_27 : i32
    %mul3A_29 = arith.constant 312 : i32
    %mul3A_30 = arith.muli %arg1, %mul3A_29 : i32
    %mul3A_31 = arith.constant 312 : i32
    %mul3A_32 = arith.muli %arg1, %mul3A_31 : i32
    %add3A_33 = arith.addi %mul3A_28, %mul3A_32 : i32
    "tpu.region"() ({
      %run_scoped3A = tpu.sem_alloc : memref<!tpu.dma_semaphore, #tpu.memory_space<semaphore_mem>>
      %dma_start3A = arith.constant 0 : i32
      %dma_start3A_41 = tpu.memref_slice %arg6[%add3A_33, %dma_start3A] : memref<10000x128xf32, #tpu.memory_space<hbm>> -> memref<312x128xf32, #tpu.memory_space<hbm>>
      %dma_start3A_42 = arith.constant 0 : i32
      %dma_start3A_43 = tpu.memref_slice %arg11[%mul3A_30, %dma_start3A_42] : memref<5120x128xf32, #tpu.memory_space<vmem_shared>> -> memref<312x128xf32, #tpu.memory_space<vmem_shared>>
      tpu.enqueue_dma source(%dma_start3A_43 : memref<312x128xf32, #tpu.memory_space<vmem_shared>>) target(%dma_start3A_41 : memref<312x128xf32, #tpu.memory_space<hbm>>) target_semaphore(%run_scoped3A : memref<!tpu.dma_semaphore, #tpu.memory_space<semaphore_mem>>)
      %dma_wait3A = arith.constant 0 : i32
      %dma_wait3A_44 = tpu.memref_slice %arg6[%add3A_33, %dma_wait3A] : memref<10000x128xf32, #tpu.memory_space<hbm>> -> memref<312x128xf32, #tpu.memory_space<hbm>>
      %dma_wait3A_45 = arith.constant 0 : i32
      %dma_wait3A_46 = tpu.memref_slice %arg11[%mul3A_30, %dma_wait3A_45] : memref<5120x128xf32, #tpu.memory_space<vmem_shared>> -> memref<312x128xf32, #tpu.memory_space<vmem_shared>>
      tpu.wait_dma2 semaphore(%run_scoped3A : memref<!tpu.dma_semaphore, #tpu.memory_space<semaphore_mem>>) src(%dma_wait3A_46 : memref<312x128xf32, #tpu.memory_space<vmem_shared>>) dst(%dma_wait3A_44 : memref<312x128xf32, #tpu.memory_space<hbm>>)
      tpu.yield
    }) : () -> ()
    %mul3A_34 = arith.constant 312 : i32
    %mul3A_35 = arith.muli %arg1, %mul3A_34 : i32
    %mul3A_36 = arith.constant 312 : i32
    %mul3A_37 = arith.muli %arg1, %mul3A_36 : i32
    %add3A_38 = arith.addi %mul3A_28, %mul3A_37 : i32
    "tpu.region"() ({
      %run_scoped3A = tpu.sem_alloc : memref<!tpu.dma_semaphore, #tpu.memory_space<semaphore_mem>>
      %dma_start3A = arith.constant 0 : i32
      %dma_start3A_41 = tpu.memref_slice %arg7[%add3A_38, %dma_start3A] : memref<10000x128xf32, #tpu.memory_space<hbm>> -> memref<312x128xf32, #tpu.memory_space<hbm>>
      %dma_start3A_42 = arith.constant 0 : i32
      %dma_start3A_43 = tpu.memref_slice %arg12[%mul3A_35, %dma_start3A_42] : memref<5120x128xf32, #tpu.memory_space<vmem_shared>> -> memref<312x128xf32, #tpu.memory_space<vmem_shared>>
      tpu.enqueue_dma source(%dma_start3A_43 : memref<312x128xf32, #tpu.memory_space<vmem_shared>>) target(%dma_start3A_41 : memref<312x128xf32, #tpu.memory_space<hbm>>) target_semaphore(%run_scoped3A : memref<!tpu.dma_semaphore, #tpu.memory_space<semaphore_mem>>)
      %dma_wait3A = arith.constant 0 : i32
      %dma_wait3A_44 = tpu.memref_slice %arg7[%add3A_38, %dma_wait3A] : memref<10000x128xf32, #tpu.memory_space<hbm>> -> memref<312x128xf32, #tpu.memory_space<hbm>>
      %dma_wait3A_45 = arith.constant 0 : i32
      %dma_wait3A_46 = tpu.memref_slice %arg12[%mul3A_35, %dma_wait3A_45] : memref<5120x128xf32, #tpu.memory_space<vmem_shared>> -> memref<312x128xf32, #tpu.memory_space<vmem_shared>>
      tpu.wait_dma2 semaphore(%run_scoped3A : memref<!tpu.dma_semaphore, #tpu.memory_space<semaphore_mem>>) src(%dma_wait3A_46 : memref<312x128xf32, #tpu.memory_space<vmem_shared>>) dst(%dma_wait3A_44 : memref<312x128xf32, #tpu.memory_space<hbm>>)
      tpu.yield
    }) : () -> ()
    %eq3A = arith.constant 15 : i32
    %eq3A_39 = arith.cmpi eq, %arg1, %eq3A : i32
    %convert_element_type3A = arith.extui %eq3A_39 : i1 to i32
    %cond3A = arith.constant 0 : i32
    %cond3A_40 = arith.cmpi ne, %convert_element_type3A, %cond3A : i32
    scf.if %cond3A_40 {
      %add3A_41 = arith.constant 4992 : i32
      %add3A_42 = arith.addi %mul3A_28, %add3A_41 : i32
      "tpu.region"() ({
        %run_scoped3A = tpu.sem_alloc : memref<!tpu.dma_semaphore, #tpu.memory_space<semaphore_mem>>
        %dma_start3A = arith.constant 0 : i32
        %dma_start3A_45 = tpu.memref_slice %arg6[%add3A_42, %dma_start3A] : memref<10000x128xf32, #tpu.memory_space<hbm>> -> memref<8x128xf32, #tpu.memory_space<hbm>>
        %dma_start3A_46 = arith.constant 4992 : i32
        %dma_start3A_47 = arith.constant 0 : i32
        %dma_start3A_48 = tpu.memref_slice %arg11[%dma_start3A_46, %dma_start3A_47] : memref<5120x128xf32, #tpu.memory_space<vmem_shared>> -> memref<8x128xf32, #tpu.memory_space<vmem_shared>>
        tpu.enqueue_dma source(%dma_start3A_48 : memref<8x128xf32, #tpu.memory_space<vmem_shared>>) target(%dma_start3A_45 : memref<8x128xf32, #tpu.memory_space<hbm>>) target_semaphore(%run_scoped3A : memref<!tpu.dma_semaphore, #tpu.memory_space<semaphore_mem>>)
        %dma_wait3A = arith.constant 0 : i32
        %dma_wait3A_49 = tpu.memref_slice %arg6[%add3A_42, %dma_wait3A] : memref<10000x128xf32, #tpu.memory_space<hbm>> -> memref<8x128xf32, #tpu.memory_space<hbm>>
        %dma_wait3A_50 = arith.constant 4992 : i32
        %dma_wait3A_51 = arith.constant 0 : i32
        %dma_wait3A_52 = tpu.memref_slice %arg11[%dma_wait3A_50, %dma_wait3A_51] : memref<5120x128xf32, #tpu.memory_space<vmem_shared>> -> memref<8x128xf32, #tpu.memory_space<vmem_shared>>
        tpu.wait_dma2 semaphore(%run_scoped3A : memref<!tpu.dma_semaphore, #tpu.memory_space<semaphore_mem>>) src(%dma_wait3A_52 : memref<8x128xf32, #tpu.memory_space<vmem_shared>>) dst(%dma_wait3A_49 : memref<8x128xf32, #tpu.memory_space<hbm>>)
        tpu.yield
      }) : () -> ()
      %add3A_43 = arith.constant 4992 : i32
      %add3A_44 = arith.addi %mul3A_28, %add3A_43 : i32
      "tpu.region"() ({
        %run_scoped3A = tpu.sem_alloc : memref<!tpu.dma_semaphore, #tpu.memory_space<semaphore_mem>>
        %dma_start3A = arith.constant 0 : i32
        %dma_start3A_45 = tpu.memref_slice %arg7[%add3A_44, %dma_start3A] : memref<10000x128xf32, #tpu.memory_space<hbm>> -> memref<8x128xf32, #tpu.memory_space<hbm>>
        %dma_start3A_46 = arith.constant 4992 : i32
        %dma_start3A_47 = arith.constant 0 : i32
        %dma_start3A_48 = tpu.memref_slice %arg12[%dma_start3A_46, %dma_start3A_47] : memref<5120x128xf32, #tpu.memory_space<vmem_shared>> -> memref<8x128xf32, #tpu.memory_space<vmem_shared>>
        tpu.enqueue_dma source(%dma_start3A_48 : memref<8x128xf32, #tpu.memory_space<vmem_shared>>) target(%dma_start3A_45 : memref<8x128xf32, #tpu.memory_space<hbm>>) target_semaphore(%run_scoped3A : memref<!tpu.dma_semaphore, #tpu.memory_space<semaphore_mem>>)
        %dma_wait3A = arith.constant 0 : i32
        %dma_wait3A_49 = tpu.memref_slice %arg7[%add3A_44, %dma_wait3A] : memref<10000x128xf32, #tpu.memory_space<hbm>> -> memref<8x128xf32, #tpu.memory_space<hbm>>
        %dma_wait3A_50 = arith.constant 4992 : i32
        %dma_wait3A_51 = arith.constant 0 : i32
        %dma_wait3A_52 = tpu.memref_slice %arg12[%dma_wait3A_50, %dma_wait3A_51] : memref<5120x128xf32, #tpu.memory_space<vmem_shared>> -> memref<8x128xf32, #tpu.memory_space<vmem_shared>>
        tpu.wait_dma2 semaphore(%run_scoped3A : memref<!tpu.dma_semaphore, #tpu.memory_space<semaphore_mem>>) src(%dma_wait3A_52 : memref<8x128xf32, #tpu.memory_space<vmem_shared>>) dst(%dma_wait3A_49 : memref<8x128xf32, #tpu.memory_space<hbm>>)
        tpu.yield
      }) : () -> ()
    } else {
    }
    return
  }
}

#map = affine_map<(d0, d1) -> (0, 0)>
#map1 = affine_map<(d0, d1) -> (0)>
module attributes {stable_mosaic.version = 14 : i64} {
  func.func @_scatter_body(%arg0: i32, %arg1: i32, %arg2: memref<327680x128xf32, #tpu.memory_space<hbm>>, %arg3: memref<327680x128xf32, #tpu.memory_space<hbm>>, %arg4: memref<655360xi32, #tpu.memory_space<hbm>>, %arg5: memref<320x128xf32, #tpu.memory_space<hbm>>, %arg6: memref<10000x128xf32, #tpu.memory_space<hbm>>, %arg7: memref<10000x128xf32, #tpu.memory_space<hbm>>, %arg8: memref<64x128xf32, #tpu.memory_space<vmem>>, %arg9: memref<64x128xf32, #tpu.memory_space<vmem>>, %arg10: memref<64xi32, #tpu.memory_space<vmem>>, %arg11: memref<5120x128xf32, #tpu.memory_space<vmem_shared>>, %arg12: memref<5120x128xf32, #tpu.memory_space<vmem_shared>>, %arg13: memref<!tpu.dma_semaphore, #tpu.memory_space<semaphore_mem>>, %arg14: memref<!tpu.dma_semaphore, #tpu.memory_space<semaphore_mem>>, %arg15: memref<!tpu.dma_semaphore, #tpu.memory_space<semaphore_mem>>) attributes {dimension_semantics = [#tpu.dimension_semantics<core_parallel>, #tpu.dimension_semantics<subcore_parallel>], iteration_bounds = array<i64: 2, 16>, scalar_prefetch = 0 : i64, scratch_operands = 8 : i64, tpu.core_type = #tpu.core_type<sc_vector_subcore>, window_params = [{transform_indices = #map}, {transform_indices = #map}, {transform_indices = #map1}, {transform_indices = #map}, {transform_indices = #map}, {transform_indices = #map}]} {
    %mul3A = arith.constant 2 : i32
    %mul3A_0 = arith.muli %arg1, %mul3A : i32
    %add3A = arith.addi %mul3A_0, %arg0 : i32
    %mul3A_1 = arith.constant 320 : i32
    %mul3A_2 = arith.muli %arg1, %mul3A_1 : i32
    "tpu.region"() ({
      %run_scoped3A = tpu.sem_alloc : memref<!tpu.dma_semaphore, #tpu.memory_space<semaphore_mem>>
      %dma_start3A = arith.constant 0 : i32
      %dma_start3A_41 = tpu.memref_slice %arg11[%mul3A_2, %dma_start3A] : memref<5120x128xf32, #tpu.memory_space<vmem_shared>> -> memref<320x128xf32, #tpu.memory_space<vmem_shared>>
      tpu.enqueue_dma source(%arg5 : memref<320x128xf32, #tpu.memory_space<hbm>>) target(%dma_start3A_41 : memref<320x128xf32, #tpu.memory_space<vmem_shared>>) target_semaphore(%run_scoped3A : memref<!tpu.dma_semaphore, #tpu.memory_space<semaphore_mem>>)
      %dma_wait3A = arith.constant 0 : i32
      %dma_wait3A_42 = tpu.memref_slice %arg11[%mul3A_2, %dma_wait3A] : memref<5120x128xf32, #tpu.memory_space<vmem_shared>> -> memref<320x128xf32, #tpu.memory_space<vmem_shared>>
      tpu.wait_dma2 semaphore(%run_scoped3A : memref<!tpu.dma_semaphore, #tpu.memory_space<semaphore_mem>>) src(%arg5 : memref<320x128xf32, #tpu.memory_space<hbm>>) dst(%dma_wait3A_42 : memref<320x128xf32, #tpu.memory_space<vmem_shared>>)
      tpu.yield
    }) : () -> ()
    "tpu.region"() ({
      %run_scoped3A = tpu.sem_alloc : memref<!tpu.dma_semaphore, #tpu.memory_space<semaphore_mem>>
      %dma_start3A = arith.constant 0 : i32
      %dma_start3A_41 = tpu.memref_slice %arg12[%mul3A_2, %dma_start3A] : memref<5120x128xf32, #tpu.memory_space<vmem_shared>> -> memref<320x128xf32, #tpu.memory_space<vmem_shared>>
      tpu.enqueue_dma source(%arg5 : memref<320x128xf32, #tpu.memory_space<hbm>>) target(%dma_start3A_41 : memref<320x128xf32, #tpu.memory_space<vmem_shared>>) target_semaphore(%run_scoped3A : memref<!tpu.dma_semaphore, #tpu.memory_space<semaphore_mem>>)
      %dma_wait3A = arith.constant 0 : i32
      %dma_wait3A_42 = tpu.memref_slice %arg12[%mul3A_2, %dma_wait3A] : memref<5120x128xf32, #tpu.memory_space<vmem_shared>> -> memref<320x128xf32, #tpu.memory_space<vmem_shared>>
      tpu.wait_dma2 semaphore(%run_scoped3A : memref<!tpu.dma_semaphore, #tpu.memory_space<semaphore_mem>>) src(%arg5 : memref<320x128xf32, #tpu.memory_space<hbm>>) dst(%dma_wait3A_42 : memref<320x128xf32, #tpu.memory_space<vmem_shared>>)
      tpu.yield
    }) : () -> ()
    %barrier3A = arith.constant 0 : index
    tpu.barrier barrier_id(%barrier3A)
    %mul3A_3 = arith.constant 2 : i32
    %mul3A_4 = arith.muli %mul3A_3, %arg1 : i32
    %add3A_5 = arith.constant 0 : i32
    %add3A_6 = arith.addi %mul3A_4, %add3A_5 : i32
    %mul3A_7 = arith.constant 10240 : i32
    %mul3A_8 = arith.muli %add3A_6, %mul3A_7 : i32
    %scan3A = arith.constant 0 : i32
    %scan3A_9 = arith.constant 0 : i32
    %scan3A_10 = arith.constant 160 : i32
    %scan3A_11 = arith.addi %scan3A_9, %scan3A_10 : i32
    %scan3A_12 = arith.constant 1 : i32
    scf.for %scan3A_41 = %scan3A_9 to %scan3A_11 step %scan3A_12  : i32 {
      %mul3A_42 = arith.constant 64 : i32
      %mul3A_43 = arith.muli %scan3A_41, %mul3A_42 : i32
      %add3A_44 = arith.addi %mul3A_8, %mul3A_43 : i32
      %mul3A_45 = arith.constant 327680 : i32
      %mul3A_46 = arith.muli %arg0, %mul3A_45 : i32
      %add3A_47 = arith.addi %mul3A_46, %add3A_44 : i32
      %dma_start3A = tpu.memref_slice %arg4[%add3A_47] : memref<655360xi32, #tpu.memory_space<hbm>> -> memref<64xi32, #tpu.memory_space<hbm>>
      %dma_start3A_48 = tpu.memref_slice %arg4[%add3A_47] : memref<655360xi32, #tpu.memory_space<hbm>> -> memref<64xi32, #tpu.memory_space<hbm>>
      tpu.enqueue_dma source(%dma_start3A_48 : memref<64xi32, #tpu.memory_space<hbm>>) target(%arg10 : memref<64xi32, #tpu.memory_space<vmem>>) target_semaphore(%arg13 : memref<!tpu.dma_semaphore, #tpu.memory_space<semaphore_mem>>)
      %dma_start3A_49 = arith.constant 0 : i32
      %dma_start3A_50 = tpu.memref_slice %arg2[%add3A_44, %dma_start3A_49] : memref<327680x128xf32, #tpu.memory_space<hbm>> -> memref<64x128xf32, #tpu.memory_space<hbm>>
      %dma_start3A_51 = arith.constant 0 : i32
      %dma_start3A_52 = tpu.memref_slice %arg2[%add3A_44, %dma_start3A_51] : memref<327680x128xf32, #tpu.memory_space<hbm>> -> memref<64x128xf32, #tpu.memory_space<hbm>>
      tpu.enqueue_dma source(%dma_start3A_52 : memref<64x128xf32, #tpu.memory_space<hbm>>) target(%arg8 : memref<64x128xf32, #tpu.memory_space<vmem>>) target_semaphore(%arg14 : memref<!tpu.dma_semaphore, #tpu.memory_space<semaphore_mem>>)
      %dma_start3A_53 = arith.constant 0 : i32
      %dma_start3A_54 = tpu.memref_slice %arg3[%add3A_44, %dma_start3A_53] : memref<327680x128xf32, #tpu.memory_space<hbm>> -> memref<64x128xf32, #tpu.memory_space<hbm>>
      %dma_start3A_55 = arith.constant 0 : i32
      %dma_start3A_56 = tpu.memref_slice %arg3[%add3A_44, %dma_start3A_55] : memref<327680x128xf32, #tpu.memory_space<hbm>> -> memref<64x128xf32, #tpu.memory_space<hbm>>
      tpu.enqueue_dma source(%dma_start3A_56 : memref<64x128xf32, #tpu.memory_space<hbm>>) target(%arg9 : memref<64x128xf32, #tpu.memory_space<vmem>>) target_semaphore(%arg15 : memref<!tpu.dma_semaphore, #tpu.memory_space<semaphore_mem>>)
      %dma_wait3A = tpu.memref_slice %arg4[%add3A_47] : memref<655360xi32, #tpu.memory_space<hbm>> -> memref<64xi32, #tpu.memory_space<hbm>>
      %dma_wait3A_57 = tpu.memref_slice %arg4[%add3A_47] : memref<655360xi32, #tpu.memory_space<hbm>> -> memref<64xi32, #tpu.memory_space<hbm>>
      tpu.wait_dma2 semaphore(%arg13 : memref<!tpu.dma_semaphore, #tpu.memory_space<semaphore_mem>>) src(%dma_wait3A_57 : memref<64xi32, #tpu.memory_space<hbm>>) dst(%arg10 : memref<64xi32, #tpu.memory_space<vmem>>)
      %dma_wait3A_58 = arith.constant 0 : i32
      %dma_wait3A_59 = tpu.memref_slice %arg2[%add3A_44, %dma_wait3A_58] : memref<327680x128xf32, #tpu.memory_space<hbm>> -> memref<64x128xf32, #tpu.memory_space<hbm>>
      %dma_wait3A_60 = arith.constant 0 : i32
      %dma_wait3A_61 = tpu.memref_slice %arg2[%add3A_44, %dma_wait3A_60] : memref<327680x128xf32, #tpu.memory_space<hbm>> -> memref<64x128xf32, #tpu.memory_space<hbm>>
      tpu.wait_dma2 semaphore(%arg14 : memref<!tpu.dma_semaphore, #tpu.memory_space<semaphore_mem>>) src(%dma_wait3A_61 : memref<64x128xf32, #tpu.memory_space<hbm>>) dst(%arg8 : memref<64x128xf32, #tpu.memory_space<vmem>>)
      %dma_wait3A_62 = arith.constant 0 : i32
      %dma_wait3A_63 = tpu.memref_slice %arg3[%add3A_44, %dma_wait3A_62] : memref<327680x128xf32, #tpu.memory_space<hbm>> -> memref<64x128xf32, #tpu.memory_space<hbm>>
      %dma_wait3A_64 = arith.constant 0 : i32
      %dma_wait3A_65 = tpu.memref_slice %arg3[%add3A_44, %dma_wait3A_64] : memref<327680x128xf32, #tpu.memory_space<hbm>> -> memref<64x128xf32, #tpu.memory_space<hbm>>
      tpu.wait_dma2 semaphore(%arg15 : memref<!tpu.dma_semaphore, #tpu.memory_space<semaphore_mem>>) src(%dma_wait3A_65 : memref<64x128xf32, #tpu.memory_space<hbm>>) dst(%arg9 : memref<64x128xf32, #tpu.memory_space<vmem>>)
      %dma_start3A_66 = arith.constant 0 : i32
      %dma_start3A_67 = arith.constant 0 : i32
      %dma_start3A_68 = tpu.memref_slice %arg11[%dma_start3A_66, %dma_start3A_67] : memref<5120x128xf32, #tpu.memory_space<vmem_shared>> -> memref<5120x128xf32, #tpu.memory_space<vmem_shared>>
      tpu.enqueue_indirect_dma source(%arg8 : memref<64x128xf32, #tpu.memory_space<vmem>>) target(%dma_start3A_68 : memref<5120x128xf32, #tpu.memory_space<vmem_shared>>) offsets(%arg10 : memref<64xi32, #tpu.memory_space<vmem>>) semaphore(%arg14 : memref<!tpu.dma_semaphore, #tpu.memory_space<semaphore_mem>>) {add = true}
      %dma_start3A_69 = arith.constant 0 : i32
      %dma_start3A_70 = arith.constant 0 : i32
      %dma_start3A_71 = tpu.memref_slice %arg12[%dma_start3A_69, %dma_start3A_70] : memref<5120x128xf32, #tpu.memory_space<vmem_shared>> -> memref<5120x128xf32, #tpu.memory_space<vmem_shared>>
      tpu.enqueue_indirect_dma source(%arg9 : memref<64x128xf32, #tpu.memory_space<vmem>>) target(%dma_start3A_71 : memref<5120x128xf32, #tpu.memory_space<vmem_shared>>) offsets(%arg10 : memref<64xi32, #tpu.memory_space<vmem>>) semaphore(%arg15 : memref<!tpu.dma_semaphore, #tpu.memory_space<semaphore_mem>>) {add = true}
      %dma_wait3A_72 = arith.constant 0 : i32
      %dma_wait3A_73 = arith.constant 0 : i32
      %dma_wait3A_74 = tpu.memref_slice %arg11[%dma_wait3A_72, %dma_wait3A_73] : memref<5120x128xf32, #tpu.memory_space<vmem_shared>> -> memref<5120x128xf32, #tpu.memory_space<vmem_shared>>
      tpu.wait_indirect_dma semaphore(%arg14 : memref<!tpu.dma_semaphore, #tpu.memory_space<semaphore_mem>>) src(%arg8 : memref<64x128xf32, #tpu.memory_space<vmem>>) dst(%dma_wait3A_74 : memref<5120x128xf32, #tpu.memory_space<vmem_shared>>)
      %dma_wait3A_75 = arith.constant 0 : i32
      %dma_wait3A_76 = arith.constant 0 : i32
      %dma_wait3A_77 = tpu.memref_slice %arg12[%dma_wait3A_75, %dma_wait3A_76] : memref<5120x128xf32, #tpu.memory_space<vmem_shared>> -> memref<5120x128xf32, #tpu.memory_space<vmem_shared>>
      tpu.wait_indirect_dma semaphore(%arg15 : memref<!tpu.dma_semaphore, #tpu.memory_space<semaphore_mem>>) src(%arg9 : memref<64x128xf32, #tpu.memory_space<vmem>>) dst(%dma_wait3A_77 : memref<5120x128xf32, #tpu.memory_space<vmem_shared>>)
    }
    %scan3A_13 = arith.constant 160 : i32
    %mul3A_14 = arith.constant 2 : i32
    %mul3A_15 = arith.muli %mul3A_14, %arg1 : i32
    %add3A_16 = arith.constant 1 : i32
    %add3A_17 = arith.addi %mul3A_15, %add3A_16 : i32
    %mul3A_18 = arith.constant 10240 : i32
    %mul3A_19 = arith.muli %add3A_17, %mul3A_18 : i32
    %scan3A_20 = arith.constant 0 : i32
    %scan3A_21 = arith.constant 0 : i32
    %scan3A_22 = arith.constant 160 : i32
    %scan3A_23 = arith.addi %scan3A_21, %scan3A_22 : i32
    %scan3A_24 = arith.constant 1 : i32
    scf.for %scan3A_41 = %scan3A_21 to %scan3A_23 step %scan3A_24  : i32 {
      %mul3A_42 = arith.constant 64 : i32
      %mul3A_43 = arith.muli %scan3A_41, %mul3A_42 : i32
      %add3A_44 = arith.addi %mul3A_19, %mul3A_43 : i32
      %mul3A_45 = arith.constant 327680 : i32
      %mul3A_46 = arith.muli %arg0, %mul3A_45 : i32
      %add3A_47 = arith.addi %mul3A_46, %add3A_44 : i32
      %dma_start3A = tpu.memref_slice %arg4[%add3A_47] : memref<655360xi32, #tpu.memory_space<hbm>> -> memref<64xi32, #tpu.memory_space<hbm>>
      %dma_start3A_48 = tpu.memref_slice %arg4[%add3A_47] : memref<655360xi32, #tpu.memory_space<hbm>> -> memref<64xi32, #tpu.memory_space<hbm>>
      tpu.enqueue_dma source(%dma_start3A_48 : memref<64xi32, #tpu.memory_space<hbm>>) target(%arg10 : memref<64xi32, #tpu.memory_space<vmem>>) target_semaphore(%arg13 : memref<!tpu.dma_semaphore, #tpu.memory_space<semaphore_mem>>)
      %dma_start3A_49 = arith.constant 0 : i32
      %dma_start3A_50 = tpu.memref_slice %arg2[%add3A_44, %dma_start3A_49] : memref<327680x128xf32, #tpu.memory_space<hbm>> -> memref<64x128xf32, #tpu.memory_space<hbm>>
      %dma_start3A_51 = arith.constant 0 : i32
      %dma_start3A_52 = tpu.memref_slice %arg2[%add3A_44, %dma_start3A_51] : memref<327680x128xf32, #tpu.memory_space<hbm>> -> memref<64x128xf32, #tpu.memory_space<hbm>>
      tpu.enqueue_dma source(%dma_start3A_52 : memref<64x128xf32, #tpu.memory_space<hbm>>) target(%arg8 : memref<64x128xf32, #tpu.memory_space<vmem>>) target_semaphore(%arg14 : memref<!tpu.dma_semaphore, #tpu.memory_space<semaphore_mem>>)
      %dma_start3A_53 = arith.constant 0 : i32
      %dma_start3A_54 = tpu.memref_slice %arg3[%add3A_44, %dma_start3A_53] : memref<327680x128xf32, #tpu.memory_space<hbm>> -> memref<64x128xf32, #tpu.memory_space<hbm>>
      %dma_start3A_55 = arith.constant 0 : i32
      %dma_start3A_56 = tpu.memref_slice %arg3[%add3A_44, %dma_start3A_55] : memref<327680x128xf32, #tpu.memory_space<hbm>> -> memref<64x128xf32, #tpu.memory_space<hbm>>
      tpu.enqueue_dma source(%dma_start3A_56 : memref<64x128xf32, #tpu.memory_space<hbm>>) target(%arg9 : memref<64x128xf32, #tpu.memory_space<vmem>>) target_semaphore(%arg15 : memref<!tpu.dma_semaphore, #tpu.memory_space<semaphore_mem>>)
      %dma_wait3A = tpu.memref_slice %arg4[%add3A_47] : memref<655360xi32, #tpu.memory_space<hbm>> -> memref<64xi32, #tpu.memory_space<hbm>>
      %dma_wait3A_57 = tpu.memref_slice %arg4[%add3A_47] : memref<655360xi32, #tpu.memory_space<hbm>> -> memref<64xi32, #tpu.memory_space<hbm>>
      tpu.wait_dma2 semaphore(%arg13 : memref<!tpu.dma_semaphore, #tpu.memory_space<semaphore_mem>>) src(%dma_wait3A_57 : memref<64xi32, #tpu.memory_space<hbm>>) dst(%arg10 : memref<64xi32, #tpu.memory_space<vmem>>)
      %dma_wait3A_58 = arith.constant 0 : i32
      %dma_wait3A_59 = tpu.memref_slice %arg2[%add3A_44, %dma_wait3A_58] : memref<327680x128xf32, #tpu.memory_space<hbm>> -> memref<64x128xf32, #tpu.memory_space<hbm>>
      %dma_wait3A_60 = arith.constant 0 : i32
      %dma_wait3A_61 = tpu.memref_slice %arg2[%add3A_44, %dma_wait3A_60] : memref<327680x128xf32, #tpu.memory_space<hbm>> -> memref<64x128xf32, #tpu.memory_space<hbm>>
      tpu.wait_dma2 semaphore(%arg14 : memref<!tpu.dma_semaphore, #tpu.memory_space<semaphore_mem>>) src(%dma_wait3A_61 : memref<64x128xf32, #tpu.memory_space<hbm>>) dst(%arg8 : memref<64x128xf32, #tpu.memory_space<vmem>>)
      %dma_wait3A_62 = arith.constant 0 : i32
      %dma_wait3A_63 = tpu.memref_slice %arg3[%add3A_44, %dma_wait3A_62] : memref<327680x128xf32, #tpu.memory_space<hbm>> -> memref<64x128xf32, #tpu.memory_space<hbm>>
      %dma_wait3A_64 = arith.constant 0 : i32
      %dma_wait3A_65 = tpu.memref_slice %arg3[%add3A_44, %dma_wait3A_64] : memref<327680x128xf32, #tpu.memory_space<hbm>> -> memref<64x128xf32, #tpu.memory_space<hbm>>
      tpu.wait_dma2 semaphore(%arg15 : memref<!tpu.dma_semaphore, #tpu.memory_space<semaphore_mem>>) src(%dma_wait3A_65 : memref<64x128xf32, #tpu.memory_space<hbm>>) dst(%arg9 : memref<64x128xf32, #tpu.memory_space<vmem>>)
      %dma_start3A_66 = arith.constant 0 : i32
      %dma_start3A_67 = arith.constant 0 : i32
      %dma_start3A_68 = tpu.memref_slice %arg11[%dma_start3A_66, %dma_start3A_67] : memref<5120x128xf32, #tpu.memory_space<vmem_shared>> -> memref<5120x128xf32, #tpu.memory_space<vmem_shared>>
      tpu.enqueue_indirect_dma source(%arg8 : memref<64x128xf32, #tpu.memory_space<vmem>>) target(%dma_start3A_68 : memref<5120x128xf32, #tpu.memory_space<vmem_shared>>) offsets(%arg10 : memref<64xi32, #tpu.memory_space<vmem>>) semaphore(%arg14 : memref<!tpu.dma_semaphore, #tpu.memory_space<semaphore_mem>>) {add = true}
      %dma_start3A_69 = arith.constant 0 : i32
      %dma_start3A_70 = arith.constant 0 : i32
      %dma_start3A_71 = tpu.memref_slice %arg12[%dma_start3A_69, %dma_start3A_70] : memref<5120x128xf32, #tpu.memory_space<vmem_shared>> -> memref<5120x128xf32, #tpu.memory_space<vmem_shared>>
      tpu.enqueue_indirect_dma source(%arg9 : memref<64x128xf32, #tpu.memory_space<vmem>>) target(%dma_start3A_71 : memref<5120x128xf32, #tpu.memory_space<vmem_shared>>) offsets(%arg10 : memref<64xi32, #tpu.memory_space<vmem>>) semaphore(%arg15 : memref<!tpu.dma_semaphore, #tpu.memory_space<semaphore_mem>>) {add = true}
      %dma_wait3A_72 = arith.constant 0 : i32
      %dma_wait3A_73 = arith.constant 0 : i32
      %dma_wait3A_74 = tpu.memref_slice %arg11[%dma_wait3A_72, %dma_wait3A_73] : memref<5120x128xf32, #tpu.memory_space<vmem_shared>> -> memref<5120x128xf32, #tpu.memory_space<vmem_shared>>
      tpu.wait_indirect_dma semaphore(%arg14 : memref<!tpu.dma_semaphore, #tpu.memory_space<semaphore_mem>>) src(%arg8 : memref<64x128xf32, #tpu.memory_space<vmem>>) dst(%dma_wait3A_74 : memref<5120x128xf32, #tpu.memory_space<vmem_shared>>)
      %dma_wait3A_75 = arith.constant 0 : i32
      %dma_wait3A_76 = arith.constant 0 : i32
      %dma_wait3A_77 = tpu.memref_slice %arg12[%dma_wait3A_75, %dma_wait3A_76] : memref<5120x128xf32, #tpu.memory_space<vmem_shared>> -> memref<5120x128xf32, #tpu.memory_space<vmem_shared>>
      tpu.wait_indirect_dma semaphore(%arg15 : memref<!tpu.dma_semaphore, #tpu.memory_space<semaphore_mem>>) src(%arg9 : memref<64x128xf32, #tpu.memory_space<vmem>>) dst(%dma_wait3A_77 : memref<5120x128xf32, #tpu.memory_space<vmem_shared>>)
    }
    %scan3A_25 = arith.constant 160 : i32
    %barrier3A_26 = arith.constant 0 : index
    tpu.barrier barrier_id(%barrier3A_26)
    %mul3A_27 = arith.constant 5000 : i32
    %mul3A_28 = arith.muli %arg0, %mul3A_27 : i32
    %mul3A_29 = arith.constant 312 : i32
    %mul3A_30 = arith.muli %arg1, %mul3A_29 : i32
    %mul3A_31 = arith.constant 312 : i32
    %mul3A_32 = arith.muli %arg1, %mul3A_31 : i32
    %add3A_33 = arith.addi %mul3A_28, %mul3A_32 : i32
    "tpu.region"() ({
      %run_scoped3A = tpu.sem_alloc : memref<!tpu.dma_semaphore, #tpu.memory_space<semaphore_mem>>
      %dma_start3A = arith.constant 0 : i32
      %dma_start3A_41 = tpu.memref_slice %arg6[%add3A_33, %dma_start3A] : memref<10000x128xf32, #tpu.memory_space<hbm>> -> memref<312x128xf32, #tpu.memory_space<hbm>>
      %dma_start3A_42 = arith.constant 0 : i32
      %dma_start3A_43 = tpu.memref_slice %arg11[%mul3A_30, %dma_start3A_42] : memref<5120x128xf32, #tpu.memory_space<vmem_shared>> -> memref<312x128xf32, #tpu.memory_space<vmem_shared>>
      tpu.enqueue_dma source(%dma_start3A_43 : memref<312x128xf32, #tpu.memory_space<vmem_shared>>) target(%dma_start3A_41 : memref<312x128xf32, #tpu.memory_space<hbm>>) target_semaphore(%run_scoped3A : memref<!tpu.dma_semaphore, #tpu.memory_space<semaphore_mem>>)
      %dma_wait3A = arith.constant 0 : i32
      %dma_wait3A_44 = tpu.memref_slice %arg6[%add3A_33, %dma_wait3A] : memref<10000x128xf32, #tpu.memory_space<hbm>> -> memref<312x128xf32, #tpu.memory_space<hbm>>
      %dma_wait3A_45 = arith.constant 0 : i32
      %dma_wait3A_46 = tpu.memref_slice %arg11[%mul3A_30, %dma_wait3A_45] : memref<5120x128xf32, #tpu.memory_space<vmem_shared>> -> memref<312x128xf32, #tpu.memory_space<vmem_shared>>
      tpu.wait_dma2 semaphore(%run_scoped3A : memref<!tpu.dma_semaphore, #tpu.memory_space<semaphore_mem>>) src(%dma_wait3A_46 : memref<312x128xf32, #tpu.memory_space<vmem_shared>>) dst(%dma_wait3A_44 : memref<312x128xf32, #tpu.memory_space<hbm>>)
      tpu.yield
    }) : () -> ()
    %mul3A_34 = arith.constant 312 : i32
    %mul3A_35 = arith.muli %arg1, %mul3A_34 : i32
    %mul3A_36 = arith.constant 312 : i32
    %mul3A_37 = arith.muli %arg1, %mul3A_36 : i32
    %add3A_38 = arith.addi %mul3A_28, %mul3A_37 : i32
    "tpu.region"() ({
      %run_scoped3A = tpu.sem_alloc : memref<!tpu.dma_semaphore, #tpu.memory_space<semaphore_mem>>
      %dma_start3A = arith.constant 0 : i32
      %dma_start3A_41 = tpu.memref_slice %arg7[%add3A_38, %dma_start3A] : memref<10000x128xf32, #tpu.memory_space<hbm>> -> memref<312x128xf32, #tpu.memory_space<hbm>>
      %dma_start3A_42 = arith.constant 0 : i32
      %dma_start3A_43 = tpu.memref_slice %arg12[%mul3A_35, %dma_start3A_42] : memref<5120x128xf32, #tpu.memory_space<vmem_shared>> -> memref<312x128xf32, #tpu.memory_space<vmem_shared>>
      tpu.enqueue_dma source(%dma_start3A_43 : memref<312x128xf32, #tpu.memory_space<vmem_shared>>) target(%dma_start3A_41 : memref<312x128xf32, #tpu.memory_space<hbm>>) target_semaphore(%run_scoped3A : memref<!tpu.dma_semaphore, #tpu.memory_space<semaphore_mem>>)
      %dma_wait3A = arith.constant 0 : i32
      %dma_wait3A_44 = tpu.memref_slice %arg7[%add3A_38, %dma_wait3A] : memref<10000x128xf32, #tpu.memory_space<hbm>> -> memref<312x128xf32, #tpu.memory_space<hbm>>
      %dma_wait3A_45 = arith.constant 0 : i32
      %dma_wait3A_46 = tpu.memref_slice %arg12[%mul3A_35, %dma_wait3A_45] : memref<5120x128xf32, #tpu.memory_space<vmem_shared>> -> memref<312x128xf32, #tpu.memory_space<vmem_shared>>
      tpu.wait_dma2 semaphore(%run_scoped3A : memref<!tpu.dma_semaphore, #tpu.memory_space<semaphore_mem>>) src(%dma_wait3A_46 : memref<312x128xf32, #tpu.memory_space<vmem_shared>>) dst(%dma_wait3A_44 : memref<312x128xf32, #tpu.memory_space<hbm>>)
      tpu.yield
    }) : () -> ()
    %eq3A = arith.constant 15 : i32
    %eq3A_39 = arith.cmpi eq, %arg1, %eq3A : i32
    %convert_element_type3A = arith.extui %eq3A_39 : i1 to i32
    %cond3A = arith.constant 0 : i32
    %cond3A_40 = arith.cmpi ne, %convert_element_type3A, %cond3A : i32
    scf.if %cond3A_40 {
      %add3A_41 = arith.constant 4992 : i32
      %add3A_42 = arith.addi %mul3A_28, %add3A_41 : i32
      "tpu.region"() ({
        %run_scoped3A = tpu.sem_alloc : memref<!tpu.dma_semaphore, #tpu.memory_space<semaphore_mem>>
        %dma_start3A = arith.constant 0 : i32
        %dma_start3A_45 = tpu.memref_slice %arg6[%add3A_42, %dma_start3A] : memref<10000x128xf32, #tpu.memory_space<hbm>> -> memref<8x128xf32, #tpu.memory_space<hbm>>
        %dma_start3A_46 = arith.constant 4992 : i32
        %dma_start3A_47 = arith.constant 0 : i32
        %dma_start3A_48 = tpu.memref_slice %arg11[%dma_start3A_46, %dma_start3A_47] : memref<5120x128xf32, #tpu.memory_space<vmem_shared>> -> memref<8x128xf32, #tpu.memory_space<vmem_shared>>
        tpu.enqueue_dma source(%dma_start3A_48 : memref<8x128xf32, #tpu.memory_space<vmem_shared>>) target(%dma_start3A_45 : memref<8x128xf32, #tpu.memory_space<hbm>>) target_semaphore(%run_scoped3A : memref<!tpu.dma_semaphore, #tpu.memory_space<semaphore_mem>>)
        %dma_wait3A = arith.constant 0 : i32
        %dma_wait3A_49 = tpu.memref_slice %arg6[%add3A_42, %dma_wait3A] : memref<10000x128xf32, #tpu.memory_space<hbm>> -> memref<8x128xf32, #tpu.memory_space<hbm>>
        %dma_wait3A_50 = arith.constant 4992 : i32
        %dma_wait3A_51 = arith.constant 0 : i32
        %dma_wait3A_52 = tpu.memref_slice %arg11[%dma_wait3A_50, %dma_wait3A_51] : memref<5120x128xf32, #tpu.memory_space<vmem_shared>> -> memref<8x128xf32, #tpu.memory_space<vmem_shared>>
        tpu.wait_dma2 semaphore(%run_scoped3A : memref<!tpu.dma_semaphore, #tpu.memory_space<semaphore_mem>>) src(%dma_wait3A_52 : memref<8x128xf32, #tpu.memory_space<vmem_shared>>) dst(%dma_wait3A_49 : memref<8x128xf32, #tpu.memory_space<hbm>>)
        tpu.yield
      }) : () -> ()
      %add3A_43 = arith.constant 4992 : i32
      %add3A_44 = arith.addi %mul3A_28, %add3A_43 : i32
      "tpu.region"() ({
        %run_scoped3A = tpu.sem_alloc : memref<!tpu.dma_semaphore, #tpu.memory_space<semaphore_mem>>
        %dma_start3A = arith.constant 0 : i32
        %dma_start3A_45 = tpu.memref_slice %arg7[%add3A_44, %dma_start3A] : memref<10000x128xf32, #tpu.memory_space<hbm>> -> memref<8x128xf32, #tpu.memory_space<hbm>>
        %dma_start3A_46 = arith.constant 4992 : i32
        %dma_start3A_47 = arith.constant 0 : i32
        %dma_start3A_48 = tpu.memref_slice %arg12[%dma_start3A_46, %dma_start3A_47] : memref<5120x128xf32, #tpu.memory_space<vmem_shared>> -> memref<8x128xf32, #tpu.memory_space<vmem_shared>>
        tpu.enqueue_dma source(%dma_start3A_48 : memref<8x128xf32, #tpu.memory_space<vmem_shared>>) target(%dma_start3A_45 : memref<8x128xf32, #tpu.memory_space<hbm>>) target_semaphore(%run_scoped3A : memref<!tpu.dma_semaphore, #tpu.memory_space<semaphore_mem>>)
        %dma_wait3A = arith.constant 0 : i32
        %dma_wait3A_49 = tpu.memref_slice %arg7[%add3A_44, %dma_wait3A] : memref<10000x128xf32, #tpu.memory_space<hbm>> -> memref<8x128xf32, #tpu.memory_space<hbm>>
        %dma_wait3A_50 = arith.constant 4992 : i32
        %dma_wait3A_51 = arith.constant 0 : i32
        %dma_wait3A_52 = tpu.memref_slice %arg12[%dma_wait3A_50, %dma_wait3A_51] : memref<5120x128xf32, #tpu.memory_space<vmem_shared>> -> memref<8x128xf32, #tpu.memory_space<vmem_shared>>
        tpu.wait_dma2 semaphore(%run_scoped3A : memref<!tpu.dma_semaphore, #tpu.memory_space<semaphore_mem>>) src(%dma_wait3A_52 : memref<8x128xf32, #tpu.memory_space<vmem_shared>>) dst(%dma_wait3A_49 : memref<8x128xf32, #tpu.memory_space<hbm>>)
        tpu.yield
      }) : () -> ()
    } else {
    }
    return
  }
}

#map = affine_map<(d0, d1) -> (0, 0)>
#map1 = affine_map<(d0, d1) -> (0)>
module attributes {stable_mosaic.version = 14 : i64} {
  func.func @_scatter_body(%arg0: i32, %arg1: i32, %arg2: memref<327680x128xf32, #tpu.memory_space<hbm>>, %arg3: memref<327680x128xf32, #tpu.memory_space<hbm>>, %arg4: memref<655360xi32, #tpu.memory_space<hbm>>, %arg5: memref<320x128xf32, #tpu.memory_space<hbm>>, %arg6: memref<10000x128xf32, #tpu.memory_space<hbm>>, %arg7: memref<10000x128xf32, #tpu.memory_space<hbm>>, %arg8: memref<64x128xf32, #tpu.memory_space<vmem>>, %arg9: memref<64x128xf32, #tpu.memory_space<vmem>>, %arg10: memref<64xi32, #tpu.memory_space<vmem>>, %arg11: memref<5120x128xf32, #tpu.memory_space<vmem_shared>>, %arg12: memref<5120x128xf32, #tpu.memory_space<vmem_shared>>, %arg13: memref<!tpu.dma_semaphore, #tpu.memory_space<semaphore_mem>>, %arg14: memref<!tpu.dma_semaphore, #tpu.memory_space<semaphore_mem>>, %arg15: memref<!tpu.dma_semaphore, #tpu.memory_space<semaphore_mem>>) attributes {dimension_semantics = [#tpu.dimension_semantics<core_parallel>, #tpu.dimension_semantics<subcore_parallel>], iteration_bounds = array<i64: 2, 16>, scalar_prefetch = 0 : i64, scratch_operands = 8 : i64, tpu.core_type = #tpu.core_type<sc_vector_subcore>, window_params = [{transform_indices = #map}, {transform_indices = #map}, {transform_indices = #map1}, {transform_indices = #map}, {transform_indices = #map}, {transform_indices = #map}]} {
    %mul3A = arith.constant 2 : i32
    %mul3A_0 = arith.muli %arg1, %mul3A : i32
    %add3A = arith.addi %mul3A_0, %arg0 : i32
    %mul3A_1 = arith.constant 320 : i32
    %mul3A_2 = arith.muli %arg1, %mul3A_1 : i32
    "tpu.region"() ({
      %run_scoped3A = tpu.sem_alloc : memref<!tpu.dma_semaphore, #tpu.memory_space<semaphore_mem>>
      %dma_start3A = arith.constant 0 : i32
      %dma_start3A_41 = tpu.memref_slice %arg11[%mul3A_2, %dma_start3A] : memref<5120x128xf32, #tpu.memory_space<vmem_shared>> -> memref<320x128xf32, #tpu.memory_space<vmem_shared>>
      tpu.enqueue_dma source(%arg5 : memref<320x128xf32, #tpu.memory_space<hbm>>) target(%dma_start3A_41 : memref<320x128xf32, #tpu.memory_space<vmem_shared>>) target_semaphore(%run_scoped3A : memref<!tpu.dma_semaphore, #tpu.memory_space<semaphore_mem>>)
      %dma_wait3A = arith.constant 0 : i32
      %dma_wait3A_42 = tpu.memref_slice %arg11[%mul3A_2, %dma_wait3A] : memref<5120x128xf32, #tpu.memory_space<vmem_shared>> -> memref<320x128xf32, #tpu.memory_space<vmem_shared>>
      tpu.wait_dma2 semaphore(%run_scoped3A : memref<!tpu.dma_semaphore, #tpu.memory_space<semaphore_mem>>) src(%arg5 : memref<320x128xf32, #tpu.memory_space<hbm>>) dst(%dma_wait3A_42 : memref<320x128xf32, #tpu.memory_space<vmem_shared>>)
      tpu.yield
    }) : () -> ()
    "tpu.region"() ({
      %run_scoped3A = tpu.sem_alloc : memref<!tpu.dma_semaphore, #tpu.memory_space<semaphore_mem>>
      %dma_start3A = arith.constant 0 : i32
      %dma_start3A_41 = tpu.memref_slice %arg12[%mul3A_2, %dma_start3A] : memref<5120x128xf32, #tpu.memory_space<vmem_shared>> -> memref<320x128xf32, #tpu.memory_space<vmem_shared>>
      tpu.enqueue_dma source(%arg5 : memref<320x128xf32, #tpu.memory_space<hbm>>) target(%dma_start3A_41 : memref<320x128xf32, #tpu.memory_space<vmem_shared>>) target_semaphore(%run_scoped3A : memref<!tpu.dma_semaphore, #tpu.memory_space<semaphore_mem>>)
      %dma_wait3A = arith.constant 0 : i32
      %dma_wait3A_42 = tpu.memref_slice %arg12[%mul3A_2, %dma_wait3A] : memref<5120x128xf32, #tpu.memory_space<vmem_shared>> -> memref<320x128xf32, #tpu.memory_space<vmem_shared>>
      tpu.wait_dma2 semaphore(%run_scoped3A : memref<!tpu.dma_semaphore, #tpu.memory_space<semaphore_mem>>) src(%arg5 : memref<320x128xf32, #tpu.memory_space<hbm>>) dst(%dma_wait3A_42 : memref<320x128xf32, #tpu.memory_space<vmem_shared>>)
      tpu.yield
    }) : () -> ()
    %barrier3A = arith.constant 0 : index
    tpu.barrier barrier_id(%barrier3A)
    %mul3A_3 = arith.constant 2 : i32
    %mul3A_4 = arith.muli %mul3A_3, %arg1 : i32
    %add3A_5 = arith.constant 0 : i32
    %add3A_6 = arith.addi %mul3A_4, %add3A_5 : i32
    %mul3A_7 = arith.constant 10240 : i32
    %mul3A_8 = arith.muli %add3A_6, %mul3A_7 : i32
    %scan3A = arith.constant 0 : i32
    %scan3A_9 = arith.constant 0 : i32
    %scan3A_10 = arith.constant 160 : i32
    %scan3A_11 = arith.addi %scan3A_9, %scan3A_10 : i32
    %scan3A_12 = arith.constant 1 : i32
    scf.for %scan3A_41 = %scan3A_9 to %scan3A_11 step %scan3A_12  : i32 {
      %mul3A_42 = arith.constant 64 : i32
      %mul3A_43 = arith.muli %scan3A_41, %mul3A_42 : i32
      %add3A_44 = arith.addi %mul3A_8, %mul3A_43 : i32
      %mul3A_45 = arith.constant 327680 : i32
      %mul3A_46 = arith.muli %arg0, %mul3A_45 : i32
      %add3A_47 = arith.addi %mul3A_46, %add3A_44 : i32
      %dma_start3A = tpu.memref_slice %arg4[%add3A_47] : memref<655360xi32, #tpu.memory_space<hbm>> -> memref<64xi32, #tpu.memory_space<hbm>>
      %dma_start3A_48 = tpu.memref_slice %arg4[%add3A_47] : memref<655360xi32, #tpu.memory_space<hbm>> -> memref<64xi32, #tpu.memory_space<hbm>>
      tpu.enqueue_dma source(%dma_start3A_48 : memref<64xi32, #tpu.memory_space<hbm>>) target(%arg10 : memref<64xi32, #tpu.memory_space<vmem>>) target_semaphore(%arg13 : memref<!tpu.dma_semaphore, #tpu.memory_space<semaphore_mem>>)
      %dma_start3A_49 = arith.constant 0 : i32
      %dma_start3A_50 = tpu.memref_slice %arg2[%add3A_44, %dma_start3A_49] : memref<327680x128xf32, #tpu.memory_space<hbm>> -> memref<64x128xf32, #tpu.memory_space<hbm>>
      %dma_start3A_51 = arith.constant 0 : i32
      %dma_start3A_52 = tpu.memref_slice %arg2[%add3A_44, %dma_start3A_51] : memref<327680x128xf32, #tpu.memory_space<hbm>> -> memref<64x128xf32, #tpu.memory_space<hbm>>
      tpu.enqueue_dma source(%dma_start3A_52 : memref<64x128xf32, #tpu.memory_space<hbm>>) target(%arg8 : memref<64x128xf32, #tpu.memory_space<vmem>>) target_semaphore(%arg14 : memref<!tpu.dma_semaphore, #tpu.memory_space<semaphore_mem>>)
      %dma_start3A_53 = arith.constant 0 : i32
      %dma_start3A_54 = tpu.memref_slice %arg3[%add3A_44, %dma_start3A_53] : memref<327680x128xf32, #tpu.memory_space<hbm>> -> memref<64x128xf32, #tpu.memory_space<hbm>>
      %dma_start3A_55 = arith.constant 0 : i32
      %dma_start3A_56 = tpu.memref_slice %arg3[%add3A_44, %dma_start3A_55] : memref<327680x128xf32, #tpu.memory_space<hbm>> -> memref<64x128xf32, #tpu.memory_space<hbm>>
      tpu.enqueue_dma source(%dma_start3A_56 : memref<64x128xf32, #tpu.memory_space<hbm>>) target(%arg9 : memref<64x128xf32, #tpu.memory_space<vmem>>) target_semaphore(%arg15 : memref<!tpu.dma_semaphore, #tpu.memory_space<semaphore_mem>>)
      %dma_wait3A = tpu.memref_slice %arg4[%add3A_47] : memref<655360xi32, #tpu.memory_space<hbm>> -> memref<64xi32, #tpu.memory_space<hbm>>
      %dma_wait3A_57 = tpu.memref_slice %arg4[%add3A_47] : memref<655360xi32, #tpu.memory_space<hbm>> -> memref<64xi32, #tpu.memory_space<hbm>>
      tpu.wait_dma2 semaphore(%arg13 : memref<!tpu.dma_semaphore, #tpu.memory_space<semaphore_mem>>) src(%dma_wait3A_57 : memref<64xi32, #tpu.memory_space<hbm>>) dst(%arg10 : memref<64xi32, #tpu.memory_space<vmem>>)
      %dma_wait3A_58 = arith.constant 0 : i32
      %dma_wait3A_59 = tpu.memref_slice %arg2[%add3A_44, %dma_wait3A_58] : memref<327680x128xf32, #tpu.memory_space<hbm>> -> memref<64x128xf32, #tpu.memory_space<hbm>>
      %dma_wait3A_60 = arith.constant 0 : i32
      %dma_wait3A_61 = tpu.memref_slice %arg2[%add3A_44, %dma_wait3A_60] : memref<327680x128xf32, #tpu.memory_space<hbm>> -> memref<64x128xf32, #tpu.memory_space<hbm>>
      tpu.wait_dma2 semaphore(%arg14 : memref<!tpu.dma_semaphore, #tpu.memory_space<semaphore_mem>>) src(%dma_wait3A_61 : memref<64x128xf32, #tpu.memory_space<hbm>>) dst(%arg8 : memref<64x128xf32, #tpu.memory_space<vmem>>)
      %dma_wait3A_62 = arith.constant 0 : i32
      %dma_wait3A_63 = tpu.memref_slice %arg3[%add3A_44, %dma_wait3A_62] : memref<327680x128xf32, #tpu.memory_space<hbm>> -> memref<64x128xf32, #tpu.memory_space<hbm>>
      %dma_wait3A_64 = arith.constant 0 : i32
      %dma_wait3A_65 = tpu.memref_slice %arg3[%add3A_44, %dma_wait3A_64] : memref<327680x128xf32, #tpu.memory_space<hbm>> -> memref<64x128xf32, #tpu.memory_space<hbm>>
      tpu.wait_dma2 semaphore(%arg15 : memref<!tpu.dma_semaphore, #tpu.memory_space<semaphore_mem>>) src(%dma_wait3A_65 : memref<64x128xf32, #tpu.memory_space<hbm>>) dst(%arg9 : memref<64x128xf32, #tpu.memory_space<vmem>>)
      %dma_start3A_66 = arith.constant 0 : i32
      %dma_start3A_67 = arith.constant 0 : i32
      %dma_start3A_68 = tpu.memref_slice %arg11[%dma_start3A_66, %dma_start3A_67] : memref<5120x128xf32, #tpu.memory_space<vmem_shared>> -> memref<5120x128xf32, #tpu.memory_space<vmem_shared>>
      tpu.enqueue_indirect_dma source(%arg8 : memref<64x128xf32, #tpu.memory_space<vmem>>) target(%dma_start3A_68 : memref<5120x128xf32, #tpu.memory_space<vmem_shared>>) offsets(%arg10 : memref<64xi32, #tpu.memory_space<vmem>>) semaphore(%arg14 : memref<!tpu.dma_semaphore, #tpu.memory_space<semaphore_mem>>) {add = true}
      %dma_start3A_69 = arith.constant 0 : i32
      %dma_start3A_70 = arith.constant 0 : i32
      %dma_start3A_71 = tpu.memref_slice %arg12[%dma_start3A_69, %dma_start3A_70] : memref<5120x128xf32, #tpu.memory_space<vmem_shared>> -> memref<5120x128xf32, #tpu.memory_space<vmem_shared>>
      tpu.enqueue_indirect_dma source(%arg9 : memref<64x128xf32, #tpu.memory_space<vmem>>) target(%dma_start3A_71 : memref<5120x128xf32, #tpu.memory_space<vmem_shared>>) offsets(%arg10 : memref<64xi32, #tpu.memory_space<vmem>>) semaphore(%arg15 : memref<!tpu.dma_semaphore, #tpu.memory_space<semaphore_mem>>) {add = true}
      %dma_wait3A_72 = arith.constant 0 : i32
      %dma_wait3A_73 = arith.constant 0 : i32
      %dma_wait3A_74 = tpu.memref_slice %arg11[%dma_wait3A_72, %dma_wait3A_73] : memref<5120x128xf32, #tpu.memory_space<vmem_shared>> -> memref<5120x128xf32, #tpu.memory_space<vmem_shared>>
      tpu.wait_indirect_dma semaphore(%arg14 : memref<!tpu.dma_semaphore, #tpu.memory_space<semaphore_mem>>) src(%arg8 : memref<64x128xf32, #tpu.memory_space<vmem>>) dst(%dma_wait3A_74 : memref<5120x128xf32, #tpu.memory_space<vmem_shared>>)
      %dma_wait3A_75 = arith.constant 0 : i32
      %dma_wait3A_76 = arith.constant 0 : i32
      %dma_wait3A_77 = tpu.memref_slice %arg12[%dma_wait3A_75, %dma_wait3A_76] : memref<5120x128xf32, #tpu.memory_space<vmem_shared>> -> memref<5120x128xf32, #tpu.memory_space<vmem_shared>>
      tpu.wait_indirect_dma semaphore(%arg15 : memref<!tpu.dma_semaphore, #tpu.memory_space<semaphore_mem>>) src(%arg9 : memref<64x128xf32, #tpu.memory_space<vmem>>) dst(%dma_wait3A_77 : memref<5120x128xf32, #tpu.memory_space<vmem_shared>>)
    }
    %scan3A_13 = arith.constant 160 : i32
    %mul3A_14 = arith.constant 2 : i32
    %mul3A_15 = arith.muli %mul3A_14, %arg1 : i32
    %add3A_16 = arith.constant 1 : i32
    %add3A_17 = arith.addi %mul3A_15, %add3A_16 : i32
    %mul3A_18 = arith.constant 10240 : i32
    %mul3A_19 = arith.muli %add3A_17, %mul3A_18 : i32
    %scan3A_20 = arith.constant 0 : i32
    %scan3A_21 = arith.constant 0 : i32
    %scan3A_22 = arith.constant 160 : i32
    %scan3A_23 = arith.addi %scan3A_21, %scan3A_22 : i32
    %scan3A_24 = arith.constant 1 : i32
    scf.for %scan3A_41 = %scan3A_21 to %scan3A_23 step %scan3A_24  : i32 {
      %mul3A_42 = arith.constant 64 : i32
      %mul3A_43 = arith.muli %scan3A_41, %mul3A_42 : i32
      %add3A_44 = arith.addi %mul3A_19, %mul3A_43 : i32
      %mul3A_45 = arith.constant 327680 : i32
      %mul3A_46 = arith.muli %arg0, %mul3A_45 : i32
      %add3A_47 = arith.addi %mul3A_46, %add3A_44 : i32
      %dma_start3A = tpu.memref_slice %arg4[%add3A_47] : memref<655360xi32, #tpu.memory_space<hbm>> -> memref<64xi32, #tpu.memory_space<hbm>>
      %dma_start3A_48 = tpu.memref_slice %arg4[%add3A_47] : memref<655360xi32, #tpu.memory_space<hbm>> -> memref<64xi32, #tpu.memory_space<hbm>>
      tpu.enqueue_dma source(%dma_start3A_48 : memref<64xi32, #tpu.memory_space<hbm>>) target(%arg10 : memref<64xi32, #tpu.memory_space<vmem>>) target_semaphore(%arg13 : memref<!tpu.dma_semaphore, #tpu.memory_space<semaphore_mem>>)
      %dma_start3A_49 = arith.constant 0 : i32
      %dma_start3A_50 = tpu.memref_slice %arg2[%add3A_44, %dma_start3A_49] : memref<327680x128xf32, #tpu.memory_space<hbm>> -> memref<64x128xf32, #tpu.memory_space<hbm>>
      %dma_start3A_51 = arith.constant 0 : i32
      %dma_start3A_52 = tpu.memref_slice %arg2[%add3A_44, %dma_start3A_51] : memref<327680x128xf32, #tpu.memory_space<hbm>> -> memref<64x128xf32, #tpu.memory_space<hbm>>
      tpu.enqueue_dma source(%dma_start3A_52 : memref<64x128xf32, #tpu.memory_space<hbm>>) target(%arg8 : memref<64x128xf32, #tpu.memory_space<vmem>>) target_semaphore(%arg14 : memref<!tpu.dma_semaphore, #tpu.memory_space<semaphore_mem>>)
      %dma_start3A_53 = arith.constant 0 : i32
      %dma_start3A_54 = tpu.memref_slice %arg3[%add3A_44, %dma_start3A_53] : memref<327680x128xf32, #tpu.memory_space<hbm>> -> memref<64x128xf32, #tpu.memory_space<hbm>>
      %dma_start3A_55 = arith.constant 0 : i32
      %dma_start3A_56 = tpu.memref_slice %arg3[%add3A_44, %dma_start3A_55] : memref<327680x128xf32, #tpu.memory_space<hbm>> -> memref<64x128xf32, #tpu.memory_space<hbm>>
      tpu.enqueue_dma source(%dma_start3A_56 : memref<64x128xf32, #tpu.memory_space<hbm>>) target(%arg9 : memref<64x128xf32, #tpu.memory_space<vmem>>) target_semaphore(%arg15 : memref<!tpu.dma_semaphore, #tpu.memory_space<semaphore_mem>>)
      %dma_wait3A = tpu.memref_slice %arg4[%add3A_47] : memref<655360xi32, #tpu.memory_space<hbm>> -> memref<64xi32, #tpu.memory_space<hbm>>
      %dma_wait3A_57 = tpu.memref_slice %arg4[%add3A_47] : memref<655360xi32, #tpu.memory_space<hbm>> -> memref<64xi32, #tpu.memory_space<hbm>>
      tpu.wait_dma2 semaphore(%arg13 : memref<!tpu.dma_semaphore, #tpu.memory_space<semaphore_mem>>) src(%dma_wait3A_57 : memref<64xi32, #tpu.memory_space<hbm>>) dst(%arg10 : memref<64xi32, #tpu.memory_space<vmem>>)
      %dma_wait3A_58 = arith.constant 0 : i32
      %dma_wait3A_59 = tpu.memref_slice %arg2[%add3A_44, %dma_wait3A_58] : memref<327680x128xf32, #tpu.memory_space<hbm>> -> memref<64x128xf32, #tpu.memory_space<hbm>>
      %dma_wait3A_60 = arith.constant 0 : i32
      %dma_wait3A_61 = tpu.memref_slice %arg2[%add3A_44, %dma_wait3A_60] : memref<327680x128xf32, #tpu.memory_space<hbm>> -> memref<64x128xf32, #tpu.memory_space<hbm>>
      tpu.wait_dma2 semaphore(%arg14 : memref<!tpu.dma_semaphore, #tpu.memory_space<semaphore_mem>>) src(%dma_wait3A_61 : memref<64x128xf32, #tpu.memory_space<hbm>>) dst(%arg8 : memref<64x128xf32, #tpu.memory_space<vmem>>)
      %dma_wait3A_62 = arith.constant 0 : i32
      %dma_wait3A_63 = tpu.memref_slice %arg3[%add3A_44, %dma_wait3A_62] : memref<327680x128xf32, #tpu.memory_space<hbm>> -> memref<64x128xf32, #tpu.memory_space<hbm>>
      %dma_wait3A_64 = arith.constant 0 : i32
      %dma_wait3A_65 = tpu.memref_slice %arg3[%add3A_44, %dma_wait3A_64] : memref<327680x128xf32, #tpu.memory_space<hbm>> -> memref<64x128xf32, #tpu.memory_space<hbm>>
      tpu.wait_dma2 semaphore(%arg15 : memref<!tpu.dma_semaphore, #tpu.memory_space<semaphore_mem>>) src(%dma_wait3A_65 : memref<64x128xf32, #tpu.memory_space<hbm>>) dst(%arg9 : memref<64x128xf32, #tpu.memory_space<vmem>>)
      %dma_start3A_66 = arith.constant 0 : i32
      %dma_start3A_67 = arith.constant 0 : i32
      %dma_start3A_68 = tpu.memref_slice %arg11[%dma_start3A_66, %dma_start3A_67] : memref<5120x128xf32, #tpu.memory_space<vmem_shared>> -> memref<5120x128xf32, #tpu.memory_space<vmem_shared>>
      tpu.enqueue_indirect_dma source(%arg8 : memref<64x128xf32, #tpu.memory_space<vmem>>) target(%dma_start3A_68 : memref<5120x128xf32, #tpu.memory_space<vmem_shared>>) offsets(%arg10 : memref<64xi32, #tpu.memory_space<vmem>>) semaphore(%arg14 : memref<!tpu.dma_semaphore, #tpu.memory_space<semaphore_mem>>) {add = true}
      %dma_start3A_69 = arith.constant 0 : i32
      %dma_start3A_70 = arith.constant 0 : i32
      %dma_start3A_71 = tpu.memref_slice %arg12[%dma_start3A_69, %dma_start3A_70] : memref<5120x128xf32, #tpu.memory_space<vmem_shared>> -> memref<5120x128xf32, #tpu.memory_space<vmem_shared>>
      tpu.enqueue_indirect_dma source(%arg9 : memref<64x128xf32, #tpu.memory_space<vmem>>) target(%dma_start3A_71 : memref<5120x128xf32, #tpu.memory_space<vmem_shared>>) offsets(%arg10 : memref<64xi32, #tpu.memory_space<vmem>>) semaphore(%arg15 : memref<!tpu.dma_semaphore, #tpu.memory_space<semaphore_mem>>) {add = true}
      %dma_wait3A_72 = arith.constant 0 : i32
      %dma_wait3A_73 = arith.constant 0 : i32
      %dma_wait3A_74 = tpu.memref_slice %arg11[%dma_wait3A_72, %dma_wait3A_73] : memref<5120x128xf32, #tpu.memory_space<vmem_shared>> -> memref<5120x128xf32, #tpu.memory_space<vmem_shared>>
      tpu.wait_indirect_dma semaphore(%arg14 : memref<!tpu.dma_semaphore, #tpu.memory_space<semaphore_mem>>) src(%arg8 : memref<64x128xf32, #tpu.memory_space<vmem>>) dst(%dma_wait3A_74 : memref<5120x128xf32, #tpu.memory_space<vmem_shared>>)
      %dma_wait3A_75 = arith.constant 0 : i32
      %dma_wait3A_76 = arith.constant 0 : i32
      %dma_wait3A_77 = tpu.memref_slice %arg12[%dma_wait3A_75, %dma_wait3A_76] : memref<5120x128xf32, #tpu.memory_space<vmem_shared>> -> memref<5120x128xf32, #tpu.memory_space<vmem_shared>>
      tpu.wait_indirect_dma semaphore(%arg15 : memref<!tpu.dma_semaphore, #tpu.memory_space<semaphore_mem>>) src(%arg9 : memref<64x128xf32, #tpu.memory_space<vmem>>) dst(%dma_wait3A_77 : memref<5120x128xf32, #tpu.memory_space<vmem_shared>>)
    }
    %scan3A_25 = arith.constant 160 : i32
    %barrier3A_26 = arith.constant 0 : index
    tpu.barrier barrier_id(%barrier3A_26)
    %mul3A_27 = arith.constant 5000 : i32
    %mul3A_28 = arith.muli %arg0, %mul3A_27 : i32
    %mul3A_29 = arith.constant 312 : i32
    %mul3A_30 = arith.muli %arg1, %mul3A_29 : i32
    %mul3A_31 = arith.constant 312 : i32
    %mul3A_32 = arith.muli %arg1, %mul3A_31 : i32
    %add3A_33 = arith.addi %mul3A_28, %mul3A_32 : i32
    "tpu.region"() ({
      %run_scoped3A = tpu.sem_alloc : memref<!tpu.dma_semaphore, #tpu.memory_space<semaphore_mem>>
      %dma_start3A = arith.constant 0 : i32
      %dma_start3A_41 = tpu.memref_slice %arg6[%add3A_33, %dma_start3A] : memref<10000x128xf32, #tpu.memory_space<hbm>> -> memref<312x128xf32, #tpu.memory_space<hbm>>
      %dma_start3A_42 = arith.constant 0 : i32
      %dma_start3A_43 = tpu.memref_slice %arg11[%mul3A_30, %dma_start3A_42] : memref<5120x128xf32, #tpu.memory_space<vmem_shared>> -> memref<312x128xf32, #tpu.memory_space<vmem_shared>>
      tpu.enqueue_dma source(%dma_start3A_43 : memref<312x128xf32, #tpu.memory_space<vmem_shared>>) target(%dma_start3A_41 : memref<312x128xf32, #tpu.memory_space<hbm>>) target_semaphore(%run_scoped3A : memref<!tpu.dma_semaphore, #tpu.memory_space<semaphore_mem>>)
      %dma_wait3A = arith.constant 0 : i32
      %dma_wait3A_44 = tpu.memref_slice %arg6[%add3A_33, %dma_wait3A] : memref<10000x128xf32, #tpu.memory_space<hbm>> -> memref<312x128xf32, #tpu.memory_space<hbm>>
      %dma_wait3A_45 = arith.constant 0 : i32
      %dma_wait3A_46 = tpu.memref_slice %arg11[%mul3A_30, %dma_wait3A_45] : memref<5120x128xf32, #tpu.memory_space<vmem_shared>> -> memref<312x128xf32, #tpu.memory_space<vmem_shared>>
      tpu.wait_dma2 semaphore(%run_scoped3A : memref<!tpu.dma_semaphore, #tpu.memory_space<semaphore_mem>>) src(%dma_wait3A_46 : memref<312x128xf32, #tpu.memory_space<vmem_shared>>) dst(%dma_wait3A_44 : memref<312x128xf32, #tpu.memory_space<hbm>>)
      tpu.yield
    }) : () -> ()
    %mul3A_34 = arith.constant 312 : i32
    %mul3A_35 = arith.muli %arg1, %mul3A_34 : i32
    %mul3A_36 = arith.constant 312 : i32
    %mul3A_37 = arith.muli %arg1, %mul3A_36 : i32
    %add3A_38 = arith.addi %mul3A_28, %mul3A_37 : i32
    "tpu.region"() ({
      %run_scoped3A = tpu.sem_alloc : memref<!tpu.dma_semaphore, #tpu.memory_space<semaphore_mem>>
      %dma_start3A = arith.constant 0 : i32
      %dma_start3A_41 = tpu.memref_slice %arg7[%add3A_38, %dma_start3A] : memref<10000x128xf32, #tpu.memory_space<hbm>> -> memref<312x128xf32, #tpu.memory_space<hbm>>
      %dma_start3A_42 = arith.constant 0 : i32
      %dma_start3A_43 = tpu.memref_slice %arg12[%mul3A_35, %dma_start3A_42] : memref<5120x128xf32, #tpu.memory_space<vmem_shared>> -> memref<312x128xf32, #tpu.memory_space<vmem_shared>>
      tpu.enqueue_dma source(%dma_start3A_43 : memref<312x128xf32, #tpu.memory_space<vmem_shared>>) target(%dma_start3A_41 : memref<312x128xf32, #tpu.memory_space<hbm>>) target_semaphore(%run_scoped3A : memref<!tpu.dma_semaphore, #tpu.memory_space<semaphore_mem>>)
      %dma_wait3A = arith.constant 0 : i32
      %dma_wait3A_44 = tpu.memref_slice %arg7[%add3A_38, %dma_wait3A] : memref<10000x128xf32, #tpu.memory_space<hbm>> -> memref<312x128xf32, #tpu.memory_space<hbm>>
      %dma_wait3A_45 = arith.constant 0 : i32
      %dma_wait3A_46 = tpu.memref_slice %arg12[%mul3A_35, %dma_wait3A_45] : memref<5120x128xf32, #tpu.memory_space<vmem_shared>> -> memref<312x128xf32, #tpu.memory_space<vmem_shared>>
      tpu.wait_dma2 semaphore(%run_scoped3A : memref<!tpu.dma_semaphore, #tpu.memory_space<semaphore_mem>>) src(%dma_wait3A_46 : memref<312x128xf32, #tpu.memory_space<vmem_shared>>) dst(%dma_wait3A_44 : memref<312x128xf32, #tpu.memory_space<hbm>>)
      tpu.yield
    }) : () -> ()
    %eq3A = arith.constant 15 : i32
    %eq3A_39 = arith.cmpi eq, %arg1, %eq3A : i32
    %convert_element_type3A = arith.extui %eq3A_39 : i1 to i32
    %cond3A = arith.constant 0 : i32
    %cond3A_40 = arith.cmpi ne, %convert_element_type3A, %cond3A : i32
    scf.if %cond3A_40 {
      %add3A_41 = arith.constant 4992 : i32
      %add3A_42 = arith.addi %mul3A_28, %add3A_41 : i32
      "tpu.region"() ({
        %run_scoped3A = tpu.sem_alloc : memref<!tpu.dma_semaphore, #tpu.memory_space<semaphore_mem>>
        %dma_start3A = arith.constant 0 : i32
        %dma_start3A_45 = tpu.memref_slice %arg6[%add3A_42, %dma_start3A] : memref<10000x128xf32, #tpu.memory_space<hbm>> -> memref<8x128xf32, #tpu.memory_space<hbm>>
        %dma_start3A_46 = arith.constant 4992 : i32
        %dma_start3A_47 = arith.constant 0 : i32
        %dma_start3A_48 = tpu.memref_slice %arg11[%dma_start3A_46, %dma_start3A_47] : memref<5120x128xf32, #tpu.memory_space<vmem_shared>> -> memref<8x128xf32, #tpu.memory_space<vmem_shared>>
        tpu.enqueue_dma source(%dma_start3A_48 : memref<8x128xf32, #tpu.memory_space<vmem_shared>>) target(%dma_start3A_45 : memref<8x128xf32, #tpu.memory_space<hbm>>) target_semaphore(%run_scoped3A : memref<!tpu.dma_semaphore, #tpu.memory_space<semaphore_mem>>)
        %dma_wait3A = arith.constant 0 : i32
        %dma_wait3A_49 = tpu.memref_slice %arg6[%add3A_42, %dma_wait3A] : memref<10000x128xf32, #tpu.memory_space<hbm>> -> memref<8x128xf32, #tpu.memory_space<hbm>>
        %dma_wait3A_50 = arith.constant 4992 : i32
        %dma_wait3A_51 = arith.constant 0 : i32
        %dma_wait3A_52 = tpu.memref_slice %arg11[%dma_wait3A_50, %dma_wait3A_51] : memref<5120x128xf32, #tpu.memory_space<vmem_shared>> -> memref<8x128xf32, #tpu.memory_space<vmem_shared>>
        tpu.wait_dma2 semaphore(%run_scoped3A : memref<!tpu.dma_semaphore, #tpu.memory_space<semaphore_mem>>) src(%dma_wait3A_52 : memref<8x128xf32, #tpu.memory_space<vmem_shared>>) dst(%dma_wait3A_49 : memref<8x128xf32, #tpu.memory_space<hbm>>)
        tpu.yield
      }) : () -> ()
      %add3A_43 = arith.constant 4992 : i32
      %add3A_44 = arith.addi %mul3A_28, %add3A_43 : i32
      "tpu.region"() ({
        %run_scoped3A = tpu.sem_alloc : memref<!tpu.dma_semaphore, #tpu.memory_space<semaphore_mem>>
        %dma_start3A = arith.constant 0 : i32
        %dma_start3A_45 = tpu.memref_slice %arg7[%add3A_44, %dma_start3A] : memref<10000x128xf32, #tpu.memory_space<hbm>> -> memref<8x128xf32, #tpu.memory_space<hbm>>
        %dma_start3A_46 = arith.constant 4992 : i32
        %dma_start3A_47 = arith.constant 0 : i32
        %dma_start3A_48 = tpu.memref_slice %arg12[%dma_start3A_46, %dma_start3A_47] : memref<5120x128xf32, #tpu.memory_space<vmem_shared>> -> memref<8x128xf32, #tpu.memory_space<vmem_shared>>
        tpu.enqueue_dma source(%dma_start3A_48 : memref<8x128xf32, #tpu.memory_space<vmem_shared>>) target(%dma_start3A_45 : memref<8x128xf32, #tpu.memory_space<hbm>>) target_semaphore(%run_scoped3A : memref<!tpu.dma_semaphore, #tpu.memory_space<semaphore_mem>>)
        %dma_wait3A = arith.constant 0 : i32
        %dma_wait3A_49 = tpu.memref_slice %arg7[%add3A_44, %dma_wait3A] : memref<10000x128xf32, #tpu.memory_space<hbm>> -> memref<8x128xf32, #tpu.memory_space<hbm>>
        %dma_wait3A_50 = arith.constant 4992 : i32
        %dma_wait3A_51 = arith.constant 0 : i32
        %dma_wait3A_52 = tpu.memref_slice %arg12[%dma_wait3A_50, %dma_wait3A_51] : memref<5120x128xf32, #tpu.memory_space<vmem_shared>> -> memref<8x128xf32, #tpu.memory_space<vmem_shared>>
        tpu.wait_dma2 semaphore(%run_scoped3A : memref<!tpu.dma_semaphore, #tpu.memory_space<semaphore_mem>>) src(%dma_wait3A_52 : memref<8x128xf32, #tpu.memory_space<vmem_shared>>) dst(%dma_wait3A_49 : memref<8x128xf32, #tpu.memory_space<hbm>>)
        tpu.yield
      }) : () -> ()
    } else {
    }
    return
  }
}

module attributes {stable_mosaic.version = 14 : i64} {
  func.func @_qkv_body(%arg0: i32, %arg1: i32, %arg2: memref<1000x128xf32, #tpu.memory_space<vmem>>, %arg3: memref<1x128x128xf32, #tpu.memory_space<vmem>>, %arg4: memref<1x128x128xf32, #tpu.memory_space<vmem>>, %arg5: memref<1x128x128xf32, #tpu.memory_space<vmem>>, %arg6: memref<1000x128xf32, #tpu.memory_space<vmem>>, %arg7: memref<1000x128xf32, #tpu.memory_space<vmem>>, %arg8: memref<1000x128xf32, #tpu.memory_space<vmem>>) attributes {dimension_semantics = [#tpu.dimension_semantics<arbitrary>, #tpu.dimension_semantics<arbitrary>], iteration_bounds = array<i64: 4, 10>, scalar_prefetch = 0 : i64, scratch_operands = 0 : i64, tpu.core_type = #tpu.core_type<tc>, window_params = [{transform_indices = @transform_0, window_bounds = array<i64: 1000, 128>}, {transform_indices = @transform_1, window_bounds = array<i64: 1, 128, 128>}, {transform_indices = @transform_2, window_bounds = array<i64: 1, 128, 128>}, {transform_indices = @transform_3, window_bounds = array<i64: 1, 128, 128>}, {transform_indices = @transform_4, window_bounds = array<i64: 1000, 128>}, {transform_indices = @transform_5, window_bounds = array<i64: 1000, 128>}, {transform_indices = @transform_6, window_bounds = array<i64: 1000, 128>}]} {
    %get3A = arith.constant 0 : index
    %get3A_0 = arith.constant 0 : index
    %get3A_1 = vector.load %arg2[%get3A, %get3A_0] : memref<1000x128xf32, #tpu.memory_space<vmem>>, vector<1000x128xf32>
    %get3A_2 = arith.constant 0 : index
    %get3A_3 = arith.constant 0 : index
    %get3A_4 = arith.constant 0 : index
    %get3A_5 = vector.load %arg3[%get3A_2, %get3A_3, %get3A_4] : memref<1x128x128xf32, #tpu.memory_space<vmem>>, vector<1x128x128xf32>
    %get3A_6 = vector.shape_cast %get3A_5 : vector<1x128x128xf32> to vector<128x128xf32>
    %dot_general3A = arith.constant dense<0.000000e+00> : vector<1000x128xf32>
    %dot_general3A_7 = tpu.matmul %get3A_1, %get3A_6, %dot_general3A {dimension_numbers = #tpu.dot_dimension_numbers<[1], [1], [0], [0], [0, 0, 1, 0], [], []>, precision = #tpu.contract_precision<fp32>, transpose_lhs_hint = false} : vector<1000x128xf32>, vector<128x128xf32>, vector<1000x128xf32> -> vector<1000x128xf32>
    %swap3A = arith.constant 0 : index
    %swap3A_8 = arith.constant 0 : index
    %swap3A_9 = vector.load %arg6[%swap3A, %swap3A_8] : memref<1000x128xf32, #tpu.memory_space<vmem>>, vector<1000x128xf32>
    tpu.vector_store %arg6[%swap3A, %swap3A_8], %dot_general3A_7 {strides = array<i32>} : memref<1000x128xf32, #tpu.memory_space<vmem>>, vector<1000x128xf32>,
    %get3A_10 = arith.constant 0 : index
    %get3A_11 = arith.constant 0 : index
    %get3A_12 = arith.constant 0 : index
    %get3A_13 = vector.load %arg4[%get3A_10, %get3A_11, %get3A_12] : memref<1x128x128xf32, #tpu.memory_space<vmem>>, vector<1x128x128xf32>
    %get3A_14 = vector.shape_cast %get3A_13 : vector<1x128x128xf32> to vector<128x128xf32>
    %dot_general3A_15 = arith.constant dense<0.000000e+00> : vector<1000x128xf32>
    %dot_general3A_16 = tpu.matmul %get3A_1, %get3A_14, %dot_general3A_15 {dimension_numbers = #tpu.dot_dimension_numbers<[1], [1], [0], [0], [0, 0, 1, 0], [], []>, precision = #tpu.contract_precision<fp32>, transpose_lhs_hint = false} : vector<1000x128xf32>, vector<128x128xf32>, vector<1000x128xf32> -> vector<1000x128xf32>
    %swap3A_17 = arith.constant 0 : index
    %swap3A_18 = arith.constant 0 : index
    %swap3A_19 = vector.load %arg7[%swap3A_17, %swap3A_18] : memref<1000x128xf32, #tpu.memory_space<vmem>>, vector<1000x128xf32>
    tpu.vector_store %arg7[%swap3A_17, %swap3A_18], %dot_general3A_16 {strides = array<i32>} : memref<1000x128xf32, #tpu.memory_space<vmem>>, vector<1000x128xf32>,
    %get3A_20 = arith.constant 0 : index
    %get3A_21 = arith.constant 0 : index
    %get3A_22 = arith.constant 0 : index
    %get3A_23 = vector.load %arg5[%get3A_20, %get3A_21, %get3A_22] : memref<1x128x128xf32, #tpu.memory_space<vmem>>, vector<1x128x128xf32>
    %get3A_24 = vector.shape_cast %get3A_23 : vector<1x128x128xf32> to vector<128x128xf32>
    %dot_general3A_25 = arith.constant dense<0.000000e+00> : vector<1000x128xf32>
    %dot_general3A_26 = tpu.matmul %get3A_1, %get3A_24, %dot_general3A_25 {dimension_numbers = #tpu.dot_dimension_numbers<[1], [1], [0], [0], [0, 0, 1, 0], [], []>, precision = #tpu.contract_precision<fp32>, transpose_lhs_hint = false} : vector<1000x128xf32>, vector<128x128xf32>, vector<1000x128xf32> -> vector<1000x128xf32>
    %swap3A_27 = arith.constant 0 : index
    %swap3A_28 = arith.constant 0 : index
    %swap3A_29 = vector.load %arg8[%swap3A_27, %swap3A_28] : memref<1000x128xf32, #tpu.memory_space<vmem>>, vector<1000x128xf32>
    tpu.vector_store %arg8[%swap3A_27, %swap3A_28], %dot_general3A_26 {strides = array<i32>} : memref<1000x128xf32, #tpu.memory_space<vmem>>, vector<1000x128xf32>,
    return
  }
  func.func @transform_0(%arg0: i32, %arg1: i32) -> (i32, i32) {
    %c0_i32 = arith.constant 0 : i32
    %c0_i32_0 = arith.constant 0 : i32
    return %arg1, %c0_i32 : i32, i32
  }
  func.func @transform_1(%arg0: i32, %arg1: i32) -> (i32, i32, i32) {
    %c0_i32 = arith.constant 0 : i32
    %c0_i32_0 = arith.constant 0 : i32
    %c0_i32_1 = arith.constant 0 : i32
    return %arg0, %c0_i32, %c0_i32_0 : i32, i32, i32
  }
  func.func @transform_2(%arg0: i32, %arg1: i32) -> (i32, i32, i32) {
    %c0_i32 = arith.constant 0 : i32
    %c0_i32_0 = arith.constant 0 : i32
    %c0_i32_1 = arith.constant 0 : i32
    return %arg0, %c0_i32, %c0_i32_0 : i32, i32, i32
  }
  func.func @transform_3(%arg0: i32, %arg1: i32) -> (i32, i32, i32) {
    %c0_i32 = arith.constant 0 : i32
    %c0_i32_0 = arith.constant 0 : i32
    %c0_i32_1 = arith.constant 0 : i32
    return %arg0, %c0_i32, %c0_i32_0 : i32, i32, i32
  }
  func.func @transform_4(%arg0: i32, %arg1: i32) -> (i32, i32) {
    %mul3A = arith.constant 10 : i32
    %mul3A_0 = arith.muli %arg0, %mul3A : i32
    %add3A = arith.addi %mul3A_0, %arg1 : i32
    %c0_i32 = arith.constant 0 : i32
    %c0_i32_1 = arith.constant 0 : i32
    return %add3A, %c0_i32 : i32, i32
  }
  func.func @transform_5(%arg0: i32, %arg1: i32) -> (i32, i32) {
    %mul3A = arith.constant 10 : i32
    %mul3A_0 = arith.muli %arg0, %mul3A : i32
    %add3A = arith.addi %mul3A_0, %arg1 : i32
    %c0_i32 = arith.constant 0 : i32
    %c0_i32_1 = arith.constant 0 : i32
    return %add3A, %c0_i32 : i32, i32
  }
  func.func @transform_6(%arg0: i32, %arg1: i32) -> (i32, i32) {
    %mul3A = arith.constant 10 : i32
    %mul3A_0 = arith.muli %arg0, %mul3A : i32
    %add3A = arith.addi %mul3A_0, %arg1 : i32
    %c0_i32 = arith.constant 0 : i32
    %c0_i32_1 = arith.constant 0 : i32
    return %add3A, %c0_i32 : i32, i32
  }
}

module attributes {stable_mosaic.version = 14 : i64} {
  func.func @_score_body(%arg0: i32, %arg1: memref<1024x128xf32, #tpu.memory_space<vmem>>, %arg2: memref<1024x128xf32, #tpu.memory_space<vmem>>, %arg3: memref<1024x128xf32, #tpu.memory_space<vmem>>, %arg4: memref<1024x128xf32, #tpu.memory_space<vmem>>, %arg5: memref<1024x128xf32, #tpu.memory_space<vmem>>) attributes {dimension_semantics = [#tpu.dimension_semantics<arbitrary>], iteration_bounds = array<i64: 320>, scalar_prefetch = 0 : i64, scratch_operands = 0 : i64, tpu.core_type = #tpu.core_type<tc>, window_params = [{transform_indices = @transform_0, window_bounds = array<i64: 1024, 128>}, {transform_indices = @transform_1, window_bounds = array<i64: 1024, 128>}, {transform_indices = @transform_2, window_bounds = array<i64: 1024, 128>}, {transform_indices = @transform_3, window_bounds = array<i64: 1024, 128>}, {transform_indices = @transform_4, window_bounds = array<i64: 1024, 128>}]} {
    %get3A = arith.constant 0 : index
    %get3A_0 = arith.constant 0 : index
    %get3A_1 = vector.load %arg1[%get3A, %get3A_0] : memref<1024x128xf32, #tpu.memory_space<vmem>>, vector<1024x128xf32>
    %get3A_2 = arith.constant 0 : index
    %get3A_3 = arith.constant 0 : index
    %get3A_4 = vector.load %arg2[%get3A_2, %get3A_3] : memref<1024x128xf32, #tpu.memory_space<vmem>>, vector<1024x128xf32>
    %get3A_5 = arith.constant 0 : index
    %get3A_6 = arith.constant 0 : index
    %get3A_7 = vector.load %arg3[%get3A_5, %get3A_6] : memref<1024x128xf32, #tpu.memory_space<vmem>>, vector<1024x128xf32>
    %broadcast_in_dim3A = arith.constant 0.000000e+00 : f32
    %broadcast_in_dim3A_8 = vector.broadcast %broadcast_in_dim3A : f32 to vector<1024x1xf32>
    %slice3A = vector.extract_strided_slice %get3A_1 {offsets = [0, 0], sizes = [1024, 32], strides = [1, 1]} : vector<1024x128xf32> to vector<1024x32xf32>
    %slice3A_9 = vector.extract_strided_slice %get3A_4 {offsets = [0, 0], sizes = [1024, 32], strides = [1, 1]} : vector<1024x128xf32> to vector<1024x32xf32>
    %mul3A = arith.mulf %slice3A, %slice3A_9 : vector<1024x32xf32>
    %reduce_sum3A = arith.constant dense<0.000000e+00> : vector<1024xf32>
    %reduce_sum3A_10 = vector.multi_reduction <add>, %mul3A, %reduce_sum3A [1] : vector<1024x32xf32> to vector<1024xf32>
    %broadcast_in_dim3A_11 = vector.shape_cast %reduce_sum3A_10 : vector<1024xf32> to vector<1024x1xf32>
    %mul3A_12 = arith.constant 0.176776692 : f32
    %mul3A_13 = vector.broadcast %mul3A_12 : f32 to vector<1024x1xf32>
    %mul3A_14 = arith.mulf %broadcast_in_dim3A_11, %mul3A_13 : vector<1024x1xf32>
    %exp3A = math.exp %mul3A_14 : vector<1024x1xf32>
    %slice3A_15 = vector.extract_strided_slice %get3A_7 {offsets = [0, 0], sizes = [1024, 32], strides = [1, 1]} : vector<1024x128xf32> to vector<1024x32xf32>
    %mul3A_16 = vector.broadcast %exp3A : vector<1024x1xf32> to vector<1024x32xf32>
    %mul3A_17 = arith.mulf %slice3A_15, %mul3A_16 : vector<1024x32xf32>
    %swap3A = arith.constant 0 : index
    %swap3A_18 = arith.constant 0 : index
    %swap3A_19 = vector.load %arg4[%swap3A, %swap3A_18] : memref<1024x128xf32, #tpu.memory_space<vmem>>, vector<1024x32xf32>
    tpu.vector_store %arg4[%swap3A, %swap3A_18], %mul3A_17 {strides = array<i32>} : memref<1024x128xf32, #tpu.memory_space<vmem>>, vector<1024x32xf32>,
    %add3A = arith.addf %broadcast_in_dim3A_8, %exp3A : vector<1024x1xf32>
    %slice3A_20 = vector.extract_strided_slice %get3A_1 {offsets = [0, 32], sizes = [1024, 32], strides = [1, 1]} : vector<1024x128xf32> to vector<1024x32xf32>
    %slice3A_21 = vector.extract_strided_slice %get3A_4 {offsets = [0, 32], sizes = [1024, 32], strides = [1, 1]} : vector<1024x128xf32> to vector<1024x32xf32>
    %mul3A_22 = arith.mulf %slice3A_20, %slice3A_21 : vector<1024x32xf32>
    %reduce_sum3A_23 = arith.constant dense<0.000000e+00> : vector<1024xf32>
    %reduce_sum3A_24 = vector.multi_reduction <add>, %mul3A_22, %reduce_sum3A_23 [1] : vector<1024x32xf32> to vector<1024xf32>
    %broadcast_in_dim3A_25 = vector.shape_cast %reduce_sum3A_24 : vector<1024xf32> to vector<1024x1xf32>
    %mul3A_26 = arith.constant 0.176776692 : f32
    %mul3A_27 = vector.broadcast %mul3A_26 : f32 to vector<1024x1xf32>
    %mul3A_28 = arith.mulf %broadcast_in_dim3A_25, %mul3A_27 : vector<1024x1xf32>
    %exp3A_29 = math.exp %mul3A_28 : vector<1024x1xf32>
    %slice3A_30 = vector.extract_strided_slice %get3A_7 {offsets = [0, 32], sizes = [1024, 32], strides = [1, 1]} : vector<1024x128xf32> to vector<1024x32xf32>
    %mul3A_31 = vector.broadcast %exp3A_29 : vector<1024x1xf32> to vector<1024x32xf32>
    %mul3A_32 = arith.mulf %slice3A_30, %mul3A_31 : vector<1024x32xf32>
    %swap3A_33 = arith.constant 0 : index
    %swap3A_34 = arith.constant 32 : index
    %swap3A_35 = vector.load %arg4[%swap3A_33, %swap3A_34] : memref<1024x128xf32, #tpu.memory_space<vmem>>, vector<1024x32xf32>
    tpu.vector_store %arg4[%swap3A_33, %swap3A_34], %mul3A_32 {strides = array<i32>} : memref<1024x128xf32, #tpu.memory_space<vmem>>, vector<1024x32xf32>,
    %add3A_36 = arith.addf %add3A, %exp3A_29 : vector<1024x1xf32>
    %slice3A_37 = vector.extract_strided_slice %get3A_1 {offsets = [0, 64], sizes = [1024, 32], strides = [1, 1]} : vector<1024x128xf32> to vector<1024x32xf32>
    %slice3A_38 = vector.extract_strided_slice %get3A_4 {offsets = [0, 64], sizes = [1024, 32], strides = [1, 1]} : vector<1024x128xf32> to vector<1024x32xf32>
    %mul3A_39 = arith.mulf %slice3A_37, %slice3A_38 : vector<1024x32xf32>
    %reduce_sum3A_40 = arith.constant dense<0.000000e+00> : vector<1024xf32>
    %reduce_sum3A_41 = vector.multi_reduction <add>, %mul3A_39, %reduce_sum3A_40 [1] : vector<1024x32xf32> to vector<1024xf32>
    %broadcast_in_dim3A_42 = vector.shape_cast %reduce_sum3A_41 : vector<1024xf32> to vector<1024x1xf32>
    %mul3A_43 = arith.constant 0.176776692 : f32
    %mul3A_44 = vector.broadcast %mul3A_43 : f32 to vector<1024x1xf32>
    %mul3A_45 = arith.mulf %broadcast_in_dim3A_42, %mul3A_44 : vector<1024x1xf32>
    %exp3A_46 = math.exp %mul3A_45 : vector<1024x1xf32>
    %slice3A_47 = vector.extract_strided_slice %get3A_7 {offsets = [0, 64], sizes = [1024, 32], strides = [1, 1]} : vector<1024x128xf32> to vector<1024x32xf32>
    %mul3A_48 = vector.broadcast %exp3A_46 : vector<1024x1xf32> to vector<1024x32xf32>
    %mul3A_49 = arith.mulf %slice3A_47, %mul3A_48 : vector<1024x32xf32>
    %swap3A_50 = arith.constant 0 : index
    %swap3A_51 = arith.constant 64 : index
    %swap3A_52 = vector.load %arg4[%swap3A_50, %swap3A_51] : memref<1024x128xf32, #tpu.memory_space<vmem>>, vector<1024x32xf32>
    tpu.vector_store %arg4[%swap3A_50, %swap3A_51], %mul3A_49 {strides = array<i32>} : memref<1024x128xf32, #tpu.memory_space<vmem>>, vector<1024x32xf32>,
    %add3A_53 = arith.addf %add3A_36, %exp3A_46 : vector<1024x1xf32>
    %slice3A_54 = vector.extract_strided_slice %get3A_1 {offsets = [0, 96], sizes = [1024, 32], strides = [1, 1]} : vector<1024x128xf32> to vector<1024x32xf32>
    %slice3A_55 = vector.extract_strided_slice %get3A_4 {offsets = [0, 96], sizes = [1024, 32], strides = [1, 1]} : vector<1024x128xf32> to vector<1024x32xf32>
    %mul3A_56 = arith.mulf %slice3A_54, %slice3A_55 : vector<1024x32xf32>
    %reduce_sum3A_57 = arith.constant dense<0.000000e+00> : vector<1024xf32>
    %reduce_sum3A_58 = vector.multi_reduction <add>, %mul3A_56, %reduce_sum3A_57 [1] : vector<1024x32xf32> to vector<1024xf32>
    %broadcast_in_dim3A_59 = vector.shape_cast %reduce_sum3A_58 : vector<1024xf32> to vector<1024x1xf32>
    %mul3A_60 = arith.constant 0.176776692 : f32
    %mul3A_61 = vector.broadcast %mul3A_60 : f32 to vector<1024x1xf32>
    %mul3A_62 = arith.mulf %broadcast_in_dim3A_59, %mul3A_61 : vector<1024x1xf32>
    %exp3A_63 = math.exp %mul3A_62 : vector<1024x1xf32>
    %slice3A_64 = vector.extract_strided_slice %get3A_7 {offsets = [0, 96], sizes = [1024, 32], strides = [1, 1]} : vector<1024x128xf32> to vector<1024x32xf32>
    %mul3A_65 = vector.broadcast %exp3A_63 : vector<1024x1xf32> to vector<1024x32xf32>
    %mul3A_66 = arith.mulf %slice3A_64, %mul3A_65 : vector<1024x32xf32>
    %swap3A_67 = arith.constant 0 : index
    %swap3A_68 = arith.constant 96 : index
    %swap3A_69 = vector.load %arg4[%swap3A_67, %swap3A_68] : memref<1024x128xf32, #tpu.memory_space<vmem>>, vector<1024x32xf32>
    tpu.vector_store %arg4[%swap3A_67, %swap3A_68], %mul3A_66 {strides = array<i32>} : memref<1024x128xf32, #tpu.memory_space<vmem>>, vector<1024x32xf32>,
    %add3A_70 = arith.addf %add3A_53, %exp3A_63 : vector<1024x1xf32>
    %broadcast_in_dim3A_71 = arith.constant 0.000000e+00 : f32
    %broadcast_in_dim3A_72 = vector.broadcast %broadcast_in_dim3A_71 : f32 to vector<1024x127xf32>
    %concatenate3A = tpu.concatenate %add3A_70, %broadcast_in_dim3A_72 in 1 : vector<1024x1xf32>, vector<1024x127xf32> -> vector<1024x128xf32>
    %swap3A_73 = arith.constant 0 : index
    %swap3A_74 = arith.constant 0 : index
    %swap3A_75 = vector.load %arg5[%swap3A_73, %swap3A_74] : memref<1024x128xf32, #tpu.memory_space<vmem>>, vector<1024x128xf32>
    tpu.vector_store %arg5[%swap3A_73, %swap3A_74], %concatenate3A {strides = array<i32>} : memref<1024x128xf32, #tpu.memory_space<vmem>>, vector<1024x128xf32>,
    return
  }
  func.func @transform_0(%arg0: i32) -> (i32, i32) {
    %c0_i32 = arith.constant 0 : i32
    %c0_i32_0 = arith.constant 0 : i32
    return %arg0, %c0_i32 : i32, i32
  }
  func.func @transform_1(%arg0: i32) -> (i32, i32) {
    %c0_i32 = arith.constant 0 : i32
    %c0_i32_0 = arith.constant 0 : i32
    return %arg0, %c0_i32 : i32, i32
  }
  func.func @transform_2(%arg0: i32) -> (i32, i32) {
    %c0_i32 = arith.constant 0 : i32
    %c0_i32_0 = arith.constant 0 : i32
    return %arg0, %c0_i32 : i32, i32
  }
  func.func @transform_3(%arg0: i32) -> (i32, i32) {
    %c0_i32 = arith.constant 0 : i32
    %c0_i32_0 = arith.constant 0 : i32
    return %arg0, %c0_i32 : i32, i32
  }
  func.func @transform_4(%arg0: i32) -> (i32, i32) {
    %c0_i32 = arith.constant 0 : i32
    %c0_i32_0 = arith.constant 0 : i32
    return %arg0, %c0_i32 : i32, i32
  }
}

module attributes {stable_mosaic.version = 14 : i64} {
  func.func @_tail_body(%arg0: i32, %arg1: memref<1000x128xf32, #tpu.memory_space<vmem>>, %arg2: memref<4000x128xf32, #tpu.memory_space<vmem>>, %arg3: memref<4000x128xf32, #tpu.memory_space<vmem>>, %arg4: memref<128x128xf32, #tpu.memory_space<vmem>>, %arg5: memref<1x128xf32, #tpu.memory_space<vmem>>, %arg6: memref<8x128xf32, #tpu.memory_space<vmem>>, %arg7: memref<1x8xf32, #tpu.memory_space<vmem>>, %arg8: memref<8x512x128xf32, #tpu.memory_space<vmem>>, %arg9: memref<8x128xf32, #tpu.memory_space<vmem>>, %arg10: memref<128x1024xf32, #tpu.memory_space<vmem>>, %arg11: memref<1x128xf32, #tpu.memory_space<vmem>>, %arg12: memref<1x128xf32, #tpu.memory_space<vmem>>, %arg13: memref<1x128xf32, #tpu.memory_space<vmem>>, %arg14: memref<1000x128xf32, #tpu.memory_space<vmem>>) attributes {dimension_semantics = [#tpu.dimension_semantics<arbitrary>], iteration_bounds = array<i64: 10>, scalar_prefetch = 0 : i64, scratch_operands = 0 : i64, tpu.core_type = #tpu.core_type<tc>, window_params = [{transform_indices = @transform_0, window_bounds = array<i64: 1000, 128>}, {transform_indices = @transform_1, window_bounds = array<i64: 4000, 128>}, {transform_indices = @transform_2, window_bounds = array<i64: 4000, 128>}, {pipeline_mode = #tpu.pipeline_mode<synchronous>, transform_indices = @transform_3, window_bounds = array<i64: 128, 128>}, {pipeline_mode = #tpu.pipeline_mode<synchronous>, transform_indices = @transform_4, window_bounds = array<i64: 1, 128>}, {pipeline_mode = #tpu.pipeline_mode<synchronous>, transform_indices = @transform_5, window_bounds = array<i64: 8, 128>}, {pipeline_mode = #tpu.pipeline_mode<synchronous>, transform_indices = @transform_6, window_bounds = array<i64: 1, 8>}, {pipeline_mode = #tpu.pipeline_mode<synchronous>, transform_indices = @transform_7, window_bounds = array<i64: 8, 512, 128>}, {pipeline_mode = #tpu.pipeline_mode<synchronous>, transform_indices = @transform_8, window_bounds = array<i64: 8, 128>}, {pipeline_mode = #tpu.pipeline_mode<synchronous>, transform_indices = @transform_9, window_bounds = array<i64: 128, 1024>}, {pipeline_mode = #tpu.pipeline_mode<synchronous>, transform_indices = @transform_10, window_bounds = array<i64: 1, 128>}, {pipeline_mode = #tpu.pipeline_mode<synchronous>, transform_indices = @transform_11, window_bounds = array<i64: 1, 128>}, {pipeline_mode = #tpu.pipeline_mode<synchronous>, transform_indices = @transform_12, window_bounds = array<i64: 1, 128>}, {transform_indices = @transform_13, window_bounds = array<i64: 1000, 128>}]} {
    %get3A = arith.constant 0 : index
    %get3A_0 = arith.constant 0 : index
    %get3A_1 = vector.load %arg1[%get3A, %get3A_0] : memref<1000x128xf32, #tpu.memory_space<vmem>>, vector<1000x128xf32>
    %get3A_2 = arith.constant 0 : index
    %get3A_3 = arith.constant 0 : index
    %get3A_4 = vector.load %arg4[%get3A_2, %get3A_3] : memref<128x128xf32, #tpu.memory_space<vmem>>, vector<128x128xf32>
    %dot_general3A = arith.constant dense<0.000000e+00> : vector<1000x128xf32>
    %dot_general3A_5 = tpu.matmul %get3A_1, %get3A_4, %dot_general3A {dimension_numbers = #tpu.dot_dimension_numbers<[1], [1], [0], [0], [0, 0, 1, 0], [], []>, precision = #tpu.contract_precision<fp32>, transpose_lhs_hint = false} : vector<1000x128xf32>, vector<128x128xf32>, vector<1000x128xf32> -> vector<1000x128xf32>
    %get3A_6 = arith.constant 0 : index
    %get3A_7 = arith.constant 0 : index
    %get3A_8 = vector.load %arg5[%get3A_6, %get3A_7] : memref<1x128xf32, #tpu.memory_space<vmem>>, vector<1x128xf32>
    %add3A = vector.broadcast %get3A_8 : vector<1x128xf32> to vector<1000x128xf32>
    %add3A_9 = arith.addf %dot_general3A_5, %add3A : vector<1000x128xf32>
    %max3A = arith.constant 0.000000e+00 : f32
    %max3A_10 = vector.broadcast %max3A : f32 to vector<1000x128xf32>
    %max3A_11 = arith.maximumf %add3A_9, %max3A_10 : vector<1000x128xf32>
    %get3A_12 = arith.constant 0 : index
    %get3A_13 = arith.constant 0 : index
    %get3A_14 = vector.load %arg6[%get3A_12, %get3A_13] : memref<8x128xf32, #tpu.memory_space<vmem>>, vector<8x128xf32>
    %dot_general3A_15 = arith.constant dense<0.000000e+00> : vector<1000x8xf32>
    %dot_general3A_16 = tpu.matmul %max3A_11, %get3A_14, %dot_general3A_15 {dimension_numbers = #tpu.dot_dimension_numbers<[1], [1], [0], [0], [0, 0, 1, 0], [], []>, precision = #tpu.contract_precision<fp32>, transpose_lhs_hint = false} : vector<1000x128xf32>, vector<8x128xf32>, vector<1000x8xf32> -> vector<1000x8xf32>
    %get3A_17 = arith.constant 0 : index
    %get3A_18 = arith.constant 0 : index
    %get3A_19 = vector.load %arg7[%get3A_17, %get3A_18] : memref<1x8xf32, #tpu.memory_space<vmem>>, vector<1x8xf32>
    %add3A_20 = vector.broadcast %get3A_19 : vector<1x8xf32> to vector<1000x8xf32>
    %add3A_21 = arith.addf %dot_general3A_16, %add3A_20 : vector<1000x8xf32>
    %reduce_max3A = arith.constant dense<0xFF800000> : vector<1000xf32>
    %reduce_max3A_22 = vector.multi_reduction <maximumf>, %add3A_21, %reduce_max3A [1] : vector<1000x8xf32> to vector<1000xf32>
    %broadcast_in_dim3A = vector.shape_cast %reduce_max3A_22 : vector<1000xf32> to vector<1000x1xf32>
    %sub3A = vector.broadcast %broadcast_in_dim3A : vector<1000x1xf32> to vector<1000x8xf32>
    %sub3A_23 = arith.subf %add3A_21, %sub3A : vector<1000x8xf32>
    %exp3A = math.exp %sub3A_23 : vector<1000x8xf32>
    %reduce_sum3A = arith.constant dense<0.000000e+00> : vector<1000xf32>
    %reduce_sum3A_24 = vector.multi_reduction <add>, %exp3A, %reduce_sum3A [1] : vector<1000x8xf32> to vector<1000xf32>
    %broadcast_in_dim3A_25 = vector.shape_cast %reduce_sum3A_24 : vector<1000xf32> to vector<1000x1xf32>
    %div3A = vector.broadcast %broadcast_in_dim3A_25 : vector<1000x1xf32> to vector<1000x8xf32>
    %div3A_26 = arith.divf %exp3A, %div3A : vector<1000x8xf32>
    %get3A_27 = arith.constant 0 : index
    %get3A_28 = arith.constant 0 : index
    %get3A_29 = vector.load %arg2[%get3A_27, %get3A_28] : memref<4000x128xf32, #tpu.memory_space<vmem>>, vector<4000x128xf32>
    %get3A_30 = arith.constant 0 : index
    %get3A_31 = arith.constant 0 : index
    %get3A_32 = vector.load %arg3[%get3A_30, %get3A_31] : memref<4000x128xf32, #tpu.memory_space<vmem>>, vector<4000x128xf32>
    %slice3A = vector.extract_strided_slice %get3A_32 {offsets = [0, 0], sizes = [4000, 1], strides = [1, 1]} : vector<4000x128xf32> to vector<4000x1xf32>
    %add3A_33 = arith.constant 1.000000e-16 : f32
    %add3A_34 = vector.broadcast %add3A_33 : f32 to vector<4000x1xf32>
    %add3A_35 = arith.addf %slice3A, %add3A_34 : vector<4000x1xf32>
    %div3A_36 = vector.broadcast %add3A_35 : vector<4000x1xf32> to vector<4000x128xf32>
    %div3A_37 = arith.divf %get3A_29, %div3A_36 : vector<4000x128xf32>
    %reshape3A = vector.shape_cast %div3A_37 : vector<4000x128xf32> to vector<1000x512xf32>
    %broadcast_in_dim3A_38 = arith.constant 0.000000e+00 : f32
    %broadcast_in_dim3A_39 = vector.broadcast %broadcast_in_dim3A_38 : f32 to vector<1000x128xf32>
    %get3A_40 = arith.constant 0 : index
    %get3A_41 = arith.constant 0 : index
    %get3A_42 = arith.constant 0 : index
    %get3A_43 = vector.load %arg8[%get3A_40, %get3A_41, %get3A_42] : memref<8x512x128xf32, #tpu.memory_space<vmem>>, vector<1x512x128xf32>
    %get3A_44 = vector.shape_cast %get3A_43 : vector<1x512x128xf32> to vector<512x128xf32>
    %dot_general3A_45 = arith.constant dense<0.000000e+00> : vector<1000x128xf32>
    %dot_general3A_46 = tpu.matmul %reshape3A, %get3A_44, %dot_general3A_45 {dimension_numbers = #tpu.dot_dimension_numbers<[1], [0], [0], [1], [0, 0, 1, 1], [], []>, precision = #tpu.contract_precision<fp32>, transpose_lhs_hint = false} : vector<1000x512xf32>, vector<512x128xf32>, vector<1000x128xf32> -> vector<1000x128xf32>
    %get3A_47 = arith.constant 0 : index
    %get3A_48 = arith.constant 0 : index
    %get3A_49 = vector.load %arg9[%get3A_47, %get3A_48] : memref<8x128xf32, #tpu.memory_space<vmem>>, vector<1x128xf32>
    %get3A_50 = vector.shape_cast %get3A_49 : vector<1x128xf32> to vector<128xf32>
    %broadcast_in_dim3A_51 = vector.shape_cast %get3A_50 : vector<128xf32> to vector<1x128xf32>
    %add3A_52 = vector.broadcast %broadcast_in_dim3A_51 : vector<1x128xf32> to vector<1000x128xf32>
    %add3A_53 = arith.addf %dot_general3A_46, %add3A_52 : vector<1000x128xf32>
    %max3A_54 = arith.constant 0.000000e+00 : f32
    %max3A_55 = vector.broadcast %max3A_54 : f32 to vector<1000x128xf32>
    %max3A_56 = arith.maximumf %add3A_53, %max3A_55 : vector<1000x128xf32>
    %slice3A_57 = vector.extract_strided_slice %div3A_26 {offsets = [0, 0], sizes = [1000, 1], strides = [1, 1]} : vector<1000x8xf32> to vector<1000x1xf32>
    %mul3A = vector.broadcast %slice3A_57 : vector<1000x1xf32> to vector<1000x128xf32>
    %mul3A_58 = arith.mulf %max3A_56, %mul3A : vector<1000x128xf32>
    %get3A_59 = arith.constant 0 : index
    %get3A_60 = arith.constant 0 : index
    %get3A_61 = vector.load %arg10[%get3A_59, %get3A_60] : memref<128x1024xf32, #tpu.memory_space<vmem>>, vector<128x128xf32>
    %dot_general3A_62 = arith.constant dense<0.000000e+00> : vector<1000x128xf32>
    %dot_general3A_63 = tpu.matmul %mul3A_58, %get3A_61, %dot_general3A_62 {dimension_numbers = #tpu.dot_dimension_numbers<[1], [1], [0], [0], [0, 0, 1, 0], [], []>, precision = #tpu.contract_precision<fp32>, transpose_lhs_hint = false} : vector<1000x128xf32>, vector<128x128xf32>, vector<1000x128xf32> -> vector<1000x128xf32>
    %add3A_64 = arith.addf %broadcast_in_dim3A_39, %dot_general3A_63 : vector<1000x128xf32>
    %get3A_65 = arith.constant 1 : index
    %get3A_66 = arith.constant 0 : index
    %get3A_67 = arith.constant 0 : index
    %get3A_68 = vector.load %arg8[%get3A_65, %get3A_66, %get3A_67] : memref<8x512x128xf32, #tpu.memory_space<vmem>>, vector<1x512x128xf32>
    %get3A_69 = vector.shape_cast %get3A_68 : vector<1x512x128xf32> to vector<512x128xf32>
    %dot_general3A_70 = arith.constant dense<0.000000e+00> : vector<1000x128xf32>
    %dot_general3A_71 = tpu.matmul %reshape3A, %get3A_69, %dot_general3A_70 {dimension_numbers = #tpu.dot_dimension_numbers<[1], [0], [0], [1], [0, 0, 1, 1], [], []>, precision = #tpu.contract_precision<fp32>, transpose_lhs_hint = false} : vector<1000x512xf32>, vector<512x128xf32>, vector<1000x128xf32> -> vector<1000x128xf32>
    %get3A_72 = arith.constant 1 : index
    %get3A_73 = arith.constant 0 : index
    %get3A_74 = vector.load %arg9[%get3A_72, %get3A_73] : memref<8x128xf32, #tpu.memory_space<vmem>>, vector<1x128xf32>
    %get3A_75 = vector.shape_cast %get3A_74 : vector<1x128xf32> to vector<128xf32>
    %broadcast_in_dim3A_76 = vector.shape_cast %get3A_75 : vector<128xf32> to vector<1x128xf32>
    %add3A_77 = vector.broadcast %broadcast_in_dim3A_76 : vector<1x128xf32> to vector<1000x128xf32>
    %add3A_78 = arith.addf %dot_general3A_71, %add3A_77 : vector<1000x128xf32>
    %max3A_79 = arith.constant 0.000000e+00 : f32
    %max3A_80 = vector.broadcast %max3A_79 : f32 to vector<1000x128xf32>
    %max3A_81 = arith.maximumf %add3A_78, %max3A_80 : vector<1000x128xf32>
    %slice3A_82 = vector.extract_strided_slice %div3A_26 {offsets = [0, 1], sizes = [1000, 1], strides = [1, 1]} : vector<1000x8xf32> to vector<1000x1xf32>
    %mul3A_83 = vector.broadcast %slice3A_82 : vector<1000x1xf32> to vector<1000x128xf32>
    %mul3A_84 = arith.mulf %max3A_81, %mul3A_83 : vector<1000x128xf32>
    %get3A_85 = arith.constant 0 : index
    %get3A_86 = arith.constant 128 : index
    %get3A_87 = vector.load %arg10[%get3A_85, %get3A_86] : memref<128x1024xf32, #tpu.memory_space<vmem>>, vector<128x128xf32>
    %dot_general3A_88 = arith.constant dense<0.000000e+00> : vector<1000x128xf32>
    %dot_general3A_89 = tpu.matmul %mul3A_84, %get3A_87, %dot_general3A_88 {dimension_numbers = #tpu.dot_dimension_numbers<[1], [1], [0], [0], [0, 0, 1, 0], [], []>, precision = #tpu.contract_precision<fp32>, transpose_lhs_hint = false} : vector<1000x128xf32>, vector<128x128xf32>, vector<1000x128xf32> -> vector<1000x128xf32>
    %add3A_90 = arith.addf %add3A_64, %dot_general3A_89 : vector<1000x128xf32>
    %get3A_91 = arith.constant 2 : index
    %get3A_92 = arith.constant 0 : index
    %get3A_93 = arith.constant 0 : index
    %get3A_94 = vector.load %arg8[%get3A_91, %get3A_92, %get3A_93] : memref<8x512x128xf32, #tpu.memory_space<vmem>>, vector<1x512x128xf32>
    %get3A_95 = vector.shape_cast %get3A_94 : vector<1x512x128xf32> to vector<512x128xf32>
    %dot_general3A_96 = arith.constant dense<0.000000e+00> : vector<1000x128xf32>
    %dot_general3A_97 = tpu.matmul %reshape3A, %get3A_95, %dot_general3A_96 {dimension_numbers = #tpu.dot_dimension_numbers<[1], [0], [0], [1], [0, 0, 1, 1], [], []>, precision = #tpu.contract_precision<fp32>, transpose_lhs_hint = false} : vector<1000x512xf32>, vector<512x128xf32>, vector<1000x128xf32> -> vector<1000x128xf32>
    %get3A_98 = arith.constant 2 : index
    %get3A_99 = arith.constant 0 : index
    %get3A_100 = vector.load %arg9[%get3A_98, %get3A_99] : memref<8x128xf32, #tpu.memory_space<vmem>>, vector<1x128xf32>
    %get3A_101 = vector.shape_cast %get3A_100 : vector<1x128xf32> to vector<128xf32>
    %broadcast_in_dim3A_102 = vector.shape_cast %get3A_101 : vector<128xf32> to vector<1x128xf32>
    %add3A_103 = vector.broadcast %broadcast_in_dim3A_102 : vector<1x128xf32> to vector<1000x128xf32>
    %add3A_104 = arith.addf %dot_general3A_97, %add3A_103 : vector<1000x128xf32>
    %max3A_105 = arith.constant 0.000000e+00 : f32
    %max3A_106 = vector.broadcast %max3A_105 : f32 to vector<1000x128xf32>
    %max3A_107 = arith.maximumf %add3A_104, %max3A_106 : vector<1000x128xf32>
    %slice3A_108 = vector.extract_strided_slice %div3A_26 {offsets = [0, 2], sizes = [1000, 1], strides = [1, 1]} : vector<1000x8xf32> to vector<1000x1xf32>
    %mul3A_109 = vector.broadcast %slice3A_108 : vector<1000x1xf32> to vector<1000x128xf32>
    %mul3A_110 = arith.mulf %max3A_107, %mul3A_109 : vector<1000x128xf32>
    %get3A_111 = arith.constant 0 : index
    %get3A_112 = arith.constant 256 : index
    %get3A_113 = vector.load %arg10[%get3A_111, %get3A_112] : memref<128x1024xf32, #tpu.memory_space<vmem>>, vector<128x128xf32>
    %dot_general3A_114 = arith.constant dense<0.000000e+00> : vector<1000x128xf32>
    %dot_general3A_115 = tpu.matmul %mul3A_110, %get3A_113, %dot_general3A_114 {dimension_numbers = #tpu.dot_dimension_numbers<[1], [1], [0], [0], [0, 0, 1, 0], [], []>, precision = #tpu.contract_precision<fp32>, transpose_lhs_hint = false} : vector<1000x128xf32>, vector<128x128xf32>, vector<1000x128xf32> -> vector<1000x128xf32>
    %add3A_116 = arith.addf %add3A_90, %dot_general3A_115 : vector<1000x128xf32>
    %get3A_117 = arith.constant 3 : index
    %get3A_118 = arith.constant 0 : index
    %get3A_119 = arith.constant 0 : index
    %get3A_120 = vector.load %arg8[%get3A_117, %get3A_118, %get3A_119] : memref<8x512x128xf32, #tpu.memory_space<vmem>>, vector<1x512x128xf32>
    %get3A_121 = vector.shape_cast %get3A_120 : vector<1x512x128xf32> to vector<512x128xf32>
    %dot_general3A_122 = arith.constant dense<0.000000e+00> : vector<1000x128xf32>
    %dot_general3A_123 = tpu.matmul %reshape3A, %get3A_121, %dot_general3A_122 {dimension_numbers = #tpu.dot_dimension_numbers<[1], [0], [0], [1], [0, 0, 1, 1], [], []>, precision = #tpu.contract_precision<fp32>, transpose_lhs_hint = false} : vector<1000x512xf32>, vector<512x128xf32>, vector<1000x128xf32> -> vector<1000x128xf32>
    %get3A_124 = arith.constant 3 : index
    %get3A_125 = arith.constant 0 : index
    %get3A_126 = vector.load %arg9[%get3A_124, %get3A_125] : memref<8x128xf32, #tpu.memory_space<vmem>>, vector<1x128xf32>
    %get3A_127 = vector.shape_cast %get3A_126 : vector<1x128xf32> to vector<128xf32>
    %broadcast_in_dim3A_128 = vector.shape_cast %get3A_127 : vector<128xf32> to vector<1x128xf32>
    %add3A_129 = vector.broadcast %broadcast_in_dim3A_128 : vector<1x128xf32> to vector<1000x128xf32>
    %add3A_130 = arith.addf %dot_general3A_123, %add3A_129 : vector<1000x128xf32>
    %max3A_131 = arith.constant 0.000000e+00 : f32
    %max3A_132 = vector.broadcast %max3A_131 : f32 to vector<1000x128xf32>
    %max3A_133 = arith.maximumf %add3A_130, %max3A_132 : vector<1000x128xf32>
    %slice3A_134 = vector.extract_strided_slice %div3A_26 {offsets = [0, 3], sizes = [1000, 1], strides = [1, 1]} : vector<1000x8xf32> to vector<1000x1xf32>
    %mul3A_135 = vector.broadcast %slice3A_134 : vector<1000x1xf32> to vector<1000x128xf32>
    %mul3A_136 = arith.mulf %max3A_133, %mul3A_135 : vector<1000x128xf32>
    %get3A_137 = arith.constant 0 : index
    %get3A_138 = arith.constant 384 : index
    %get3A_139 = vector.load %arg10[%get3A_137, %get3A_138] : memref<128x1024xf32, #tpu.memory_space<vmem>>, vector<128x128xf32>
    %dot_general3A_140 = arith.constant dense<0.000000e+00> : vector<1000x128xf32>
    %dot_general3A_141 = tpu.matmul %mul3A_136, %get3A_139, %dot_general3A_140 {dimension_numbers = #tpu.dot_dimension_numbers<[1], [1], [0], [0], [0, 0, 1, 0], [], []>, precision = #tpu.contract_precision<fp32>, transpose_lhs_hint = false} : vector<1000x128xf32>, vector<128x128xf32>, vector<1000x128xf32> -> vector<1000x128xf32>
    %add3A_142 = arith.addf %add3A_116, %dot_general3A_141 : vector<1000x128xf32>
    %get3A_143 = arith.constant 4 : index
    %get3A_144 = arith.constant 0 : index
    %get3A_145 = arith.constant 0 : index
    %get3A_146 = vector.load %arg8[%get3A_143, %get3A_144, %get3A_145] : memref<8x512x128xf32, #tpu.memory_space<vmem>>, vector<1x512x128xf32>
    %get3A_147 = vector.shape_cast %get3A_146 : vector<1x512x128xf32> to vector<512x128xf32>
    %dot_general3A_148 = arith.constant dense<0.000000e+00> : vector<1000x128xf32>
    %dot_general3A_149 = tpu.matmul %reshape3A, %get3A_147, %dot_general3A_148 {dimension_numbers = #tpu.dot_dimension_numbers<[1], [0], [0], [1], [0, 0, 1, 1], [], []>, precision = #tpu.contract_precision<fp32>, transpose_lhs_hint = false} : vector<1000x512xf32>, vector<512x128xf32>, vector<1000x128xf32> -> vector<1000x128xf32>
    %get3A_150 = arith.constant 4 : index
    %get3A_151 = arith.constant 0 : index
    %get3A_152 = vector.load %arg9[%get3A_150, %get3A_151] : memref<8x128xf32, #tpu.memory_space<vmem>>, vector<1x128xf32>
    %get3A_153 = vector.shape_cast %get3A_152 : vector<1x128xf32> to vector<128xf32>
    %broadcast_in_dim3A_154 = vector.shape_cast %get3A_153 : vector<128xf32> to vector<1x128xf32>
    %add3A_155 = vector.broadcast %broadcast_in_dim3A_154 : vector<1x128xf32> to vector<1000x128xf32>
    %add3A_156 = arith.addf %dot_general3A_149, %add3A_155 : vector<1000x128xf32>
    %max3A_157 = arith.constant 0.000000e+00 : f32
    %max3A_158 = vector.broadcast %max3A_157 : f32 to vector<1000x128xf32>
    %max3A_159 = arith.maximumf %add3A_156, %max3A_158 : vector<1000x128xf32>
    %slice3A_160 = vector.extract_strided_slice %div3A_26 {offsets = [0, 4], sizes = [1000, 1], strides = [1, 1]} : vector<1000x8xf32> to vector<1000x1xf32>
    %mul3A_161 = vector.broadcast %slice3A_160 : vector<1000x1xf32> to vector<1000x128xf32>
    %mul3A_162 = arith.mulf %max3A_159, %mul3A_161 : vector<1000x128xf32>
    %get3A_163 = arith.constant 0 : index
    %get3A_164 = arith.constant 512 : index
    %get3A_165 = vector.load %arg10[%get3A_163, %get3A_164] : memref<128x1024xf32, #tpu.memory_space<vmem>>, vector<128x128xf32>
    %dot_general3A_166 = arith.constant dense<0.000000e+00> : vector<1000x128xf32>
    %dot_general3A_167 = tpu.matmul %mul3A_162, %get3A_165, %dot_general3A_166 {dimension_numbers = #tpu.dot_dimension_numbers<[1], [1], [0], [0], [0, 0, 1, 0], [], []>, precision = #tpu.contract_precision<fp32>, transpose_lhs_hint = false} : vector<1000x128xf32>, vector<128x128xf32>, vector<1000x128xf32> -> vector<1000x128xf32>
    %add3A_168 = arith.addf %add3A_142, %dot_general3A_167 : vector<1000x128xf32>
    %get3A_169 = arith.constant 5 : index
    %get3A_170 = arith.constant 0 : index
    %get3A_171 = arith.constant 0 : index
    %get3A_172 = vector.load %arg8[%get3A_169, %get3A_170, %get3A_171] : memref<8x512x128xf32, #tpu.memory_space<vmem>>, vector<1x512x128xf32>
    %get3A_173 = vector.shape_cast %get3A_172 : vector<1x512x128xf32> to vector<512x128xf32>
    %dot_general3A_174 = arith.constant dense<0.000000e+00> : vector<1000x128xf32>
    %dot_general3A_175 = tpu.matmul %reshape3A, %get3A_173, %dot_general3A_174 {dimension_numbers = #tpu.dot_dimension_numbers<[1], [0], [0], [1], [0, 0, 1, 1], [], []>, precision = #tpu.contract_precision<fp32>, transpose_lhs_hint = false} : vector<1000x512xf32>, vector<512x128xf32>, vector<1000x128xf32> -> vector<1000x128xf32>
    %get3A_176 = arith.constant 5 : index
    %get3A_177 = arith.constant 0 : index
    %get3A_178 = vector.load %arg9[%get3A_176, %get3A_177] : memref<8x128xf32, #tpu.memory_space<vmem>>, vector<1x128xf32>
    %get3A_179 = vector.shape_cast %get3A_178 : vector<1x128xf32> to vector<128xf32>
    %broadcast_in_dim3A_180 = vector.shape_cast %get3A_179 : vector<128xf32> to vector<1x128xf32>
    %add3A_181 = vector.broadcast %broadcast_in_dim3A_180 : vector<1x128xf32> to vector<1000x128xf32>
    %add3A_182 = arith.addf %dot_general3A_175, %add3A_181 : vector<1000x128xf32>
    %max3A_183 = arith.constant 0.000000e+00 : f32
    %max3A_184 = vector.broadcast %max3A_183 : f32 to vector<1000x128xf32>
    %max3A_185 = arith.maximumf %add3A_182, %max3A_184 : vector<1000x128xf32>
    %slice3A_186 = vector.extract_strided_slice %div3A_26 {offsets = [0, 5], sizes = [1000, 1], strides = [1, 1]} : vector<1000x8xf32> to vector<1000x1xf32>
    %mul3A_187 = vector.broadcast %slice3A_186 : vector<1000x1xf32> to vector<1000x128xf32>
    %mul3A_188 = arith.mulf %max3A_185, %mul3A_187 : vector<1000x128xf32>
    %get3A_189 = arith.constant 0 : index
    %get3A_190 = arith.constant 640 : index
    %get3A_191 = vector.load %arg10[%get3A_189, %get3A_190] : memref<128x1024xf32, #tpu.memory_space<vmem>>, vector<128x128xf32>
    %dot_general3A_192 = arith.constant dense<0.000000e+00> : vector<1000x128xf32>
    %dot_general3A_193 = tpu.matmul %mul3A_188, %get3A_191, %dot_general3A_192 {dimension_numbers = #tpu.dot_dimension_numbers<[1], [1], [0], [0], [0, 0, 1, 0], [], []>, precision = #tpu.contract_precision<fp32>, transpose_lhs_hint = false} : vector<1000x128xf32>, vector<128x128xf32>, vector<1000x128xf32> -> vector<1000x128xf32>
    %add3A_194 = arith.addf %add3A_168, %dot_general3A_193 : vector<1000x128xf32>
    %get3A_195 = arith.constant 6 : index
    %get3A_196 = arith.constant 0 : index
    %get3A_197 = arith.constant 0 : index
    %get3A_198 = vector.load %arg8[%get3A_195, %get3A_196, %get3A_197] : memref<8x512x128xf32, #tpu.memory_space<vmem>>, vector<1x512x128xf32>
    %get3A_199 = vector.shape_cast %get3A_198 : vector<1x512x128xf32> to vector<512x128xf32>
    %dot_general3A_200 = arith.constant dense<0.000000e+00> : vector<1000x128xf32>
    %dot_general3A_201 = tpu.matmul %reshape3A, %get3A_199, %dot_general3A_200 {dimension_numbers = #tpu.dot_dimension_numbers<[1], [0], [0], [1], [0, 0, 1, 1], [], []>, precision = #tpu.contract_precision<fp32>, transpose_lhs_hint = false} : vector<1000x512xf32>, vector<512x128xf32>, vector<1000x128xf32> -> vector<1000x128xf32>
    %get3A_202 = arith.constant 6 : index
    %get3A_203 = arith.constant 0 : index
    %get3A_204 = vector.load %arg9[%get3A_202, %get3A_203] : memref<8x128xf32, #tpu.memory_space<vmem>>, vector<1x128xf32>
    %get3A_205 = vector.shape_cast %get3A_204 : vector<1x128xf32> to vector<128xf32>
    %broadcast_in_dim3A_206 = vector.shape_cast %get3A_205 : vector<128xf32> to vector<1x128xf32>
    %add3A_207 = vector.broadcast %broadcast_in_dim3A_206 : vector<1x128xf32> to vector<1000x128xf32>
    %add3A_208 = arith.addf %dot_general3A_201, %add3A_207 : vector<1000x128xf32>
    %max3A_209 = arith.constant 0.000000e+00 : f32
    %max3A_210 = vector.broadcast %max3A_209 : f32 to vector<1000x128xf32>
    %max3A_211 = arith.maximumf %add3A_208, %max3A_210 : vector<1000x128xf32>
    %slice3A_212 = vector.extract_strided_slice %div3A_26 {offsets = [0, 6], sizes = [1000, 1], strides = [1, 1]} : vector<1000x8xf32> to vector<1000x1xf32>
    %mul3A_213 = vector.broadcast %slice3A_212 : vector<1000x1xf32> to vector<1000x128xf32>
    %mul3A_214 = arith.mulf %max3A_211, %mul3A_213 : vector<1000x128xf32>
    %get3A_215 = arith.constant 0 : index
    %get3A_216 = arith.constant 768 : index
    %get3A_217 = vector.load %arg10[%get3A_215, %get3A_216] : memref<128x1024xf32, #tpu.memory_space<vmem>>, vector<128x128xf32>
    %dot_general3A_218 = arith.constant dense<0.000000e+00> : vector<1000x128xf32>
    %dot_general3A_219 = tpu.matmul %mul3A_214, %get3A_217, %dot_general3A_218 {dimension_numbers = #tpu.dot_dimension_numbers<[1], [1], [0], [0], [0, 0, 1, 0], [], []>, precision = #tpu.contract_precision<fp32>, transpose_lhs_hint = false} : vector<1000x128xf32>, vector<128x128xf32>, vector<1000x128xf32> -> vector<1000x128xf32>
    %add3A_220 = arith.addf %add3A_194, %dot_general3A_219 : vector<1000x128xf32>
    %get3A_221 = arith.constant 7 : index
    %get3A_222 = arith.constant 0 : index
    %get3A_223 = arith.constant 0 : index
    %get3A_224 = vector.load %arg8[%get3A_221, %get3A_222, %get3A_223] : memref<8x512x128xf32, #tpu.memory_space<vmem>>, vector<1x512x128xf32>
    %get3A_225 = vector.shape_cast %get3A_224 : vector<1x512x128xf32> to vector<512x128xf32>
    %dot_general3A_226 = arith.constant dense<0.000000e+00> : vector<1000x128xf32>
    %dot_general3A_227 = tpu.matmul %reshape3A, %get3A_225, %dot_general3A_226 {dimension_numbers = #tpu.dot_dimension_numbers<[1], [0], [0], [1], [0, 0, 1, 1], [], []>, precision = #tpu.contract_precision<fp32>, transpose_lhs_hint = false} : vector<1000x512xf32>, vector<512x128xf32>, vector<1000x128xf32> -> vector<1000x128xf32>
    %get3A_228 = arith.constant 7 : index
    %get3A_229 = arith.constant 0 : index
    %get3A_230 = vector.load %arg9[%get3A_228, %get3A_229] : memref<8x128xf32, #tpu.memory_space<vmem>>, vector<1x128xf32>
    %get3A_231 = vector.shape_cast %get3A_230 : vector<1x128xf32> to vector<128xf32>
    %broadcast_in_dim3A_232 = vector.shape_cast %get3A_231 : vector<128xf32> to vector<1x128xf32>
    %add3A_233 = vector.broadcast %broadcast_in_dim3A_232 : vector<1x128xf32> to vector<1000x128xf32>
    %add3A_234 = arith.addf %dot_general3A_227, %add3A_233 : vector<1000x128xf32>
    %max3A_235 = arith.constant 0.000000e+00 : f32
    %max3A_236 = vector.broadcast %max3A_235 : f32 to vector<1000x128xf32>
    %max3A_237 = arith.maximumf %add3A_234, %max3A_236 : vector<1000x128xf32>
    %slice3A_238 = vector.extract_strided_slice %div3A_26 {offsets = [0, 7], sizes = [1000, 1], strides = [1, 1]} : vector<1000x8xf32> to vector<1000x1xf32>
    %mul3A_239 = vector.broadcast %slice3A_238 : vector<1000x1xf32> to vector<1000x128xf32>
    %mul3A_240 = arith.mulf %max3A_237, %mul3A_239 : vector<1000x128xf32>
    %get3A_241 = arith.constant 0 : index
    %get3A_242 = arith.constant 896 : index
    %get3A_243 = vector.load %arg10[%get3A_241, %get3A_242] : memref<128x1024xf32, #tpu.memory_space<vmem>>, vector<128x128xf32>
    %dot_general3A_244 = arith.constant dense<0.000000e+00> : vector<1000x128xf32>
    %dot_general3A_245 = tpu.matmul %mul3A_240, %get3A_243, %dot_general3A_244 {dimension_numbers = #tpu.dot_dimension_numbers<[1], [1], [0], [0], [0, 0, 1, 0], [], []>, precision = #tpu.contract_precision<fp32>, transpose_lhs_hint = false} : vector<1000x128xf32>, vector<128x128xf32>, vector<1000x128xf32> -> vector<1000x128xf32>
    %add3A_246 = arith.addf %add3A_220, %dot_general3A_245 : vector<1000x128xf32>
    %get3A_247 = arith.constant 0 : index
    %get3A_248 = arith.constant 0 : index
    %get3A_249 = vector.load %arg11[%get3A_247, %get3A_248] : memref<1x128xf32, #tpu.memory_space<vmem>>, vector<1x128xf32>
    %add3A_250 = vector.broadcast %get3A_249 : vector<1x128xf32> to vector<1000x128xf32>
    %add3A_251 = arith.addf %add3A_246, %add3A_250 : vector<1000x128xf32>
    %max3A_252 = arith.constant 0.000000e+00 : f32
    %max3A_253 = vector.broadcast %max3A_252 : f32 to vector<1000x128xf32>
    %max3A_254 = arith.maximumf %add3A_251, %max3A_253 : vector<1000x128xf32>
    %add3A_255 = arith.addf %get3A_1, %max3A_254 : vector<1000x128xf32>
    %reduce_sum3A_256 = arith.constant dense<0.000000e+00> : vector<1000xf32>
    %reduce_sum3A_257 = vector.multi_reduction <add>, %add3A_255, %reduce_sum3A_256 [1] : vector<1000x128xf32> to vector<1000xf32>
    %broadcast_in_dim3A_258 = vector.shape_cast %reduce_sum3A_257 : vector<1000xf32> to vector<1000x1xf32>
    %div3A_259 = arith.constant 1.280000e+02 : f32
    %div3A_260 = vector.broadcast %div3A_259 : f32 to vector<1000x1xf32>
    %div3A_261 = arith.divf %broadcast_in_dim3A_258, %div3A_260 : vector<1000x1xf32>
    %sub3A_262 = vector.broadcast %div3A_261 : vector<1000x1xf32> to vector<1000x128xf32>
    %sub3A_263 = arith.subf %add3A_255, %sub3A_262 : vector<1000x128xf32>
    %integer_pow3A = arith.mulf %sub3A_263, %sub3A_263 : vector<1000x128xf32>
    %reduce_sum3A_264 = arith.constant dense<0.000000e+00> : vector<1000xf32>
    %reduce_sum3A_265 = vector.multi_reduction <add>, %integer_pow3A, %reduce_sum3A_264 [1] : vector<1000x128xf32> to vector<1000xf32>
    %broadcast_in_dim3A_266 = vector.shape_cast %reduce_sum3A_265 : vector<1000xf32> to vector<1000x1xf32>
    %div3A_267 = arith.constant 1.280000e+02 : f32
    %div3A_268 = vector.broadcast %div3A_267 : f32 to vector<1000x1xf32>
    %div3A_269 = arith.divf %broadcast_in_dim3A_266, %div3A_268 : vector<1000x1xf32>
    %sub3A_270 = vector.broadcast %div3A_261 : vector<1000x1xf32> to vector<1000x128xf32>
    %sub3A_271 = arith.subf %add3A_255, %sub3A_270 : vector<1000x128xf32>
    %add3A_272 = arith.constant 9.99999974E-6 : f32
    %add3A_273 = vector.broadcast %add3A_272 : f32 to vector<1000x1xf32>
    %add3A_274 = arith.addf %div3A_269, %add3A_273 : vector<1000x1xf32>
    %sqrt3A = math.sqrt %add3A_274 : vector<1000x1xf32>
    %div3A_275 = vector.broadcast %sqrt3A : vector<1000x1xf32> to vector<1000x128xf32>
    %div3A_276 = arith.divf %sub3A_271, %div3A_275 : vector<1000x128xf32>
    %get3A_277 = arith.constant 0 : index
    %get3A_278 = arith.constant 0 : index
    %get3A_279 = vector.load %arg12[%get3A_277, %get3A_278] : memref<1x128xf32, #tpu.memory_space<vmem>>, vector<1x128xf32>
    %mul3A_280 = vector.broadcast %get3A_279 : vector<1x128xf32> to vector<1000x128xf32>
    %mul3A_281 = arith.mulf %div3A_276, %mul3A_280 : vector<1000x128xf32>
    %get3A_282 = arith.constant 0 : index
    %get3A_283 = arith.constant 0 : index
    %get3A_284 = vector.load %arg13[%get3A_282, %get3A_283] : memref<1x128xf32, #tpu.memory_space<vmem>>, vector<1x128xf32>
    %add3A_285 = vector.broadcast %get3A_284 : vector<1x128xf32> to vector<1000x128xf32>
    %add3A_286 = arith.addf %mul3A_281, %add3A_285 : vector<1000x128xf32>
    %swap3A = arith.constant 0 : index
    %swap3A_287 = arith.constant 0 : index
    %swap3A_288 = vector.load %arg14[%swap3A, %swap3A_287] : memref<1000x128xf32, #tpu.memory_space<vmem>>, vector<1000x128xf32>
    tpu.vector_store %arg14[%swap3A, %swap3A_287], %add3A_286 {strides = array<i32>} : memref<1000x128xf32, #tpu.memory_space<vmem>>, vector<1000x128xf32>,
    return
  }
  func.func @transform_0(%arg0: i32) -> (i32, i32) {
    %c0_i32 = arith.constant 0 : i32
    %c0_i32_0 = arith.constant 0 : i32
    return %arg0, %c0_i32 : i32, i32
  }
  func.func @transform_1(%arg0: i32) -> (i32, i32) {
    %c0_i32 = arith.constant 0 : i32
    %c0_i32_0 = arith.constant 0 : i32
    return %arg0, %c0_i32 : i32, i32
  }
  func.func @transform_2(%arg0: i32) -> (i32, i32) {
    %c0_i32 = arith.constant 0 : i32
    %c0_i32_0 = arith.constant 0 : i32
    return %arg0, %c0_i32 : i32, i32
  }
  func.func @transform_3(%arg0: i32) -> (i32, i32) {
    %c0_i32 = arith.constant 0 : i32
    %c0_i32_0 = arith.constant 0 : i32
    %c0_i32_1 = arith.constant 0 : i32
    return %c0_i32, %c0_i32_0 : i32, i32
  }
  func.func @transform_4(%arg0: i32) -> (i32, i32) {
    %c0_i32 = arith.constant 0 : i32
    %c0_i32_0 = arith.constant 0 : i32
    %c0_i32_1 = arith.constant 0 : i32
    return %c0_i32, %c0_i32_0 : i32, i32
  }
  func.func @transform_5(%arg0: i32) -> (i32, i32) {
    %c0_i32 = arith.constant 0 : i32
    %c0_i32_0 = arith.constant 0 : i32
    %c0_i32_1 = arith.constant 0 : i32
    return %c0_i32, %c0_i32_0 : i32, i32
  }
  func.func @transform_6(%arg0: i32) -> (i32, i32) {
    %c0_i32 = arith.constant 0 : i32
    %c0_i32_0 = arith.constant 0 : i32
    %c0_i32_1 = arith.constant 0 : i32
    return %c0_i32, %c0_i32_0 : i32, i32
  }
  func.func @transform_7(%arg0: i32) -> (i32, i32, i32) {
    %c0_i32 = arith.constant 0 : i32
    %c0_i32_0 = arith.constant 0 : i32
    %c0_i32_1 = arith.constant 0 : i32
    %c0_i32_2 = arith.constant 0 : i32
    return %c0_i32, %c0_i32_0, %c0_i32_1 : i32, i32, i32
  }
  func.func @transform_8(%arg0: i32) -> (i32, i32) {
    %c0_i32 = arith.constant 0 : i32
    %c0_i32_0 = arith.constant 0 : i32
    %c0_i32_1 = arith.constant 0 : i32
    return %c0_i32, %c0_i32_0 : i32, i32
  }
  func.func @transform_9(%arg0: i32) -> (i32, i32) {
    %c0_i32 = arith.constant 0 : i32
    %c0_i32_0 = arith.constant 0 : i32
    %c0_i32_1 = arith.constant 0 : i32
    return %c0_i32, %c0_i32_0 : i32, i32
  }
  func.func @transform_10(%arg0: i32) -> (i32, i32) {
    %c0_i32 = arith.constant 0 : i32
    %c0_i32_0 = arith.constant 0 : i32
    %c0_i32_1 = arith.constant 0 : i32
    return %c0_i32, %c0_i32_0 : i32, i32
  }
  func.func @transform_11(%arg0: i32) -> (i32, i32) {
    %c0_i32 = arith.constant 0 : i32
    %c0_i32_0 = arith.constant 0 : i32
    %c0_i32_1 = arith.constant 0 : i32
    return %c0_i32, %c0_i32_0 : i32, i32
  }
  func.func @transform_12(%arg0: i32) -> (i32, i32) {
    %c0_i32 = arith.constant 0 : i32
    %c0_i32_0 = arith.constant 0 : i32
    %c0_i32_1 = arith.constant 0 : i32
    return %c0_i32, %c0_i32_0 : i32, i32
  }
  func.func @transform_13(%arg0: i32) -> (i32, i32) {
    %c0_i32 = arith.constant 0 : i32
    %c0_i32_0 = arith.constant 0 : i32
    return %arg0, %c0_i32 : i32, i32
  }
}

</mosaic_0001>

<sc_bundles>
// kernel: kernel.10.cloned.1.call-start
scs
__scs_entry_jumppad:
0x0: {  	(pc) =	sbr.rel $0x88, $3  }
0x1: {  	(tag) =	ssettag $0x0;
	lr =	simm.s32 $0x1  }
0x2: {  	[smem:$0x3F90] =	sst lr;
	_ =	strace $0xD0000000  }
0x3: {  	_ = 	snop  }
0x4: {  	_ = 	snop  }
0x5: {  	_ = 	snop  }
0x6: {  	_ = 	snop  }
0x7: {  	_ = 	snop  }
__scs_overlays_trampoline_lowered:
0x8: {  	[smem:$0x3F9F] =	sst s0  }
0x9: {  	[smem:$0x3FA0] =	sst s1  }
0xa: {  	[smem:$0x3FA1] =	sst s2  }
0xb: {  	[smem:$0x3FA2] =	sst s3  }
0xc: {  	[smem:$0x3FA3] =	sst s4  }
0xd: {  	[smem:$0x3FA4] =	sst s5  }
0xe: {  	[smem:$0x3FA5] =	sst s6  }
0xf: {  	[smem:$0x3FA6] =	sst s7  }
0x10: {  	[smem:$0x3FA7] =	sst s8  }
0x11: {  	[smem:$0x3FA8] =	sst s9;
	s0 =	simm.s32 @!p0 $0x0  }
0x12: {  	s1 =	sld [smem:$0x3F8E];
	s0 =	simm.s32 @p0 $0x1  }
0x13: {  	[smem:$0x3FA9] =	sst s0;
	s0 =	simm.s32 @!p1 $0x0  }
0x14: {  	s2 =	sld [smem:$0x3F8D];
	s0 =	simm.s32 @p1 $0x1  }
0x15: {  	[smem:$0x3FAA] =	sst s0;
	s0 =	simm.s32 @!p2 $0x0  }
0x16: {  	s3 =	sld [smem:$0x3FDB];
	s0 =	simm.s32 @p2 $0x1  }
0x17: {  	s4 =	simm.s32 $0x1BF5;
	[smem:$0x3FAC] =	sst s0  }
0x18: {  	s0 =	sld [smem:$0x3F8F];
	_ =	swait.ge [sflag:s4], $0x0  }
0x19: {  	s7 =	sld [smem:$0x3F90]  }
0x1a: {  	s8 =	sadd.s32 $0xFFFFE003, lr  }
0x1b: {  	s9 =	sadd.s32 $0xFFFFFEF7, lr;
	s5 =	simm.s32 $0xFFFFFFFF;
	p2 =	slt.u32 s8, $0xFFFFF086  }
0x1c: {  	p1 =	slt.u32 s9, $0xF7A;
	s5 =	simm.s32 @!p2 $0x0  }
0x1d: {  	s5 =	simm.s32 @p1 $0x1;
	p0 =	seq.s32 s7, s2  }
0x1e: {  	s7 =	smul.u32 @!p0 $0xF7A, s2;
	p2 =	seq.s32 @!p0 s5, $0x0  }
0x1f: {  	s9 =	smul.u32 $0xF7A, s1;
	s8 =	simm.s32 @!p0 $0x1BF5;
	p2 =	por !p2, p0  }
0x20: {  	[sflag:s8] =	ssyncset.s32 @!p0 $0xFFFFF086;
	s6 =	sadd.s32 @!p0 s3, s7;
	s7 =	simm.s32 @!p0 $0x108  }
0x21: {  	s3 =	sadd.s32 s3, s9;
	s6 =	sadd.s32 @!p0 $0x88, s6;
	s7 =	simm.s32 @p2 $0x1082  }
0x22: {  	[simem:s7], [sflag:s8] =	dma.local @!p0 [hbm:s6], $0xF7A  }
0x23: {  	s9 =	sor.u32 $0xD0000000, s2;
	s6 =	simm.s32 $0x108;
	_ =	swait.ge @!p0 [sflag:s8], $0x0  }
0x24: {  	s3 =	sadd.s32 $0x88, s3;
	s6 =	simm.s32 @!p1 $0x1082;
	[sflag:s4] =	ssyncset.s32 $0xFFFFF086  }
0x25: {  	[simem:s6], [sflag:s4] =	dma.local [hbm:s3], $0xF7A  }
0x26: {  	[smem:$0x3F90] =	sst s1;
	(tag) =	ssettag s2;
	_ =	strace s9  }
0x27: {  	s1 =	sld [smem:$0x3FA0]  }
0x28: {  	s2 =	sld [smem:$0x3FA1]  }
0x29: {  	s4 =	sld [smem:$0x3FA3]  }
0x2a: {  	p0 =	seq.s32 s5, $0x0;
	s5 =	sld [smem:$0x3FA4]  }
0x2b: {  	s6 =	sld [smem:$0x3FA5]  }
0x2c: {  	s7 =	sld [smem:$0x3FA6]  }
0x2d: {  	s3 =	simm.s32 $0x108;
	s8 =	sld [smem:$0x3FA7]  }
0x2e: {  	s3 =	simm.s32 @!p0 $0x1082;
	s9 =	sld [smem:$0x3FA8]  }
0x2f: {  	lr =	sadd.s32 s0, s3;
	s0 =	sld [smem:$0x3F9F]  }
0x30: {  	s3 =	sld [smem:$0x3FA2]  }
0x31: {  	[smem:$0x3FAB] =	sst s10  }
0x32: {  	s10 =	sld [smem:$0x3FA9];
	_ =	sdelay $0x3  }
0x33: {  	p0 =	seq.s32 s10, $0x1;
	s10 =	sld [smem:$0x3FAB];
	_ =	sdelay $0x3  }
0x34: {  	[smem:$0x3FAB] =	sst s10  }
0x35: {  	s10 =	sld [smem:$0x3FAA];
	_ =	sdelay $0x3  }
0x36: {  	p1 =	seq.s32 s10, $0x1;
	s10 =	sld [smem:$0x3FAB];
	_ =	sdelay $0x3  }
0x37: {  	[smem:$0x3FAB] =	sst s10  }
0x38: {  	s10 =	sld [smem:$0x3FAC]  }
0x39: {  	_ = 	snop;
	(pc) =	sbr.ind lr, $3  }
0x3a: {  	_ = 	snop  }
0x3b: {  	_ = 	snop  }
0x3c: {  	p2 =	seq.s32 s10, $0x1;
	s10 =	sld [smem:$0x3FAB]  }
0x3d: {  	_ =	shalt  }
0x3e: {  	_ =	shalt  }
0x3f: {  	_ =	shalt  }
0x40: {  	_ =	shalt  }
0x41: {  	_ =	shalt  }
0x42: {  	_ =	shalt  }
0x43: {  	_ =	shalt  }
0x44: {  	_ =	shalt  }
0x45: {  	_ =	shalt  }
0x46: {  	_ =	shalt  }
0x47: {  	_ =	shalt  }
0x48: {  	_ =	shalt  }
0x49: {  	_ =	shalt  }
0x4a: {  	_ =	shalt  }
0x4b: {  	_ =	shalt  }
0x4c: {  	_ =	shalt  }
0x4d: {  	_ =	shalt  }
0x4e: {  	_ =	shalt  }
0x4f: {  	_ =	shalt  }
0x50: {  	_ =	shalt  }
0x51: {  	_ =	shalt  }
0x52: {  	_ =	shalt  }
0x53: {  	_ =	shalt  }
0x54: {  	_ =	shalt  }
0x55: {  	_ =	shalt  }
0x56: {  	_ =	shalt  }
0x57: {  	_ =	shalt  }
0x58: {  	_ =	shalt  }
0x59: {  	_ =	shalt  }
0x5a: {  	_ =	shalt  }
0x5b: {  	_ =	shalt  }
0x5c: {  	_ =	shalt  }
0x5d: {  	_ =	shalt  }
0x5e: {  	_ =	shalt  }
0x5f: {  	_ =	shalt  }
0x60: {  	_ =	shalt  }
0x61: {  	_ =	shalt  }
0x62: {  	_ =	shalt  }
0x63: {  	_ =	shalt  }
0x64: {  	_ =	shalt  }
0x65: {  	_ =	shalt  }
0x66: {  	_ =	shalt  }
0x67: {  	_ =	shalt  }
0x68: {  	_ =	shalt  }
0x69: {  	_ =	shalt  }
0x6a: {  	_ =	shalt  }
0x6b: {  	_ =	shalt  }
0x6c: {  	_ =	shalt  }
0x6d: {  	_ =	shalt  }
0x6e: {  	_ =	shalt  }
0x6f: {  	_ =	shalt  }
0x70: {  	_ =	shalt  }
0x71: {  	_ =	shalt  }
0x72: {  	_ =	shalt  }
0x73: {  	_ =	shalt  }
0x74: {  	_ =	shalt  }
0x75: {  	_ =	shalt  }
0x76: {  	_ =	shalt  }
0x77: {  	_ =	shalt  }
0x78: {  	_ =	shalt  }
0x79: {  	_ =	shalt  }
0x7a: {  	_ =	shalt  }
0x7b: {  	_ =	shalt  }
0x7c: {  	_ =	shalt  }
0x7d: {  	_ =	shalt  }
0x7e: {  	_ =	shalt  }
0x7f: {  	_ =	shalt  }
0x80: {  	_ =	shalt  }
0x81: {  	_ =	shalt  }
0x82: {  	_ =	shalt  }
0x83: {  	_ =	shalt  }
0x84: {  	_ =	shalt  }
0x85: {  	_ =	shalt  }
0x86: {  	_ =	shalt  }
0x87: {  	_ =	shalt  }
.Lfunc_end0:
.L_simem_size_0:
called_computation_lowered:
.L_overlay_start_0:
0x88: {  	s2 =	sld [smem:$0x3FD9]  }
0x89: {  	s3 =	sld [smem:$0x3FFE];
	_ =	sdelay $0x1  }
0x8a: {  	s1 =	srdreg.scid  }
0x8b: {  	s0 =	sand.u32 $0x1, s1  }
0x8c: {  	s17 =	sshll.u32 s0, $0xA;
	s2 =	sadd.s32 s3, s2  }
0x8d: {  	s2 =	sadd.s32 s2, s17  }
0x8e: {  	[smem:$0x3FB7] =	sst s2  }
0x8f: {  	_ = 	snop  }
0x90: {  	s2 =	sld [smem:$0x3FD0];
	(tm) =	ssettm $0x1  }
0x91: {  	s18 =	sld [smem:$0x3FFB];
	_ =	sdelay $0x3  }
0x92: {  	_ =	strace s18  }
0x93: {  	s3 =	sld [smem:$0x3FFC];
	_ =	sdelay $0x3  }
0x94: {  	_ =	strace s3  }
0x95: {  	s3 =	sld [smem:$0x3FFD];
	_ =	sdelay $0x3  }
0x96: {  	_ =	strace s3  }
0x97: {  	_ =	strace $0x8FFFFFFF  }
0x98: {  	s19 =	sld [smem:$0x3FDB];
	_ =	sdelay $0x1  }
0x99: {  	s4 =	simm.s32 $_scs_section_size  }
0x9a: {  	s5 =	simm.s32 $_size__tile_overlayer_lowered;
	s6 =	simm.s32 $_tile_overlayer_lowered  }
0x9b: {  	s22 =	simm.s32 $0x1BFF;
	s21 =	sshll.u32 s6, $0x1;
	s3 =	sadd.s32 s4, s19  }
0x9c: {  	s7 =	simm.s32 $0x0;
	s20 =	sshll.u32 s5, $0x1;
	s5 =	sadd.s32 s21, s3  }
0x9d: {  	[timem:s7], [sflag:s22] =	dma.local [hbm:s5], s20  }
0x9e: {  	_ =	swait.ge [sflag:s22], s20  }
0x9f: {  	s4 =	ssub.s32 $0x0, s20;
	[sflag:s22] =	ssyncset.done $0x0  }
0xa0: {  	[sflag:s22] =	ssyncadd.s32 s4;
	_ =	sdelay $0x1  }
0xa1: {  	s23 =	simm.s32 $0x1B8B  }
0xa2: {  	_ =	swait.ge [sflag:s23], $0x1  }
0xa3: {  	[sflag:s23] =	ssyncset.done $0x0  }
0xa4: {  	s25 =	simm.s32 $0x1B8E;
	s24 =	sld [smem:$0x3FFE];
	[sflag:s23] =	ssyncadd.s32 $0xFFFFFFFF  }
0xa5: {  	s26 =	simm.s32 $execute0_lowered;
	[smem:$0x3FD2] =	sst s25  }
0xa6: {  	s5 =	sshll.u32 s26, $0x1;
	_ =	strace $0x80000046;
	[dreg:$0x1] =	wrdreg $0xFFFFFFFF  }
0xa7: {  	s28 =	simm.s32 $_size_execute0_lowered;
	s3 =	sadd.s32 s3, s5;
	[dreg:$0x0] =	wrdreg $0x0  }
0xa8: {  	s5 =	sshll.u32 s28, $0x1;
	[dreg:$0x2] =	wrdreg s3  }
0xa9: {  	[dreg:$0x3] =	wrdreg s5  }
0xaa: {  	[dreg:$0x4] =	wrdreg $0xC0  }
0xab: {  	_ =	task [dreg:s7], $0x5FFFF  }
0xac: {  	[dreg:$0x1] =	wrdreg $0xFFFFFFFF  }
0xad: {  	[dreg:$0x0] =	wrdreg $0x60  }
0xae: {  	[dreg:$0x2] =	wrdreg s24  }
0xaf: {  	[dreg:$0x3] =	wrdreg s2  }
0xb0: {  	[dreg:$0x4] =	wrdreg $0x9  }
0xb1: {  	_ =	task.clear_ibuf [dreg:s7], $0x5FFFF;
	_ =	strace $0x90000046  }
0xb2: {  	s29 =	simm.s32 $0x9;
	_ =	strace $0x80000048  }
0xb3: {  	_ =	swait.ge [sflag:s29], $0x1  }
0xb4: {  	[sflag:s29] =	ssyncadd.s32 $0xFFFFFFFF  }
0xb5: {  	_ =	strace $0x90000048  }
0xb6: {  	_ =	sfence  }
0xb7: {  	s30 =	sld [smem:$0x0];
	_ =	sdelay $0x2  }
0xb8: {  	s31 =	sshll.u32 s1, $0xD;
	s1 =	sshrl.u32 s1, $0x2  }
0xb9: {  	s3 =	sand.u32 $0x4000, s31;
	s1 =	sadd.s32 s1, s30  }
0xba: {  	s0 =	sor.u32 s3, s0;
	s1 =	sshll.u32 s1, $0x11  }
0xbb: {  	s0 =	sor.u32 s1, s0  }
0xbc: {  	s0 =	sadd.s32 $0x8F2B, s0  }
0xbd: {  	[sflag:s0] =	ssyncadd.remote.s32 $0x1  }
0xbe: {  	_ =	sfence.sel $0xFFFF  }
0xbf: {  	[dreg:$0x0] =	wrdreg $0xFFFFFFFF;
	(pc) =	sbr.abs _section_cstart, $3  }
0xc0: {  	[dreg:$0x1] =	wrdreg $0xFFFFFFFF  }
0xc1: {  	_ =	task.clear_ibuf [dreg:s7], $0x2FFFF;
	_ =	strace $0x9FFFFFFF  }
0xc2: {  	(tm) =	ssettm $0x7FFFFFFF  }
0xc3: {  	_ =	shalt  }
tec
execute0_lowered:
.L_overlay_start_1:
0x0: {  	(tag) =	ssettag $0x1  }
0x1: {  	s6 =	rddreg [dreg:$0x0]  }
0x2: {  	s12 =	rddreg [dreg:$0x1]  }
0x3: {  	s2 =	simm.s32 $0x0;
	s3 =	srdreg.scid;
	s1 =	stileid.u32  }
0x4: {  	s14 =	simm.s32 $0x100;
	s15 =	simm.s32 $0x1;
	s16 =	simm.s32 $0x2  }
0x5: {  	s17 =	simm.s32 $0x3;
	s18 =	simm.s32 $0x180;
	s19 =	simm.s32 $0x280  }
0x6: {  	s20 =	simm.s32 $0x200;
	s21 =	simm.s32 $0x4280;
	s8 =	smul.u32 $0x5000, s1  }
0x7: {  	s22 =	simm.s32 $0x8280;
	s7 =	sand.u32 $0x1, s3;
	s10 =	smul.u32 $0x50000, s1  }
0x8: {  	s23 =	simm.s32 $0x0;
	[smem:$0x7FF] =	sst s2;
	s9 =	smul.u32 $0x2800, s7  }
0x9: {  	s3 =	sadd.s32 $0x2F600, s6;
	s26 =	ssub.s32 $0x2, s7;
	s7 =	smul.u32 $0x28000, s7  }
0xa: {  	s4 =	sadd.s32 $0xCBA00, s6;
	s5 =	sadd.s32 $0x167E00, s6;
	s28 =	sadd.s32 s10, s6  }
0xb: {  	_ =	strace $0x80000047;
	s29 =	sshrl.u32 s26, $0x1;
	s31 =	sadd.s32 s7, s28  }
0xc: {  	s8 =	sadd.s32 s9, s8;
	s30 =	ssub.s32 s26, s29;
	s7 =	sadd.s32 $0x204200, s31  }
0xd: {  	s13 =	sshrl.u32 s8, $0x3;
	s8 =	sadd.s32 $0x704200, s31;
	s9 =	sadd.s32 $0xC04200, s31  }
0xe: {  	s11 =	sadd.s32 s13, s6;
	s6 =	smax.u32 s30, $0x1;
	s12 =	sadd.s32 s13, s12  }
0xf: {  	s13 =	simm.s32 $0x80;
	s10 =	sadd.s32 $0x7600, s11;
	s11 =	sadd.s32 $0x11600, s11  }
.LBB2_1:
0x10: {  	[tilespmem:s2], [sflag:$0x1] =	stream.linear.gather [hbm4b:s12+s2], $0x80, $0x38;
	[tilespmem:$0xC280] =	vst v63  }
0x11: {  	_ = 	snop  }
0x12: {  	[tilespmem:s13], [sflag:$0x2] =	stream.linear.gather [hbm4b:s11+s2], $0x80, $0x38;
	[tilespmem:$0xC280] =	vst v63  }
0x13: {  	_ = 	snop  }
0x14: {  	[tilespmem:s14], [sflag:$0x3] =	stream.linear.gather [hbm4b:s10+s2], $0x80, $0x38;
	[tilespmem:$0xC280] =	vst v63  }
0x15: {  	_ =	swait.ge [sflag:s15], $0x80  }
0x16: {  	[sflag:s15] =	ssyncset.done $0x0  }
0x17: {  	[sflag:s15] =	ssyncadd.s32 $0xFFFFFF80  }
0x18: {  	_ =	swait.ge [sflag:s16], $0x80  }
0x19: {  	[sflag:s16] =	ssyncset.done $0x0  }
0x1a: {  	[sflag:s16] =	ssyncadd.s32 $0xFFFFFF80  }
0x1b: {  	_ =	swait.ge [sflag:s17], $0x80  }
0x1c: {  	[sflag:s17] =	ssyncset.done $0x0  }
0x1d: {  	[sflag:s17] =	ssyncadd.s32 $0xFFFFFF80  }
0x1e: {  	v1 =	vld [tilespmem:$0x170]  }
0x1f: {  	v3 =	vld [tilespmem:$0x90]  }
0x20: {  	s25 =	simm.s32 $0x800;
	s26 =	smov.u32 s10;
	v0 =	vld [tilespmem:$0x70]  }
0x21: {  	s28 =	smov.u32 s11;
	s29 =	smov.u32 s12;
	s24 =	simm.s32 $0x0;
	v2 =	vld [tilespmem:$0x50]  }
.LBB2_2:
0x22: {  	v4 =	vld [tilespmem:$0x110];
	s26 =	sadd.s32 $0x10, s26;
	s28 =	sadd.s32 $0x10, s28;
	s29 =	sadd.s32 $0x10, s29  }
0x23: {  	p0 =	sne.s32 s25, $0x27800;
	s30 =	smov.u32 s25;
	s25 =	sadd.s32 $0x800, s25;
	v5 =	vld [tilespmem:$0x140]  }
0x24: {  	v6 =	vld [tilespmem:$0x60]  }
0x25: {  	v7 =	vld [tilespmem:$0x160]  }
0x26: {  	v8 =	vld [tilespmem:$0x40]  }
0x27: {  	v9 =	vld [tilespmem:$0xC0]  }
0x28: {  	v10 =	vld [tilespmem:$0xE0]  }
0x29: {  	v5 =	vmul.u32 $0x2710, v5;
	v11 =	vld [tilespmem:$0x150]  }
0x2a: {  	v12 =	vld [tilespmem:$0x10]  }
0x2b: {  	v7 =	vmul.u32 $0x2710, v7;
	v13 =	vld [tilespmem:$0x20];
	v8 =	vadd.s32 v5, v8  }
0x2c: {  	v14 =	vld [tilespmem:$0x120];
	v5 =	vadd.s32 v9, v5;
	[tilespmem:$0x240] =	vst v8  }
0x2d: {  	v4 =	vmul.u32 $0x2710, v4;
	v6 =	vadd.s32 v7, v6;
	v8 =	vld [tilespmem:$0xA0];
	[tilespmem:$0x1C0] =	vst v5;
	v5 =	vadd.s32 v10, v7  }
0x2e: {  	v7 =	vld [tilespmem:$0x100];
	[tilespmem:$0x260] =	vst v6  }
0x2f: {  	v3 =	vadd.s32 v3, v4;
	v6 =	vld [tilespmem:$0x0];
	v4 =	vadd.s32 v4, v12;
	[tilespmem:$0x1E0] =	vst v5  }
0x30: {  	v5 =	vld [tilespmem:$0x80];
	[tilespmem:$0x190] =	vst v3  }
0x31: {  	v3 =	vmul.u32 $0x2710, v14;
	v9 =	vld [tilespmem:$0xD0]  }
0x32: {  	[tilespmem:$0x210] =	vst v4;
	v4 =	vld [tilespmem:$0x130]  }
0x33: {  	v7 =	vmul.u32 $0x2710, v7;
	v8 =	vadd.s32 v8, v3;
	v3 =	vadd.s32 v3, v13;
	v10 =	vld [tilespmem:$0x30]  }
0x34: {  	[tilespmem:$0x1A0] =	vst v8;
	v8 =	vld [tilespmem:$0xB0]  }
0x35: {  	v5 =	vadd.s32 v5, v7;
	v6 =	vadd.s32 v7, v6;
	[tilespmem:$0x220] =	vst v3;
	v3 =	vmul.u32 $0x2710, v11;
	v7 =	vld [tilespmem:$0xF0]  }
0x36: {  	[tilespmem:$0x180] =	vst v5  }
0x37: {  	[tilespmem:$0x200] =	vst v6;
	v4 =	vmul.u32 $0x2710, v4;
	v5 =	vadd.s32 v9, v3;
	v2 =	vadd.s32 v3, v2  }
0x38: {  	v1 =	vmul.u32 $0x2710, v1;
	[tilespmem:$0x250] =	vst v2  }
0x39: {  	v2 =	vadd.s32 v8, v4;
	v3 =	vadd.s32 v4, v10;
	[tilespmem:$0x1D0] =	vst v5  }
0x3a: {  	v0 =	vadd.s32 v1, v0;
	[tilespmem:$0x230] =	vst v3;
	v3 =	vadd.s32 v7, v1  }
0x3b: {  	[tilespmem:$0x270] =	vst v0  }
0x3c: {  	[tilespmem:$0x1B0] =	vst v2  }
0x3d: {  	[tilespmem:$0x1F0] =	vst v3  }
0x3e: {  	[tilespmem:s19], [sflag:$0x1] =	stream.indirect.gather [hbm4b:s3+s13], $0x80, s18, s13, $0xb8;
	[tilespmem:$0xC280] =	vst v63  }
0x3f: {  	_ = 	snop  }
0x40: {  	[tilespmem:s21], [sflag:$0x2] =	stream.indirect.gather [hbm4b:s4+s13], $0x80, s20, s13, $0xb8;
	[tilespmem:$0xC280] =	vst v63  }
0x41: {  	_ = 	snop  }
0x42: {  	[tilespmem:s22], [sflag:$0x3] =	stream.indirect.gather [hbm4b:s5+s13], $0x80, s20, s13, $0xb8;
	[tilespmem:$0xC280] =	vst v63  }
0x43: {  	_ =	swait.ge [sflag:s15], $0x4000  }
0x44: {  	[sflag:s15] =	ssyncset.done $0x0  }
0x45: {  	[sflag:s15] =	ssyncadd.s32 $0xFFFFC000  }
0x46: {  	_ =	swait.ge [sflag:s16], $0x4000  }
0x47: {  	[sflag:s16] =	ssyncset.done $0x0  }
0x48: {  	[sflag:s16] =	ssyncadd.s32 $0xFFFFC000  }
0x49: {  	_ =	swait.ge [sflag:s17], $0x4000  }
0x4a: {  	s31 =	sadd.s32 s24, s7;
	[sflag:s17] =	ssyncset.done $0x0  }
0x4b: {  	s0 =	sadd.s32 s24, s8;
	[sflag:s17] =	ssyncadd.s32 $0xFFFFC000  }
0x4c: {  	[hbm4b:s31+s2] =	stream.linear.scatter [tilespmem:s19], [sflag:$0x1], $0x4000, $0x38;
	[tilespmem:$0xC280] =	vst v63  }
0x4d: {  	s31 =	sadd.s32 s24, s9;
	s24 =	smov.u32 s30  }
0x4e: {  	[hbm4b:s0+s2] =	stream.linear.scatter [tilespmem:s21], [sflag:$0x2], $0x4000, $0x38;
	[tilespmem:$0xC280] =	vst v63  }
0x4f: {  	_ = 	snop  }
0x50: {  	[hbm4b:s31+s2] =	stream.linear.scatter [tilespmem:s22], [sflag:$0x3], $0x4000, $0x38;
	[tilespmem:$0xC280] =	vst v63  }
0x51: {  	_ =	swait.ge [sflag:s15], $0x4000  }
0x52: {  	[sflag:s15] =	ssyncset.done $0x0  }
0x53: {  	[sflag:s15] =	ssyncadd.s32 $0xFFFFC000  }
0x54: {  	_ =	swait.ge [sflag:s16], $0x4000  }
0x55: {  	[sflag:s16] =	ssyncset.done $0x0  }
0x56: {  	[sflag:s16] =	ssyncadd.s32 $0xFFFFC000  }
0x57: {  	_ =	swait.ge [sflag:s17], $0x4000  }
0x58: {  	[sflag:s17] =	ssyncset.done $0x0  }
0x59: {  	[sflag:s17] =	ssyncadd.s32 $0xFFFFC000  }
0x5a: {  	[tilespmem:s2], [sflag:$0x1] =	stream.linear.gather [hbm4b:s29+s2], $0x80, $0x38;
	[tilespmem:$0xC280] =	vst v63  }
0x5b: {  	_ = 	snop  }
0x5c: {  	[tilespmem:s13], [sflag:$0x2] =	stream.linear.gather [hbm4b:s28+s2], $0x80, $0x38;
	[tilespmem:$0xC280] =	vst v63  }
0x5d: {  	_ = 	snop  }
0x5e: {  	[tilespmem:s14], [sflag:$0x3] =	stream.linear.gather [hbm4b:s26+s2], $0x80, $0x38;
	[tilespmem:$0xC280] =	vst v63  }
0x5f: {  	_ =	swait.ge [sflag:s15], $0x80  }
0x60: {  	[sflag:s15] =	ssyncset.done $0x0  }
0x61: {  	[sflag:s15] =	ssyncadd.s32 $0xFFFFFF80  }
0x62: {  	_ =	swait.ge [sflag:s16], $0x80  }
0x63: {  	[sflag:s16] =	ssyncset.done $0x0  }
0x64: {  	[sflag:s16] =	ssyncadd.s32 $0xFFFFFF80  }
0x65: {  	_ =	swait.ge [sflag:s17], $0x80  }
0x66: {  	[sflag:s17] =	ssyncset.done $0x0  }
0x67: {  	[sflag:s17] =	ssyncadd.s32 $0xFFFFFF80  }
.Ltmp0:
0x68: {  	v1 =	vld [tilespmem:$0x170];
	(pc) =	sbr.rel @p0 .LBB2_2-.Ltmp0, $3  }
0x69: {  	v3 =	vld [tilespmem:$0x90];
	_ =	sdelay $0x1  }
0x6a: {  	v0 =	vld [tilespmem:$0x70]  }
0x6b: {  	v2 =	vld [tilespmem:$0x50]  }
0x6c: {  	v4 =	vld [tilespmem:$0x110]  }
0x6d: {  	v5 =	vld [tilespmem:$0x140]  }
0x6e: {  	v6 =	vld [tilespmem:$0x60]  }
0x6f: {  	v7 =	vld [tilespmem:$0x160]  }
0x70: {  	v8 =	vld [tilespmem:$0x40]  }
0x71: {  	v59 =	vld [tilespmem:$0xF0]  }
0x72: {  	v9 =	vld [tilespmem:$0xC0]  }
0x73: {  	v10 =	vld [tilespmem:$0xE0];
	v1 =	vmul.u32 $0x2710, v1  }
0x74: {  	v11 =	vld [tilespmem:$0x150]  }
0x75: {  	v12 =	vld [tilespmem:$0x10];
	v0 =	vadd.s32 v1, v0;
	v5 =	vmul.u32 $0x2710, v5  }
0x76: {  	v13 =	vld [tilespmem:$0x120];
	[tilespmem:$0x270] =	vst v0;
	v63 =	vadd.s32 v59, v1  }
0x77: {  	v14 =	vld [tilespmem:$0xA0];
	v7 =	vmul.u32 $0x2710, v7;
	[tilespmem:$0x1F0] =	vst v63;
	v8 =	vadd.s32 v5, v8  }
0x78: {  	v45 =	vld [tilespmem:$0x100];
	v5 =	vadd.s32 v9, v5;
	[tilespmem:$0x240] =	vst v8  }
0x79: {  	v46 =	vld [tilespmem:$0x20];
	v4 =	vmul.u32 $0x2710, v4;
	v47 =	vadd.s32 v7, v6;
	[tilespmem:$0x1C0] =	vst v5  }
0x7a: {  	v49 =	vld [tilespmem:$0x80];
	v48 =	vadd.s32 v10, v7;
	[tilespmem:$0x260] =	vst v47  }
0x7b: {  	v53 =	vld [tilespmem:$0xD0];
	v51 =	vmul.u32 $0x2710, v13;
	v3 =	vadd.s32 v3, v4;
	[tilespmem:$0x1E0] =	vst v48  }
0x7c: {  	v52 =	vld [tilespmem:$0x130];
	v4 =	vadd.s32 v4, v12;
	[tilespmem:$0x190] =	vst v3  }
0x7d: {  	v50 =	vld [tilespmem:$0x0];
	v57 =	vmul.u32 $0x2710, v11;
	v55 =	vadd.s32 v14, v51;
	[tilespmem:$0x210] =	vst v4  }
0x7e: {  	v56 =	vld [tilespmem:$0x30];
	v6 =	vadd.s32 v51, v46;
	[tilespmem:$0x1A0] =	vst v55  }
0x7f: {  	v58 =	vld [tilespmem:$0xB0];
	v54 =	vmul.u32 $0x2710, v45;
	v2 =	vadd.s32 v57, v2;
	[tilespmem:$0x220] =	vst v6  }
0x80: {  	v60 =	vadd.s32 v53, v57;
	[tilespmem:$0x250] =	vst v2  }
0x81: {  	v5 =	vadd.s32 v49, v54;
	v3 =	vmul.u32 $0x2710, v52;
	[tilespmem:$0x1D0] =	vst v60  }
0x82: {  	v4 =	vadd.s32 v54, v50;
	[tilespmem:$0x180] =	vst v5  }
0x83: {  	[tilespmem:$0x200] =	vst v4;
	v61 =	vadd.s32 v3, v56  }
0x84: {  	v62 =	vadd.s32 v58, v3;
	[tilespmem:$0x230] =	vst v61  }
0x85: {  	[tilespmem:$0x1B0] =	vst v62  }
0x86: {  	[tilespmem:s19], [sflag:$0x1] =	stream.indirect.gather [hbm4b:s3+s13], $0x80, s18, s13, $0xb8;
	[tilespmem:$0xC280] =	vst v63  }
0x87: {  	_ = 	snop  }
0x88: {  	[tilespmem:s21], [sflag:$0x2] =	stream.indirect.gather [hbm4b:s4+s13], $0x80, s20, s13, $0xb8;
	[tilespmem:$0xC280] =	vst v63  }
0x89: {  	_ = 	snop  }
0x8a: {  	[tilespmem:s22], [sflag:$0x3] =	stream.indirect.gather [hbm4b:s5+s13], $0x80, s20, s13, $0xb8;
	[tilespmem:$0xC280] =	vst v63  }
0x8b: {  	_ =	swait.ge [sflag:s15], $0x4000  }
0x8c: {  	[sflag:s15] =	ssyncset.done $0x0  }
0x8d: {  	[sflag:s15] =	ssyncadd.s32 $0xFFFFC000  }
0x8e: {  	_ =	swait.ge [sflag:s16], $0x4000  }
0x8f: {  	[sflag:s16] =	ssyncset.done $0x0  }
0x90: {  	[sflag:s16] =	ssyncadd.s32 $0xFFFFC000  }
0x91: {  	_ =	swait.ge [sflag:s17], $0x4000  }
0x92: {  	[sflag:s17] =	ssyncset.done $0x0  }
0x93: {  	s0 =	sadd.s32 s24, s7;
	[sflag:s17] =	ssyncadd.s32 $0xFFFFC000  }
0x94: {  	[hbm4b:s0+s2] =	stream.linear.scatter [tilespmem:s19], [sflag:$0x1], $0x4000, $0x38;
	[tilespmem:$0xC280] =	vst v63  }
0x95: {  	s30 =	sadd.s32 s24, s8  }
0x96: {  	[hbm4b:s30+s2] =	stream.linear.scatter [tilespmem:s21], [sflag:$0x2], $0x4000, $0x38;
	[tilespmem:$0xC280] =	vst v63  }
0x97: {  	s31 =	sadd.s32 s24, s9  }
0x98: {  	[hbm4b:s31+s2] =	stream.linear.scatter [tilespmem:s22], [sflag:$0x3], $0x4000, $0x38;
	[tilespmem:$0xC280] =	vst v63  }
0x99: {  	_ =	swait.ge [sflag:s15], $0x4000  }
0x9a: {  	[sflag:s15] =	ssyncset.done $0x0  }
0x9b: {  	s23 =	sadd.s32 $0x1, s23;
	[sflag:s15] =	ssyncadd.s32 $0xFFFFC000  }
0x9c: {  	p0 =	sne.s32 s23, s6;
	_ =	swait.ge [sflag:s16], $0x4000  }
.Ltmp1:
0x9d: {  	[sflag:s16] =	ssyncset.done $0x0;
	(pc) =	sbr.rel @p0 .LBB2_1-.Ltmp1, $4  }
0x9e: {  	[sflag:s16] =	ssyncadd.s32 $0xFFFFC000  }
0x9f: {  	_ =	swait.ge [sflag:s17], $0x4000  }
0xa0: {  	[sflag:s17] =	ssyncset.done $0x0  }
0xa1: {  	[sflag:s17] =	ssyncadd.s32 $0xFFFFC000  }
0xa2: {  	_ =	sfence.sel $0x180000  }
0xa3: {  	[bflag:$0x0] =	sbarrier.arrive $0xFFFF  }
0xa4: {  	_ =	strace $0x90000047  }
0xa5: {  	[bflag:$0x2] =	sbarrier.arrive $0xFFFF  }
0xa6: {  	p0 =	sne.s32 s1, $0x0;
	s0 =	rddreg [dreg:$0x2]  }
0xa7: {  	s0 =	sadd.s32 @!p0 $0x100000, s0  }
0xa8: {  	[sflag:s0] =	ssyncadd.tile.s32 @!p0 $0x1;
	_ =	shalt  }
.Lfunc_end2:
_tile_overlayer_lowered:
.L_overlay_start_2:
0xa9: {  	(tag) =	ssettag $0x2  }
0xaa: {  	s0 =	rddreg [dreg:$0x0];
	s2 =	stileid.u32  }
0xab: {  	s1 =	rddreg [dreg:$0x1];
	p0 =	sne.s32 s2, $0x0  }
0xac: {  	s3 =	rddreg [dreg:$0x2];
	[bflag:$0x3] =	sbarrier.arrive $0xFFFF;
	s2 =	simm.s32 @!p0 $0x1C04  }
0xad: {  	[timem:s3], [sflag:s2] =	dma.local @!p0 [hbm:s0], s1  }
0xae: {  	s0 =	simm.s32 @!p0 $0x4  }
0xaf: {  	_ =	swait.ge @!p0 [sflag:s0], s1  }
0xb0: {  	s1 =	ssub.s32 @!p0 $0x0, s1;
	[sflag:s0] =	ssyncset.done @!p0 $0x0  }
0xb1: {  	[sflag:s0] =	ssyncadd.s32 @!p0 s1  }
0xb2: {  	[bflag:$0x3] =	sbarrier.arrive $0xFFFF  }
0xb3: {  	_ =	shalt  }

// kernel: kernel.13.cloned.1.call-start
scs
__scs_entry_jumppad:
0x0: {  	(pc) =	sbr.rel $0x88, $3  }
0x1: {  	(tag) =	ssettag $0x0;
	lr =	simm.s32 $0x1  }
0x2: {  	[smem:$0x3F90] =	sst lr;
	_ =	strace $0xD0000000  }
0x3: {  	_ = 	snop  }
0x4: {  	_ = 	snop  }
0x5: {  	_ = 	snop  }
0x6: {  	_ = 	snop  }
0x7: {  	_ = 	snop  }
__scs_overlays_trampoline_lowered:
0x8: {  	[smem:$0x3F9F] =	sst s0  }
0x9: {  	[smem:$0x3FA0] =	sst s1  }
0xa: {  	[smem:$0x3FA1] =	sst s2  }
0xb: {  	[smem:$0x3FA2] =	sst s3  }
0xc: {  	[smem:$0x3FA3] =	sst s4  }
0xd: {  	[smem:$0x3FA4] =	sst s5  }
0xe: {  	[smem:$0x3FA5] =	sst s6  }
0xf: {  	[smem:$0x3FA6] =	sst s7  }
0x10: {  	[smem:$0x3FA7] =	sst s8  }
0x11: {  	[smem:$0x3FA8] =	sst s9;
	s0 =	simm.s32 @!p0 $0x0  }
0x12: {  	s1 =	sld [smem:$0x3F8E];
	s0 =	simm.s32 @p0 $0x1  }
0x13: {  	[smem:$0x3FA9] =	sst s0;
	s0 =	simm.s32 @!p1 $0x0  }
0x14: {  	s2 =	sld [smem:$0x3F8D];
	s0 =	simm.s32 @p1 $0x1  }
0x15: {  	[smem:$0x3FAA] =	sst s0;
	s0 =	simm.s32 @!p2 $0x0  }
0x16: {  	s3 =	sld [smem:$0x3FDB];
	s0 =	simm.s32 @p2 $0x1  }
0x17: {  	s4 =	simm.s32 $0x1BF5;
	[smem:$0x3FAC] =	sst s0  }
0x18: {  	s0 =	sld [smem:$0x3F8F];
	_ =	swait.ge [sflag:s4], $0x0  }
0x19: {  	s7 =	sld [smem:$0x3F90]  }
0x1a: {  	s8 =	sadd.s32 $0xFFFFE003, lr  }
0x1b: {  	s9 =	sadd.s32 $0xFFFFFEF7, lr;
	s5 =	simm.s32 $0xFFFFFFFF;
	p2 =	slt.u32 s8, $0xFFFFF086  }
0x1c: {  	p1 =	slt.u32 s9, $0xF7A;
	s5 =	simm.s32 @!p2 $0x0  }
0x1d: {  	s5 =	simm.s32 @p1 $0x1;
	p0 =	seq.s32 s7, s2  }
0x1e: {  	s7 =	smul.u32 @!p0 $0xF7A, s2;
	p2 =	seq.s32 @!p0 s5, $0x0  }
0x1f: {  	s9 =	smul.u32 $0xF7A, s1;
	s8 =	simm.s32 @!p0 $0x1BF5;
	p2 =	por !p2, p0  }
0x20: {  	[sflag:s8] =	ssyncset.s32 @!p0 $0xFFFFF086;
	s6 =	sadd.s32 @!p0 s3, s7;
	s7 =	simm.s32 @!p0 $0x108  }
0x21: {  	s3 =	sadd.s32 s3, s9;
	s6 =	sadd.s32 @!p0 $0x88, s6;
	s7 =	simm.s32 @p2 $0x1082  }
0x22: {  	[simem:s7], [sflag:s8] =	dma.local @!p0 [hbm:s6], $0xF7A  }
0x23: {  	s9 =	sor.u32 $0xD0000000, s2;
	s6 =	simm.s32 $0x108;
	_ =	swait.ge @!p0 [sflag:s8], $0x0  }
0x24: {  	s3 =	sadd.s32 $0x88, s3;
	s6 =	simm.s32 @!p1 $0x1082;
	[sflag:s4] =	ssyncset.s32 $0xFFFFF086  }
0x25: {  	[simem:s6], [sflag:s4] =	dma.local [hbm:s3], $0xF7A  }
0x26: {  	[smem:$0x3F90] =	sst s1;
	(tag) =	ssettag s2;
	_ =	strace s9  }
0x27: {  	s1 =	sld [smem:$0x3FA0]  }
0x28: {  	s2 =	sld [smem:$0x3FA1]  }
0x29: {  	s4 =	sld [smem:$0x3FA3]  }
0x2a: {  	p0 =	seq.s32 s5, $0x0;
	s5 =	sld [smem:$0x3FA4]  }
0x2b: {  	s6 =	sld [smem:$0x3FA5]  }
0x2c: {  	s7 =	sld [smem:$0x3FA6]  }
0x2d: {  	s3 =	simm.s32 $0x108;
	s8 =	sld [smem:$0x3FA7]  }
0x2e: {  	s3 =	simm.s32 @!p0 $0x1082;
	s9 =	sld [smem:$0x3FA8]  }
0x2f: {  	lr =	sadd.s32 s0, s3;
	s0 =	sld [smem:$0x3F9F]  }
0x30: {  	s3 =	sld [smem:$0x3FA2]  }
0x31: {  	[smem:$0x3FAB] =	sst s10  }
0x32: {  	s10 =	sld [smem:$0x3FA9];
	_ =	sdelay $0x3  }
0x33: {  	p0 =	seq.s32 s10, $0x1;
	s10 =	sld [smem:$0x3FAB];
	_ =	sdelay $0x3  }
0x34: {  	[smem:$0x3FAB] =	sst s10  }
0x35: {  	s10 =	sld [smem:$0x3FAA];
	_ =	sdelay $0x3  }
0x36: {  	p1 =	seq.s32 s10, $0x1;
	s10 =	sld [smem:$0x3FAB];
	_ =	sdelay $0x3  }
0x37: {  	[smem:$0x3FAB] =	sst s10  }
0x38: {  	s10 =	sld [smem:$0x3FAC]  }
0x39: {  	_ = 	snop;
	(pc) =	sbr.ind lr, $3  }
0x3a: {  	_ = 	snop  }
0x3b: {  	_ = 	snop  }
0x3c: {  	p2 =	seq.s32 s10, $0x1;
	s10 =	sld [smem:$0x3FAB]  }
0x3d: {  	_ =	shalt  }
0x3e: {  	_ =	shalt  }
0x3f: {  	_ =	shalt  }
0x40: {  	_ =	shalt  }
0x41: {  	_ =	shalt  }
0x42: {  	_ =	shalt  }
0x43: {  	_ =	shalt  }
0x44: {  	_ =	shalt  }
0x45: {  	_ =	shalt  }
0x46: {  	_ =	shalt  }
0x47: {  	_ =	shalt  }
0x48: {  	_ =	shalt  }
0x49: {  	_ =	shalt  }
0x4a: {  	_ =	shalt  }
0x4b: {  	_ =	shalt  }
0x4c: {  	_ =	shalt  }
0x4d: {  	_ =	shalt  }
0x4e: {  	_ =	shalt  }
0x4f: {  	_ =	shalt  }
0x50: {  	_ =	shalt  }
0x51: {  	_ =	shalt  }
0x52: {  	_ =	shalt  }
0x53: {  	_ =	shalt  }
0x54: {  	_ =	shalt  }
0x55: {  	_ =	shalt  }
0x56: {  	_ =	shalt  }
0x57: {  	_ =	shalt  }
0x58: {  	_ =	shalt  }
0x59: {  	_ =	shalt  }
0x5a: {  	_ =	shalt  }
0x5b: {  	_ =	shalt  }
0x5c: {  	_ =	shalt  }
0x5d: {  	_ =	shalt  }
0x5e: {  	_ =	shalt  }
0x5f: {  	_ =	shalt  }
0x60: {  	_ =	shalt  }
0x61: {  	_ =	shalt  }
0x62: {  	_ =	shalt  }
0x63: {  	_ =	shalt  }
0x64: {  	_ =	shalt  }
0x65: {  	_ =	shalt  }
0x66: {  	_ =	shalt  }
0x67: {  	_ =	shalt  }
0x68: {  	_ =	shalt  }
0x69: {  	_ =	shalt  }
0x6a: {  	_ =	shalt  }
0x6b: {  	_ =	shalt  }
0x6c: {  	_ =	shalt  }
0x6d: {  	_ =	shalt  }
0x6e: {  	_ =	shalt  }
0x6f: {  	_ =	shalt  }
0x70: {  	_ =	shalt  }
0x71: {  	_ =	shalt  }
0x72: {  	_ =	shalt  }
0x73: {  	_ =	shalt  }
0x74: {  	_ =	shalt  }
0x75: {  	_ =	shalt  }
0x76: {  	_ =	shalt  }
0x77: {  	_ =	shalt  }
0x78: {  	_ =	shalt  }
0x79: {  	_ =	shalt  }
0x7a: {  	_ =	shalt  }
0x7b: {  	_ =	shalt  }
0x7c: {  	_ =	shalt  }
0x7d: {  	_ =	shalt  }
0x7e: {  	_ =	shalt  }
0x7f: {  	_ =	shalt  }
0x80: {  	_ =	shalt  }
0x81: {  	_ =	shalt  }
0x82: {  	_ =	shalt  }
0x83: {  	_ =	shalt  }
0x84: {  	_ =	shalt  }
0x85: {  	_ =	shalt  }
0x86: {  	_ =	shalt  }
0x87: {  	_ =	shalt  }
.Lfunc_end0:
.L_simem_size_0:
called_computation.1_lowered:
.L_overlay_start_0:
0x88: {  	s2 =	sld [smem:$0x3FD9]  }
0x89: {  	s3 =	sld [smem:$0x3FFE];
	_ =	sdelay $0x1  }
0x8a: {  	s1 =	srdreg.scid  }
0x8b: {  	s0 =	sand.u32 $0x1, s1  }
0x8c: {  	s16 =	sshll.u32 s0, $0xA;
	s2 =	sadd.s32 s3, s2  }
0x8d: {  	s2 =	sadd.s32 s2, s16  }
0x8e: {  	[smem:$0x3FB7] =	sst s2  }
0x8f: {  	_ = 	snop  }
0x90: {  	(tm) =	ssettm $0x1  }
0x91: {  	s17 =	sld [smem:$0x3FFB];
	_ =	sdelay $0x3  }
0x92: {  	_ =	strace s17  }
0x93: {  	s2 =	sld [smem:$0x3FFC];
	_ =	sdelay $0x3  }
0x94: {  	_ =	strace s2  }
0x95: {  	s2 =	sld [smem:$0x3FFD];
	_ =	sdelay $0x3  }
0x96: {  	_ =	strace s2  }
0x97: {  	_ =	strace $0x8FFFFFFF  }
0x98: {  	s18 =	sld [smem:$0x3FDB];
	_ =	sdelay $0x1  }
0x99: {  	s19 =	simm.s32 $_scs_section_size  }
0x9a: {  	s4 =	simm.s32 $_size__tile_overlayer_lowered;
	s5 =	simm.s32 $_tile_overlayer_lowered  }
0x9b: {  	s22 =	simm.s32 $0x1BFF;
	s21 =	sshll.u32 s5, $0x1;
	s2 =	sadd.s32 s19, s18  }
0x9c: {  	s6 =	simm.s32 $0x0;
	s20 =	sshll.u32 s4, $0x1;
	s4 =	sadd.s32 s21, s2  }
0x9d: {  	[timem:s6], [sflag:s22] =	dma.local [hbm:s4], s20  }
0x9e: {  	_ =	swait.ge [sflag:s22], s20  }
0x9f: {  	s3 =	ssub.s32 $0x0, s20;
	[sflag:s22] =	ssyncset.done $0x0  }
0xa0: {  	[sflag:s22] =	ssyncadd.s32 s3;
	_ =	sdelay $0x1  }
0xa1: {  	s23 =	simm.s32 $0x1B8B  }
0xa2: {  	_ =	swait.ge [sflag:s23], $0x1  }
0xa3: {  	[sflag:s23] =	ssyncset.done $0x0  }
0xa4: {  	s25 =	simm.s32 $0x1B8E;
	s24 =	sld [smem:$0x3FFE];
	[sflag:s23] =	ssyncadd.s32 $0xFFFFFFFF  }
0xa5: {  	s26 =	simm.s32 $execute0_lowered;
	[smem:$0x3FD2] =	sst s25  }
0xa6: {  	s4 =	sshll.u32 s26, $0x1;
	_ =	strace $0x80000049;
	[dreg:$0x1] =	wrdreg $0xFFFFFFFF  }
0xa7: {  	s28 =	simm.s32 $_size_execute0_lowered;
	s2 =	sadd.s32 s2, s4;
	[dreg:$0x0] =	wrdreg $0x0  }
0xa8: {  	s4 =	sshll.u32 s28, $0x1;
	[dreg:$0x2] =	wrdreg s2  }
0xa9: {  	[dreg:$0x3] =	wrdreg s4  }
0xaa: {  	[dreg:$0x4] =	wrdreg $0xC0  }
0xab: {  	_ =	task [dreg:s6], $0x5FFFF  }
0xac: {  	[dreg:$0x1] =	wrdreg $0xFFFFFFFF  }
0xad: {  	[dreg:$0x0] =	wrdreg $0x60  }
0xae: {  	[dreg:$0x2] =	wrdreg s24  }
0xaf: {  	[dreg:$0x3] =	wrdreg $0x40800  }
0xb0: {  	[dreg:$0x4] =	wrdreg $0xE0800  }
0xb1: {  	[dreg:$0x5] =	wrdreg $0x9  }
0xb2: {  	_ =	task.clear_ibuf [dreg:s6], $0x6FFFF;
	_ =	strace $0x90000049  }
0xb3: {  	s29 =	simm.s32 $0x9;
	_ =	strace $0x8000004B  }
0xb4: {  	_ =	swait.ge [sflag:s29], $0x1  }
0xb5: {  	[sflag:s29] =	ssyncadd.s32 $0xFFFFFFFF  }
0xb6: {  	_ =	strace $0x9000004B  }
0xb7: {  	_ =	sfence  }
0xb8: {  	s30 =	sld [smem:$0x0];
	_ =	sdelay $0x2  }
0xb9: {  	s31 =	sshll.u32 s1, $0xD;
	s1 =	sshrl.u32 s1, $0x2  }
0xba: {  	s3 =	sand.u32 $0x4000, s31;
	s1 =	sadd.s32 s1, s30  }
0xbb: {  	s0 =	sor.u32 s3, s0;
	s1 =	sshll.u32 s1, $0x11  }
0xbc: {  	s0 =	sor.u32 s1, s0  }
0xbd: {  	s0 =	sadd.s32 $0x8F2B, s0  }
0xbe: {  	[sflag:s0] =	ssyncadd.remote.s32 $0x1  }
0xbf: {  	_ =	sfence.sel $0xFFFF  }
0xc0: {  	[dreg:$0x0] =	wrdreg $0xFFFFFFFF;
	(pc) =	sbr.abs _section_cstart, $3  }
0xc1: {  	[dreg:$0x1] =	wrdreg $0xFFFFFFFF  }
0xc2: {  	_ =	task.clear_ibuf [dreg:s6], $0x2FFFF;
	_ =	strace $0x9FFFFFFF  }
0xc3: {  	(tm) =	ssettm $0x7FFFFFFF  }
tec
execute0_lowered:
.L_overlay_start_1:
0x0: {  	(tag) =	ssettag $0x1  }
0x1: {  	s0 =	rddreg [dreg:$0x0]  }
0x2: {  	s2 =	rddreg [dreg:$0x1]  }
0x3: {  	s3 =	rddreg [dreg:$0x2]  }
0x4: {  	s24 =	stileid.u32;
	s4 =	simm.s32 $0x0;
	s5 =	srdreg.scid  }
0x5: {  	s28 =	simm.s32 $0x1;
	s29 =	simm.s32 $0x2;
	s1 =	smul.u32 $0x50000, s24  }
0x6: {  	s30 =	simm.s32 $0x3;
	s31 =	simm.s32 $0x40;
	s9 =	smul.u32 $0xA000, s24  }
0x7: {  	[smem:$0x7FF] =	sst s4;
	s7 =	sadd.s32 $0x1118200, s0;
	s12 =	smul.u32 $0x5000, s24  }
0x8: {  	s8 =	sand.u32 $0x1, s5;
	s5 =	sadd.s32 $0x7600, s0;
	s14 =	smul.u32 $0x138, s24  }
0x9: {  	s10 =	sadd.s32 $0x56800, s0;
	s17 =	sshll.u32 s24, $0x6;
	s15 =	smul.u32 $0x9C00, s24  }
0xa: {  	s25 =	sadd.s32 $0x9C000, s3;
	p0 =	sne.s32 s24, $0xF;
	s13 =	smul.u32 $0x1388, s8  }
0xb: {  	_ =	strace $0x8000004A;
	s6 =	ssub.s32 $0x2, s8;
	s19 =	smul.u32 $0x9C400, s8  }
0xc: {  	s8 =	smul.u32 $0x50000, s8;
	s25 =	sshrl.u32 @!p0 s25, $0x3;
	s1 =	sadd.s32 s1, s0  }
0xd: {  	s11 =	sshrl.u32 s6, $0x1;
	s0 =	sadd.s32 $0x2F600, s0;
	s18 =	sadd.s32 s9, s2  }
0xe: {  	s9 =	sadd.s32 s9, s3;
	s22 =	sadd.s32 s15, s2;
	s23 =	sadd.s32 s15, s3  }
0xf: {  	s11 =	ssub.s32 s6, s11;
	s6 =	sor.u32 $0x1C04, s17;
	s13 =	sadd.s32 s14, s13  }
0x10: {  	s14 =	sshrl.u32 s19, $0x3;
	s26 =	sadd.s32 s12, s8;
	s12 =	sadd.s32 $0x1140200, s1  }
0x11: {  	s15 =	sadd.s32 $0x1168200, s1;
	s18 =	sshrl.u32 s18, $0x3;
	s19 =	simm.s32 $0x4  }
0x12: {  	s22 =	sshrl.u32 s22, $0x3;
	s23 =	sshrl.u32 s23, $0x3;
	s13 =	sshll.u32 s13, $0x4  }
0x13: {  	s20 =	sadd.s32 $0x13800, s14;
	s14 =	sadd.s32 $0x9C000, s2;
	s21 =	smax.u32 s11, $0x1  }
0x14: {  	s8 =	sshrl.u32 s26, $0x3;
	s16 =	sadd.s32 s10, s13;
	[dreg:$0x8] =	wrdreg s21  }
0x15: {  	s13 =	sadd.s32 s0, s13;
	s10 =	sadd.s32 s10, s20;
	[dreg:$0x4] =	wrdreg s16  }
0x16: {  	s0 =	sadd.s32 s0, s20;
	s8 =	sadd.s32 s8, s7;
	[dreg:$0x5] =	wrdreg s13  }
0x17: {  	s20 =	sshrl.u32 s9, $0x3;
	s21 =	simm.s32 $0x4000;
	[dreg:$0x6] =	wrdreg s10  }
0x18: {  	s24 =	sshrl.u32 @!p0 s14, $0x3;
	[dreg:$0x7] =	wrdreg s0;
	s0 =	sadd.s32 $0x2800, s26  }
0x19: {  	s13 =	sadd.s32 $0x1640200, s1;
	s16 =	sadd.s32 $0x1668200, s1;
	s0 =	sshrl.u32 s0, $0x3  }
0x1a: {  	s26 =	simm.s32 $0x2000;
	s17 =	sadd.s32 s0, s7;
	s0 =	simm.s32 $0x0  }
.LBB2_1:
0x1b: {  	[spmem:s18], [sflag:s6] =	dma.local [hbm:s5], $0x1400  }
0x1c: {  	_ =	swait.ge [sflag:s19], $0x1400  }
0x1d: {  	[sflag:s19] =	ssyncset.done $0x0  }
0x1e: {  	[sflag:s19] =	ssyncadd.s32 $0xFFFFEC00  }
0x1f: {  	[spmem:s20], [sflag:s6] =	dma.local [hbm:s5], $0x1400  }
0x20: {  	_ =	swait.ge [sflag:s19], $0x1400  }
0x21: {  	[sflag:s19] =	ssyncset.done $0x0  }
0x22: {  	[sflag:s19] =	ssyncadd.s32 $0xFFFFEC00  }
0x23: {  	[bflag:$0x0] =	sbarrier.arrive $0xFFFF  }
0x24: {  	[tilespmem:s21], [sflag:$0x1] =	stream.linear.gather [hbm4b:s8+s4], $0x40, $0x38;
	[tilespmem:$0x18080] =	vst v63  }
0x25: {  	s1 =	sadd.s32 $0x0, s12  }
0x26: {  	[tilespmem:s4], [sflag:$0x2] =	stream.linear.gather [hbm4b:s1+s4], $0x2000, $0x38;
	[tilespmem:$0x18080] =	vst v63  }
0x27: {  	s14 =	sadd.s32 $0x0, s13  }
0x28: {  	[tilespmem:s26], [sflag:$0x3] =	stream.linear.gather [hbm4b:s14+s4], $0x2000, $0x38;
	[tilespmem:$0x18080] =	vst v63  }
0x29: {  	_ =	swait.ge [sflag:s28], $0x40  }
0x2a: {  	[sflag:s28] =	ssyncset.done $0x0  }
0x2b: {  	[sflag:s28] =	ssyncadd.s32 $0xFFFFFFC0  }
0x2c: {  	_ =	swait.ge [sflag:s29], $0x2000  }
0x2d: {  	[sflag:s29] =	ssyncset.done $0x0  }
0x2e: {  	[sflag:s29] =	ssyncadd.s32 $0xFFFFE000  }
0x2f: {  	_ =	swait.ge [sflag:s30], $0x2000  }
0x30: {  	[sflag:s30] =	ssyncset.done $0x0  }
0x31: {  	[sflag:s30] =	ssyncadd.s32 $0xFFFFE000  }
0x32: {  	[spmem:s2] =	stream.indirect.scatter.add.f32 [tilespmem:s4], [sflag:$0x2], $0x80, s21, s31, $0xb8;
	[tilespmem:$0x18080] =	vst v63  }
0x33: {  	_ = 	snop  }
0x34: {  	[spmem:s3] =	stream.indirect.scatter.add.f32 [tilespmem:s26], [sflag:$0x3], $0x80, s21, s31, $0xb8;
	[tilespmem:$0x18080] =	vst v63  }
0x35: {  	_ =	swait.ge [sflag:s29], $0x2000  }
0x36: {  	[sflag:s29] =	ssyncset.done $0x0  }
0x37: {  	[sflag:s29] =	ssyncadd.s32 $0xFFFFE000  }
0x38: {  	s7 =	simm.s32 $0x400;
	_ =	swait.ge [sflag:s30], $0x2000  }
0x39: {  	s9 =	simm.s32 $0x800;
	s14 =	smov.u32 s8;
	[sflag:s30] =	ssyncset.done $0x0  }
.LBB2_2:
0x3a: {  	s1 =	simm.s32 $0x0  }
0x3b: {  	[sflag:s30] =	ssyncadd.s32 $0xFFFFE000;
	s14 =	sadd.s32 $0x8, s14;
	s10 =	smov.u32 s9  }
0x3c: {  	[tilespmem:s21], [sflag:$0x1] =	stream.linear.gather [hbm4b:s14+s1], $0x40, $0x38;
	[tilespmem:$0x18080] =	vst v63  }
0x3d: {  	p1 =	sne.s32 s9, $0x27C00;
	s9 =	sadd.s32 $0x400, s9;
	s11 =	sadd.s32 s7, s12  }
0x3e: {  	[tilespmem:s1], [sflag:$0x2] =	stream.linear.gather [hbm4b:s11+s1], $0x2000, $0x38;
	[tilespmem:$0x18080] =	vst v63  }
0x3f: {  	s11 =	sadd.s32 s7, s13;
	s7 =	smov.u32 s10  }
0x40: {  	[tilespmem:s26], [sflag:$0x3] =	stream.linear.gather [hbm4b:s11+s1], $0x2000, $0x38;
	[tilespmem:$0x18080] =	vst v63  }
0x41: {  	_ =	swait.ge [sflag:s28], $0x40  }
0x42: {  	[sflag:s28] =	ssyncset.done $0x0  }
0x43: {  	[sflag:s28] =	ssyncadd.s32 $0xFFFFFFC0  }
0x44: {  	_ =	swait.ge [sflag:s29], $0x2000  }
0x45: {  	[sflag:s29] =	ssyncset.done $0x0  }
0x46: {  	[sflag:s29] =	ssyncadd.s32 $0xFFFFE000  }
0x47: {  	_ =	swait.ge [sflag:s30], $0x2000  }
0x48: {  	[sflag:s30] =	ssyncset.done $0x0  }
0x49: {  	[sflag:s30] =	ssyncadd.s32 $0xFFFFE000  }
0x4a: {  	[spmem:s2] =	stream.indirect.scatter.add.f32 [tilespmem:s1], [sflag:$0x2], $0x80, s21, s31, $0xb8;
	[tilespmem:$0x18080] =	vst v63  }
0x4b: {  	_ = 	snop  }
0x4c: {  	[spmem:s3] =	stream.indirect.scatter.add.f32 [tilespmem:s26], [sflag:$0x3], $0x80, s21, s31, $0xb8;
	[tilespmem:$0x18080] =	vst v63  }
.Ltmp0:
0x4d: {  	_ =	swait.ge [sflag:s29], $0x2000;
	(pc) =	sbr.rel @p1 .LBB2_2-.Ltmp0, $4  }
0x4e: {  	[sflag:s29] =	ssyncset.done $0x0  }
0x4f: {  	[sflag:s29] =	ssyncadd.s32 $0xFFFFE000  }
0x50: {  	_ =	swait.ge [sflag:s30], $0x2000  }
0x51: {  	[sflag:s30] =	ssyncset.done $0x0  }
0x52: {  	[sflag:s30] =	ssyncadd.s32 $0xFFFFE000;
	s9 =	sadd.s32 $0x8, s14  }
0x53: {  	[tilespmem:s21], [sflag:$0x1] =	stream.linear.gather [hbm4b:s9+s1], $0x40, $0x38;
	[tilespmem:$0x18080] =	vst v63  }
0x54: {  	s14 =	sadd.s32 s7, s12  }
0x55: {  	[tilespmem:s1], [sflag:$0x2] =	stream.linear.gather [hbm4b:s14+s1], $0x2000, $0x38;
	[tilespmem:$0x18080] =	vst v63  }
0x56: {  	s10 =	sadd.s32 s7, s13  }
0x57: {  	[tilespmem:s26], [sflag:$0x3] =	stream.linear.gather [hbm4b:s10+s1], $0x2000, $0x38;
	[tilespmem:$0x18080] =	vst v63  }
0x58: {  	_ =	swait.ge [sflag:s28], $0x40  }
0x59: {  	[sflag:s28] =	ssyncset.done $0x0  }
0x5a: {  	[sflag:s28] =	ssyncadd.s32 $0xFFFFFFC0  }
0x5b: {  	_ =	swait.ge [sflag:s29], $0x2000  }
0x5c: {  	[sflag:s29] =	ssyncset.done $0x0  }
0x5d: {  	[sflag:s29] =	ssyncadd.s32 $0xFFFFE000  }
0x5e: {  	_ =	swait.ge [sflag:s30], $0x2000  }
0x5f: {  	[sflag:s30] =	ssyncset.done $0x0  }
0x60: {  	[sflag:s30] =	ssyncadd.s32 $0xFFFFE000  }
0x61: {  	[spmem:s2] =	stream.indirect.scatter.add.f32 [tilespmem:s1], [sflag:$0x2], $0x80, s21, s31, $0xb8;
	[tilespmem:$0x18080] =	vst v63  }
0x62: {  	_ = 	snop  }
0x63: {  	[spmem:s3] =	stream.indirect.scatter.add.f32 [tilespmem:s26], [sflag:$0x3], $0x80, s21, s31, $0xb8;
	[tilespmem:$0x18080] =	vst v63  }
0x64: {  	_ =	swait.ge [sflag:s29], $0x2000  }
0x65: {  	[sflag:s29] =	ssyncset.done $0x0  }
0x66: {  	[sflag:s29] =	ssyncadd.s32 $0xFFFFE000  }
0x67: {  	_ =	swait.ge [sflag:s30], $0x2000  }
0x68: {  	[sflag:s30] =	ssyncset.done $0x0  }
0x69: {  	[sflag:s30] =	ssyncadd.s32 $0xFFFFE000  }
0x6a: {  	[tilespmem:s21], [sflag:$0x1] =	stream.linear.gather [hbm4b:s17+s4], $0x40, $0x38;
	[tilespmem:$0x18080] =	vst v63  }
0x6b: {  	s11 =	sadd.s32 $0x0, s15  }
0x6c: {  	[tilespmem:s4], [sflag:$0x2] =	stream.linear.gather [hbm4b:s11+s4], $0x2000, $0x38;
	[tilespmem:$0x18080] =	vst v63  }
0x6d: {  	s14 =	sadd.s32 $0x0, s16  }
0x6e: {  	[tilespmem:s26], [sflag:$0x3] =	stream.linear.gather [hbm4b:s14+s4], $0x2000, $0x38;
	[tilespmem:$0x18080] =	vst v63  }
0x6f: {  	_ =	swait.ge [sflag:s28], $0x40  }
0x70: {  	[sflag:s28] =	ssyncset.done $0x0  }
0x71: {  	[sflag:s28] =	ssyncadd.s32 $0xFFFFFFC0  }
0x72: {  	_ =	swait.ge [sflag:s29], $0x2000  }
0x73: {  	[sflag:s29] =	ssyncset.done $0x0  }
0x74: {  	[sflag:s29] =	ssyncadd.s32 $0xFFFFE000  }
0x75: {  	_ =	swait.ge [sflag:s30], $0x2000  }
0x76: {  	[sflag:s30] =	ssyncset.done $0x0  }
0x77: {  	[sflag:s30] =	ssyncadd.s32 $0xFFFFE000  }
0x78: {  	[spmem:s2] =	stream.indirect.scatter.add.f32 [tilespmem:s4], [sflag:$0x2], $0x80, s21, s31, $0xb8;
	[tilespmem:$0x18080] =	vst v63  }
0x79: {  	p1 =	por $0x1, $0x1  }
0x7a: {  	[spmem:s3] =	stream.indirect.scatter.add.f32 [tilespmem:s26], [sflag:$0x3], $0x80, s21, s31, $0xb8;
	[tilespmem:$0x18080] =	vst v63  }
.Ltmp1:
0x7b: {  	_ =	swait.ge [sflag:s29], $0x2000;
	(pc) =	sbr.rel @!p1 .LBB2_5-.Ltmp1, $4  }
0x7c: {  	[sflag:s29] =	ssyncset.done $0x0  }
0x7d: {  	[sflag:s29] =	ssyncadd.s32 $0xFFFFE000  }
0x7e: {  	_ =	swait.ge [sflag:s30], $0x2000  }
0x7f: {  	s7 =	smov.u32 s17;
	s1 =	simm.s32 $0x400;
	[sflag:s30] =	ssyncset.done $0x0  }
.LBB2_4:
0x80: {  	p1 =	sne.s32 s1, $0x27C00;
	[sflag:s30] =	ssyncadd.s32 $0xFFFFE000;
	s7 =	sadd.s32 $0x8, s7  }
0x81: {  	[tilespmem:s21], [sflag:$0x1] =	stream.linear.gather [hbm4b:s7+s4], $0x40, $0x38;
	[tilespmem:$0x18080] =	vst v63  }
0x82: {  	s9 =	sadd.s32 s1, s15;
	s10 =	smov.u32 s1;
	s1 =	sadd.s32 $0x400, s1  }
0x83: {  	[tilespmem:s4], [sflag:$0x2] =	stream.linear.gather [hbm4b:s9+s4], $0x2000, $0x38;
	[tilespmem:$0x18080] =	vst v63  }
0x84: {  	s9 =	sadd.s32 s10, s16  }
0x85: {  	[tilespmem:s26], [sflag:$0x3] =	stream.linear.gather [hbm4b:s9+s4], $0x2000, $0x38;
	[tilespmem:$0x18080] =	vst v63  }
0x86: {  	_ =	swait.ge [sflag:s28], $0x40  }
0x87: {  	[sflag:s28] =	ssyncset.done $0x0  }
0x88: {  	[sflag:s28] =	ssyncadd.s32 $0xFFFFFFC0  }
0x89: {  	_ =	swait.ge [sflag:s29], $0x2000  }
0x8a: {  	[sflag:s29] =	ssyncset.done $0x0  }
0x8b: {  	[sflag:s29] =	ssyncadd.s32 $0xFFFFE000  }
0x8c: {  	_ =	swait.ge [sflag:s30], $0x2000  }
0x8d: {  	[sflag:s30] =	ssyncset.done $0x0  }
0x8e: {  	[sflag:s30] =	ssyncadd.s32 $0xFFFFE000  }
0x8f: {  	[spmem:s2] =	stream.indirect.scatter.add.f32 [tilespmem:s4], [sflag:$0x2], $0x80, s21, s31, $0xb8;
	[tilespmem:$0x18080] =	vst v63  }
0x90: {  	_ = 	snop  }
0x91: {  	[spmem:s3] =	stream.indirect.scatter.add.f32 [tilespmem:s26], [sflag:$0x3], $0x80, s21, s31, $0xb8;
	[tilespmem:$0x18080] =	vst v63  }
.Ltmp2:
0x92: {  	_ =	swait.ge [sflag:s29], $0x2000;
	(pc) =	sbr.rel @p1 .LBB2_4-.Ltmp2, $4  }
0x93: {  	[sflag:s29] =	ssyncset.done $0x0  }
0x94: {  	[sflag:s29] =	ssyncadd.s32 $0xFFFFE000  }
0x95: {  	_ =	swait.ge [sflag:s30], $0x2000  }
0x96: {  	[sflag:s30] =	ssyncset.done $0x0  }
.LBB2_5:
0x97: {  	[sflag:s30] =	ssyncadd.s32 $0xFFFFE000  }
0x98: {  	[bflag:$0x0] =	sbarrier.arrive $0xFFFF  }
0x99: {  	s1 =	rddreg [dreg:$0x4]  }
0x9a: {  	[hbm:s1], [sflag:s6] =	dma.local [spmem:s22], $0x1380  }
0x9b: {  	_ =	swait.ge [sflag:s19], $0x1380  }
0x9c: {  	[sflag:s19] =	ssyncset.done $0x0  }
0x9d: {  	s11 =	rddreg [dreg:$0x5];
	[sflag:s19] =	ssyncadd.s32 $0xFFFFEC80  }
0x9e: {  	[hbm:s11], [sflag:s6] =	dma.local [spmem:s23], $0x1380  }
0x9f: {  	_ =	swait.ge [sflag:s19], $0x1380  }
0xa0: {  	[sflag:s19] =	ssyncset.done $0x0  }
0xa1: {  	s1 =	rddreg [dreg:$0x6];
	[sflag:s19] =	ssyncadd.s32 $0xFFFFEC80  }
0xa2: {  	[hbm:s1], [sflag:s6] =	dma.local @!p0 [spmem:s24], $0x80  }
0xa3: {  	s1 =	simm.s32 @!p0 $0x4  }
0xa4: {  	_ =	swait.ge @!p0 [sflag:s1], $0x80  }
0xa5: {  	[sflag:s1] =	ssyncset.done @!p0 $0x0  }
0xa6: {  	s7 =	rddreg [dreg:$0x7];
	[sflag:s1] =	ssyncadd.s32 @!p0 $0xFFFFFF80  }
0xa7: {  	[hbm:s7], [sflag:s6] =	dma.local @!p0 [spmem:s25], $0x80  }
0xa8: {  	_ =	swait.ge @!p0 [sflag:s1], $0x80  }
0xa9: {  	s0 =	sadd.s32 $0x1, s0;
	s14 =	rddreg [dreg:$0x8]  }
0xaa: {  	p1 =	sne.s32 s0, s14  }
.Ltmp3:
0xab: {  	_ = 	snop;
	(pc) =	sbr.rel @p1 .LBB2_1-.Ltmp3, $3  }
0xac: {  	_ =	sdelay $0x1  }
0xad: {  	[sflag:s1] =	ssyncset.done @!p0 $0x0  }
0xae: {  	[sflag:s1] =	ssyncadd.s32 @!p0 $0xFFFFFF80  }
0xaf: {  	_ =	sfence.sel $0x180000  }
0xb0: {  	[bflag:$0x0] =	sbarrier.arrive $0xFFFF  }
0xb1: {  	_ =	strace $0x9000004A  }
0xb2: {  	s0 =	stileid.u32;
	[bflag:$0x2] =	sbarrier.arrive $0xFFFF  }
0xb3: {  	p0 =	sne.s32 s0, $0x0;
	s0 =	rddreg [dreg:$0x3]  }
0xb4: {  	s0 =	sadd.s32 @!p0 $0x100000, s0  }
0xb5: {  	[sflag:s0] =	ssyncadd.tile.s32 @!p0 $0x1;
	_ =	shalt  }
.Lfunc_end2:
_tile_overlayer_lowered:
.L_overlay_start_2:
0xb6: {  	(tag) =	ssettag $0x2  }
0xb7: {  	s0 =	rddreg [dreg:$0x0];
	s2 =	stileid.u32  }
0xb8: {  	s1 =	rddreg [dreg:$0x1];
	p0 =	sne.s32 s2, $0x0  }
0xb9: {  	s3 =	rddreg [dreg:$0x2];
	[bflag:$0x3] =	sbarrier.arrive $0xFFFF;
	s2 =	simm.s32 @!p0 $0x1C04  }
0xba: {  	[timem:s3], [sflag:s2] =	dma.local @!p0 [hbm:s0], s1  }
0xbb: {  	s0 =	simm.s32 @!p0 $0x4  }
0xbc: {  	_ =	swait.ge @!p0 [sflag:s0], s1  }
0xbd: {  	s1 =	ssub.s32 @!p0 $0x0, s1;
	[sflag:s0] =	ssyncset.done @!p0 $0x0  }
0xbe: {  	[sflag:s0] =	ssyncadd.s32 @!p0 s1  }
0xbf: {  	[bflag:$0x3] =	sbarrier.arrive $0xFFFF  }
0xc0: {  	_ =	shalt  }

// kernel: kernel.16.cloned.1.call-start
scs
__scs_entry_jumppad:
0x0: {  	(pc) =	sbr.rel $0x88, $3  }
0x1: {  	(tag) =	ssettag $0x0;
	lr =	simm.s32 $0x1  }
0x2: {  	[smem:$0x3F90] =	sst lr;
	_ =	strace $0xD0000000  }
0x3: {  	_ = 	snop  }
0x4: {  	_ = 	snop  }
0x5: {  	_ = 	snop  }
0x6: {  	_ = 	snop  }
0x7: {  	_ = 	snop  }
__scs_overlays_trampoline_lowered:
0x8: {  	[smem:$0x3F9F] =	sst s0  }
0x9: {  	[smem:$0x3FA0] =	sst s1  }
0xa: {  	[smem:$0x3FA1] =	sst s2  }
0xb: {  	[smem:$0x3FA2] =	sst s3  }
0xc: {  	[smem:$0x3FA3] =	sst s4  }
0xd: {  	[smem:$0x3FA4] =	sst s5  }
0xe: {  	[smem:$0x3FA5] =	sst s6  }
0xf: {  	[smem:$0x3FA6] =	sst s7  }
0x10: {  	[smem:$0x3FA7] =	sst s8  }
0x11: {  	[smem:$0x3FA8] =	sst s9;
	s0 =	simm.s32 @!p0 $0x0  }
0x12: {  	s1 =	sld [smem:$0x3F8E];
	s0 =	simm.s32 @p0 $0x1  }
0x13: {  	[smem:$0x3FA9] =	sst s0;
	s0 =	simm.s32 @!p1 $0x0  }
0x14: {  	s2 =	sld [smem:$0x3F8D];
	s0 =	simm.s32 @p1 $0x1  }
0x15: {  	[smem:$0x3FAA] =	sst s0;
	s0 =	simm.s32 @!p2 $0x0  }
0x16: {  	s3 =	sld [smem:$0x3FDB];
	s0 =	simm.s32 @p2 $0x1  }
0x17: {  	s4 =	simm.s32 $0x1BF5;
	[smem:$0x3FAC] =	sst s0  }
0x18: {  	s0 =	sld [smem:$0x3F8F];
	_ =	swait.ge [sflag:s4], $0x0  }
0x19: {  	s7 =	sld [smem:$0x3F90]  }
0x1a: {  	s8 =	sadd.s32 $0xFFFFE003, lr  }
0x1b: {  	s9 =	sadd.s32 $0xFFFFFEF7, lr;
	s5 =	simm.s32 $0xFFFFFFFF;
	p2 =	slt.u32 s8, $0xFFFFF086  }
0x1c: {  	p1 =	slt.u32 s9, $0xF7A;
	s5 =	simm.s32 @!p2 $0x0  }
0x1d: {  	s5 =	simm.s32 @p1 $0x1;
	p0 =	seq.s32 s7, s2  }
0x1e: {  	s7 =	smul.u32 @!p0 $0xF7A, s2;
	p2 =	seq.s32 @!p0 s5, $0x0  }
0x1f: {  	s9 =	smul.u32 $0xF7A, s1;
	s8 =	simm.s32 @!p0 $0x1BF5;
	p2 =	por !p2, p0  }
0x20: {  	[sflag:s8] =	ssyncset.s32 @!p0 $0xFFFFF086;
	s6 =	sadd.s32 @!p0 s3, s7;
	s7 =	simm.s32 @!p0 $0x108  }
0x21: {  	s3 =	sadd.s32 s3, s9;
	s6 =	sadd.s32 @!p0 $0x88, s6;
	s7 =	simm.s32 @p2 $0x1082  }
0x22: {  	[simem:s7], [sflag:s8] =	dma.local @!p0 [hbm:s6], $0xF7A  }
0x23: {  	s9 =	sor.u32 $0xD0000000, s2;
	s6 =	simm.s32 $0x108;
	_ =	swait.ge @!p0 [sflag:s8], $0x0  }
0x24: {  	s3 =	sadd.s32 $0x88, s3;
	s6 =	simm.s32 @!p1 $0x1082;
	[sflag:s4] =	ssyncset.s32 $0xFFFFF086  }
0x25: {  	[simem:s6], [sflag:s4] =	dma.local [hbm:s3], $0xF7A  }
0x26: {  	[smem:$0x3F90] =	sst s1;
	(tag) =	ssettag s2;
	_ =	strace s9  }
0x27: {  	s1 =	sld [smem:$0x3FA0]  }
0x28: {  	s2 =	sld [smem:$0x3FA1]  }
0x29: {  	s4 =	sld [smem:$0x3FA3]  }
0x2a: {  	p0 =	seq.s32 s5, $0x0;
	s5 =	sld [smem:$0x3FA4]  }
0x2b: {  	s6 =	sld [smem:$0x3FA5]  }
0x2c: {  	s7 =	sld [smem:$0x3FA6]  }
0x2d: {  	s3 =	simm.s32 $0x108;
	s8 =	sld [smem:$0x3FA7]  }
0x2e: {  	s3 =	simm.s32 @!p0 $0x1082;
	s9 =	sld [smem:$0x3FA8]  }
0x2f: {  	lr =	sadd.s32 s0, s3;
	s0 =	sld [smem:$0x3F9F]  }
0x30: {  	s3 =	sld [smem:$0x3FA2]  }
0x31: {  	[smem:$0x3FAB] =	sst s10  }
0x32: {  	s10 =	sld [smem:$0x3FA9];
	_ =	sdelay $0x3  }
0x33: {  	p0 =	seq.s32 s10, $0x1;
	s10 =	sld [smem:$0x3FAB];
	_ =	sdelay $0x3  }
0x34: {  	[smem:$0x3FAB] =	sst s10  }
0x35: {  	s10 =	sld [smem:$0x3FAA];
	_ =	sdelay $0x3  }
0x36: {  	p1 =	seq.s32 s10, $0x1;
	s10 =	sld [smem:$0x3FAB];
	_ =	sdelay $0x3  }
0x37: {  	[smem:$0x3FAB] =	sst s10  }
0x38: {  	s10 =	sld [smem:$0x3FAC]  }
0x39: {  	_ = 	snop;
	(pc) =	sbr.ind lr, $3  }
0x3a: {  	_ = 	snop  }
0x3b: {  	_ = 	snop  }
0x3c: {  	p2 =	seq.s32 s10, $0x1;
	s10 =	sld [smem:$0x3FAB]  }
0x3d: {  	_ =	shalt  }
0x3e: {  	_ =	shalt  }
0x3f: {  	_ =	shalt  }
0x40: {  	_ =	shalt  }
0x41: {  	_ =	shalt  }
0x42: {  	_ =	shalt  }
0x43: {  	_ =	shalt  }
0x44: {  	_ =	shalt  }
0x45: {  	_ =	shalt  }
0x46: {  	_ =	shalt  }
0x47: {  	_ =	shalt  }
0x48: {  	_ =	shalt  }
0x49: {  	_ =	shalt  }
0x4a: {  	_ =	shalt  }
0x4b: {  	_ =	shalt  }
0x4c: {  	_ =	shalt  }
0x4d: {  	_ =	shalt  }
0x4e: {  	_ =	shalt  }
0x4f: {  	_ =	shalt  }
0x50: {  	_ =	shalt  }
0x51: {  	_ =	shalt  }
0x52: {  	_ =	shalt  }
0x53: {  	_ =	shalt  }
0x54: {  	_ =	shalt  }
0x55: {  	_ =	shalt  }
0x56: {  	_ =	shalt  }
0x57: {  	_ =	shalt  }
0x58: {  	_ =	shalt  }
0x59: {  	_ =	shalt  }
0x5a: {  	_ =	shalt  }
0x5b: {  	_ =	shalt  }
0x5c: {  	_ =	shalt  }
0x5d: {  	_ =	shalt  }
0x5e: {  	_ =	shalt  }
0x5f: {  	_ =	shalt  }
0x60: {  	_ =	shalt  }
0x61: {  	_ =	shalt  }
0x62: {  	_ =	shalt  }
0x63: {  	_ =	shalt  }
0x64: {  	_ =	shalt  }
0x65: {  	_ =	shalt  }
0x66: {  	_ =	shalt  }
0x67: {  	_ =	shalt  }
0x68: {  	_ =	shalt  }
0x69: {  	_ =	shalt  }
0x6a: {  	_ =	shalt  }
0x6b: {  	_ =	shalt  }
0x6c: {  	_ =	shalt  }
0x6d: {  	_ =	shalt  }
0x6e: {  	_ =	shalt  }
0x6f: {  	_ =	shalt  }
0x70: {  	_ =	shalt  }
0x71: {  	_ =	shalt  }
0x72: {  	_ =	shalt  }
0x73: {  	_ =	shalt  }
0x74: {  	_ =	shalt  }
0x75: {  	_ =	shalt  }
0x76: {  	_ =	shalt  }
0x77: {  	_ =	shalt  }
0x78: {  	_ =	shalt  }
0x79: {  	_ =	shalt  }
0x7a: {  	_ =	shalt  }
0x7b: {  	_ =	shalt  }
0x7c: {  	_ =	shalt  }
0x7d: {  	_ =	shalt  }
0x7e: {  	_ =	shalt  }
0x7f: {  	_ =	shalt  }
0x80: {  	_ =	shalt  }
0x81: {  	_ =	shalt  }
0x82: {  	_ =	shalt  }
0x83: {  	_ =	shalt  }
0x84: {  	_ =	shalt  }
0x85: {  	_ =	shalt  }
0x86: {  	_ =	shalt  }
0x87: {  	_ =	shalt  }
.Lfunc_end0:
.L_simem_size_0:
called_computation.2_lowered:
.L_overlay_start_0:
0x88: {  	s2 =	sld [smem:$0x3FD9]  }
0x89: {  	s3 =	sld [smem:$0x3FFE];
	_ =	sdelay $0x1  }
0x8a: {  	s1 =	srdreg.scid  }
0x8b: {  	s0 =	sand.u32 $0x1, s1  }
0x8c: {  	s17 =	sshll.u32 s0, $0xA;
	s2 =	sadd.s32 s3, s2  }
0x8d: {  	s2 =	sadd.s32 s2, s17  }
0x8e: {  	[smem:$0x3FB7] =	sst s2  }
0x8f: {  	_ = 	snop  }
0x90: {  	(tm) =	ssettm $0x1  }
0x91: {  	s18 =	sld [smem:$0x3FFB];
	_ =	sdelay $0x3  }
0x92: {  	_ =	strace s18  }
0x93: {  	s2 =	sld [smem:$0x3FFC];
	_ =	sdelay $0x3  }
0x94: {  	_ =	strace s2  }
0x95: {  	s2 =	sld [smem:$0x3FFD];
	_ =	sdelay $0x3  }
0x96: {  	_ =	strace s2  }
0x97: {  	_ =	strace $0x8FFFFFFF  }
0x98: {  	s19 =	sld [smem:$0x3FDB];
	_ =	sdelay $0x1  }
0x99: {  	s20 =	simm.s32 $_scs_section_size  }
0x9a: {  	s4 =	simm.s32 $_size__tile_overlayer_lowered;
	s5 =	simm.s32 $_tile_overlayer_lowered  }
0x9b: {  	s6 =	simm.s32 $0x1BFF;
	s21 =	sshll.u32 s5, $0x1;
	s3 =	sadd.s32 s20, s19  }
0x9c: {  	s22 =	simm.s32 $0x0;
	s4 =	sshll.u32 s4, $0x1;
	s5 =	sadd.s32 s21, s3  }
0x9d: {  	[timem:s22], [sflag:s6] =	dma.local [hbm:s5], s4  }
0x9e: {  	_ =	swait.ge [sflag:s6], s4  }
0x9f: {  	s4 =	ssub.s32 $0x0, s4;
	[sflag:s6] =	ssyncset.done $0x0  }
0xa0: {  	[sflag:s6] =	ssyncadd.s32 s4;
	_ =	sdelay $0x1  }
0xa1: {  	s23 =	simm.s32 $0x1B8B  }
0xa2: {  	_ =	swait.ge [sflag:s23], $0x1  }
0xa3: {  	[sflag:s23] =	ssyncset.done $0x0  }
0xa4: {  	[sflag:s23] =	ssyncadd.s32 $0xFFFFFFFF  }
0xa5: {  	s4 =	sld [smem:$0x0]  }
0xa6: {  	s5 =	sand.u32 $0xFFFFFFFE, s1  }
0xa7: {  	p0 =	sne.s32 s1, s5  }
0xa8: {  	s5 =	sshll.u32 @p0 s5, $0xE  }
0xa9: {  	s5 =	sadd.s32 @p0 $0x11B8D, s5;
	s6 =	sshll.u32 @p0 s4, $0x11  }
0xaa: {  	s5 =	sor.u32 @p0 s6, s5  }
0xab: {  	[sflag:s5] =	ssyncadd.remote.s32 @p0 $0x1;
	_ =	sdelay $0x1  }
0xac: {  	s5 =	simm.s32 @p0 $0x1B8D  }
0xad: {  	_ =	swait.eq @p0 [sflag:s5], $0x1  }
0xae: {  	[sflag:s5] =	ssyncadd.s32 @p0 $0xFFFFFFFF  }
0xaf: {  	s6 =	sshll.u32 @!p0 s1, $0xE  }
0xb0: {  	s6 =	sor.u32 @!p0 $0x4000, s6;
	s5 =	simm.s32 @!p0 $0x1B8D  }
0xb1: {  	s4 =	sshll.u32 @!p0 s4, $0x11;
	s6 =	sadd.s32 @!p0 $0x11B8D, s6;
	_ =	swait.eq @!p0 [sflag:s5], $0x1  }
0xb2: {  	s4 =	sor.u32 @!p0 s4, s6;
	[sflag:s5] =	ssyncadd.s32 @!p0 $0xFFFFFFFF  }
0xb3: {  	s25 =	simm.s32 $0x1B8E;
	s24 =	sld [smem:$0x3FFE];
	[sflag:s4] =	ssyncadd.remote.s32 @!p0 $0x1  }
0xb4: {  	s26 =	simm.s32 $execute0_lowered;
	[smem:$0x3FD2] =	sst s25  }
0xb5: {  	s5 =	sshll.u32 s26, $0x1;
	_ =	strace $0x8000004C;
	[dreg:$0x1] =	wrdreg $0xFFFFFFFF  }
0xb6: {  	s28 =	simm.s32 $_size_execute0_lowered;
	s3 =	sadd.s32 s3, s5;
	[dreg:$0x0] =	wrdreg $0x0  }
0xb7: {  	s5 =	sshll.u32 s28, $0x1;
	[dreg:$0x2] =	wrdreg s3  }
0xb8: {  	[dreg:$0x3] =	wrdreg s5  }
0xb9: {  	[dreg:$0x4] =	wrdreg $0xC0  }
0xba: {  	_ =	task [dreg:s22], $0x5FFFF  }
0xbb: {  	[dreg:$0x1] =	wrdreg $0xFFFFFFFF  }
0xbc: {  	[dreg:$0x0] =	wrdreg $0x60  }
0xbd: {  	[dreg:$0x2] =	wrdreg s24  }
0xbe: {  	[dreg:$0x3] =	wrdreg $0x40800  }
0xbf: {  	[dreg:$0x4] =	wrdreg $0xE0800  }
0xc0: {  	[dreg:$0x5] =	wrdreg $0xA  }
0xc1: {  	_ =	task.clear_ibuf [dreg:s22], $0x6FFFF;
	_ =	strace $0x9000004C  }
0xc2: {  	s29 =	simm.s32 $0xA;
	_ =	strace $0x8000004E  }
0xc3: {  	_ =	swait.ge [sflag:s29], $0x1  }
0xc4: {  	[sflag:s29] =	ssyncadd.s32 $0xFFFFFFFF  }
0xc5: {  	_ =	strace $0x9000004E  }
0xc6: {  	_ =	sfence  }
0xc7: {  	s30 =	sld [smem:$0x0];
	_ =	sdelay $0x2  }
0xc8: {  	s31 =	sshll.u32 s1, $0xD;
	s1 =	sshrl.u32 s1, $0x2  }
0xc9: {  	s4 =	sand.u32 $0x4000, s31;
	s1 =	sadd.s32 s1, s30  }
0xca: {  	s0 =	sor.u32 s4, s0;
	s1 =	sshll.u32 s1, $0x11  }
0xcb: {  	s0 =	sor.u32 s1, s0  }
0xcc: {  	s0 =	sadd.s32 $0x8F2B, s0  }
0xcd: {  	[sflag:s0] =	ssyncadd.remote.s32 $0x1  }
0xce: {  	_ =	sfence.sel $0xFFFF  }
0xcf: {  	[dreg:$0x0] =	wrdreg $0xFFFFFFFF;
	(pc) =	sbr.abs _section_cstart, $3  }
0xd0: {  	[dreg:$0x1] =	wrdreg $0xFFFFFFFF  }
0xd1: {  	_ =	task.clear_ibuf [dreg:s22], $0x2FFFF;
	_ =	strace $0x9FFFFFFF  }
0xd2: {  	(tm) =	ssettm $0x7FFFFFFF  }
0xd3: {  	_ =	shalt  }
tec
execute0_lowered:
.L_overlay_start_1:
0x0: {  	(tag) =	ssettag $0x1  }
0x1: {  	s0 =	rddreg [dreg:$0x0]  }
0x2: {  	s2 =	rddreg [dreg:$0x1]  }
0x3: {  	s3 =	rddreg [dreg:$0x2]  }
0x4: {  	s24 =	stileid.u32;
	s4 =	simm.s32 $0x0;
	s5 =	srdreg.scid  }
0x5: {  	s28 =	simm.s32 $0x1;
	s29 =	simm.s32 $0x2;
	s1 =	smul.u32 $0x50000, s24  }
0x6: {  	s30 =	simm.s32 $0x3;
	s31 =	simm.s32 $0x40;
	s9 =	smul.u32 $0xA000, s24  }
0x7: {  	[smem:$0x7FF] =	sst s4;
	s7 =	sadd.s32 $0x8A00, s0;
	s12 =	smul.u32 $0x5000, s24  }
0x8: {  	s8 =	sand.u32 $0x1, s5;
	s5 =	sadd.s32 $0x7600, s0;
	s14 =	smul.u32 $0x138, s24  }
0x9: {  	s10 =	sadd.s32 $0xB8C00, s0;
	s17 =	sshll.u32 s24, $0x6;
	s15 =	smul.u32 $0x9C00, s24  }
0xa: {  	s25 =	sadd.s32 $0x9C000, s3;
	p0 =	sne.s32 s24, $0xF;
	s13 =	smul.u32 $0x1388, s8  }
0xb: {  	_ =	strace $0x8000004D;
	s6 =	ssub.s32 $0x2, s8;
	s19 =	smul.u32 $0x9C400, s8  }
0xc: {  	s8 =	smul.u32 $0x50000, s8;
	s25 =	sshrl.u32 @!p0 s25, $0x3;
	s1 =	sadd.s32 s1, s0  }
0xd: {  	s11 =	sshrl.u32 s6, $0x1;
	s0 =	sadd.s32 $0x91A00, s0;
	s18 =	sadd.s32 s9, s2  }
0xe: {  	s9 =	sadd.s32 s9, s3;
	s22 =	sadd.s32 s15, s2;
	s23 =	sadd.s32 s15, s3  }
0xf: {  	s11 =	ssub.s32 s6, s11;
	s6 =	sor.u32 $0x1C04, s17;
	s13 =	sadd.s32 s14, s13  }
0x10: {  	s14 =	sshrl.u32 s19, $0x3;
	s26 =	sadd.s32 s12, s8;
	s12 =	sadd.s32 $0x1140200, s1  }
0x11: {  	s15 =	sadd.s32 $0x1168200, s1;
	s18 =	sshrl.u32 s18, $0x3;
	s19 =	simm.s32 $0x4  }
0x12: {  	s22 =	sshrl.u32 s22, $0x3;
	s23 =	sshrl.u32 s23, $0x3;
	s13 =	sshll.u32 s13, $0x4  }
0x13: {  	s20 =	sadd.s32 $0x13800, s14;
	s14 =	sadd.s32 $0x9C000, s2;
	s21 =	smax.u32 s11, $0x1  }
0x14: {  	s8 =	sshrl.u32 s26, $0x3;
	s16 =	sadd.s32 s10, s13;
	[dreg:$0x8] =	wrdreg s21  }
0x15: {  	s13 =	sadd.s32 s0, s13;
	s10 =	sadd.s32 s10, s20;
	[dreg:$0x4] =	wrdreg s16  }
0x16: {  	s0 =	sadd.s32 s0, s20;
	s8 =	sadd.s32 s8, s7;
	[dreg:$0x5] =	wrdreg s13  }
0x17: {  	s20 =	sshrl.u32 s9, $0x3;
	s21 =	simm.s32 $0x4000;
	[dreg:$0x6] =	wrdreg s10  }
0x18: {  	s24 =	sshrl.u32 @!p0 s14, $0x3;
	[dreg:$0x7] =	wrdreg s0;
	s0 =	sadd.s32 $0x2800, s26  }
0x19: {  	s13 =	sadd.s32 $0x1640200, s1;
	s16 =	sadd.s32 $0x1668200, s1;
	s0 =	sshrl.u32 s0, $0x3  }
0x1a: {  	s26 =	simm.s32 $0x2000;
	s17 =	sadd.s32 s0, s7;
	s0 =	simm.s32 $0x0  }
.LBB2_1:
0x1b: {  	[spmem:s18], [sflag:s6] =	dma.local [hbm:s5], $0x1400  }
0x1c: {  	_ =	swait.ge [sflag:s19], $0x1400  }
0x1d: {  	[sflag:s19] =	ssyncset.done $0x0  }
0x1e: {  	[sflag:s19] =	ssyncadd.s32 $0xFFFFEC00  }
0x1f: {  	[spmem:s20], [sflag:s6] =	dma.local [hbm:s5], $0x1400  }
0x20: {  	_ =	swait.ge [sflag:s19], $0x1400  }
0x21: {  	[sflag:s19] =	ssyncset.done $0x0  }
0x22: {  	[sflag:s19] =	ssyncadd.s32 $0xFFFFEC00  }
0x23: {  	[bflag:$0x0] =	sbarrier.arrive $0xFFFF  }
0x24: {  	[tilespmem:s21], [sflag:$0x1] =	stream.linear.gather [hbm4b:s8+s4], $0x40, $0x38;
	[tilespmem:$0x18080] =	vst v63  }
0x25: {  	s1 =	sadd.s32 $0x0, s12  }
0x26: {  	[tilespmem:s4], [sflag:$0x2] =	stream.linear.gather [hbm4b:s1+s4], $0x2000, $0x38;
	[tilespmem:$0x18080] =	vst v63  }
0x27: {  	s14 =	sadd.s32 $0x0, s13  }
0x28: {  	[tilespmem:s26], [sflag:$0x3] =	stream.linear.gather [hbm4b:s14+s4], $0x2000, $0x38;
	[tilespmem:$0x18080] =	vst v63  }
0x29: {  	_ =	swait.ge [sflag:s28], $0x40  }
0x2a: {  	[sflag:s28] =	ssyncset.done $0x0  }
0x2b: {  	[sflag:s28] =	ssyncadd.s32 $0xFFFFFFC0  }
0x2c: {  	_ =	swait.ge [sflag:s29], $0x2000  }
0x2d: {  	[sflag:s29] =	ssyncset.done $0x0  }
0x2e: {  	[sflag:s29] =	ssyncadd.s32 $0xFFFFE000  }
0x2f: {  	_ =	swait.ge [sflag:s30], $0x2000  }
0x30: {  	[sflag:s30] =	ssyncset.done $0x0  }
0x31: {  	[sflag:s30] =	ssyncadd.s32 $0xFFFFE000  }
0x32: {  	[spmem:s2] =	stream.indirect.scatter.add.f32 [tilespmem:s4], [sflag:$0x2], $0x80, s21, s31, $0xb8;
	[tilespmem:$0x18080] =	vst v63  }
0x33: {  	_ = 	snop  }
0x34: {  	[spmem:s3] =	stream.indirect.scatter.add.f32 [tilespmem:s26], [sflag:$0x3], $0x80, s21, s31, $0xb8;
	[tilespmem:$0x18080] =	vst v63  }
0x35: {  	_ =	swait.ge [sflag:s29], $0x2000  }
0x36: {  	[sflag:s29] =	ssyncset.done $0x0  }
0x37: {  	[sflag:s29] =	ssyncadd.s32 $0xFFFFE000  }
0x38: {  	s7 =	simm.s32 $0x400;
	_ =	swait.ge [sflag:s30], $0x2000  }
0x39: {  	s9 =	simm.s32 $0x800;
	s14 =	smov.u32 s8;
	[sflag:s30] =	ssyncset.done $0x0  }
.LBB2_2:
0x3a: {  	s1 =	simm.s32 $0x0  }
0x3b: {  	[sflag:s30] =	ssyncadd.s32 $0xFFFFE000;
	s14 =	sadd.s32 $0x8, s14;
	s10 =	smov.u32 s9  }
0x3c: {  	[tilespmem:s21], [sflag:$0x1] =	stream.linear.gather [hbm4b:s14+s1], $0x40, $0x38;
	[tilespmem:$0x18080] =	vst v63  }
0x3d: {  	p1 =	sne.s32 s9, $0x27C00;
	s9 =	sadd.s32 $0x400, s9;
	s11 =	sadd.s32 s7, s12  }
0x3e: {  	[tilespmem:s1], [sflag:$0x2] =	stream.linear.gather [hbm4b:s11+s1], $0x2000, $0x38;
	[tilespmem:$0x18080] =	vst v63  }
0x3f: {  	s11 =	sadd.s32 s7, s13;
	s7 =	smov.u32 s10  }
0x40: {  	[tilespmem:s26], [sflag:$0x3] =	stream.linear.gather [hbm4b:s11+s1], $0x2000, $0x38;
	[tilespmem:$0x18080] =	vst v63  }
0x41: {  	_ =	swait.ge [sflag:s28], $0x40  }
0x42: {  	[sflag:s28] =	ssyncset.done $0x0  }
0x43: {  	[sflag:s28] =	ssyncadd.s32 $0xFFFFFFC0  }
0x44: {  	_ =	swait.ge [sflag:s29], $0x2000  }
0x45: {  	[sflag:s29] =	ssyncset.done $0x0  }
0x46: {  	[sflag:s29] =	ssyncadd.s32 $0xFFFFE000  }
0x47: {  	_ =	swait.ge [sflag:s30], $0x2000  }
0x48: {  	[sflag:s30] =	ssyncset.done $0x0  }
0x49: {  	[sflag:s30] =	ssyncadd.s32 $0xFFFFE000  }
0x4a: {  	[spmem:s2] =	stream.indirect.scatter.add.f32 [tilespmem:s1], [sflag:$0x2], $0x80, s21, s31, $0xb8;
	[tilespmem:$0x18080] =	vst v63  }
0x4b: {  	_ = 	snop  }
0x4c: {  	[spmem:s3] =	stream.indirect.scatter.add.f32 [tilespmem:s26], [sflag:$0x3], $0x80, s21, s31, $0xb8;
	[tilespmem:$0x18080] =	vst v63  }
.Ltmp0:
0x4d: {  	_ =	swait.ge [sflag:s29], $0x2000;
	(pc) =	sbr.rel @p1 .LBB2_2-.Ltmp0, $4  }
0x4e: {  	[sflag:s29] =	ssyncset.done $0x0  }
0x4f: {  	[sflag:s29] =	ssyncadd.s32 $0xFFFFE000  }
0x50: {  	_ =	swait.ge [sflag:s30], $0x2000  }
0x51: {  	[sflag:s30] =	ssyncset.done $0x0  }
0x52: {  	[sflag:s30] =	ssyncadd.s32 $0xFFFFE000;
	s9 =	sadd.s32 $0x8, s14  }
0x53: {  	[tilespmem:s21], [sflag:$0x1] =	stream.linear.gather [hbm4b:s9+s1], $0x40, $0x38;
	[tilespmem:$0x18080] =	vst v63  }
0x54: {  	s14 =	sadd.s32 s7, s12  }
0x55: {  	[tilespmem:s1], [sflag:$0x2] =	stream.linear.gather [hbm4b:s14+s1], $0x2000, $0x38;
	[tilespmem:$0x18080] =	vst v63  }
0x56: {  	s10 =	sadd.s32 s7, s13  }
0x57: {  	[tilespmem:s26], [sflag:$0x3] =	stream.linear.gather [hbm4b:s10+s1], $0x2000, $0x38;
	[tilespmem:$0x18080] =	vst v63  }
0x58: {  	_ =	swait.ge [sflag:s28], $0x40  }
0x59: {  	[sflag:s28] =	ssyncset.done $0x0  }
0x5a: {  	[sflag:s28] =	ssyncadd.s32 $0xFFFFFFC0  }
0x5b: {  	_ =	swait.ge [sflag:s29], $0x2000  }
0x5c: {  	[sflag:s29] =	ssyncset.done $0x0  }
0x5d: {  	[sflag:s29] =	ssyncadd.s32 $0xFFFFE000  }
0x5e: {  	_ =	swait.ge [sflag:s30], $0x2000  }
0x5f: {  	[sflag:s30] =	ssyncset.done $0x0  }
0x60: {  	[sflag:s30] =	ssyncadd.s32 $0xFFFFE000  }
0x61: {  	[spmem:s2] =	stream.indirect.scatter.add.f32 [tilespmem:s1], [sflag:$0x2], $0x80, s21, s31, $0xb8;
	[tilespmem:$0x18080] =	vst v63  }
0x62: {  	_ = 	snop  }
0x63: {  	[spmem:s3] =	stream.indirect.scatter.add.f32 [tilespmem:s26], [sflag:$0x3], $0x80, s21, s31, $0xb8;
	[tilespmem:$0x18080] =	vst v63  }
0x64: {  	_ =	swait.ge [sflag:s29], $0x2000  }
0x65: {  	[sflag:s29] =	ssyncset.done $0x0  }
0x66: {  	[sflag:s29] =	ssyncadd.s32 $0xFFFFE000  }
0x67: {  	_ =	swait.ge [sflag:s30], $0x2000  }
0x68: {  	[sflag:s30] =	ssyncset.done $0x0  }
0x69: {  	[sflag:s30] =	ssyncadd.s32 $0xFFFFE000  }
0x6a: {  	[tilespmem:s21], [sflag:$0x1] =	stream.linear.gather [hbm4b:s17+s4], $0x40, $0x38;
	[tilespmem:$0x18080] =	vst v63  }
0x6b: {  	s11 =	sadd.s32 $0x0, s15  }
0x6c: {  	[tilespmem:s4], [sflag:$0x2] =	stream.linear.gather [hbm4b:s11+s4], $0x2000, $0x38;
	[tilespmem:$0x18080] =	vst v63  }
0x6d: {  	s14 =	sadd.s32 $0x0, s16  }
0x6e: {  	[tilespmem:s26], [sflag:$0x3] =	stream.linear.gather [hbm4b:s14+s4], $0x2000, $0x38;
	[tilespmem:$0x18080] =	vst v63  }
0x6f: {  	_ =	swait.ge [sflag:s28], $0x40  }
0x70: {  	[sflag:s28] =	ssyncset.done $0x0  }
0x71: {  	[sflag:s28] =	ssyncadd.s32 $0xFFFFFFC0  }
0x72: {  	_ =	swait.ge [sflag:s29], $0x2000  }
0x73: {  	[sflag:s29] =	ssyncset.done $0x0  }
0x74: {  	[sflag:s29] =	ssyncadd.s32 $0xFFFFE000  }
0x75: {  	_ =	swait.ge [sflag:s30], $0x2000  }
0x76: {  	[sflag:s30] =	ssyncset.done $0x0  }
0x77: {  	[sflag:s30] =	ssyncadd.s32 $0xFFFFE000  }
0x78: {  	[spmem:s2] =	stream.indirect.scatter.add.f32 [tilespmem:s4], [sflag:$0x2], $0x80, s21, s31, $0xb8;
	[tilespmem:$0x18080] =	vst v63  }
0x79: {  	p1 =	por $0x1, $0x1  }
0x7a: {  	[spmem:s3] =	stream.indirect.scatter.add.f32 [tilespmem:s26], [sflag:$0x3], $0x80, s21, s31, $0xb8;
	[tilespmem:$0x18080] =	vst v63  }
.Ltmp1:
0x7b: {  	_ =	swait.ge [sflag:s29], $0x2000;
	(pc) =	sbr.rel @!p1 .LBB2_5-.Ltmp1, $4  }
0x7c: {  	[sflag:s29] =	ssyncset.done $0x0  }
0x7d: {  	[sflag:s29] =	ssyncadd.s32 $0xFFFFE000  }
0x7e: {  	_ =	swait.ge [sflag:s30], $0x2000  }
0x7f: {  	s7 =	smov.u32 s17;
	s1 =	simm.s32 $0x400;
	[sflag:s30] =	ssyncset.done $0x0  }
.LBB2_4:
0x80: {  	p1 =	sne.s32 s1, $0x27C00;
	[sflag:s30] =	ssyncadd.s32 $0xFFFFE000;
	s7 =	sadd.s32 $0x8, s7  }
0x81: {  	[tilespmem:s21], [sflag:$0x1] =	stream.linear.gather [hbm4b:s7+s4], $0x40, $0x38;
	[tilespmem:$0x18080] =	vst v63  }
0x82: {  	s9 =	sadd.s32 s1, s15;
	s10 =	smov.u32 s1;
	s1 =	sadd.s32 $0x400, s1  }
0x83: {  	[tilespmem:s4], [sflag:$0x2] =	stream.linear.gather [hbm4b:s9+s4], $0x2000, $0x38;
	[tilespmem:$0x18080] =	vst v63  }
0x84: {  	s9 =	sadd.s32 s10, s16  }
0x85: {  	[tilespmem:s26], [sflag:$0x3] =	stream.linear.gather [hbm4b:s9+s4], $0x2000, $0x38;
	[tilespmem:$0x18080] =	vst v63  }
0x86: {  	_ =	swait.ge [sflag:s28], $0x40  }
0x87: {  	[sflag:s28] =	ssyncset.done $0x0  }
0x88: {  	[sflag:s28] =	ssyncadd.s32 $0xFFFFFFC0  }
0x89: {  	_ =	swait.ge [sflag:s29], $0x2000  }
0x8a: {  	[sflag:s29] =	ssyncset.done $0x0  }
0x8b: {  	[sflag:s29] =	ssyncadd.s32 $0xFFFFE000  }
0x8c: {  	_ =	swait.ge [sflag:s30], $0x2000  }
0x8d: {  	[sflag:s30] =	ssyncset.done $0x0  }
0x8e: {  	[sflag:s30] =	ssyncadd.s32 $0xFFFFE000  }
0x8f: {  	[spmem:s2] =	stream.indirect.scatter.add.f32 [tilespmem:s4], [sflag:$0x2], $0x80, s21, s31, $0xb8;
	[tilespmem:$0x18080] =	vst v63  }
0x90: {  	_ = 	snop  }
0x91: {  	[spmem:s3] =	stream.indirect.scatter.add.f32 [tilespmem:s26], [sflag:$0x3], $0x80, s21, s31, $0xb8;
	[tilespmem:$0x18080] =	vst v63  }
.Ltmp2:
0x92: {  	_ =	swait.ge [sflag:s29], $0x2000;
	(pc) =	sbr.rel @p1 .LBB2_4-.Ltmp2, $4  }
0x93: {  	[sflag:s29] =	ssyncset.done $0x0  }
0x94: {  	[sflag:s29] =	ssyncadd.s32 $0xFFFFE000  }
0x95: {  	_ =	swait.ge [sflag:s30], $0x2000  }
0x96: {  	[sflag:s30] =	ssyncset.done $0x0  }
.LBB2_5:
0x97: {  	[sflag:s30] =	ssyncadd.s32 $0xFFFFE000  }
0x98: {  	[bflag:$0x0] =	sbarrier.arrive $0xFFFF  }
0x99: {  	s1 =	rddreg [dreg:$0x4]  }
0x9a: {  	[hbm:s1], [sflag:s6] =	dma.local [spmem:s22], $0x1380  }
0x9b: {  	_ =	swait.ge [sflag:s19], $0x1380  }
0x9c: {  	[sflag:s19] =	ssyncset.done $0x0  }
0x9d: {  	s11 =	rddreg [dreg:$0x5];
	[sflag:s19] =	ssyncadd.s32 $0xFFFFEC80  }
0x9e: {  	[hbm:s11], [sflag:s6] =	dma.local [spmem:s23], $0x1380  }
0x9f: {  	_ =	swait.ge [sflag:s19], $0x1380  }
0xa0: {  	[sflag:s19] =	ssyncset.done $0x0  }
0xa1: {  	s1 =	rddreg [dreg:$0x6];
	[sflag:s19] =	ssyncadd.s32 $0xFFFFEC80  }
0xa2: {  	[hbm:s1], [sflag:s6] =	dma.local @!p0 [spmem:s24], $0x80  }
0xa3: {  	s1 =	simm.s32 @!p0 $0x4  }
0xa4: {  	_ =	swait.ge @!p0 [sflag:s1], $0x80  }
0xa5: {  	[sflag:s1] =	ssyncset.done @!p0 $0x0  }
0xa6: {  	s7 =	rddreg [dreg:$0x7];
	[sflag:s1] =	ssyncadd.s32 @!p0 $0xFFFFFF80  }
0xa7: {  	[hbm:s7], [sflag:s6] =	dma.local @!p0 [spmem:s25], $0x80  }
0xa8: {  	_ =	swait.ge @!p0 [sflag:s1], $0x80  }
0xa9: {  	s0 =	sadd.s32 $0x1, s0;
	s14 =	rddreg [dreg:$0x8]  }
0xaa: {  	p1 =	sne.s32 s0, s14  }
.Ltmp3:
0xab: {  	_ = 	snop;
	(pc) =	sbr.rel @p1 .LBB2_1-.Ltmp3, $3  }
0xac: {  	_ =	sdelay $0x1  }
0xad: {  	[sflag:s1] =	ssyncset.done @!p0 $0x0  }
0xae: {  	[sflag:s1] =	ssyncadd.s32 @!p0 $0xFFFFFF80  }
0xaf: {  	_ =	sfence.sel $0x180000  }
0xb0: {  	[bflag:$0x0] =	sbarrier.arrive $0xFFFF  }
0xb1: {  	_ =	strace $0x9000004D  }
0xb2: {  	s0 =	stileid.u32;
	[bflag:$0x2] =	sbarrier.arrive $0xFFFF  }
0xb3: {  	p0 =	sne.s32 s0, $0x0;
	s0 =	rddreg [dreg:$0x3]  }
0xb4: {  	s0 =	sadd.s32 @!p0 $0x100000, s0  }
0xb5: {  	[sflag:s0] =	ssyncadd.tile.s32 @!p0 $0x1;
	_ =	shalt  }
.Lfunc_end2:
_tile_overlayer_lowered:
.L_overlay_start_2:
0xb6: {  	(tag) =	ssettag $0x2  }
0xb7: {  	s0 =	rddreg [dreg:$0x0];
	s2 =	stileid.u32  }
0xb8: {  	s1 =	rddreg [dreg:$0x1];
	p0 =	sne.s32 s2, $0x0  }
0xb9: {  	s3 =	rddreg [dreg:$0x2];
	[bflag:$0x3] =	sbarrier.arrive $0xFFFF;
	s2 =	simm.s32 @!p0 $0x1C04  }
0xba: {  	[timem:s3], [sflag:s2] =	dma.local @!p0 [hbm:s0], s1  }
0xbb: {  	s0 =	simm.s32 @!p0 $0x4  }
0xbc: {  	_ =	swait.ge @!p0 [sflag:s0], s1  }
0xbd: {  	s1 =	ssub.s32 @!p0 $0x0, s1;
	[sflag:s0] =	ssyncset.done @!p0 $0x0  }
0xbe: {  	[sflag:s0] =	ssyncadd.s32 @!p0 s1  }
0xbf: {  	[bflag:$0x3] =	sbarrier.arrive $0xFFFF  }
0xc0: {  	_ =	shalt  }

// kernel: kernel.19.cloned.1.call-start
scs
__scs_entry_jumppad:
0x0: {  	(pc) =	sbr.rel $0x88, $3  }
0x1: {  	(tag) =	ssettag $0x0;
	lr =	simm.s32 $0x1  }
0x2: {  	[smem:$0x3F90] =	sst lr;
	_ =	strace $0xD0000000  }
0x3: {  	_ = 	snop  }
0x4: {  	_ = 	snop  }
0x5: {  	_ = 	snop  }
0x6: {  	_ = 	snop  }
0x7: {  	_ = 	snop  }
__scs_overlays_trampoline_lowered:
0x8: {  	[smem:$0x3F9F] =	sst s0  }
0x9: {  	[smem:$0x3FA0] =	sst s1  }
0xa: {  	[smem:$0x3FA1] =	sst s2  }
0xb: {  	[smem:$0x3FA2] =	sst s3  }
0xc: {  	[smem:$0x3FA3] =	sst s4  }
0xd: {  	[smem:$0x3FA4] =	sst s5  }
0xe: {  	[smem:$0x3FA5] =	sst s6  }
0xf: {  	[smem:$0x3FA6] =	sst s7  }
0x10: {  	[smem:$0x3FA7] =	sst s8  }
0x11: {  	[smem:$0x3FA8] =	sst s9;
	s0 =	simm.s32 @!p0 $0x0  }
0x12: {  	s1 =	sld [smem:$0x3F8E];
	s0 =	simm.s32 @p0 $0x1  }
0x13: {  	[smem:$0x3FA9] =	sst s0;
	s0 =	simm.s32 @!p1 $0x0  }
0x14: {  	s2 =	sld [smem:$0x3F8D];
	s0 =	simm.s32 @p1 $0x1  }
0x15: {  	[smem:$0x3FAA] =	sst s0;
	s0 =	simm.s32 @!p2 $0x0  }
0x16: {  	s3 =	sld [smem:$0x3FDB];
	s0 =	simm.s32 @p2 $0x1  }
0x17: {  	s4 =	simm.s32 $0x1BF5;
	[smem:$0x3FAC] =	sst s0  }
0x18: {  	s0 =	sld [smem:$0x3F8F];
	_ =	swait.ge [sflag:s4], $0x0  }
0x19: {  	s7 =	sld [smem:$0x3F90]  }
0x1a: {  	s8 =	sadd.s32 $0xFFFFE003, lr  }
0x1b: {  	s9 =	sadd.s32 $0xFFFFFEF7, lr;
	s5 =	simm.s32 $0xFFFFFFFF;
	p2 =	slt.u32 s8, $0xFFFFF086  }
0x1c: {  	p1 =	slt.u32 s9, $0xF7A;
	s5 =	simm.s32 @!p2 $0x0  }
0x1d: {  	s5 =	simm.s32 @p1 $0x1;
	p0 =	seq.s32 s7, s2  }
0x1e: {  	s7 =	smul.u32 @!p0 $0xF7A, s2;
	p2 =	seq.s32 @!p0 s5, $0x0  }
0x1f: {  	s9 =	smul.u32 $0xF7A, s1;
	s8 =	simm.s32 @!p0 $0x1BF5;
	p2 =	por !p2, p0  }
0x20: {  	[sflag:s8] =	ssyncset.s32 @!p0 $0xFFFFF086;
	s6 =	sadd.s32 @!p0 s3, s7;
	s7 =	simm.s32 @!p0 $0x108  }
0x21: {  	s3 =	sadd.s32 s3, s9;
	s6 =	sadd.s32 @!p0 $0x88, s6;
	s7 =	simm.s32 @p2 $0x1082  }
0x22: {  	[simem:s7], [sflag:s8] =	dma.local @!p0 [hbm:s6], $0xF7A  }
0x23: {  	s9 =	sor.u32 $0xD0000000, s2;
	s6 =	simm.s32 $0x108;
	_ =	swait.ge @!p0 [sflag:s8], $0x0  }
0x24: {  	s3 =	sadd.s32 $0x88, s3;
	s6 =	simm.s32 @!p1 $0x1082;
	[sflag:s4] =	ssyncset.s32 $0xFFFFF086  }
0x25: {  	[simem:s6], [sflag:s4] =	dma.local [hbm:s3], $0xF7A  }
0x26: {  	[smem:$0x3F90] =	sst s1;
	(tag) =	ssettag s2;
	_ =	strace s9  }
0x27: {  	s1 =	sld [smem:$0x3FA0]  }
0x28: {  	s2 =	sld [smem:$0x3FA1]  }
0x29: {  	s4 =	sld [smem:$0x3FA3]  }
0x2a: {  	p0 =	seq.s32 s5, $0x0;
	s5 =	sld [smem:$0x3FA4]  }
0x2b: {  	s6 =	sld [smem:$0x3FA5]  }
0x2c: {  	s7 =	sld [smem:$0x3FA6]  }
0x2d: {  	s3 =	simm.s32 $0x108;
	s8 =	sld [smem:$0x3FA7]  }
0x2e: {  	s3 =	simm.s32 @!p0 $0x1082;
	s9 =	sld [smem:$0x3FA8]  }
0x2f: {  	lr =	sadd.s32 s0, s3;
	s0 =	sld [smem:$0x3F9F]  }
0x30: {  	s3 =	sld [smem:$0x3FA2]  }
0x31: {  	[smem:$0x3FAB] =	sst s10  }
0x32: {  	s10 =	sld [smem:$0x3FA9];
	_ =	sdelay $0x3  }
0x33: {  	p0 =	seq.s32 s10, $0x1;
	s10 =	sld [smem:$0x3FAB];
	_ =	sdelay $0x3  }
0x34: {  	[smem:$0x3FAB] =	sst s10  }
0x35: {  	s10 =	sld [smem:$0x3FAA];
	_ =	sdelay $0x3  }
0x36: {  	p1 =	seq.s32 s10, $0x1;
	s10 =	sld [smem:$0x3FAB];
	_ =	sdelay $0x3  }
0x37: {  	[smem:$0x3FAB] =	sst s10  }
0x38: {  	s10 =	sld [smem:$0x3FAC]  }
0x39: {  	_ = 	snop;
	(pc) =	sbr.ind lr, $3  }
0x3a: {  	_ = 	snop  }
0x3b: {  	_ = 	snop  }
0x3c: {  	p2 =	seq.s32 s10, $0x1;
	s10 =	sld [smem:$0x3FAB]  }
0x3d: {  	_ =	shalt  }
0x3e: {  	_ =	shalt  }
0x3f: {  	_ =	shalt  }
0x40: {  	_ =	shalt  }
0x41: {  	_ =	shalt  }
0x42: {  	_ =	shalt  }
0x43: {  	_ =	shalt  }
0x44: {  	_ =	shalt  }
0x45: {  	_ =	shalt  }
0x46: {  	_ =	shalt  }
0x47: {  	_ =	shalt  }
0x48: {  	_ =	shalt  }
0x49: {  	_ =	shalt  }
0x4a: {  	_ =	shalt  }
0x4b: {  	_ =	shalt  }
0x4c: {  	_ =	shalt  }
0x4d: {  	_ =	shalt  }
0x4e: {  	_ =	shalt  }
0x4f: {  	_ =	shalt  }
0x50: {  	_ =	shalt  }
0x51: {  	_ =	shalt  }
0x52: {  	_ =	shalt  }
0x53: {  	_ =	shalt  }
0x54: {  	_ =	shalt  }
0x55: {  	_ =	shalt  }
0x56: {  	_ =	shalt  }
0x57: {  	_ =	shalt  }
0x58: {  	_ =	shalt  }
0x59: {  	_ =	shalt  }
0x5a: {  	_ =	shalt  }
0x5b: {  	_ =	shalt  }
0x5c: {  	_ =	shalt  }
0x5d: {  	_ =	shalt  }
0x5e: {  	_ =	shalt  }
0x5f: {  	_ =	shalt  }
0x60: {  	_ =	shalt  }
0x61: {  	_ =	shalt  }
0x62: {  	_ =	shalt  }
0x63: {  	_ =	shalt  }
0x64: {  	_ =	shalt  }
0x65: {  	_ =	shalt  }
0x66: {  	_ =	shalt  }
0x67: {  	_ =	shalt  }
0x68: {  	_ =	shalt  }
0x69: {  	_ =	shalt  }
0x6a: {  	_ =	shalt  }
0x6b: {  	_ =	shalt  }
0x6c: {  	_ =	shalt  }
0x6d: {  	_ =	shalt  }
0x6e: {  	_ =	shalt  }
0x6f: {  	_ =	shalt  }
0x70: {  	_ =	shalt  }
0x71: {  	_ =	shalt  }
0x72: {  	_ =	shalt  }
0x73: {  	_ =	shalt  }
0x74: {  	_ =	shalt  }
0x75: {  	_ =	shalt  }
0x76: {  	_ =	shalt  }
0x77: {  	_ =	shalt  }
0x78: {  	_ =	shalt  }
0x79: {  	_ =	shalt  }
0x7a: {  	_ =	shalt  }
0x7b: {  	_ =	shalt  }
0x7c: {  	_ =	shalt  }
0x7d: {  	_ =	shalt  }
0x7e: {  	_ =	shalt  }
0x7f: {  	_ =	shalt  }
0x80: {  	_ =	shalt  }
0x81: {  	_ =	shalt  }
0x82: {  	_ =	shalt  }
0x83: {  	_ =	shalt  }
0x84: {  	_ =	shalt  }
0x85: {  	_ =	shalt  }
0x86: {  	_ =	shalt  }
0x87: {  	_ =	shalt  }
.Lfunc_end0:
.L_simem_size_0:
called_computation.3_lowered:
.L_overlay_start_0:
0x88: {  	s2 =	sld [smem:$0x3FD9]  }
0x89: {  	s3 =	sld [smem:$0x3FFE];
	_ =	sdelay $0x1  }
0x8a: {  	s1 =	srdreg.scid  }
0x8b: {  	s0 =	sand.u32 $0x1, s1  }
0x8c: {  	s17 =	sshll.u32 s0, $0xA;
	s2 =	sadd.s32 s3, s2  }
0x8d: {  	s2 =	sadd.s32 s2, s17  }
0x8e: {  	[smem:$0x3FB7] =	sst s2  }
0x8f: {  	_ = 	snop  }
0x90: {  	(tm) =	ssettm $0x1  }
0x91: {  	s18 =	sld [smem:$0x3FFB];
	_ =	sdelay $0x3  }
0x92: {  	_ =	strace s18  }
0x93: {  	s2 =	sld [smem:$0x3FFC];
	_ =	sdelay $0x3  }
0x94: {  	_ =	strace s2  }
0x95: {  	s2 =	sld [smem:$0x3FFD];
	_ =	sdelay $0x3  }
0x96: {  	_ =	strace s2  }
0x97: {  	_ =	strace $0x8FFFFFFF  }
0x98: {  	s19 =	sld [smem:$0x3FDB];
	_ =	sdelay $0x1  }
0x99: {  	s20 =	simm.s32 $_scs_section_size  }
0x9a: {  	s4 =	simm.s32 $_size__tile_overlayer_lowered;
	s5 =	simm.s32 $_tile_overlayer_lowered  }
0x9b: {  	s6 =	simm.s32 $0x1BFF;
	s21 =	sshll.u32 s5, $0x1;
	s3 =	sadd.s32 s20, s19  }
0x9c: {  	s22 =	simm.s32 $0x0;
	s4 =	sshll.u32 s4, $0x1;
	s5 =	sadd.s32 s21, s3  }
0x9d: {  	[timem:s22], [sflag:s6] =	dma.local [hbm:s5], s4  }
0x9e: {  	_ =	swait.ge [sflag:s6], s4  }
0x9f: {  	s4 =	ssub.s32 $0x0, s4;
	[sflag:s6] =	ssyncset.done $0x0  }
0xa0: {  	[sflag:s6] =	ssyncadd.s32 s4;
	_ =	sdelay $0x1  }
0xa1: {  	s23 =	simm.s32 $0x1B8B  }
0xa2: {  	_ =	swait.ge [sflag:s23], $0x1  }
0xa3: {  	[sflag:s23] =	ssyncset.done $0x0  }
0xa4: {  	[sflag:s23] =	ssyncadd.s32 $0xFFFFFFFF  }
0xa5: {  	s4 =	sld [smem:$0x0]  }
0xa6: {  	s5 =	sand.u32 $0xFFFFFFFE, s1  }
0xa7: {  	p0 =	sne.s32 s1, s5  }
0xa8: {  	s5 =	sshll.u32 @p0 s5, $0xE  }
0xa9: {  	s5 =	sadd.s32 @p0 $0x11B8D, s5;
	s6 =	sshll.u32 @p0 s4, $0x11  }
0xaa: {  	s5 =	sor.u32 @p0 s6, s5  }
0xab: {  	[sflag:s5] =	ssyncadd.remote.s32 @p0 $0x1;
	_ =	sdelay $0x1  }
0xac: {  	s5 =	simm.s32 @p0 $0x1B8D  }
0xad: {  	_ =	swait.eq @p0 [sflag:s5], $0x1  }
0xae: {  	[sflag:s5] =	ssyncadd.s32 @p0 $0xFFFFFFFF  }
0xaf: {  	s6 =	sshll.u32 @!p0 s1, $0xE  }
0xb0: {  	s6 =	sor.u32 @!p0 $0x4000, s6;
	s5 =	simm.s32 @!p0 $0x1B8D  }
0xb1: {  	s4 =	sshll.u32 @!p0 s4, $0x11;
	s6 =	sadd.s32 @!p0 $0x11B8D, s6;
	_ =	swait.eq @!p0 [sflag:s5], $0x1  }
0xb2: {  	s4 =	sor.u32 @!p0 s4, s6;
	[sflag:s5] =	ssyncadd.s32 @!p0 $0xFFFFFFFF  }
0xb3: {  	s25 =	simm.s32 $0x1B8E;
	s24 =	sld [smem:$0x3FFE];
	[sflag:s4] =	ssyncadd.remote.s32 @!p0 $0x1  }
0xb4: {  	s26 =	simm.s32 $execute0_lowered;
	[smem:$0x3FD2] =	sst s25  }
0xb5: {  	s5 =	sshll.u32 s26, $0x1;
	_ =	strace $0x8000004F;
	[dreg:$0x1] =	wrdreg $0xFFFFFFFF  }
0xb6: {  	s28 =	simm.s32 $_size_execute0_lowered;
	s3 =	sadd.s32 s3, s5;
	[dreg:$0x0] =	wrdreg $0x0  }
0xb7: {  	s5 =	sshll.u32 s28, $0x1;
	[dreg:$0x2] =	wrdreg s3  }
0xb8: {  	[dreg:$0x3] =	wrdreg s5  }
0xb9: {  	[dreg:$0x4] =	wrdreg $0xC0  }
0xba: {  	_ =	task [dreg:s22], $0x5FFFF  }
0xbb: {  	[dreg:$0x1] =	wrdreg $0xFFFFFFFF  }
0xbc: {  	[dreg:$0x0] =	wrdreg $0x60  }
0xbd: {  	[dreg:$0x2] =	wrdreg s24  }
0xbe: {  	[dreg:$0x3] =	wrdreg $0x40800  }
0xbf: {  	[dreg:$0x4] =	wrdreg $0xE0800  }
0xc0: {  	[dreg:$0x5] =	wrdreg $0xB  }
0xc1: {  	_ =	task.clear_ibuf [dreg:s22], $0x6FFFF;
	_ =	strace $0x9000004F  }
0xc2: {  	s29 =	simm.s32 $0xB;
	_ =	strace $0x80000051  }
0xc3: {  	_ =	swait.ge [sflag:s29], $0x1  }
0xc4: {  	[sflag:s29] =	ssyncadd.s32 $0xFFFFFFFF  }
0xc5: {  	_ =	strace $0x90000051  }
0xc6: {  	_ =	sfence  }
0xc7: {  	s30 =	sld [smem:$0x0];
	_ =	sdelay $0x2  }
0xc8: {  	s31 =	sshll.u32 s1, $0xD;
	s1 =	sshrl.u32 s1, $0x2  }
0xc9: {  	s4 =	sand.u32 $0x4000, s31;
	s1 =	sadd.s32 s1, s30  }
0xca: {  	s0 =	sor.u32 s4, s0;
	s1 =	sshll.u32 s1, $0x11  }
0xcb: {  	s0 =	sor.u32 s1, s0  }
0xcc: {  	s0 =	sadd.s32 $0x8F2B, s0  }
0xcd: {  	[sflag:s0] =	ssyncadd.remote.s32 $0x1  }
0xce: {  	_ =	sfence.sel $0xFFFF  }
0xcf: {  	[dreg:$0x0] =	wrdreg $0xFFFFFFFF;
	(pc) =	sbr.abs _section_cstart, $3  }
0xd0: {  	[dreg:$0x1] =	wrdreg $0xFFFFFFFF  }
0xd1: {  	_ =	task.clear_ibuf [dreg:s22], $0x2FFFF;
	_ =	strace $0x9FFFFFFF  }
0xd2: {  	(tm) =	ssettm $0x7FFFFFFF  }
0xd3: {  	_ =	shalt  }
tec
execute0_lowered:
.L_overlay_start_1:
0x0: {  	(tag) =	ssettag $0x1  }
0x1: {  	s0 =	rddreg [dreg:$0x0]  }
0x2: {  	s2 =	rddreg [dreg:$0x1]  }
0x3: {  	s3 =	rddreg [dreg:$0x2]  }
0x4: {  	s24 =	stileid.u32;
	s4 =	simm.s32 $0x0;
	s5 =	srdreg.scid  }
0x5: {  	s28 =	simm.s32 $0x1;
	s29 =	simm.s32 $0x2;
	s1 =	smul.u32 $0x50000, s24  }
0x6: {  	s30 =	simm.s32 $0x3;
	s31 =	simm.s32 $0x40;
	s9 =	smul.u32 $0xA000, s24  }
0x7: {  	[smem:$0x7FF] =	sst s4;
	s7 =	sadd.s32 $0x7DA00, s0;
	s12 =	smul.u32 $0x5000, s24  }
0x8: {  	s8 =	sand.u32 $0x1, s5;
	s5 =	sadd.s32 $0x7600, s0;
	s14 =	smul.u32 $0x138, s24  }
0x9: {  	s10 =	sadd.s32 $0x107000, s0;
	s17 =	sshll.u32 s24, $0x6;
	s15 =	smul.u32 $0x9C00, s24  }
0xa: {  	s25 =	sadd.s32 $0x9C000, s3;
	p0 =	sne.s32 s24, $0xF;
	s13 =	smul.u32 $0x1388, s8  }
0xb: {  	_ =	strace $0x80000050;
	s6 =	ssub.s32 $0x2, s8;
	s19 =	smul.u32 $0x9C400, s8  }
0xc: {  	s8 =	smul.u32 $0x50000, s8;
	s25 =	sshrl.u32 @!p0 s25, $0x3;
	s1 =	sadd.s32 s1, s0  }
0xd: {  	s11 =	sshrl.u32 s6, $0x1;
	s0 =	sadd.s32 $0xDFE00, s0;
	s18 =	sadd.s32 s9, s2  }
0xe: {  	s9 =	sadd.s32 s9, s3;
	s22 =	sadd.s32 s15, s2;
	s23 =	sadd.s32 s15, s3  }
0xf: {  	s11 =	ssub.s32 s6, s11;
	s6 =	sor.u32 $0x1C04, s17;
	s13 =	sadd.s32 s14, s13  }
0x10: {  	s14 =	sshrl.u32 s19, $0x3;
	s26 =	sadd.s32 s12, s8;
	s12 =	sadd.s32 $0x1140200, s1  }
0x11: {  	s15 =	sadd.s32 $0x1168200, s1;
	s18 =	sshrl.u32 s18, $0x3;
	s19 =	simm.s32 $0x4  }
0x12: {  	s22 =	sshrl.u32 s22, $0x3;
	s23 =	sshrl.u32 s23, $0x3;
	s13 =	sshll.u32 s13, $0x4  }
0x13: {  	s20 =	sadd.s32 $0x13800, s14;
	s14 =	sadd.s32 $0x9C000, s2;
	s21 =	smax.u32 s11, $0x1  }
0x14: {  	s8 =	sshrl.u32 s26, $0x3;
	s16 =	sadd.s32 s10, s13;
	[dreg:$0x8] =	wrdreg s21  }
0x15: {  	s13 =	sadd.s32 s0, s13;
	s10 =	sadd.s32 s10, s20;
	[dreg:$0x4] =	wrdreg s16  }
0x16: {  	s0 =	sadd.s32 s0, s20;
	s8 =	sadd.s32 s8, s7;
	[dreg:$0x5] =	wrdreg s13  }
0x17: {  	s20 =	sshrl.u32 s9, $0x3;
	s21 =	simm.s32 $0x4000;
	[dreg:$0x6] =	wrdreg s10  }
0x18: {  	s24 =	sshrl.u32 @!p0 s14, $0x3;
	[dreg:$0x7] =	wrdreg s0;
	s0 =	sadd.s32 $0x2800, s26  }
0x19: {  	s13 =	sadd.s32 $0x1640200, s1;
	s16 =	sadd.s32 $0x1668200, s1;
	s0 =	sshrl.u32 s0, $0x3  }
0x1a: {  	s26 =	simm.s32 $0x2000;
	s17 =	sadd.s32 s0, s7;
	s0 =	simm.s32 $0x0  }
.LBB2_1:
0x1b: {  	[spmem:s18], [sflag:s6] =	dma.local [hbm:s5], $0x1400  }
0x1c: {  	_ =	swait.ge [sflag:s19], $0x1400  }
0x1d: {  	[sflag:s19] =	ssyncset.done $0x0  }
0x1e: {  	[sflag:s19] =	ssyncadd.s32 $0xFFFFEC00  }
0x1f: {  	[spmem:s20], [sflag:s6] =	dma.local [hbm:s5], $0x1400  }
0x20: {  	_ =	swait.ge [sflag:s19], $0x1400  }
0x21: {  	[sflag:s19] =	ssyncset.done $0x0  }
0x22: {  	[sflag:s19] =	ssyncadd.s32 $0xFFFFEC00  }
0x23: {  	[bflag:$0x0] =	sbarrier.arrive $0xFFFF  }
0x24: {  	[tilespmem:s21], [sflag:$0x1] =	stream.linear.gather [hbm4b:s8+s4], $0x40, $0x38;
	[tilespmem:$0x18080] =	vst v63  }
0x25: {  	s1 =	sadd.s32 $0x0, s12  }
0x26: {  	[tilespmem:s4], [sflag:$0x2] =	stream.linear.gather [hbm4b:s1+s4], $0x2000, $0x38;
	[tilespmem:$0x18080] =	vst v63  }
0x27: {  	s14 =	sadd.s32 $0x0, s13  }
0x28: {  	[tilespmem:s26], [sflag:$0x3] =	stream.linear.gather [hbm4b:s14+s4], $0x2000, $0x38;
	[tilespmem:$0x18080] =	vst v63  }
0x29: {  	_ =	swait.ge [sflag:s28], $0x40  }
0x2a: {  	[sflag:s28] =	ssyncset.done $0x0  }
0x2b: {  	[sflag:s28] =	ssyncadd.s32 $0xFFFFFFC0  }
0x2c: {  	_ =	swait.ge [sflag:s29], $0x2000  }
0x2d: {  	[sflag:s29] =	ssyncset.done $0x0  }
0x2e: {  	[sflag:s29] =	ssyncadd.s32 $0xFFFFE000  }
0x2f: {  	_ =	swait.ge [sflag:s30], $0x2000  }
0x30: {  	[sflag:s30] =	ssyncset.done $0x0  }
0x31: {  	[sflag:s30] =	ssyncadd.s32 $0xFFFFE000  }
0x32: {  	[spmem:s2] =	stream.indirect.scatter.add.f32 [tilespmem:s4], [sflag:$0x2], $0x80, s21, s31, $0xb8;
	[tilespmem:$0x18080] =	vst v63  }
0x33: {  	_ = 	snop  }
0x34: {  	[spmem:s3] =	stream.indirect.scatter.add.f32 [tilespmem:s26], [sflag:$0x3], $0x80, s21, s31, $0xb8;
	[tilespmem:$0x18080] =	vst v63  }
0x35: {  	_ =	swait.ge [sflag:s29], $0x2000  }
0x36: {  	[sflag:s29] =	ssyncset.done $0x0  }
0x37: {  	[sflag:s29] =	ssyncadd.s32 $0xFFFFE000  }
0x38: {  	s7 =	simm.s32 $0x400;
	_ =	swait.ge [sflag:s30], $0x2000  }
0x39: {  	s9 =	simm.s32 $0x800;
	s14 =	smov.u32 s8;
	[sflag:s30] =	ssyncset.done $0x0  }
.LBB2_2:
0x3a: {  	s1 =	simm.s32 $0x0  }
0x3b: {  	[sflag:s30] =	ssyncadd.s32 $0xFFFFE000;
	s14 =	sadd.s32 $0x8, s14;
	s10 =	smov.u32 s9  }
0x3c: {  	[tilespmem:s21], [sflag:$0x1] =	stream.linear.gather [hbm4b:s14+s1], $0x40, $0x38;
	[tilespmem:$0x18080] =	vst v63  }
0x3d: {  	p1 =	sne.s32 s9, $0x27C00;
	s9 =	sadd.s32 $0x400, s9;
	s11 =	sadd.s32 s7, s12  }
0x3e: {  	[tilespmem:s1], [sflag:$0x2] =	stream.linear.gather [hbm4b:s11+s1], $0x2000, $0x38;
	[tilespmem:$0x18080] =	vst v63  }
0x3f: {  	s11 =	sadd.s32 s7, s13;
	s7 =	smov.u32 s10  }
0x40: {  	[tilespmem:s26], [sflag:$0x3] =	stream.linear.gather [hbm4b:s11+s1], $0x2000, $0x38;
	[tilespmem:$0x18080] =	vst v63  }
0x41: {  	_ =	swait.ge [sflag:s28], $0x40  }
0x42: {  	[sflag:s28] =	ssyncset.done $0x0  }
0x43: {  	[sflag:s28] =	ssyncadd.s32 $0xFFFFFFC0  }
0x44: {  	_ =	swait.ge [sflag:s29], $0x2000  }
0x45: {  	[sflag:s29] =	ssyncset.done $0x0  }
0x46: {  	[sflag:s29] =	ssyncadd.s32 $0xFFFFE000  }
0x47: {  	_ =	swait.ge [sflag:s30], $0x2000  }
0x48: {  	[sflag:s30] =	ssyncset.done $0x0  }
0x49: {  	[sflag:s30] =	ssyncadd.s32 $0xFFFFE000  }
0x4a: {  	[spmem:s2] =	stream.indirect.scatter.add.f32 [tilespmem:s1], [sflag:$0x2], $0x80, s21, s31, $0xb8;
	[tilespmem:$0x18080] =	vst v63  }
0x4b: {  	_ = 	snop  }
0x4c: {  	[spmem:s3] =	stream.indirect.scatter.add.f32 [tilespmem:s26], [sflag:$0x3], $0x80, s21, s31, $0xb8;
	[tilespmem:$0x18080] =	vst v63  }
.Ltmp0:
0x4d: {  	_ =	swait.ge [sflag:s29], $0x2000;
	(pc) =	sbr.rel @p1 .LBB2_2-.Ltmp0, $4  }
0x4e: {  	[sflag:s29] =	ssyncset.done $0x0  }
0x4f: {  	[sflag:s29] =	ssyncadd.s32 $0xFFFFE000  }
0x50: {  	_ =	swait.ge [sflag:s30], $0x2000  }
0x51: {  	[sflag:s30] =	ssyncset.done $0x0  }
0x52: {  	[sflag:s30] =	ssyncadd.s32 $0xFFFFE000;
	s9 =	sadd.s32 $0x8, s14  }
0x53: {  	[tilespmem:s21], [sflag:$0x1] =	stream.linear.gather [hbm4b:s9+s1], $0x40, $0x38;
	[tilespmem:$0x18080] =	vst v63  }
0x54: {  	s14 =	sadd.s32 s7, s12  }
0x55: {  	[tilespmem:s1], [sflag:$0x2] =	stream.linear.gather [hbm4b:s14+s1], $0x2000, $0x38;
	[tilespmem:$0x18080] =	vst v63  }
0x56: {  	s10 =	sadd.s32 s7, s13  }
0x57: {  	[tilespmem:s26], [sflag:$0x3] =	stream.linear.gather [hbm4b:s10+s1], $0x2000, $0x38;
	[tilespmem:$0x18080] =	vst v63  }
0x58: {  	_ =	swait.ge [sflag:s28], $0x40  }
0x59: {  	[sflag:s28] =	ssyncset.done $0x0  }
0x5a: {  	[sflag:s28] =	ssyncadd.s32 $0xFFFFFFC0  }
0x5b: {  	_ =	swait.ge [sflag:s29], $0x2000  }
0x5c: {  	[sflag:s29] =	ssyncset.done $0x0  }
0x5d: {  	[sflag:s29] =	ssyncadd.s32 $0xFFFFE000  }
0x5e: {  	_ =	swait.ge [sflag:s30], $0x2000  }
0x5f: {  	[sflag:s30] =	ssyncset.done $0x0  }
0x60: {  	[sflag:s30] =	ssyncadd.s32 $0xFFFFE000  }
0x61: {  	[spmem:s2] =	stream.indirect.scatter.add.f32 [tilespmem:s1], [sflag:$0x2], $0x80, s21, s31, $0xb8;
	[tilespmem:$0x18080] =	vst v63  }
0x62: {  	_ = 	snop  }
0x63: {  	[spmem:s3] =	stream.indirect.scatter.add.f32 [tilespmem:s26], [sflag:$0x3], $0x80, s21, s31, $0xb8;
	[tilespmem:$0x18080] =	vst v63  }
0x64: {  	_ =	swait.ge [sflag:s29], $0x2000  }
0x65: {  	[sflag:s29] =	ssyncset.done $0x0  }
0x66: {  	[sflag:s29] =	ssyncadd.s32 $0xFFFFE000  }
0x67: {  	_ =	swait.ge [sflag:s30], $0x2000  }
0x68: {  	[sflag:s30] =	ssyncset.done $0x0  }
0x69: {  	[sflag:s30] =	ssyncadd.s32 $0xFFFFE000  }
0x6a: {  	[tilespmem:s21], [sflag:$0x1] =	stream.linear.gather [hbm4b:s17+s4], $0x40, $0x38;
	[tilespmem:$0x18080] =	vst v63  }
0x6b: {  	s11 =	sadd.s32 $0x0, s15  }
0x6c: {  	[tilespmem:s4], [sflag:$0x2] =	stream.linear.gather [hbm4b:s11+s4], $0x2000, $0x38;
	[tilespmem:$0x18080] =	vst v63  }
0x6d: {  	s14 =	sadd.s32 $0x0, s16  }
0x6e: {  	[tilespmem:s26], [sflag:$0x3] =	stream.linear.gather [hbm4b:s14+s4], $0x2000, $0x38;
	[tilespmem:$0x18080] =	vst v63  }
0x6f: {  	_ =	swait.ge [sflag:s28], $0x40  }
0x70: {  	[sflag:s28] =	ssyncset.done $0x0  }
0x71: {  	[sflag:s28] =	ssyncadd.s32 $0xFFFFFFC0  }
0x72: {  	_ =	swait.ge [sflag:s29], $0x2000  }
0x73: {  	[sflag:s29] =	ssyncset.done $0x0  }
0x74: {  	[sflag:s29] =	ssyncadd.s32 $0xFFFFE000  }
0x75: {  	_ =	swait.ge [sflag:s30], $0x2000  }
0x76: {  	[sflag:s30] =	ssyncset.done $0x0  }
0x77: {  	[sflag:s30] =	ssyncadd.s32 $0xFFFFE000  }
0x78: {  	[spmem:s2] =	stream.indirect.scatter.add.f32 [tilespmem:s4], [sflag:$0x2], $0x80, s21, s31, $0xb8;
	[tilespmem:$0x18080] =	vst v63  }
0x79: {  	p1 =	por $0x1, $0x1  }
0x7a: {  	[spmem:s3] =	stream.indirect.scatter.add.f32 [tilespmem:s26], [sflag:$0x3], $0x80, s21, s31, $0xb8;
	[tilespmem:$0x18080] =	vst v63  }
.Ltmp1:
0x7b: {  	_ =	swait.ge [sflag:s29], $0x2000;
	(pc) =	sbr.rel @!p1 .LBB2_5-.Ltmp1, $4  }
0x7c: {  	[sflag:s29] =	ssyncset.done $0x0  }
0x7d: {  	[sflag:s29] =	ssyncadd.s32 $0xFFFFE000  }
0x7e: {  	_ =	swait.ge [sflag:s30], $0x2000  }
0x7f: {  	s7 =	smov.u32 s17;
	s1 =	simm.s32 $0x400;
	[sflag:s30] =	ssyncset.done $0x0  }
.LBB2_4:
0x80: {  	p1 =	sne.s32 s1, $0x27C00;
	[sflag:s30] =	ssyncadd.s32 $0xFFFFE000;
	s7 =	sadd.s32 $0x8, s7  }
0x81: {  	[tilespmem:s21], [sflag:$0x1] =	stream.linear.gather [hbm4b:s7+s4], $0x40, $0x38;
	[tilespmem:$0x18080] =	vst v63  }
0x82: {  	s9 =	sadd.s32 s1, s15;
	s10 =	smov.u32 s1;
	s1 =	sadd.s32 $0x400, s1  }
0x83: {  	[tilespmem:s4], [sflag:$0x2] =	stream.linear.gather [hbm4b:s9+s4], $0x2000, $0x38;
	[tilespmem:$0x18080] =	vst v63  }
0x84: {  	s9 =	sadd.s32 s10, s16  }
0x85: {  	[tilespmem:s26], [sflag:$0x3] =	stream.linear.gather [hbm4b:s9+s4], $0x2000, $0x38;
	[tilespmem:$0x18080] =	vst v63  }
0x86: {  	_ =	swait.ge [sflag:s28], $0x40  }
0x87: {  	[sflag:s28] =	ssyncset.done $0x0  }
0x88: {  	[sflag:s28] =	ssyncadd.s32 $0xFFFFFFC0  }
0x89: {  	_ =	swait.ge [sflag:s29], $0x2000  }
0x8a: {  	[sflag:s29] =	ssyncset.done $0x0  }
0x8b: {  	[sflag:s29] =	ssyncadd.s32 $0xFFFFE000  }
0x8c: {  	_ =	swait.ge [sflag:s30], $0x2000  }
0x8d: {  	[sflag:s30] =	ssyncset.done $0x0  }
0x8e: {  	[sflag:s30] =	ssyncadd.s32 $0xFFFFE000  }
0x8f: {  	[spmem:s2] =	stream.indirect.scatter.add.f32 [tilespmem:s4], [sflag:$0x2], $0x80, s21, s31, $0xb8;
	[tilespmem:$0x18080] =	vst v63  }
0x90: {  	_ = 	snop  }
0x91: {  	[spmem:s3] =	stream.indirect.scatter.add.f32 [tilespmem:s26], [sflag:$0x3], $0x80, s21, s31, $0xb8;
	[tilespmem:$0x18080] =	vst v63  }
.Ltmp2:
0x92: {  	_ =	swait.ge [sflag:s29], $0x2000;
	(pc) =	sbr.rel @p1 .LBB2_4-.Ltmp2, $4  }
0x93: {  	[sflag:s29] =	ssyncset.done $0x0  }
0x94: {  	[sflag:s29] =	ssyncadd.s32 $0xFFFFE000  }
0x95: {  	_ =	swait.ge [sflag:s30], $0x2000  }
0x96: {  	[sflag:s30] =	ssyncset.done $0x0  }
.LBB2_5:
0x97: {  	[sflag:s30] =	ssyncadd.s32 $0xFFFFE000  }
0x98: {  	[bflag:$0x0] =	sbarrier.arrive $0xFFFF  }
0x99: {  	s1 =	rddreg [dreg:$0x4]  }
0x9a: {  	[hbm:s1], [sflag:s6] =	dma.local [spmem:s22], $0x1380  }
0x9b: {  	_ =	swait.ge [sflag:s19], $0x1380  }
0x9c: {  	[sflag:s19] =	ssyncset.done $0x0  }
0x9d: {  	s11 =	rddreg [dreg:$0x5];
	[sflag:s19] =	ssyncadd.s32 $0xFFFFEC80  }
0x9e: {  	[hbm:s11], [sflag:s6] =	dma.local [spmem:s23], $0x1380  }
0x9f: {  	_ =	swait.ge [sflag:s19], $0x1380  }
0xa0: {  	[sflag:s19] =	ssyncset.done $0x0  }
0xa1: {  	s1 =	rddreg [dreg:$0x6];
	[sflag:s19] =	ssyncadd.s32 $0xFFFFEC80  }
0xa2: {  	[hbm:s1], [sflag:s6] =	dma.local @!p0 [spmem:s24], $0x80  }
0xa3: {  	s1 =	simm.s32 @!p0 $0x4  }
0xa4: {  	_ =	swait.ge @!p0 [sflag:s1], $0x80  }
0xa5: {  	[sflag:s1] =	ssyncset.done @!p0 $0x0  }
0xa6: {  	s7 =	rddreg [dreg:$0x7];
	[sflag:s1] =	ssyncadd.s32 @!p0 $0xFFFFFF80  }
0xa7: {  	[hbm:s7], [sflag:s6] =	dma.local @!p0 [spmem:s25], $0x80  }
0xa8: {  	_ =	swait.ge @!p0 [sflag:s1], $0x80  }
0xa9: {  	s0 =	sadd.s32 $0x1, s0;
	s14 =	rddreg [dreg:$0x8]  }
0xaa: {  	p1 =	sne.s32 s0, s14  }
.Ltmp3:
0xab: {  	_ = 	snop;
	(pc) =	sbr.rel @p1 .LBB2_1-.Ltmp3, $3  }
0xac: {  	_ =	sdelay $0x1  }
0xad: {  	[sflag:s1] =	ssyncset.done @!p0 $0x0  }
0xae: {  	[sflag:s1] =	ssyncadd.s32 @!p0 $0xFFFFFF80  }
0xaf: {  	_ =	sfence.sel $0x180000  }
0xb0: {  	[bflag:$0x0] =	sbarrier.arrive $0xFFFF  }
0xb1: {  	_ =	strace $0x90000050  }
0xb2: {  	s0 =	stileid.u32;
	[bflag:$0x2] =	sbarrier.arrive $0xFFFF  }
0xb3: {  	p0 =	sne.s32 s0, $0x0;
	s0 =	rddreg [dreg:$0x3]  }
0xb4: {  	s0 =	sadd.s32 @!p0 $0x100000, s0  }
0xb5: {  	[sflag:s0] =	ssyncadd.tile.s32 @!p0 $0x1;
	_ =	shalt  }
.Lfunc_end2:
_tile_overlayer_lowered:
.L_overlay_start_2:
0xb6: {  	(tag) =	ssettag $0x2  }
0xb7: {  	s0 =	rddreg [dreg:$0x0];
	s2 =	stileid.u32  }
0xb8: {  	s1 =	rddreg [dreg:$0x1];
	p0 =	sne.s32 s2, $0x0  }
0xb9: {  	s3 =	rddreg [dreg:$0x2];
	[bflag:$0x3] =	sbarrier.arrive $0xFFFF;
	s2 =	simm.s32 @!p0 $0x1C04  }
0xba: {  	[timem:s3], [sflag:s2] =	dma.local @!p0 [hbm:s0], s1  }
0xbb: {  	s0 =	simm.s32 @!p0 $0x4  }
0xbc: {  	_ =	swait.ge @!p0 [sflag:s0], s1  }
0xbd: {  	s1 =	ssub.s32 @!p0 $0x0, s1;
	[sflag:s0] =	ssyncset.done @!p0 $0x0  }
0xbe: {  	[sflag:s0] =	ssyncadd.s32 @!p0 s1  }
0xbf: {  	[bflag:$0x3] =	sbarrier.arrive $0xFFFF  }
0xc0: {  	_ =	shalt  }

// kernel: kernel.22.cloned.1.call-start
scs
__scs_entry_jumppad:
0x0: {  	(pc) =	sbr.rel $0x88, $3  }
0x1: {  	(tag) =	ssettag $0x0;
	lr =	simm.s32 $0x1  }
0x2: {  	[smem:$0x3F90] =	sst lr;
	_ =	strace $0xD0000000  }
0x3: {  	_ = 	snop  }
0x4: {  	_ = 	snop  }
0x5: {  	_ = 	snop  }
0x6: {  	_ = 	snop  }
0x7: {  	_ = 	snop  }
__scs_overlays_trampoline_lowered:
0x8: {  	[smem:$0x3F9F] =	sst s0  }
0x9: {  	[smem:$0x3FA0] =	sst s1  }
0xa: {  	[smem:$0x3FA1] =	sst s2  }
0xb: {  	[smem:$0x3FA2] =	sst s3  }
0xc: {  	[smem:$0x3FA3] =	sst s4  }
0xd: {  	[smem:$0x3FA4] =	sst s5  }
0xe: {  	[smem:$0x3FA5] =	sst s6  }
0xf: {  	[smem:$0x3FA6] =	sst s7  }
0x10: {  	[smem:$0x3FA7] =	sst s8  }
0x11: {  	[smem:$0x3FA8] =	sst s9;
	s0 =	simm.s32 @!p0 $0x0  }
0x12: {  	s1 =	sld [smem:$0x3F8E];
	s0 =	simm.s32 @p0 $0x1  }
0x13: {  	[smem:$0x3FA9] =	sst s0;
	s0 =	simm.s32 @!p1 $0x0  }
0x14: {  	s2 =	sld [smem:$0x3F8D];
	s0 =	simm.s32 @p1 $0x1  }
0x15: {  	[smem:$0x3FAA] =	sst s0;
	s0 =	simm.s32 @!p2 $0x0  }
0x16: {  	s3 =	sld [smem:$0x3FDB];
	s0 =	simm.s32 @p2 $0x1  }
0x17: {  	s4 =	simm.s32 $0x1BF5;
	[smem:$0x3FAC] =	sst s0  }
0x18: {  	s0 =	sld [smem:$0x3F8F];
	_ =	swait.ge [sflag:s4], $0x0  }
0x19: {  	s7 =	sld [smem:$0x3F90]  }
0x1a: {  	s8 =	sadd.s32 $0xFFFFE003, lr  }
0x1b: {  	s9 =	sadd.s32 $0xFFFFFEF7, lr;
	s5 =	simm.s32 $0xFFFFFFFF;
	p2 =	slt.u32 s8, $0xFFFFF086  }
0x1c: {  	p1 =	slt.u32 s9, $0xF7A;
	s5 =	simm.s32 @!p2 $0x0  }
0x1d: {  	s5 =	simm.s32 @p1 $0x1;
	p0 =	seq.s32 s7, s2  }
0x1e: {  	s7 =	smul.u32 @!p0 $0xF7A, s2;
	p2 =	seq.s32 @!p0 s5, $0x0  }
0x1f: {  	s9 =	smul.u32 $0xF7A, s1;
	s8 =	simm.s32 @!p0 $0x1BF5;
	p2 =	por !p2, p0  }
0x20: {  	[sflag:s8] =	ssyncset.s32 @!p0 $0xFFFFF086;
	s6 =	sadd.s32 @!p0 s3, s7;
	s7 =	simm.s32 @!p0 $0x108  }
0x21: {  	s3 =	sadd.s32 s3, s9;
	s6 =	sadd.s32 @!p0 $0x88, s6;
	s7 =	simm.s32 @p2 $0x1082  }
0x22: {  	[simem:s7], [sflag:s8] =	dma.local @!p0 [hbm:s6], $0xF7A  }
0x23: {  	s9 =	sor.u32 $0xD0000000, s2;
	s6 =	simm.s32 $0x108;
	_ =	swait.ge @!p0 [sflag:s8], $0x0  }
0x24: {  	s3 =	sadd.s32 $0x88, s3;
	s6 =	simm.s32 @!p1 $0x1082;
	[sflag:s4] =	ssyncset.s32 $0xFFFFF086  }
0x25: {  	[simem:s6], [sflag:s4] =	dma.local [hbm:s3], $0xF7A  }
0x26: {  	[smem:$0x3F90] =	sst s1;
	(tag) =	ssettag s2;
	_ =	strace s9  }
0x27: {  	s1 =	sld [smem:$0x3FA0]  }
0x28: {  	s2 =	sld [smem:$0x3FA1]  }
0x29: {  	s4 =	sld [smem:$0x3FA3]  }
0x2a: {  	p0 =	seq.s32 s5, $0x0;
	s5 =	sld [smem:$0x3FA4]  }
0x2b: {  	s6 =	sld [smem:$0x3FA5]  }
0x2c: {  	s7 =	sld [smem:$0x3FA6]  }
0x2d: {  	s3 =	simm.s32 $0x108;
	s8 =	sld [smem:$0x3FA7]  }
0x2e: {  	s3 =	simm.s32 @!p0 $0x1082;
	s9 =	sld [smem:$0x3FA8]  }
0x2f: {  	lr =	sadd.s32 s0, s3;
	s0 =	sld [smem:$0x3F9F]  }
0x30: {  	s3 =	sld [smem:$0x3FA2]  }
0x31: {  	[smem:$0x3FAB] =	sst s10  }
0x32: {  	s10 =	sld [smem:$0x3FA9];
	_ =	sdelay $0x3  }
0x33: {  	p0 =	seq.s32 s10, $0x1;
	s10 =	sld [smem:$0x3FAB];
	_ =	sdelay $0x3  }
0x34: {  	[smem:$0x3FAB] =	sst s10  }
0x35: {  	s10 =	sld [smem:$0x3FAA];
	_ =	sdelay $0x3  }
0x36: {  	p1 =	seq.s32 s10, $0x1;
	s10 =	sld [smem:$0x3FAB];
	_ =	sdelay $0x3  }
0x37: {  	[smem:$0x3FAB] =	sst s10  }
0x38: {  	s10 =	sld [smem:$0x3FAC]  }
0x39: {  	_ = 	snop;
	(pc) =	sbr.ind lr, $3  }
0x3a: {  	_ = 	snop  }
0x3b: {  	_ = 	snop  }
0x3c: {  	p2 =	seq.s32 s10, $0x1;
	s10 =	sld [smem:$0x3FAB]  }
0x3d: {  	_ =	shalt  }
0x3e: {  	_ =	shalt  }
0x3f: {  	_ =	shalt  }
0x40: {  	_ =	shalt  }
0x41: {  	_ =	shalt  }
0x42: {  	_ =	shalt  }
0x43: {  	_ =	shalt  }
0x44: {  	_ =	shalt  }
0x45: {  	_ =	shalt  }
0x46: {  	_ =	shalt  }
0x47: {  	_ =	shalt  }
0x48: {  	_ =	shalt  }
0x49: {  	_ =	shalt  }
0x4a: {  	_ =	shalt  }
0x4b: {  	_ =	shalt  }
0x4c: {  	_ =	shalt  }
0x4d: {  	_ =	shalt  }
0x4e: {  	_ =	shalt  }
0x4f: {  	_ =	shalt  }
0x50: {  	_ =	shalt  }
0x51: {  	_ =	shalt  }
0x52: {  	_ =	shalt  }
0x53: {  	_ =	shalt  }
0x54: {  	_ =	shalt  }
0x55: {  	_ =	shalt  }
0x56: {  	_ =	shalt  }
0x57: {  	_ =	shalt  }
0x58: {  	_ =	shalt  }
0x59: {  	_ =	shalt  }
0x5a: {  	_ =	shalt  }
0x5b: {  	_ =	shalt  }
0x5c: {  	_ =	shalt  }
0x5d: {  	_ =	shalt  }
0x5e: {  	_ =	shalt  }
0x5f: {  	_ =	shalt  }
0x60: {  	_ =	shalt  }
0x61: {  	_ =	shalt  }
0x62: {  	_ =	shalt  }
0x63: {  	_ =	shalt  }
0x64: {  	_ =	shalt  }
0x65: {  	_ =	shalt  }
0x66: {  	_ =	shalt  }
0x67: {  	_ =	shalt  }
0x68: {  	_ =	shalt  }
0x69: {  	_ =	shalt  }
0x6a: {  	_ =	shalt  }
0x6b: {  	_ =	shalt  }
0x6c: {  	_ =	shalt  }
0x6d: {  	_ =	shalt  }
0x6e: {  	_ =	shalt  }
0x6f: {  	_ =	shalt  }
0x70: {  	_ =	shalt  }
0x71: {  	_ =	shalt  }
0x72: {  	_ =	shalt  }
0x73: {  	_ =	shalt  }
0x74: {  	_ =	shalt  }
0x75: {  	_ =	shalt  }
0x76: {  	_ =	shalt  }
0x77: {  	_ =	shalt  }
0x78: {  	_ =	shalt  }
0x79: {  	_ =	shalt  }
0x7a: {  	_ =	shalt  }
0x7b: {  	_ =	shalt  }
0x7c: {  	_ =	shalt  }
0x7d: {  	_ =	shalt  }
0x7e: {  	_ =	shalt  }
0x7f: {  	_ =	shalt  }
0x80: {  	_ =	shalt  }
0x81: {  	_ =	shalt  }
0x82: {  	_ =	shalt  }
0x83: {  	_ =	shalt  }
0x84: {  	_ =	shalt  }
0x85: {  	_ =	shalt  }
0x86: {  	_ =	shalt  }
0x87: {  	_ =	shalt  }
.Lfunc_end0:
.L_simem_size_0:
called_computation.4_lowered:
.L_overlay_start_0:
0x88: {  	s2 =	sld [smem:$0x3FD9]  }
0x89: {  	s3 =	sld [smem:$0x3FFE];
	_ =	sdelay $0x1  }
0x8a: {  	s1 =	srdreg.scid  }
0x8b: {  	s0 =	sand.u32 $0x1, s1  }
0x8c: {  	s17 =	sshll.u32 s0, $0xA;
	s2 =	sadd.s32 s3, s2  }
0x8d: {  	s2 =	sadd.s32 s2, s17  }
0x8e: {  	[smem:$0x3FB7] =	sst s2  }
0x8f: {  	_ = 	snop  }
0x90: {  	s18 =	sld [smem:$0x3FD0];
	(tm) =	ssettm $0x1  }
0x91: {  	s19 =	sld [smem:$0x3FFB];
	_ =	sdelay $0x3  }
0x92: {  	_ =	strace s19  }
0x93: {  	s2 =	sld [smem:$0x3FFC];
	_ =	sdelay $0x3  }
0x94: {  	_ =	strace s2  }
0x95: {  	s2 =	sld [smem:$0x3FFD];
	_ =	sdelay $0x3  }
0x96: {  	_ =	strace s2  }
0x97: {  	_ =	strace $0x8FFFFFFF  }
0x98: {  	s20 =	sld [smem:$0x3FDB];
	_ =	sdelay $0x1  }
0x99: {  	s4 =	simm.s32 $_scs_section_size  }
0x9a: {  	s5 =	simm.s32 $_size__tile_overlayer_lowered;
	s6 =	simm.s32 $_tile_overlayer_lowered  }
0x9b: {  	s7 =	simm.s32 $0x1BFF;
	s21 =	sshll.u32 s6, $0x1;
	s4 =	sadd.s32 s4, s20  }
0x9c: {  	s22 =	simm.s32 $0x0;
	s5 =	sshll.u32 s5, $0x1;
	s6 =	sadd.s32 s21, s4  }
0x9d: {  	[timem:s22], [sflag:s7] =	dma.local [hbm:s6], s5  }
0x9e: {  	_ =	swait.ge [sflag:s7], s5  }
0x9f: {  	s5 =	ssub.s32 $0x0, s5;
	[sflag:s7] =	ssyncset.done $0x0  }
0xa0: {  	[sflag:s7] =	ssyncadd.s32 s5;
	_ =	sdelay $0x1  }
0xa1: {  	s23 =	simm.s32 $0x1B8B  }
0xa2: {  	_ =	swait.ge [sflag:s23], $0x1  }
0xa3: {  	[sflag:s23] =	ssyncset.done $0x0  }
0xa4: {  	[sflag:s23] =	ssyncadd.s32 $0xFFFFFFFF  }
0xa5: {  	s5 =	sld [smem:$0x0]  }
0xa6: {  	s6 =	sand.u32 $0xFFFFFFFE, s1  }
0xa7: {  	p0 =	sne.s32 s1, s6  }
0xa8: {  	s6 =	sshll.u32 @p0 s6, $0xE  }
0xa9: {  	s6 =	sadd.s32 @p0 $0x11B8D, s6;
	s7 =	sshll.u32 @p0 s5, $0x11  }
0xaa: {  	s6 =	sor.u32 @p0 s7, s6  }
0xab: {  	[sflag:s6] =	ssyncadd.remote.s32 @p0 $0x1;
	_ =	sdelay $0x1  }
0xac: {  	s6 =	simm.s32 @p0 $0x1B8D  }
0xad: {  	_ =	swait.eq @p0 [sflag:s6], $0x1  }
0xae: {  	[sflag:s6] =	ssyncadd.s32 @p0 $0xFFFFFFFF  }
0xaf: {  	s7 =	sshll.u32 @!p0 s1, $0xE  }
0xb0: {  	s7 =	sor.u32 @!p0 $0x4000, s7;
	s6 =	simm.s32 @!p0 $0x1B8D  }
0xb1: {  	s5 =	sshll.u32 @!p0 s5, $0x11;
	s7 =	sadd.s32 @!p0 $0x11B8D, s7;
	_ =	swait.eq @!p0 [sflag:s6], $0x1  }
0xb2: {  	s5 =	sor.u32 @!p0 s5, s7;
	[sflag:s6] =	ssyncadd.s32 @!p0 $0xFFFFFFFF  }
0xb3: {  	s25 =	simm.s32 $0x1B8E;
	s24 =	sld [smem:$0x3FFE];
	[sflag:s5] =	ssyncadd.remote.s32 @!p0 $0x1  }
0xb4: {  	s26 =	simm.s32 $execute0_lowered;
	[smem:$0x3FD2] =	sst s25  }
0xb5: {  	s6 =	sshll.u32 s26, $0x1;
	_ =	strace $0x80000052;
	[dreg:$0x1] =	wrdreg $0xFFFFFFFF  }
0xb6: {  	s28 =	simm.s32 $_size_execute0_lowered;
	s4 =	sadd.s32 s4, s6;
	[dreg:$0x0] =	wrdreg $0x0  }
0xb7: {  	s6 =	sshll.u32 s28, $0x1;
	[dreg:$0x2] =	wrdreg s4  }
0xb8: {  	[dreg:$0x3] =	wrdreg s6  }
0xb9: {  	[dreg:$0x4] =	wrdreg $0xC0  }
0xba: {  	_ =	task [dreg:s22], $0x5FFFF  }
0xbb: {  	[dreg:$0x1] =	wrdreg $0xFFFFFFFF  }
0xbc: {  	[dreg:$0x0] =	wrdreg $0x60  }
0xbd: {  	[dreg:$0x2] =	wrdreg s24  }
0xbe: {  	[dreg:$0x3] =	wrdreg s18  }
0xbf: {  	[dreg:$0x4] =	wrdreg $0x40800  }
0xc0: {  	[dreg:$0x5] =	wrdreg $0xE0800  }
0xc1: {  	[dreg:$0x6] =	wrdreg $0xC  }
0xc2: {  	_ =	task.clear_ibuf [dreg:s22], $0x7FFFF;
	_ =	strace $0x90000052  }
0xc3: {  	s29 =	simm.s32 $0xC;
	_ =	strace $0x80000054  }
0xc4: {  	_ =	swait.ge [sflag:s29], $0x1  }
0xc5: {  	[sflag:s29] =	ssyncadd.s32 $0xFFFFFFFF  }
0xc6: {  	_ =	strace $0x90000054  }
0xc7: {  	_ =	sfence  }
0xc8: {  	s30 =	sld [smem:$0x0];
	_ =	sdelay $0x2  }
0xc9: {  	s31 =	sshll.u32 s1, $0xD;
	s1 =	sshrl.u32 s1, $0x2  }
0xca: {  	s4 =	sand.u32 $0x4000, s31;
	s1 =	sadd.s32 s1, s30  }
0xcb: {  	s0 =	sor.u32 s4, s0;
	s1 =	sshll.u32 s1, $0x11  }
0xcc: {  	s0 =	sor.u32 s1, s0  }
0xcd: {  	s0 =	sadd.s32 $0x8F2B, s0  }
0xce: {  	[sflag:s0] =	ssyncadd.remote.s32 $0x1  }
0xcf: {  	_ =	sfence.sel $0xFFFF  }
0xd0: {  	[dreg:$0x0] =	wrdreg $0xFFFFFFFF;
	(pc) =	sbr.abs _section_cstart, $3  }
0xd1: {  	[dreg:$0x1] =	wrdreg $0xFFFFFFFF  }
0xd2: {  	_ =	task.clear_ibuf [dreg:s22], $0x2FFFF;
	_ =	strace $0x9FFFFFFF  }
0xd3: {  	(tm) =	ssettm $0x7FFFFFFF  }
tec
execute0_lowered:
.L_overlay_start_1:
0x0: {  	(tag) =	ssettag $0x1  }
0x1: {  	s0 =	rddreg [dreg:$0x0]  }
0x2: {  	s1 =	rddreg [dreg:$0x1]  }
0x3: {  	s2 =	rddreg [dreg:$0x2];
	s25 =	stileid.u32  }
0x4: {  	s3 =	rddreg [dreg:$0x3];
	s5 =	smul.u32 $0x50000, s25  }
0x5: {  	s4 =	simm.s32 $0x0;
	s6 =	srdreg.scid;
	s9 =	smul.u32 $0xA000, s25  }
0x6: {  	s28 =	simm.s32 $0x1;
	s29 =	simm.s32 $0x2;
	s12 =	smul.u32 $0x5000, s25  }
0x7: {  	s30 =	simm.s32 $0x3;
	s31 =	simm.s32 $0x40;
	s16 =	smul.u32 $0x138, s25  }
0x8: {  	[smem:$0x7FF] =	sst s4;
	s8 =	sand.u32 $0x1, s6;
	s15 =	smul.u32 $0x9C00, s25  }
0x9: {  	s14 =	sadd.s32 $0x112C200, s0;
	s17 =	sshll.u32 s25, $0x6;
	s11 =	smul.u32 $0x1388, s8  }
0xa: {  	s24 =	sadd.s32 $0x9C000, s2;
	p0 =	sne.s32 s25, $0xF;
	s19 =	smul.u32 $0x9C400, s8  }
0xb: {  	_ =	strace $0x80000053;
	s6 =	ssub.s32 $0x2, s8;
	s8 =	smul.u32 $0x50000, s8  }
0xc: {  	s24 =	sshrl.u32 @!p0 s24, $0x3;
	s7 =	sadd.s32 s5, s0;
	s5 =	sadd.s32 $0x7600, s0  }
0xd: {  	s10 =	sshrl.u32 s6, $0x1;
	s0 =	sadd.s32 $0x12E200, s0;
	s18 =	sadd.s32 s9, s2  }
0xe: {  	s9 =	sadd.s32 s9, s3;
	s22 =	sadd.s32 s15, s2;
	s23 =	sadd.s32 s15, s3  }
0xf: {  	s13 =	ssub.s32 s6, s10;
	s6 =	sor.u32 $0x1C04, s17;
	s10 =	sadd.s32 s16, s11  }
0x10: {  	s11 =	sshrl.u32 s19, $0x3;
	s26 =	sadd.s32 s12, s8;
	s12 =	sadd.s32 $0x1140200, s7  }
0x11: {  	s15 =	sadd.s32 $0x1168200, s7;
	s18 =	sshrl.u32 s18, $0x3;
	s19 =	simm.s32 $0x4  }
0x12: {  	s22 =	sshrl.u32 s22, $0x3;
	s23 =	sshrl.u32 s23, $0x3;
	s10 =	sshll.u32 s10, $0x4  }
0x13: {  	s20 =	sadd.s32 $0x13800, s11;
	s21 =	smax.u32 s13, $0x1;
	s8 =	sshrl.u32 s26, $0x3  }
0x14: {  	s13 =	sadd.s32 $0x1640200, s7;
	s16 =	sadd.s32 s1, s10;
	[dreg:$0x9] =	wrdreg s21  }
0x15: {  	s10 =	sadd.s32 s0, s10;
	s1 =	sadd.s32 s1, s20;
	[dreg:$0x5] =	wrdreg s16  }
0x16: {  	s0 =	sadd.s32 s0, s20;
	s8 =	sadd.s32 s8, s14;
	[dreg:$0x6] =	wrdreg s10  }
0x17: {  	s20 =	sshrl.u32 s9, $0x3;
	s21 =	simm.s32 $0x4000;
	[dreg:$0x7] =	wrdreg s1  }
0x18: {  	s1 =	sadd.s32 $0x9C000, s3;
	[dreg:$0x8] =	wrdreg s0;
	s0 =	sadd.s32 $0x2800, s26  }
0x19: {  	s16 =	sadd.s32 $0x1668200, s7;
	s26 =	simm.s32 $0x2000;
	s0 =	sshrl.u32 s0, $0x3  }
0x1a: {  	s25 =	sshrl.u32 @!p0 s1, $0x3;
	s17 =	sadd.s32 s0, s14;
	s0 =	simm.s32 $0x0  }
.LBB2_1:
0x1b: {  	[spmem:s18], [sflag:s6] =	dma.local [hbm:s5], $0x1400  }
0x1c: {  	_ =	swait.ge [sflag:s19], $0x1400  }
0x1d: {  	[sflag:s19] =	ssyncset.done $0x0  }
0x1e: {  	[sflag:s19] =	ssyncadd.s32 $0xFFFFEC00  }
0x1f: {  	[spmem:s20], [sflag:s6] =	dma.local [hbm:s5], $0x1400  }
0x20: {  	_ =	swait.ge [sflag:s19], $0x1400  }
0x21: {  	[sflag:s19] =	ssyncset.done $0x0  }
0x22: {  	[sflag:s19] =	ssyncadd.s32 $0xFFFFEC00  }
0x23: {  	[bflag:$0x0] =	sbarrier.arrive $0xFFFF  }
0x24: {  	[tilespmem:s21], [sflag:$0x1] =	stream.linear.gather [hbm4b:s8+s4], $0x40, $0x38;
	[tilespmem:$0x18080] =	vst v63  }
0x25: {  	s1 =	sadd.s32 $0x0, s12  }
0x26: {  	[tilespmem:s4], [sflag:$0x2] =	stream.linear.gather [hbm4b:s1+s4], $0x2000, $0x38;
	[tilespmem:$0x18080] =	vst v63  }
0x27: {  	s14 =	sadd.s32 $0x0, s13  }
0x28: {  	[tilespmem:s26], [sflag:$0x3] =	stream.linear.gather [hbm4b:s14+s4], $0x2000, $0x38;
	[tilespmem:$0x18080] =	vst v63  }
0x29: {  	_ =	swait.ge [sflag:s28], $0x40  }
0x2a: {  	[sflag:s28] =	ssyncset.done $0x0  }
0x2b: {  	[sflag:s28] =	ssyncadd.s32 $0xFFFFFFC0  }
0x2c: {  	_ =	swait.ge [sflag:s29], $0x2000  }
0x2d: {  	[sflag:s29] =	ssyncset.done $0x0  }
0x2e: {  	[sflag:s29] =	ssyncadd.s32 $0xFFFFE000  }
0x2f: {  	_ =	swait.ge [sflag:s30], $0x2000  }
0x30: {  	[sflag:s30] =	ssyncset.done $0x0  }
0x31: {  	[sflag:s30] =	ssyncadd.s32 $0xFFFFE000  }
0x32: {  	[spmem:s2] =	stream.indirect.scatter.add.f32 [tilespmem:s4], [sflag:$0x2], $0x80, s21, s31, $0xb8;
	[tilespmem:$0x18080] =	vst v63  }
0x33: {  	_ = 	snop  }
0x34: {  	[spmem:s3] =	stream.indirect.scatter.add.f32 [tilespmem:s26], [sflag:$0x3], $0x80, s21, s31, $0xb8;
	[tilespmem:$0x18080] =	vst v63  }
0x35: {  	_ =	swait.ge [sflag:s29], $0x2000  }
0x36: {  	[sflag:s29] =	ssyncset.done $0x0  }
0x37: {  	[sflag:s29] =	ssyncadd.s32 $0xFFFFE000  }
0x38: {  	s7 =	simm.s32 $0x400;
	_ =	swait.ge [sflag:s30], $0x2000  }
0x39: {  	s9 =	simm.s32 $0x800;
	s14 =	smov.u32 s8;
	[sflag:s30] =	ssyncset.done $0x0  }
.LBB2_2:
0x3a: {  	s1 =	simm.s32 $0x0  }
0x3b: {  	[sflag:s30] =	ssyncadd.s32 $0xFFFFE000;
	s14 =	sadd.s32 $0x8, s14;
	s10 =	smov.u32 s9  }
0x3c: {  	[tilespmem:s21], [sflag:$0x1] =	stream.linear.gather [hbm4b:s14+s1], $0x40, $0x38;
	[tilespmem:$0x18080] =	vst v63  }
0x3d: {  	p1 =	sne.s32 s9, $0x27C00;
	s9 =	sadd.s32 $0x400, s9;
	s11 =	sadd.s32 s7, s12  }
0x3e: {  	[tilespmem:s1], [sflag:$0x2] =	stream.linear.gather [hbm4b:s11+s1], $0x2000, $0x38;
	[tilespmem:$0x18080] =	vst v63  }
0x3f: {  	s11 =	sadd.s32 s7, s13;
	s7 =	smov.u32 s10  }
0x40: {  	[tilespmem:s26], [sflag:$0x3] =	stream.linear.gather [hbm4b:s11+s1], $0x2000, $0x38;
	[tilespmem:$0x18080] =	vst v63  }
0x41: {  	_ =	swait.ge [sflag:s28], $0x40  }
0x42: {  	[sflag:s28] =	ssyncset.done $0x0  }
0x43: {  	[sflag:s28] =	ssyncadd.s32 $0xFFFFFFC0  }
0x44: {  	_ =	swait.ge [sflag:s29], $0x2000  }
0x45: {  	[sflag:s29] =	ssyncset.done $0x0  }
0x46: {  	[sflag:s29] =	ssyncadd.s32 $0xFFFFE000  }
0x47: {  	_ =	swait.ge [sflag:s30], $0x2000  }
0x48: {  	[sflag:s30] =	ssyncset.done $0x0  }
0x49: {  	[sflag:s30] =	ssyncadd.s32 $0xFFFFE000  }
0x4a: {  	[spmem:s2] =	stream.indirect.scatter.add.f32 [tilespmem:s1], [sflag:$0x2], $0x80, s21, s31, $0xb8;
	[tilespmem:$0x18080] =	vst v63  }
0x4b: {  	_ = 	snop  }
0x4c: {  	[spmem:s3] =	stream.indirect.scatter.add.f32 [tilespmem:s26], [sflag:$0x3], $0x80, s21, s31, $0xb8;
	[tilespmem:$0x18080] =	vst v63  }
.Ltmp0:
0x4d: {  	_ =	swait.ge [sflag:s29], $0x2000;
	(pc) =	sbr.rel @p1 .LBB2_2-.Ltmp0, $4  }
0x4e: {  	[sflag:s29] =	ssyncset.done $0x0  }
0x4f: {  	[sflag:s29] =	ssyncadd.s32 $0xFFFFE000  }
0x50: {  	_ =	swait.ge [sflag:s30], $0x2000  }
0x51: {  	[sflag:s30] =	ssyncset.done $0x0  }
0x52: {  	[sflag:s30] =	ssyncadd.s32 $0xFFFFE000;
	s9 =	sadd.s32 $0x8, s14  }
0x53: {  	[tilespmem:s21], [sflag:$0x1] =	stream.linear.gather [hbm4b:s9+s1], $0x40, $0x38;
	[tilespmem:$0x18080] =	vst v63  }
0x54: {  	s14 =	sadd.s32 s7, s12  }
0x55: {  	[tilespmem:s1], [sflag:$0x2] =	stream.linear.gather [hbm4b:s14+s1], $0x2000, $0x38;
	[tilespmem:$0x18080] =	vst v63  }
0x56: {  	s10 =	sadd.s32 s7, s13  }
0x57: {  	[tilespmem:s26], [sflag:$0x3] =	stream.linear.gather [hbm4b:s10+s1], $0x2000, $0x38;
	[tilespmem:$0x18080] =	vst v63  }
0x58: {  	_ =	swait.ge [sflag:s28], $0x40  }
0x59: {  	[sflag:s28] =	ssyncset.done $0x0  }
0x5a: {  	[sflag:s28] =	ssyncadd.s32 $0xFFFFFFC0  }
0x5b: {  	_ =	swait.ge [sflag:s29], $0x2000  }
0x5c: {  	[sflag:s29] =	ssyncset.done $0x0  }
0x5d: {  	[sflag:s29] =	ssyncadd.s32 $0xFFFFE000  }
0x5e: {  	_ =	swait.ge [sflag:s30], $0x2000  }
0x5f: {  	[sflag:s30] =	ssyncset.done $0x0  }
0x60: {  	[sflag:s30] =	ssyncadd.s32 $0xFFFFE000  }
0x61: {  	[spmem:s2] =	stream.indirect.scatter.add.f32 [tilespmem:s1], [sflag:$0x2], $0x80, s21, s31, $0xb8;
	[tilespmem:$0x18080] =	vst v63  }
0x62: {  	_ = 	snop  }
0x63: {  	[spmem:s3] =	stream.indirect.scatter.add.f32 [tilespmem:s26], [sflag:$0x3], $0x80, s21, s31, $0xb8;
	[tilespmem:$0x18080] =	vst v63  }
0x64: {  	_ =	swait.ge [sflag:s29], $0x2000  }
0x65: {  	[sflag:s29] =	ssyncset.done $0x0  }
0x66: {  	[sflag:s29] =	ssyncadd.s32 $0xFFFFE000  }
0x67: {  	_ =	swait.ge [sflag:s30], $0x2000  }
0x68: {  	[sflag:s30] =	ssyncset.done $0x0  }
0x69: {  	[sflag:s30] =	ssyncadd.s32 $0xFFFFE000  }
0x6a: {  	[tilespmem:s21], [sflag:$0x1] =	stream.linear.gather [hbm4b:s17+s4], $0x40, $0x38;
	[tilespmem:$0x18080] =	vst v63  }
0x6b: {  	s11 =	sadd.s32 $0x0, s15  }
0x6c: {  	[tilespmem:s4], [sflag:$0x2] =	stream.linear.gather [hbm4b:s11+s4], $0x2000, $0x38;
	[tilespmem:$0x18080] =	vst v63  }
0x6d: {  	s14 =	sadd.s32 $0x0, s16  }
0x6e: {  	[tilespmem:s26], [sflag:$0x3] =	stream.linear.gather [hbm4b:s14+s4], $0x2000, $0x38;
	[tilespmem:$0x18080] =	vst v63  }
0x6f: {  	_ =	swait.ge [sflag:s28], $0x40  }
0x70: {  	[sflag:s28] =	ssyncset.done $0x0  }
0x71: {  	[sflag:s28] =	ssyncadd.s32 $0xFFFFFFC0  }
0x72: {  	_ =	swait.ge [sflag:s29], $0x2000  }
0x73: {  	[sflag:s29] =	ssyncset.done $0x0  }
0x74: {  	[sflag:s29] =	ssyncadd.s32 $0xFFFFE000  }
0x75: {  	_ =	swait.ge [sflag:s30], $0x2000  }
0x76: {  	[sflag:s30] =	ssyncset.done $0x0  }
0x77: {  	[sflag:s30] =	ssyncadd.s32 $0xFFFFE000  }
0x78: {  	[spmem:s2] =	stream.indirect.scatter.add.f32 [tilespmem:s4], [sflag:$0x2], $0x80, s21, s31, $0xb8;
	[tilespmem:$0x18080] =	vst v63  }
0x79: {  	p1 =	por $0x1, $0x1  }
0x7a: {  	[spmem:s3] =	stream.indirect.scatter.add.f32 [tilespmem:s26], [sflag:$0x3], $0x80, s21, s31, $0xb8;
	[tilespmem:$0x18080] =	vst v63  }
.Ltmp1:
0x7b: {  	_ =	swait.ge [sflag:s29], $0x2000;
	(pc) =	sbr.rel @!p1 .LBB2_5-.Ltmp1, $4  }
0x7c: {  	[sflag:s29] =	ssyncset.done $0x0  }
0x7d: {  	[sflag:s29] =	ssyncadd.s32 $0xFFFFE000  }
0x7e: {  	_ =	swait.ge [sflag:s30], $0x2000  }
0x7f: {  	s7 =	smov.u32 s17;
	s1 =	simm.s32 $0x400;
	[sflag:s30] =	ssyncset.done $0x0  }
.LBB2_4:
0x80: {  	p1 =	sne.s32 s1, $0x27C00;
	[sflag:s30] =	ssyncadd.s32 $0xFFFFE000;
	s7 =	sadd.s32 $0x8, s7  }
0x81: {  	[tilespmem:s21], [sflag:$0x1] =	stream.linear.gather [hbm4b:s7+s4], $0x40, $0x38;
	[tilespmem:$0x18080] =	vst v63  }
0x82: {  	s9 =	sadd.s32 s1, s15;
	s10 =	smov.u32 s1;
	s1 =	sadd.s32 $0x400, s1  }
0x83: {  	[tilespmem:s4], [sflag:$0x2] =	stream.linear.gather [hbm4b:s9+s4], $0x2000, $0x38;
	[tilespmem:$0x18080] =	vst v63  }
0x84: {  	s9 =	sadd.s32 s10, s16  }
0x85: {  	[tilespmem:s26], [sflag:$0x3] =	stream.linear.gather [hbm4b:s9+s4], $0x2000, $0x38;
	[tilespmem:$0x18080] =	vst v63  }
0x86: {  	_ =	swait.ge [sflag:s28], $0x40  }
0x87: {  	[sflag:s28] =	ssyncset.done $0x0  }
0x88: {  	[sflag:s28] =	ssyncadd.s32 $0xFFFFFFC0  }
0x89: {  	_ =	swait.ge [sflag:s29], $0x2000  }
0x8a: {  	[sflag:s29] =	ssyncset.done $0x0  }
0x8b: {  	[sflag:s29] =	ssyncadd.s32 $0xFFFFE000  }
0x8c: {  	_ =	swait.ge [sflag:s30], $0x2000  }
0x8d: {  	[sflag:s30] =	ssyncset.done $0x0  }
0x8e: {  	[sflag:s30] =	ssyncadd.s32 $0xFFFFE000  }
0x8f: {  	[spmem:s2] =	stream.indirect.scatter.add.f32 [tilespmem:s4], [sflag:$0x2], $0x80, s21, s31, $0xb8;
	[tilespmem:$0x18080] =	vst v63  }
0x90: {  	_ = 	snop  }
0x91: {  	[spmem:s3] =	stream.indirect.scatter.add.f32 [tilespmem:s26], [sflag:$0x3], $0x80, s21, s31, $0xb8;
	[tilespmem:$0x18080] =	vst v63  }
.Ltmp2:
0x92: {  	_ =	swait.ge [sflag:s29], $0x2000;
	(pc) =	sbr.rel @p1 .LBB2_4-.Ltmp2, $4  }
0x93: {  	[sflag:s29] =	ssyncset.done $0x0  }
0x94: {  	[sflag:s29] =	ssyncadd.s32 $0xFFFFE000  }
0x95: {  	_ =	swait.ge [sflag:s30], $0x2000  }
0x96: {  	[sflag:s30] =	ssyncset.done $0x0  }
.LBB2_5:
0x97: {  	[sflag:s30] =	ssyncadd.s32 $0xFFFFE000  }
0x98: {  	[bflag:$0x0] =	sbarrier.arrive $0xFFFF  }
0x99: {  	s1 =	rddreg [dreg:$0x5]  }
0x9a: {  	[hbm:s1], [sflag:s6] =	dma.local [spmem:s22], $0x1380  }
0x9b: {  	_ =	swait.ge [sflag:s19], $0x1380  }
0x9c: {  	[sflag:s19] =	ssyncset.done $0x0  }
0x9d: {  	s11 =	rddreg [dreg:$0x6];
	[sflag:s19] =	ssyncadd.s32 $0xFFFFEC80  }
0x9e: {  	[hbm:s11], [sflag:s6] =	dma.local [spmem:s23], $0x1380  }
0x9f: {  	_ =	swait.ge [sflag:s19], $0x1380  }
0xa0: {  	[sflag:s19] =	ssyncset.done $0x0  }
0xa1: {  	s1 =	rddreg [dreg:$0x7];
	[sflag:s19] =	ssyncadd.s32 $0xFFFFEC80  }
0xa2: {  	[hbm:s1], [sflag:s6] =	dma.local @!p0 [spmem:s24], $0x80  }
0xa3: {  	s1 =	simm.s32 @!p0 $0x4  }
0xa4: {  	_ =	swait.ge @!p0 [sflag:s1], $0x80  }
0xa5: {  	[sflag:s1] =	ssyncset.done @!p0 $0x0  }
0xa6: {  	s7 =	rddreg [dreg:$0x8];
	[sflag:s1] =	ssyncadd.s32 @!p0 $0xFFFFFF80  }
0xa7: {  	[hbm:s7], [sflag:s6] =	dma.local @!p0 [spmem:s25], $0x80  }
0xa8: {  	_ =	swait.ge @!p0 [sflag:s1], $0x80  }
0xa9: {  	s0 =	sadd.s32 $0x1, s0;
	s14 =	rddreg [dreg:$0x9]  }
0xaa: {  	p1 =	sne.s32 s0, s14  }
.Ltmp3:
0xab: {  	_ = 	snop;
	(pc) =	sbr.rel @p1 .LBB2_1-.Ltmp3, $3  }
0xac: {  	_ =	sdelay $0x1  }
0xad: {  	[sflag:s1] =	ssyncset.done @!p0 $0x0  }
0xae: {  	[sflag:s1] =	ssyncadd.s32 @!p0 $0xFFFFFF80  }
0xaf: {  	_ =	sfence.sel $0x180000  }
0xb0: {  	[bflag:$0x0] =	sbarrier.arrive $0xFFFF  }
0xb1: {  	_ =	strace $0x90000053  }
0xb2: {  	s0 =	stileid.u32;
	[bflag:$0x2] =	sbarrier.arrive $0xFFFF  }
0xb3: {  	p0 =	sne.s32 s0, $0x0;
	s0 =	rddreg [dreg:$0x4]  }
0xb4: {  	s0 =	sadd.s32 @!p0 $0x100000, s0  }
0xb5: {  	[sflag:s0] =	ssyncadd.tile.s32 @!p0 $0x1;
	_ =	shalt  }
.Lfunc_end2:
_tile_overlayer_lowered:
.L_overlay_start_2:
0xb6: {  	(tag) =	ssettag $0x2  }
0xb7: {  	s0 =	rddreg [dreg:$0x0];
	s2 =	stileid.u32  }
0xb8: {  	s1 =	rddreg [dreg:$0x1];
	p0 =	sne.s32 s2, $0x0  }
0xb9: {  	s3 =	rddreg [dreg:$0x2];
	[bflag:$0x3] =	sbarrier.arrive $0xFFFF;
	s2 =	simm.s32 @!p0 $0x1C04  }
0xba: {  	[timem:s3], [sflag:s2] =	dma.local @!p0 [hbm:s0], s1  }
0xbb: {  	s0 =	simm.s32 @!p0 $0x4  }
0xbc: {  	_ =	swait.ge @!p0 [sflag:s0], s1  }
0xbd: {  	s1 =	ssub.s32 @!p0 $0x0, s1;
	[sflag:s0] =	ssyncset.done @!p0 $0x0  }
0xbe: {  	[sflag:s0] =	ssyncadd.s32 @!p0 s1  }
0xbf: {  	[bflag:$0x3] =	sbarrier.arrive $0xFFFF  }
0xc0: {  	_ =	shalt  }

</sc_bundles>
